<compile_context>
chip_gen: v7x
topology: tpu7x:2x2x1
jax: 0.10.2.dev20260603
libtpu: 0.0.44.dev20260713+nightly
codegen_flags: <defaults>
</compile_context>

<pallas_src>
import functools

import jax
import jax.numpy as jnp
from jax import lax
from jax.experimental import pallas as pl
from jax.experimental.pallas import tpu as pltpu
from jax.experimental.pallas import tpu_sc as plsc

N_N = 10000
E_H = 10000
NNZ = 320000
D_F = 128
HID = 64
STK = 6
OUT_C = 128

NW = 32
CH = 128
NNZ_PAD = 323584
PER_W = NNZ_PAD // NW
NCHUNK = PER_W // CH
ZR = 200
TW = 128
PW = 112

_MESH = plsc.VectorSubcoreMesh(core_axis_name="c", subcore_axis_name="s")

_GDN = lax.GatherDimensionNumbers(
    offset_dims=(), collapsed_slice_dims=(0,), start_index_map=(0,))


def _bcast_lane(vec, lane):
    idx = jnp.full((16, 1), lane, jnp.int32)
    return lax.gather(vec, idx, _GDN, (1,),
                      mode=lax.GatherScatterMode.PROMISE_IN_BOUNDS)


@functools.partial(
    pl.kernel,
    out_type=jax.ShapeDtypeStruct((NNZ_PAD * 16,), jnp.float32),
    mesh=_MESH,
    compiler_params=pltpu.CompilerParams(needs_layout_passes=False),
    scratch_types=[
        pltpu.VMEM((N_N * 6,), jnp.float32),
        pltpu.VMEM((E_H * 6,), jnp.float32),
        pltpu.VMEM((CH,), jnp.int32),
        pltpu.VMEM((CH,), jnp.int32),
        pltpu.VMEM((CH * 16,), jnp.float32),
    ],
)
def _sc_h(a_hbm, b_hbm, row_hbm, col_hbm, h_hbm, a_v, b_v, ridx, cidx, hbuf):
    cid = lax.axis_index("c")
    sid = lax.axis_index("s")
    wid = sid * 2 + cid
    lanes = lax.iota(jnp.int32, 16)

    pltpu.sync_copy(a_hbm, a_v)
    pltpu.sync_copy(b_hbm, b_v)

    def zrow(i, _):
        hbuf[pl.ds(i * 16, 16)] = jnp.zeros((16,), jnp.float32)
        return 0

    lax.fori_loop(0, CH, zrow, 0)

    def chunk(k, _):
        start = wid * PER_W + k * CH
        pltpu.sync_copy(row_hbm.at[pl.ds(start, CH)], ridx)
        pltpu.sync_copy(col_hbm.at[pl.ds(start, CH)], cidx)
        for j in range(CH // 16):
            rv = ridx[pl.ds(j * 16, 16)] * 6
            cv = cidx[pl.ds(j * 16, 16)] * 6
            giv = jnp.full((16,), start + j * 16, jnp.int32) + lanes
            validf = jnp.where(giv < NNZ, 1.0, 0.0)
            obase = lanes * 16 + (j * 256)
            for d in range(6):
                av = plsc.load_gather(a_v, (rv + d,))
                bv = plsc.load_gather(b_v, (cv + d,))
                sg = validf / (1.0 + jnp.exp(-(av + bv)))
                plsc.store_scatter(hbuf, (obase + d,), sg)
            plsc.store_scatter(hbuf, (obase + 6,), validf)
        pltpu.sync_copy(hbuf, h_hbm.at[pl.ds(start * 16, CH * 16)])
        return 0

    lax.fori_loop(0, NCHUNK, chunk, 0)


def _make_sc_pass(out_rows, b6):
    nz = out_rows // ZR

    @functools.partial(
        pl.kernel,
        out_type=jax.ShapeDtypeStruct((2, out_rows, PW), jnp.float32),
        mesh=_MESH,
        compiler_params=pltpu.CompilerParams(
            needs_layout_passes=False, use_tc_tiling_on_sc=False),
        scratch_types=[
            pltpu.VMEM((CH,), jnp.int32),
            pltpu.VMEM((CH,), jnp.int32),
            pltpu.VMEM((CH * 16,), jnp.float32),
            pltpu.VMEM((CH, TW), jnp.float32),
            pltpu.VMEM((CH, PW), jnp.float32),
            pltpu.VMEM((ZR, PW), jnp.float32),
            pltpu.VMEM_SHARED((out_rows, PW), jnp.float32),
            pltpu.SemaphoreType.DMA,
        ],
    )
    def k(src_hbm, gidx_hbm, sidx_hbm, h_hbm, out_hbm,
          gidx, sidx, hbuf, srows, pay, zbuf, acc, sem):
        cid = lax.axis_index("c")
        sid = lax.axis_index("s")
        wid = sid * 2 + cid
        lanes = lax.iota(jnp.int32, 16)
        zv = jnp.zeros((16,), jnp.float32)

        def zrow(i, _):
            rowv = jnp.full((16,), i, jnp.int32)
            for dblk in range(PW // 16):
                plsc.store_scatter(zbuf, (rowv, lanes + dblk * 16), zv)
            return 0

        lax.fori_loop(0, ZR, zrow, 0)

        def zpay(i, _):
            plsc.store_scatter(pay, (jnp.full((16,), i, jnp.int32), lanes + 96), zv)
            return 0

        lax.fori_loop(0, CH, zpay, 0)
        for z in range((nz + 15) // 16):
            c = sid + z * 16

            @pl.when(c < nz)
            def _():
                pltpu.sync_copy(zbuf, acc.at[pl.ds(c * ZR, ZR)])

        plsc.subcore_barrier()

        def chunk(kk, _):
            start = wid * PER_W + kk * CH
            pltpu.sync_copy(gidx_hbm.at[pl.ds(start, CH)], gidx)
            pltpu.sync_copy(sidx_hbm.at[pl.ds(start, CH)], sidx)
            pltpu.sync_copy(h_hbm.at[pl.ds(start * 16, CH * 16)], hbuf)
            pltpu.async_copy(src_hbm.at[gidx], srows, sem).wait()

            def inner(i, _):
                hv = hbuf[pl.ds(i * 16, 16)]
                rowv = jnp.full((16,), i, jnp.int32)
                for dblk in range(6):
                    bc = _bcast_lane(hv, dblk)
                    sv = plsc.load_gather(srows, (rowv, lanes + dblk * 16))
                    plsc.store_scatter(pay, (rowv, lanes + dblk * 16), bc * sv)
                if b6 == "ones":
                    plsc.store_scatter(pay, (rowv, lanes + 96), _bcast_lane(hv, 6))
                elif b6 == "hv":
                    plsc.store_scatter(pay, (rowv, lanes + 96), hv)
                elif b6 == "hvsrc":
                    sv6 = plsc.load_gather(srows, (rowv, lanes + 96))
                    plsc.store_scatter(pay, (rowv, lanes + 96), hv * sv6)
                return 0

            lax.fori_loop(0, CH, inner, 0)
            pltpu.sync_copy(pay, acc.at[sidx], add=True)
            return 0

        lax.fori_loop(0, NCHUNK, chunk, 0)
        plsc.subcore_barrier()
        for z in range((nz + 15) // 16):
            c = sid + z * 16

            @pl.when(c < nz)
            def _():
                sl = pl.ds(c * ZR, ZR)
                pltpu.sync_copy(acc.at[sl], out_hbm.at[cid, sl])

    return k


_sc_l1p1 = _make_sc_pass(E_H, None)
_sc_l1p2 = _make_sc_pass(N_N, "ones")
_sc_l2p1 = _make_sc_pass(E_H, "hv")
_sc_l2p2 = _make_sc_pass(N_N, "hvsrc")


RB = 1000


def _pre_body(x_ref, he_ref, wx_ref, cx_ref, wb_ref, cb_ref, y1_ref, bp_ref):
    y1_ref[...] = jnp.dot(x_ref[...], wx_ref[...],
                          preferred_element_type=jnp.float32) + cx_ref[...]
    bp_ref[...] = jnp.dot(he_ref[...], wb_ref[...],
                          preferred_element_type=jnp.float32) + cb_ref[...]


def _comb_body(p_ref, o_ref):
    s = p_ref[0] + p_ref[1]
    o_ref[...] = jnp.concatenate(
        [s, jnp.zeros((s.shape[0], TW - PW), jnp.float32)], axis=1)


def _fin1_body(p_ref, x1_ref, dinv_ref):
    s = p_ref[0] + p_ref[1]
    deg = s[:, 96:97]
    dinv = jnp.where(deg > 0, 1.0 / deg, 0.0)
    x1_ref[...] = jnp.concatenate(
        [jnp.maximum(s[:, :96] * dinv, 0.0),
         jnp.zeros((s.shape[0], 32), jnp.float32)], axis=1)
    dinv_ref[...] = jnp.broadcast_to(dinv, (dinv.shape[0], 16))


def _post_body(p_ref, dinv_ref, w2_ref, b2_ref, o_ref):
    s = (p_ref[0] + p_ref[1]) * dinv_ref[:, :1]
    for dd in range(6):
        o_ref[:, dd * 128:(dd + 1) * 128] = (
            jnp.dot(s[:, dd * 16:(dd + 1) * 16], w2_ref[...],
                    preferred_element_type=jnp.float32)
            + s[:, 96 + dd:97 + dd] * b2_ref[...])


def _comb(p, rows):
    return pl.pallas_call(
        _comb_body,
        grid=(rows // RB,),
        in_specs=[pl.BlockSpec((2, RB, PW), lambda i: (0, i, 0))],
        out_specs=pl.BlockSpec((RB, TW), lambda i: (i, 0)),
        out_shape=jax.ShapeDtypeStruct((rows, TW), jnp.float32),
    )(p)


def kernel(x, edge_index, hyperedge_attr, W_lin, b_lin, W_sheaf, b_sheaf, W1, b1, W2, b2):
    f32 = jnp.float32
    x = x.astype(f32)
    he = hyperedge_attr.astype(f32)
    row = edge_index[0].astype(jnp.int32)
    col = edge_index[1].astype(jnp.int32)
    row_p = jnp.pad(row, (0, NNZ_PAD - NNZ))
    col_p = jnp.pad(col, (0, NNZ_PAD - NNZ))

    WL = W_lin.reshape(D_F, STK, HID)
    bL = b_lin.reshape(STK, HID)
    W_xs = WL.mean(axis=1)
    b_xs = bL.mean(axis=0)
    Wsa, Wsb = W_sheaf[:HID], W_sheaf[HID:]
    Wa = W_xs @ Wsa
    ca = b_xs @ Wsa + b_sheaf
    Wb = W_xs @ Wsb
    cb = b_xs @ Wsb
    W1f = jnp.einsum("kdh,ho->kdo", WL, W1).reshape(D_F, 96)
    b1f = (bL @ W1 + b1).reshape(96)
    Wx = jnp.concatenate([W1f, Wa, jnp.zeros((D_F, 26), f32)], axis=1)
    cx = jnp.concatenate([b1f, ca, jnp.zeros((26,), f32)]).reshape(1, TW)
    Wbp = jnp.pad(Wb, ((0, 0), (0, 10)))
    cbp = jnp.pad(cb, (0, 10)).reshape(1, 16)

    y1x, b_pad = pl.pallas_call(
        _pre_body,
        grid=(N_N // RB,),
        in_specs=[
            pl.BlockSpec((RB, D_F), lambda i: (i, 0)),
            pl.BlockSpec((RB, D_F), lambda i: (i, 0)),
            pl.BlockSpec((D_F, TW), lambda i: (0, 0)),
            pl.BlockSpec((1, TW), lambda i: (0, 0)),
            pl.BlockSpec((D_F, 16), lambda i: (0, 0)),
            pl.BlockSpec((1, 16), lambda i: (0, 0)),
        ],
        out_specs=[
            pl.BlockSpec((RB, TW), lambda i: (i, 0)),
            pl.BlockSpec((RB, 16), lambda i: (i, 0)),
        ],
        out_shape=[
            jax.ShapeDtypeStruct((N_N, TW), f32),
            jax.ShapeDtypeStruct((E_H, 16), f32),
        ],
    )(x, he, Wx, cx, Wbp, cbp)

    a6 = y1x[:, 96:102].reshape(-1)
    b6v = b_pad[:, :6].reshape(-1)

    h_flat = _sc_h(a6, b6v, row_p, col_p)
    p_m1 = _sc_l1p1(y1x, row_p, col_p, h_flat)
    m1 = _comb(p_m1, E_H)
    p_a1 = _sc_l1p2(m1, col_p, row_p, h_flat)

    x1, dinv_pad = pl.pallas_call(
        _fin1_body,
        grid=(N_N // RB,),
        in_specs=[pl.BlockSpec((2, RB, PW), lambda i: (0, i, 0))],
        out_specs=[
            pl.BlockSpec((RB, TW), lambda i: (i, 0)),
            pl.BlockSpec((RB, 16), lambda i: (i, 0)),
        ],
        out_shape=[
            jax.ShapeDtypeStruct((N_N, TW), f32),
            jax.ShapeDtypeStruct((N_N, 16), f32),
        ],
    )(p_a1)

    p_m2 = _sc_l2p1(x1, row_p, col_p, h_flat)
    m2 = _comb(p_m2, E_H)
    p_a2 = _sc_l2p2(m2, col_p, row_p, h_flat)

    out = pl.pallas_call(
        _post_body,
        grid=(N_N // RB,),
        in_specs=[
            pl.BlockSpec((2, RB, PW), lambda i: (0, i, 0)),
            pl.BlockSpec((RB, 16), lambda i: (i, 0)),
            pl.BlockSpec((16, 128), lambda i: (0, 0)),
            pl.BlockSpec((1, 128), lambda i: (0, 0)),
        ],
        out_specs=pl.BlockSpec((RB, STK * OUT_C), lambda i: (i, 0)),
        out_shape=jax.ShapeDtypeStruct((N_N, STK * OUT_C), f32),
    )(p_a2, dinv_pad, W2, b2.reshape(1, OUT_C))

    return out

# --- scband reference (transcript-rebuilt; emitter-appended) ---
"""Pipeline reference for scband-sheaf-hyper-gcn-31842887533298 (READ-ONLY COPY).

The authoritative reference and input builder live on the scoring server;
editing this copy changes nothing except your own understanding.
"""

import jax, jax.numpy as jnp
import numpy as np

N_NODES = 10000
N_EDGES_H = 10000  # number of hyperedges
NNZ = 320000       # incidence pairs
D_FEAT = 128
HIDDEN = 64
STALK = 6
OUT_CH = 128
H1 = 16


def setup_inputs(seed: int = 0) -> dict:
    key = jax.random.key(seed)
    ks = jax.random.split(key, 12)
    x = jax.random.normal(ks[0], (N_NODES, D_FEAT), dtype=jnp.float32)
    edge_index = jax.random.randint(ks[1], (2, NNZ), 0, N_NODES, dtype=jnp.int64)
    hyperedge_attr = jax.random.normal(ks[2], (N_EDGES_H, D_FEAT), dtype=jnp.float32)
    W_lin = jax.random.normal(ks[3], (D_FEAT, HIDDEN * STALK), dtype=jnp.float32) * 0.05
    b_lin = jnp.zeros((HIDDEN * STALK,), dtype=jnp.float32)
    W_sheaf = jax.random.normal(ks[4], (2 * HIDDEN, STALK), dtype=jnp.float32) * 0.05
    b_sheaf = jnp.zeros((STALK,), dtype=jnp.float32)
    W1 = jax.random.normal(ks[5], (HIDDEN, H1), dtype=jnp.float32) * 0.1
    b1 = jnp.zeros((H1,), dtype=jnp.float32)
    W2 = jax.random.normal(ks[6], (H1, OUT_CH), dtype=jnp.float32) * 0.1
    b2 = jnp.zeros((OUT_CH,), dtype=jnp.float32)
    return {"x": x, "edge_index": edge_index, "hyperedge_attr": hyperedge_attr,
            "W_lin": W_lin, "b_lin": b_lin, "W_sheaf": W_sheaf, "b_sheaf": b_sheaf,
            "W1": W1, "b1": b1, "W2": W2, "b2": b2}


def reference(x, edge_index, hyperedge_attr, W_lin, b_lin, W_sheaf, b_sheaf, W1, b1, W2, b2):
    N = x.shape[0]
    d = STALK
    hidden = HIDDEN
    row = edge_index[0]  # node indices
    col = edge_index[1]  # hyperedge indices
    E_h = hyperedge_attr.shape[0]

    # self.lin: project node features to hidden*d  (MLP num_layers=1, input_norm=False -> Linear)
    H = x @ W_lin + b_lin                      # [N, hidden*d]
    He = hyperedge_attr @ W_lin + b_lin        # [E_h, hidden*d]

    # DiagSheafs builder (MLP_var1): pool stalk dim, gather row/col, predict d diagonal values, sigmoid
    xs = H.reshape(N, d, hidden).mean(axis=1)          # [N, hidden]
    es = He.reshape(E_h, d, hidden).mean(axis=1)       # [E_h, hidden]
    h_cat = jnp.concatenate([jnp.take(xs, row, axis=0), jnp.take(es, col, axis=0)], axis=-1)  # [nnz, 2*hidden]
    h_sheaf = jax.nn.sigmoid(h_cat @ W_sheaf + b_sheaf)  # [nnz, d]

    # degree_norm: D^{-1} with node degrees over incidence rows
    deg = jax.ops.segment_sum(jnp.ones((row.shape[0],), dtype=jnp.float32), row, num_segments=N)
    dinv = jnp.where(deg > 0, 1.0 / deg, 0.0)

    def propagate(X):
        # X: [N, d, c]; sheaf Laplacian application A = D^{-1} B B^T with diagonal restriction maps
        gathered = h_sheaf[:, :, None] * jnp.take(X, row, axis=0)        # [nnz, d, c]
        m = jax.ops.segment_sum(gathered, col, num_segments=E_h)          # [E_h, d, c]
        back = h_sheaf[:, :, None] * jnp.take(m, col, axis=0)             # [nnz, d, c]
        agg = jax.ops.segment_sum(back, row, num_segments=N)              # [N, d, c]
        return dinv[:, None, None] * agg

    # HyperGraphConvolution layer 1: A @ (H W1) + b1, relu
    X = H.reshape(N, d, hidden)
    X = propagate(jnp.einsum('ndc,co->ndo', X, W1) + b1)
    X = jax.nn.relu(X)
    # HyperGraphConvolution layer 2: A @ (X W2) + b2
    X = propagate(jnp.einsum('ndc,co->ndo', X, W2) + b2)
    return X.reshape(N, d * OUT_CH)

if __name__ == "__main__":
    import jax
    _d = setup_inputs()
    print(jax.jit(kernel)(*tuple(_d.values())))

</pallas_src>

<mosaic_0001>
#map = affine_map<(d0, d1) -> (0)>
module attributes {stable_mosaic.version = 14 : i64} {
  func.func @_sc_h(%arg0: i32, %arg1: i32, %arg2: memref<60000xf32, #tpu.memory_space<hbm>>, %arg3: memref<60000xf32, #tpu.memory_space<hbm>>, %arg4: memref<323584xi32, #tpu.memory_space<hbm>>, %arg5: memref<323584xi32, #tpu.memory_space<hbm>>, %arg6: memref<5177344xf32, #tpu.memory_space<hbm>>, %arg7: memref<60000xf32, #tpu.memory_space<vmem>>, %arg8: memref<60000xf32, #tpu.memory_space<vmem>>, %arg9: memref<128xi32, #tpu.memory_space<vmem>>, %arg10: memref<128xi32, #tpu.memory_space<vmem>>, %arg11: memref<2048xf32, #tpu.memory_space<vmem>>) attributes {dimension_semantics = [#tpu.dimension_semantics<core_parallel>, #tpu.dimension_semantics<subcore_parallel>], iteration_bounds = array<i64: 2, 16>, scalar_prefetch = 0 : i64, scratch_operands = 5 : i64, tpu.core_type = #tpu.core_type<sc_vector_subcore>, window_params = [{transform_indices = #map}, {transform_indices = #map}, {transform_indices = #map}, {transform_indices = #map}, {transform_indices = #map}]} {
    %mul3A = arith.constant 2 : i32
    %mul3A_0 = arith.muli %arg1, %mul3A : i32
    %add3A = arith.addi %mul3A_0, %arg0 : i32
    %iota3A = tpu.iota {dimensions = array<i32: 0>} : vector<16xi32>
    "tpu.region"() ({
      %run_scoped3A = tpu.sem_alloc : memref<!tpu.dma_semaphore, #tpu.memory_space<semaphore_mem>>
      tpu.enqueue_dma source(%arg2 : memref<60000xf32, #tpu.memory_space<hbm>>) target(%arg7 : memref<60000xf32, #tpu.memory_space<vmem>>) target_semaphore(%run_scoped3A : memref<!tpu.dma_semaphore, #tpu.memory_space<semaphore_mem>>)
      tpu.wait_dma2 semaphore(%run_scoped3A : memref<!tpu.dma_semaphore, #tpu.memory_space<semaphore_mem>>) src(%arg2 : memref<60000xf32, #tpu.memory_space<hbm>>) dst(%arg7 : memref<60000xf32, #tpu.memory_space<vmem>>)
      tpu.yield
    }) : () -> ()
    "tpu.region"() ({
      %run_scoped3A = tpu.sem_alloc : memref<!tpu.dma_semaphore, #tpu.memory_space<semaphore_mem>>
      tpu.enqueue_dma source(%arg3 : memref<60000xf32, #tpu.memory_space<hbm>>) target(%arg8 : memref<60000xf32, #tpu.memory_space<vmem>>) target_semaphore(%run_scoped3A : memref<!tpu.dma_semaphore, #tpu.memory_space<semaphore_mem>>)
      tpu.wait_dma2 semaphore(%run_scoped3A : memref<!tpu.dma_semaphore, #tpu.memory_space<semaphore_mem>>) src(%arg3 : memref<60000xf32, #tpu.memory_space<hbm>>) dst(%arg8 : memref<60000xf32, #tpu.memory_space<vmem>>)
      tpu.yield
    }) : () -> ()
    %scan3A = arith.constant 0 : i32
    %scan3A_1 = arith.constant 0 : i32
    %scan3A_2 = arith.constant 128 : i32
    %scan3A_3 = arith.addi %scan3A_1, %scan3A_2 : i32
    %scan3A_4 = arith.constant 1 : i32
    %scan3A_5 = scf.for %scan3A_14 = %scan3A_1 to %scan3A_3 step %scan3A_4 iter_args(%scan3A_15 = %scan3A) -> (i32)  : i32 {
      %broadcast_in_dim3A = arith.constant 0.000000e+00 : f32
      %broadcast_in_dim3A_16 = vector.broadcast %broadcast_in_dim3A : f32 to vector<16xf32>
      %mul3A_17 = arith.constant 16 : i32
      %mul3A_18 = arith.muli %scan3A_14, %mul3A_17 : i32
      %swap3A = arith.index_cast %mul3A_18 : i32 to index
      %swap3A_19 = tpu.vector_load %arg11[%swap3A] {strides = array<i32>} : memref<2048xf32, #tpu.memory_space<vmem>>, vector<16xf32>,
      tpu.vector_store %arg11[%swap3A], %broadcast_in_dim3A_16 {strides = array<i32>} : memref<2048xf32, #tpu.memory_space<vmem>>, vector<16xf32>,
      %scan3A_20 = arith.constant 0 : i32
      scf.yield %scan3A_20 : i32
    }
    %scan3A_6 = arith.constant 128 : i32
    %scan3A_7 = arith.constant 0 : i32
    %scan3A_8 = arith.constant 0 : i32
    %scan3A_9 = arith.constant 79 : i32
    %scan3A_10 = arith.addi %scan3A_8, %scan3A_9 : i32
    %scan3A_11 = arith.constant 1 : i32
    %scan3A_12 = scf.for %scan3A_14 = %scan3A_8 to %scan3A_10 step %scan3A_11 iter_args(%scan3A_15 = %scan3A_7) -> (i32)  : i32 {
      %mul3A_16 = arith.constant 10112 : i32
      %mul3A_17 = arith.muli %add3A, %mul3A_16 : i32
      %mul3A_18 = arith.constant 128 : i32
      %mul3A_19 = arith.muli %scan3A_14, %mul3A_18 : i32
      %add3A_20 = arith.addi %mul3A_17, %mul3A_19 : i32
      "tpu.region"() ({
        %run_scoped3A = tpu.sem_alloc : memref<!tpu.dma_semaphore, #tpu.memory_space<semaphore_mem>>
        %dma_start3A = tpu.memref_slice %arg4[%add3A_20] : memref<323584xi32, #tpu.memory_space<hbm>> -> memref<128xi32, #tpu.memory_space<hbm>>
        %dma_start3A_1223 = tpu.memref_slice %arg4[%add3A_20] : memref<323584xi32, #tpu.memory_space<hbm>> -> memref<128xi32, #tpu.memory_space<hbm>>
        tpu.enqueue_dma source(%dma_start3A_1223 : memref<128xi32, #tpu.memory_space<hbm>>) target(%arg9 : memref<128xi32, #tpu.memory_space<vmem>>) target_semaphore(%run_scoped3A : memref<!tpu.dma_semaphore, #tpu.memory_space<semaphore_mem>>)
        %dma_wait3A = tpu.memref_slice %arg4[%add3A_20] : memref<323584xi32, #tpu.memory_space<hbm>> -> memref<128xi32, #tpu.memory_space<hbm>>
        %dma_wait3A_1224 = tpu.memref_slice %arg4[%add3A_20] : memref<323584xi32, #tpu.memory_space<hbm>> -> memref<128xi32, #tpu.memory_space<hbm>>
        tpu.wait_dma2 semaphore(%run_scoped3A : memref<!tpu.dma_semaphore, #tpu.memory_space<semaphore_mem>>) src(%dma_wait3A_1224 : memref<128xi32, #tpu.memory_space<hbm>>) dst(%arg9 : memref<128xi32, #tpu.memory_space<vmem>>)
        tpu.yield
      }) : () -> ()
      "tpu.region"() ({
        %run_scoped3A = tpu.sem_alloc : memref<!tpu.dma_semaphore, #tpu.memory_space<semaphore_mem>>
        %dma_start3A = tpu.memref_slice %arg5[%add3A_20] : memref<323584xi32, #tpu.memory_space<hbm>> -> memref<128xi32, #tpu.memory_space<hbm>>
        %dma_start3A_1223 = tpu.memref_slice %arg5[%add3A_20] : memref<323584xi32, #tpu.memory_space<hbm>> -> memref<128xi32, #tpu.memory_space<hbm>>
        tpu.enqueue_dma source(%dma_start3A_1223 : memref<128xi32, #tpu.memory_space<hbm>>) target(%arg10 : memref<128xi32, #tpu.memory_space<vmem>>) target_semaphore(%run_scoped3A : memref<!tpu.dma_semaphore, #tpu.memory_space<semaphore_mem>>)
        %dma_wait3A = tpu.memref_slice %arg5[%add3A_20] : memref<323584xi32, #tpu.memory_space<hbm>> -> memref<128xi32, #tpu.memory_space<hbm>>
        %dma_wait3A_1224 = tpu.memref_slice %arg5[%add3A_20] : memref<323584xi32, #tpu.memory_space<hbm>> -> memref<128xi32, #tpu.memory_space<hbm>>
        tpu.wait_dma2 semaphore(%run_scoped3A : memref<!tpu.dma_semaphore, #tpu.memory_space<semaphore_mem>>) src(%dma_wait3A_1224 : memref<128xi32, #tpu.memory_space<hbm>>) dst(%arg10 : memref<128xi32, #tpu.memory_space<vmem>>)
        tpu.yield
      }) : () -> ()
      %get3A = arith.constant 0 : index
      %get3A_21 = tpu.vector_load %arg9[%get3A] {strides = array<i32>} : memref<128xi32, #tpu.memory_space<vmem>>, vector<16xi32>,
      %mul3A_22 = arith.constant 6 : i32
      %mul3A_23 = vector.broadcast %mul3A_22 : i32 to vector<16xi32>
      %mul3A_24 = arith.muli %get3A_21, %mul3A_23 : vector<16xi32>
      %get3A_25 = arith.constant 0 : index
      %get3A_26 = tpu.vector_load %arg10[%get3A_25] {strides = array<i32>} : memref<128xi32, #tpu.memory_space<vmem>>, vector<16xi32>,
      %mul3A_27 = arith.constant 6 : i32
      %mul3A_28 = vector.broadcast %mul3A_27 : i32 to vector<16xi32>
      %mul3A_29 = arith.muli %get3A_26, %mul3A_28 : vector<16xi32>
      %add3A_30 = arith.constant 0 : i32
      %add3A_31 = arith.addi %add3A_20, %add3A_30 : i32
      %broadcast_in_dim3A = vector.broadcast %add3A_31 : i32 to vector<16xi32>
      %add3A_32 = arith.addi %broadcast_in_dim3A, %iota3A : vector<16xi32>
      %lt3A = arith.constant 320000 : i32
      %lt3A_33 = vector.broadcast %lt3A : i32 to vector<16xi32>
      %lt3A_34 = arith.cmpi slt, %add3A_32, %lt3A_33 : vector<16xi32>
      %jit3A = arith.constant 1.000000e+00 : f32
      %jit3A_35 = arith.constant 0.000000e+00 : f32
      %broadcast_in_dim3A_36 = vector.broadcast %jit3A : f32 to vector<16xf32>
      %broadcast_in_dim3A_37 = vector.broadcast %jit3A_35 : f32 to vector<16xf32>
      %select_n3A = arith.select %lt3A_34, %broadcast_in_dim3A_36, %broadcast_in_dim3A_37 : vector<16xi1>, vector<16xf32>
      %mul3A_38 = arith.constant 16 : i32
      %mul3A_39 = vector.broadcast %mul3A_38 : i32 to vector<16xi32>
      %mul3A_40 = arith.muli %iota3A, %mul3A_39 : vector<16xi32>
      %add3A_41 = arith.constant 0 : i32
      %add3A_42 = vector.broadcast %add3A_41 : i32 to vector<16xi32>
      %add3A_43 = arith.addi %mul3A_40, %add3A_42 : vector<16xi32>
      %add3A_44 = arith.constant 0 : i32
      %add3A_45 = vector.broadcast %add3A_44 : i32 to vector<16xi32>
      %add3A_46 = arith.addi %mul3A_24, %add3A_45 : vector<16xi32>
      %gather3A = tpu.vector_load_idx %arg7[%add3A_46] : memref<60000xf32, #tpu.memory_space<vmem>>[vector<16xi32>], vector<16xf32>,
      %add3A_47 = arith.constant 0 : i32
      %add3A_48 = vector.broadcast %add3A_47 : i32 to vector<16xi32>
      %add3A_49 = arith.addi %mul3A_29, %add3A_48 : vector<16xi32>
      %gather3A_50 = tpu.vector_load_idx %arg8[%add3A_49] : memref<60000xf32, #tpu.memory_space<vmem>>[vector<16xi32>], vector<16xf32>,
      %add3A_51 = arith.addf %gather3A, %gather3A_50 : vector<16xf32>
      %neg3A = arith.constant 0.000000e+00 : f32
      %neg3A_52 = vector.broadcast %neg3A : f32 to vector<16xf32>
      %neg3A_53 = arith.subf %neg3A_52, %add3A_51 : vector<16xf32>
      %exp3A = math.exp %neg3A_53 : vector<16xf32>
      %add3A_54 = arith.constant 1.000000e+00 : f32
      %add3A_55 = vector.broadcast %add3A_54 : f32 to vector<16xf32>
      %add3A_56 = arith.addf %add3A_55, %exp3A : vector<16xf32>
      %div3A = arith.divf %select_n3A, %add3A_56 : vector<16xf32>
      %add3A_57 = arith.constant 0 : i32
      %add3A_58 = vector.broadcast %add3A_57 : i32 to vector<16xi32>
      %add3A_59 = arith.addi %add3A_43, %add3A_58 : vector<16xi32>
      tpu.vector_store_idx %arg11[%add3A_59], %div3A : memref<2048xf32, #tpu.memory_space<vmem>>[vector<16xi32>], vector<16xf32>,
      %add3A_60 = arith.constant 1 : i32
      %add3A_61 = vector.broadcast %add3A_60 : i32 to vector<16xi32>
      %add3A_62 = arith.addi %mul3A_24, %add3A_61 : vector<16xi32>
      %gather3A_63 = tpu.vector_load_idx %arg7[%add3A_62] : memref<60000xf32, #tpu.memory_space<vmem>>[vector<16xi32>], vector<16xf32>,
      %add3A_64 = arith.constant 1 : i32
      %add3A_65 = vector.broadcast %add3A_64 : i32 to vector<16xi32>
      %add3A_66 = arith.addi %mul3A_29, %add3A_65 : vector<16xi32>
      %gather3A_67 = tpu.vector_load_idx %arg8[%add3A_66] : memref<60000xf32, #tpu.memory_space<vmem>>[vector<16xi32>], vector<16xf32>,
      %add3A_68 = arith.addf %gather3A_63, %gather3A_67 : vector<16xf32>
      %neg3A_69 = arith.constant 0.000000e+00 : f32
      %neg3A_70 = vector.broadcast %neg3A_69 : f32 to vector<16xf32>
      %neg3A_71 = arith.subf %neg3A_70, %add3A_68 : vector<16xf32>
      %exp3A_72 = math.exp %neg3A_71 : vector<16xf32>
      %add3A_73 = arith.constant 1.000000e+00 : f32
      %add3A_74 = vector.broadcast %add3A_73 : f32 to vector<16xf32>
      %add3A_75 = arith.addf %add3A_74, %exp3A_72 : vector<16xf32>
      %div3A_76 = arith.divf %select_n3A, %add3A_75 : vector<16xf32>
      %add3A_77 = arith.constant 1 : i32
      %add3A_78 = vector.broadcast %add3A_77 : i32 to vector<16xi32>
      %add3A_79 = arith.addi %add3A_43, %add3A_78 : vector<16xi32>
      tpu.vector_store_idx %arg11[%add3A_79], %div3A_76 : memref<2048xf32, #tpu.memory_space<vmem>>[vector<16xi32>], vector<16xf32>,
      %add3A_80 = arith.constant 2 : i32
      %add3A_81 = vector.broadcast %add3A_80 : i32 to vector<16xi32>
      %add3A_82 = arith.addi %mul3A_24, %add3A_81 : vector<16xi32>
      %gather3A_83 = tpu.vector_load_idx %arg7[%add3A_82] : memref<60000xf32, #tpu.memory_space<vmem>>[vector<16xi32>], vector<16xf32>,
      %add3A_84 = arith.constant 2 : i32
      %add3A_85 = vector.broadcast %add3A_84 : i32 to vector<16xi32>
      %add3A_86 = arith.addi %mul3A_29, %add3A_85 : vector<16xi32>
      %gather3A_87 = tpu.vector_load_idx %arg8[%add3A_86] : memref<60000xf32, #tpu.memory_space<vmem>>[vector<16xi32>], vector<16xf32>,
      %add3A_88 = arith.addf %gather3A_83, %gather3A_87 : vector<16xf32>
      %neg3A_89 = arith.constant 0.000000e+00 : f32
      %neg3A_90 = vector.broadcast %neg3A_89 : f32 to vector<16xf32>
      %neg3A_91 = arith.subf %neg3A_90, %add3A_88 : vector<16xf32>
      %exp3A_92 = math.exp %neg3A_91 : vector<16xf32>
      %add3A_93 = arith.constant 1.000000e+00 : f32
      %add3A_94 = vector.broadcast %add3A_93 : f32 to vector<16xf32>
      %add3A_95 = arith.addf %add3A_94, %exp3A_92 : vector<16xf32>
      %div3A_96 = arith.divf %select_n3A, %add3A_95 : vector<16xf32>
      %add3A_97 = arith.constant 2 : i32
      %add3A_98 = vector.broadcast %add3A_97 : i32 to vector<16xi32>
      %add3A_99 = arith.addi %add3A_43, %add3A_98 : vector<16xi32>
      tpu.vector_store_idx %arg11[%add3A_99], %div3A_96 : memref<2048xf32, #tpu.memory_space<vmem>>[vector<16xi32>], vector<16xf32>,
      %add3A_100 = arith.constant 3 : i32
      %add3A_101 = vector.broadcast %add3A_100 : i32 to vector<16xi32>
      %add3A_102 = arith.addi %mul3A_24, %add3A_101 : vector<16xi32>
      %gather3A_103 = tpu.vector_load_idx %arg7[%add3A_102] : memref<60000xf32, #tpu.memory_space<vmem>>[vector<16xi32>], vector<16xf32>,
      %add3A_104 = arith.constant 3 : i32
      %add3A_105 = vector.broadcast %add3A_104 : i32 to vector<16xi32>
      %add3A_106 = arith.addi %mul3A_29, %add3A_105 : vector<16xi32>
      %gather3A_107 = tpu.vector_load_idx %arg8[%add3A_106] : memref<60000xf32, #tpu.memory_space<vmem>>[vector<16xi32>], vector<16xf32>,
      %add3A_108 = arith.addf %gather3A_103, %gather3A_107 : vector<16xf32>
      %neg3A_109 = arith.constant 0.000000e+00 : f32
      %neg3A_110 = vector.broadcast %neg3A_109 : f32 to vector<16xf32>
      %neg3A_111 = arith.subf %neg3A_110, %add3A_108 : vector<16xf32>
      %exp3A_112 = math.exp %neg3A_111 : vector<16xf32>
      %add3A_113 = arith.constant 1.000000e+00 : f32
      %add3A_114 = vector.broadcast %add3A_113 : f32 to vector<16xf32>
      %add3A_115 = arith.addf %add3A_114, %exp3A_112 : vector<16xf32>
      %div3A_116 = arith.divf %select_n3A, %add3A_115 : vector<16xf32>
      %add3A_117 = arith.constant 3 : i32
      %add3A_118 = vector.broadcast %add3A_117 : i32 to vector<16xi32>
      %add3A_119 = arith.addi %add3A_43, %add3A_118 : vector<16xi32>
      tpu.vector_store_idx %arg11[%add3A_119], %div3A_116 : memref<2048xf32, #tpu.memory_space<vmem>>[vector<16xi32>], vector<16xf32>,
      %add3A_120 = arith.constant 4 : i32
      %add3A_121 = vector.broadcast %add3A_120 : i32 to vector<16xi32>
      %add3A_122 = arith.addi %mul3A_24, %add3A_121 : vector<16xi32>
      %gather3A_123 = tpu.vector_load_idx %arg7[%add3A_122] : memref<60000xf32, #tpu.memory_space<vmem>>[vector<16xi32>], vector<16xf32>,
      %add3A_124 = arith.constant 4 : i32
      %add3A_125 = vector.broadcast %add3A_124 : i32 to vector<16xi32>
      %add3A_126 = arith.addi %mul3A_29, %add3A_125 : vector<16xi32>
      %gather3A_127 = tpu.vector_load_idx %arg8[%add3A_126] : memref<60000xf32, #tpu.memory_space<vmem>>[vector<16xi32>], vector<16xf32>,
      %add3A_128 = arith.addf %gather3A_123, %gather3A_127 : vector<16xf32>
      %neg3A_129 = arith.constant 0.000000e+00 : f32
      %neg3A_130 = vector.broadcast %neg3A_129 : f32 to vector<16xf32>
      %neg3A_131 = arith.subf %neg3A_130, %add3A_128 : vector<16xf32>
      %exp3A_132 = math.exp %neg3A_131 : vector<16xf32>
      %add3A_133 = arith.constant 1.000000e+00 : f32
      %add3A_134 = vector.broadcast %add3A_133 : f32 to vector<16xf32>
      %add3A_135 = arith.addf %add3A_134, %exp3A_132 : vector<16xf32>
      %div3A_136 = arith.divf %select_n3A, %add3A_135 : vector<16xf32>
      %add3A_137 = arith.constant 4 : i32
      %add3A_138 = vector.broadcast %add3A_137 : i32 to vector<16xi32>
      %add3A_139 = arith.addi %add3A_43, %add3A_138 : vector<16xi32>
      tpu.vector_store_idx %arg11[%add3A_139], %div3A_136 : memref<2048xf32, #tpu.memory_space<vmem>>[vector<16xi32>], vector<16xf32>,
      %add3A_140 = arith.constant 5 : i32
      %add3A_141 = vector.broadcast %add3A_140 : i32 to vector<16xi32>
      %add3A_142 = arith.addi %mul3A_24, %add3A_141 : vector<16xi32>
      %gather3A_143 = tpu.vector_load_idx %arg7[%add3A_142] : memref<60000xf32, #tpu.memory_space<vmem>>[vector<16xi32>], vector<16xf32>,
      %add3A_144 = arith.constant 5 : i32
      %add3A_145 = vector.broadcast %add3A_144 : i32 to vector<16xi32>
      %add3A_146 = arith.addi %mul3A_29, %add3A_145 : vector<16xi32>
      %gather3A_147 = tpu.vector_load_idx %arg8[%add3A_146] : memref<60000xf32, #tpu.memory_space<vmem>>[vector<16xi32>], vector<16xf32>,
      %add3A_148 = arith.addf %gather3A_143, %gather3A_147 : vector<16xf32>
      %neg3A_149 = arith.constant 0.000000e+00 : f32
      %neg3A_150 = vector.broadcast %neg3A_149 : f32 to vector<16xf32>
      %neg3A_151 = arith.subf %neg3A_150, %add3A_148 : vector<16xf32>
      %exp3A_152 = math.exp %neg3A_151 : vector<16xf32>
      %add3A_153 = arith.constant 1.000000e+00 : f32
      %add3A_154 = vector.broadcast %add3A_153 : f32 to vector<16xf32>
      %add3A_155 = arith.addf %add3A_154, %exp3A_152 : vector<16xf32>
      %div3A_156 = arith.divf %select_n3A, %add3A_155 : vector<16xf32>
      %add3A_157 = arith.constant 5 : i32
      %add3A_158 = vector.broadcast %add3A_157 : i32 to vector<16xi32>
      %add3A_159 = arith.addi %add3A_43, %add3A_158 : vector<16xi32>
      tpu.vector_store_idx %arg11[%add3A_159], %div3A_156 : memref<2048xf32, #tpu.memory_space<vmem>>[vector<16xi32>], vector<16xf32>,
      %add3A_160 = arith.constant 6 : i32
      %add3A_161 = vector.broadcast %add3A_160 : i32 to vector<16xi32>
      %add3A_162 = arith.addi %add3A_43, %add3A_161 : vector<16xi32>
      tpu.vector_store_idx %arg11[%add3A_162], %select_n3A : memref<2048xf32, #tpu.memory_space<vmem>>[vector<16xi32>], vector<16xf32>,
      %get3A_163 = arith.constant 16 : index
      %get3A_164 = tpu.vector_load %arg9[%get3A_163] {strides = array<i32>} : memref<128xi32, #tpu.memory_space<vmem>>, vector<16xi32>,
      %mul3A_165 = arith.constant 6 : i32
      %mul3A_166 = vector.broadcast %mul3A_165 : i32 to vector<16xi32>
      %mul3A_167 = arith.muli %get3A_164, %mul3A_166 : vector<16xi32>
      %get3A_168 = arith.constant 16 : index
      %get3A_169 = tpu.vector_load %arg10[%get3A_168] {strides = array<i32>} : memref<128xi32, #tpu.memory_space<vmem>>, vector<16xi32>,
      %mul3A_170 = arith.constant 6 : i32
      %mul3A_171 = vector.broadcast %mul3A_170 : i32 to vector<16xi32>
      %mul3A_172 = arith.muli %get3A_169, %mul3A_171 : vector<16xi32>
      %add3A_173 = arith.constant 16 : i32
      %add3A_174 = arith.addi %add3A_20, %add3A_173 : i32
      %broadcast_in_dim3A_175 = vector.broadcast %add3A_174 : i32 to vector<16xi32>
      %add3A_176 = arith.addi %broadcast_in_dim3A_175, %iota3A : vector<16xi32>
      %lt3A_177 = arith.constant 320000 : i32
      %lt3A_178 = vector.broadcast %lt3A_177 : i32 to vector<16xi32>
      %lt3A_179 = arith.cmpi slt, %add3A_176, %lt3A_178 : vector<16xi32>
      %jit3A_180 = arith.constant 1.000000e+00 : f32
      %jit3A_181 = arith.constant 0.000000e+00 : f32
      %broadcast_in_dim3A_182 = vector.broadcast %jit3A_180 : f32 to vector<16xf32>
      %broadcast_in_dim3A_183 = vector.broadcast %jit3A_181 : f32 to vector<16xf32>
      %select_n3A_184 = arith.select %lt3A_179, %broadcast_in_dim3A_182, %broadcast_in_dim3A_183 : vector<16xi1>, vector<16xf32>
      %mul3A_185 = arith.constant 16 : i32
      %mul3A_186 = vector.broadcast %mul3A_185 : i32 to vector<16xi32>
      %mul3A_187 = arith.muli %iota3A, %mul3A_186 : vector<16xi32>
      %add3A_188 = arith.constant 256 : i32
      %add3A_189 = vector.broadcast %add3A_188 : i32 to vector<16xi32>
      %add3A_190 = arith.addi %mul3A_187, %add3A_189 : vector<16xi32>
      %add3A_191 = arith.constant 0 : i32
      %add3A_192 = vector.broadcast %add3A_191 : i32 to vector<16xi32>
      %add3A_193 = arith.addi %mul3A_167, %add3A_192 : vector<16xi32>
      %gather3A_194 = tpu.vector_load_idx %arg7[%add3A_193] : memref<60000xf32, #tpu.memory_space<vmem>>[vector<16xi32>], vector<16xf32>,
      %add3A_195 = arith.constant 0 : i32
      %add3A_196 = vector.broadcast %add3A_195 : i32 to vector<16xi32>
      %add3A_197 = arith.addi %mul3A_172, %add3A_196 : vector<16xi32>
      %gather3A_198 = tpu.vector_load_idx %arg8[%add3A_197] : memref<60000xf32, #tpu.memory_space<vmem>>[vector<16xi32>], vector<16xf32>,
      %add3A_199 = arith.addf %gather3A_194, %gather3A_198 : vector<16xf32>
      %neg3A_200 = arith.constant 0.000000e+00 : f32
      %neg3A_201 = vector.broadcast %neg3A_200 : f32 to vector<16xf32>
      %neg3A_202 = arith.subf %neg3A_201, %add3A_199 : vector<16xf32>
      %exp3A_203 = math.exp %neg3A_202 : vector<16xf32>
      %add3A_204 = arith.constant 1.000000e+00 : f32
      %add3A_205 = vector.broadcast %add3A_204 : f32 to vector<16xf32>
      %add3A_206 = arith.addf %add3A_205, %exp3A_203 : vector<16xf32>
      %div3A_207 = arith.divf %select_n3A_184, %add3A_206 : vector<16xf32>
      %add3A_208 = arith.constant 0 : i32
      %add3A_209 = vector.broadcast %add3A_208 : i32 to vector<16xi32>
      %add3A_210 = arith.addi %add3A_190, %add3A_209 : vector<16xi32>
      tpu.vector_store_idx %arg11[%add3A_210], %div3A_207 : memref<2048xf32, #tpu.memory_space<vmem>>[vector<16xi32>], vector<16xf32>,
      %add3A_211 = arith.constant 1 : i32
      %add3A_212 = vector.broadcast %add3A_211 : i32 to vector<16xi32>
      %add3A_213 = arith.addi %mul3A_167, %add3A_212 : vector<16xi32>
      %gather3A_214 = tpu.vector_load_idx %arg7[%add3A_213] : memref<60000xf32, #tpu.memory_space<vmem>>[vector<16xi32>], vector<16xf32>,
      %add3A_215 = arith.constant 1 : i32
      %add3A_216 = vector.broadcast %add3A_215 : i32 to vector<16xi32>
      %add3A_217 = arith.addi %mul3A_172, %add3A_216 : vector<16xi32>
      %gather3A_218 = tpu.vector_load_idx %arg8[%add3A_217] : memref<60000xf32, #tpu.memory_space<vmem>>[vector<16xi32>], vector<16xf32>,
      %add3A_219 = arith.addf %gather3A_214, %gather3A_218 : vector<16xf32>
      %neg3A_220 = arith.constant 0.000000e+00 : f32
      %neg3A_221 = vector.broadcast %neg3A_220 : f32 to vector<16xf32>
      %neg3A_222 = arith.subf %neg3A_221, %add3A_219 : vector<16xf32>
      %exp3A_223 = math.exp %neg3A_222 : vector<16xf32>
      %add3A_224 = arith.constant 1.000000e+00 : f32
      %add3A_225 = vector.broadcast %add3A_224 : f32 to vector<16xf32>
      %add3A_226 = arith.addf %add3A_225, %exp3A_223 : vector<16xf32>
      %div3A_227 = arith.divf %select_n3A_184, %add3A_226 : vector<16xf32>
      %add3A_228 = arith.constant 1 : i32
      %add3A_229 = vector.broadcast %add3A_228 : i32 to vector<16xi32>
      %add3A_230 = arith.addi %add3A_190, %add3A_229 : vector<16xi32>
      tpu.vector_store_idx %arg11[%add3A_230], %div3A_227 : memref<2048xf32, #tpu.memory_space<vmem>>[vector<16xi32>], vector<16xf32>,
      %add3A_231 = arith.constant 2 : i32
      %add3A_232 = vector.broadcast %add3A_231 : i32 to vector<16xi32>
      %add3A_233 = arith.addi %mul3A_167, %add3A_232 : vector<16xi32>
      %gather3A_234 = tpu.vector_load_idx %arg7[%add3A_233] : memref<60000xf32, #tpu.memory_space<vmem>>[vector<16xi32>], vector<16xf32>,
      %add3A_235 = arith.constant 2 : i32
      %add3A_236 = vector.broadcast %add3A_235 : i32 to vector<16xi32>
      %add3A_237 = arith.addi %mul3A_172, %add3A_236 : vector<16xi32>
      %gather3A_238 = tpu.vector_load_idx %arg8[%add3A_237] : memref<60000xf32, #tpu.memory_space<vmem>>[vector<16xi32>], vector<16xf32>,
      %add3A_239 = arith.addf %gather3A_234, %gather3A_238 : vector<16xf32>
      %neg3A_240 = arith.constant 0.000000e+00 : f32
      %neg3A_241 = vector.broadcast %neg3A_240 : f32 to vector<16xf32>
      %neg3A_242 = arith.subf %neg3A_241, %add3A_239 : vector<16xf32>
      %exp3A_243 = math.exp %neg3A_242 : vector<16xf32>
      %add3A_244 = arith.constant 1.000000e+00 : f32
      %add3A_245 = vector.broadcast %add3A_244 : f32 to vector<16xf32>
      %add3A_246 = arith.addf %add3A_245, %exp3A_243 : vector<16xf32>
      %div3A_247 = arith.divf %select_n3A_184, %add3A_246 : vector<16xf32>
      %add3A_248 = arith.constant 2 : i32
      %add3A_249 = vector.broadcast %add3A_248 : i32 to vector<16xi32>
      %add3A_250 = arith.addi %add3A_190, %add3A_249 : vector<16xi32>
      tpu.vector_store_idx %arg11[%add3A_250], %div3A_247 : memref<2048xf32, #tpu.memory_space<vmem>>[vector<16xi32>], vector<16xf32>,
      %add3A_251 = arith.constant 3 : i32
      %add3A_252 = vector.broadcast %add3A_251 : i32 to vector<16xi32>
      %add3A_253 = arith.addi %mul3A_167, %add3A_252 : vector<16xi32>
      %gather3A_254 = tpu.vector_load_idx %arg7[%add3A_253] : memref<60000xf32, #tpu.memory_space<vmem>>[vector<16xi32>], vector<16xf32>,
      %add3A_255 = arith.constant 3 : i32
      %add3A_256 = vector.broadcast %add3A_255 : i32 to vector<16xi32>
      %add3A_257 = arith.addi %mul3A_172, %add3A_256 : vector<16xi32>
      %gather3A_258 = tpu.vector_load_idx %arg8[%add3A_257] : memref<60000xf32, #tpu.memory_space<vmem>>[vector<16xi32>], vector<16xf32>,
      %add3A_259 = arith.addf %gather3A_254, %gather3A_258 : vector<16xf32>
      %neg3A_260 = arith.constant 0.000000e+00 : f32
      %neg3A_261 = vector.broadcast %neg3A_260 : f32 to vector<16xf32>
      %neg3A_262 = arith.subf %neg3A_261, %add3A_259 : vector<16xf32>
      %exp3A_263 = math.exp %neg3A_262 : vector<16xf32>
      %add3A_264 = arith.constant 1.000000e+00 : f32
      %add3A_265 = vector.broadcast %add3A_264 : f32 to vector<16xf32>
      %add3A_266 = arith.addf %add3A_265, %exp3A_263 : vector<16xf32>
      %div3A_267 = arith.divf %select_n3A_184, %add3A_266 : vector<16xf32>
      %add3A_268 = arith.constant 3 : i32
      %add3A_269 = vector.broadcast %add3A_268 : i32 to vector<16xi32>
      %add3A_270 = arith.addi %add3A_190, %add3A_269 : vector<16xi32>
      tpu.vector_store_idx %arg11[%add3A_270], %div3A_267 : memref<2048xf32, #tpu.memory_space<vmem>>[vector<16xi32>], vector<16xf32>,
      %add3A_271 = arith.constant 4 : i32
      %add3A_272 = vector.broadcast %add3A_271 : i32 to vector<16xi32>
      %add3A_273 = arith.addi %mul3A_167, %add3A_272 : vector<16xi32>
      %gather3A_274 = tpu.vector_load_idx %arg7[%add3A_273] : memref<60000xf32, #tpu.memory_space<vmem>>[vector<16xi32>], vector<16xf32>,
      %add3A_275 = arith.constant 4 : i32
      %add3A_276 = vector.broadcast %add3A_275 : i32 to vector<16xi32>
      %add3A_277 = arith.addi %mul3A_172, %add3A_276 : vector<16xi32>
      %gather3A_278 = tpu.vector_load_idx %arg8[%add3A_277] : memref<60000xf32, #tpu.memory_space<vmem>>[vector<16xi32>], vector<16xf32>,
      %add3A_279 = arith.addf %gather3A_274, %gather3A_278 : vector<16xf32>
      %neg3A_280 = arith.constant 0.000000e+00 : f32
      %neg3A_281 = vector.broadcast %neg3A_280 : f32 to vector<16xf32>
      %neg3A_282 = arith.subf %neg3A_281, %add3A_279 : vector<16xf32>
      %exp3A_283 = math.exp %neg3A_282 : vector<16xf32>
      %add3A_284 = arith.constant 1.000000e+00 : f32
      %add3A_285 = vector.broadcast %add3A_284 : f32 to vector<16xf32>
      %add3A_286 = arith.addf %add3A_285, %exp3A_283 : vector<16xf32>
      %div3A_287 = arith.divf %select_n3A_184, %add3A_286 : vector<16xf32>
      %add3A_288 = arith.constant 4 : i32
      %add3A_289 = vector.broadcast %add3A_288 : i32 to vector<16xi32>
      %add3A_290 = arith.addi %add3A_190, %add3A_289 : vector<16xi32>
      tpu.vector_store_idx %arg11[%add3A_290], %div3A_287 : memref<2048xf32, #tpu.memory_space<vmem>>[vector<16xi32>], vector<16xf32>,
      %add3A_291 = arith.constant 5 : i32
      %add3A_292 = vector.broadcast %add3A_291 : i32 to vector<16xi32>
      %add3A_293 = arith.addi %mul3A_167, %add3A_292 : vector<16xi32>
      %gather3A_294 = tpu.vector_load_idx %arg7[%add3A_293] : memref<60000xf32, #tpu.memory_space<vmem>>[vector<16xi32>], vector<16xf32>,
      %add3A_295 = arith.constant 5 : i32
      %add3A_296 = vector.broadcast %add3A_295 : i32 to vector<16xi32>
      %add3A_297 = arith.addi %mul3A_172, %add3A_296 : vector<16xi32>
      %gather3A_298 = tpu.vector_load_idx %arg8[%add3A_297] : memref<60000xf32, #tpu.memory_space<vmem>>[vector<16xi32>], vector<16xf32>,
      %add3A_299 = arith.addf %gather3A_294, %gather3A_298 : vector<16xf32>
      %neg3A_300 = arith.constant 0.000000e+00 : f32
      %neg3A_301 = vector.broadcast %neg3A_300 : f32 to vector<16xf32>
      %neg3A_302 = arith.subf %neg3A_301, %add3A_299 : vector<16xf32>
      %exp3A_303 = math.exp %neg3A_302 : vector<16xf32>
      %add3A_304 = arith.constant 1.000000e+00 : f32
      %add3A_305 = vector.broadcast %add3A_304 : f32 to vector<16xf32>
      %add3A_306 = arith.addf %add3A_305, %exp3A_303 : vector<16xf32>
      %div3A_307 = arith.divf %select_n3A_184, %add3A_306 : vector<16xf32>
      %add3A_308 = arith.constant 5 : i32
      %add3A_309 = vector.broadcast %add3A_308 : i32 to vector<16xi32>
      %add3A_310 = arith.addi %add3A_190, %add3A_309 : vector<16xi32>
      tpu.vector_store_idx %arg11[%add3A_310], %div3A_307 : memref<2048xf32, #tpu.memory_space<vmem>>[vector<16xi32>], vector<16xf32>,
      %add3A_311 = arith.constant 6 : i32
      %add3A_312 = vector.broadcast %add3A_311 : i32 to vector<16xi32>
      %add3A_313 = arith.addi %add3A_190, %add3A_312 : vector<16xi32>
      tpu.vector_store_idx %arg11[%add3A_313], %select_n3A_184 : memref<2048xf32, #tpu.memory_space<vmem>>[vector<16xi32>], vector<16xf32>,
      %get3A_314 = arith.constant 32 : index
      %get3A_315 = tpu.vector_load %arg9[%get3A_314] {strides = array<i32>} : memref<128xi32, #tpu.memory_space<vmem>>, vector<16xi32>,
      %mul3A_316 = arith.constant 6 : i32
      %mul3A_317 = vector.broadcast %mul3A_316 : i32 to vector<16xi32>
      %mul3A_318 = arith.muli %get3A_315, %mul3A_317 : vector<16xi32>
      %get3A_319 = arith.constant 32 : index
      %get3A_320 = tpu.vector_load %arg10[%get3A_319] {strides = array<i32>} : memref<128xi32, #tpu.memory_space<vmem>>, vector<16xi32>,
      %mul3A_321 = arith.constant 6 : i32
      %mul3A_322 = vector.broadcast %mul3A_321 : i32 to vector<16xi32>
      %mul3A_323 = arith.muli %get3A_320, %mul3A_322 : vector<16xi32>
      %add3A_324 = arith.constant 32 : i32
      %add3A_325 = arith.addi %add3A_20, %add3A_324 : i32
      %broadcast_in_dim3A_326 = vector.broadcast %add3A_325 : i32 to vector<16xi32>
      %add3A_327 = arith.addi %broadcast_in_dim3A_326, %iota3A : vector<16xi32>
      %lt3A_328 = arith.constant 320000 : i32
      %lt3A_329 = vector.broadcast %lt3A_328 : i32 to vector<16xi32>
      %lt3A_330 = arith.cmpi slt, %add3A_327, %lt3A_329 : vector<16xi32>
      %jit3A_331 = arith.constant 1.000000e+00 : f32
      %jit3A_332 = arith.constant 0.000000e+00 : f32
      %broadcast_in_dim3A_333 = vector.broadcast %jit3A_331 : f32 to vector<16xf32>
      %broadcast_in_dim3A_334 = vector.broadcast %jit3A_332 : f32 to vector<16xf32>
      %select_n3A_335 = arith.select %lt3A_330, %broadcast_in_dim3A_333, %broadcast_in_dim3A_334 : vector<16xi1>, vector<16xf32>
      %mul3A_336 = arith.constant 16 : i32
      %mul3A_337 = vector.broadcast %mul3A_336 : i32 to vector<16xi32>
      %mul3A_338 = arith.muli %iota3A, %mul3A_337 : vector<16xi32>
      %add3A_339 = arith.constant 512 : i32
      %add3A_340 = vector.broadcast %add3A_339 : i32 to vector<16xi32>
      %add3A_341 = arith.addi %mul3A_338, %add3A_340 : vector<16xi32>
      %add3A_342 = arith.constant 0 : i32
      %add3A_343 = vector.broadcast %add3A_342 : i32 to vector<16xi32>
      %add3A_344 = arith.addi %mul3A_318, %add3A_343 : vector<16xi32>
      %gather3A_345 = tpu.vector_load_idx %arg7[%add3A_344] : memref<60000xf32, #tpu.memory_space<vmem>>[vector<16xi32>], vector<16xf32>,
      %add3A_346 = arith.constant 0 : i32
      %add3A_347 = vector.broadcast %add3A_346 : i32 to vector<16xi32>
      %add3A_348 = arith.addi %mul3A_323, %add3A_347 : vector<16xi32>
      %gather3A_349 = tpu.vector_load_idx %arg8[%add3A_348] : memref<60000xf32, #tpu.memory_space<vmem>>[vector<16xi32>], vector<16xf32>,
      %add3A_350 = arith.addf %gather3A_345, %gather3A_349 : vector<16xf32>
      %neg3A_351 = arith.constant 0.000000e+00 : f32
      %neg3A_352 = vector.broadcast %neg3A_351 : f32 to vector<16xf32>
      %neg3A_353 = arith.subf %neg3A_352, %add3A_350 : vector<16xf32>
      %exp3A_354 = math.exp %neg3A_353 : vector<16xf32>
      %add3A_355 = arith.constant 1.000000e+00 : f32
      %add3A_356 = vector.broadcast %add3A_355 : f32 to vector<16xf32>
      %add3A_357 = arith.addf %add3A_356, %exp3A_354 : vector<16xf32>
      %div3A_358 = arith.divf %select_n3A_335, %add3A_357 : vector<16xf32>
      %add3A_359 = arith.constant 0 : i32
      %add3A_360 = vector.broadcast %add3A_359 : i32 to vector<16xi32>
      %add3A_361 = arith.addi %add3A_341, %add3A_360 : vector<16xi32>
      tpu.vector_store_idx %arg11[%add3A_361], %div3A_358 : memref<2048xf32, #tpu.memory_space<vmem>>[vector<16xi32>], vector<16xf32>,
      %add3A_362 = arith.constant 1 : i32
      %add3A_363 = vector.broadcast %add3A_362 : i32 to vector<16xi32>
      %add3A_364 = arith.addi %mul3A_318, %add3A_363 : vector<16xi32>
      %gather3A_365 = tpu.vector_load_idx %arg7[%add3A_364] : memref<60000xf32, #tpu.memory_space<vmem>>[vector<16xi32>], vector<16xf32>,
      %add3A_366 = arith.constant 1 : i32
      %add3A_367 = vector.broadcast %add3A_366 : i32 to vector<16xi32>
      %add3A_368 = arith.addi %mul3A_323, %add3A_367 : vector<16xi32>
      %gather3A_369 = tpu.vector_load_idx %arg8[%add3A_368] : memref<60000xf32, #tpu.memory_space<vmem>>[vector<16xi32>], vector<16xf32>,
      %add3A_370 = arith.addf %gather3A_365, %gather3A_369 : vector<16xf32>
      %neg3A_371 = arith.constant 0.000000e+00 : f32
      %neg3A_372 = vector.broadcast %neg3A_371 : f32 to vector<16xf32>
      %neg3A_373 = arith.subf %neg3A_372, %add3A_370 : vector<16xf32>
      %exp3A_374 = math.exp %neg3A_373 : vector<16xf32>
      %add3A_375 = arith.constant 1.000000e+00 : f32
      %add3A_376 = vector.broadcast %add3A_375 : f32 to vector<16xf32>
      %add3A_377 = arith.addf %add3A_376, %exp3A_374 : vector<16xf32>
      %div3A_378 = arith.divf %select_n3A_335, %add3A_377 : vector<16xf32>
      %add3A_379 = arith.constant 1 : i32
      %add3A_380 = vector.broadcast %add3A_379 : i32 to vector<16xi32>
      %add3A_381 = arith.addi %add3A_341, %add3A_380 : vector<16xi32>
      tpu.vector_store_idx %arg11[%add3A_381], %div3A_378 : memref<2048xf32, #tpu.memory_space<vmem>>[vector<16xi32>], vector<16xf32>,
      %add3A_382 = arith.constant 2 : i32
      %add3A_383 = vector.broadcast %add3A_382 : i32 to vector<16xi32>
      %add3A_384 = arith.addi %mul3A_318, %add3A_383 : vector<16xi32>
      %gather3A_385 = tpu.vector_load_idx %arg7[%add3A_384] : memref<60000xf32, #tpu.memory_space<vmem>>[vector<16xi32>], vector<16xf32>,
      %add3A_386 = arith.constant 2 : i32
      %add3A_387 = vector.broadcast %add3A_386 : i32 to vector<16xi32>
      %add3A_388 = arith.addi %mul3A_323, %add3A_387 : vector<16xi32>
      %gather3A_389 = tpu.vector_load_idx %arg8[%add3A_388] : memref<60000xf32, #tpu.memory_space<vmem>>[vector<16xi32>], vector<16xf32>,
      %add3A_390 = arith.addf %gather3A_385, %gather3A_389 : vector<16xf32>
      %neg3A_391 = arith.constant 0.000000e+00 : f32
      %neg3A_392 = vector.broadcast %neg3A_391 : f32 to vector<16xf32>
      %neg3A_393 = arith.subf %neg3A_392, %add3A_390 : vector<16xf32>
      %exp3A_394 = math.exp %neg3A_393 : vector<16xf32>
      %add3A_395 = arith.constant 1.000000e+00 : f32
      %add3A_396 = vector.broadcast %add3A_395 : f32 to vector<16xf32>
      %add3A_397 = arith.addf %add3A_396, %exp3A_394 : vector<16xf32>
      %div3A_398 = arith.divf %select_n3A_335, %add3A_397 : vector<16xf32>
      %add3A_399 = arith.constant 2 : i32
      %add3A_400 = vector.broadcast %add3A_399 : i32 to vector<16xi32>
      %add3A_401 = arith.addi %add3A_341, %add3A_400 : vector<16xi32>
      tpu.vector_store_idx %arg11[%add3A_401], %div3A_398 : memref<2048xf32, #tpu.memory_space<vmem>>[vector<16xi32>], vector<16xf32>,
      %add3A_402 = arith.constant 3 : i32
      %add3A_403 = vector.broadcast %add3A_402 : i32 to vector<16xi32>
      %add3A_404 = arith.addi %mul3A_318, %add3A_403 : vector<16xi32>
      %gather3A_405 = tpu.vector_load_idx %arg7[%add3A_404] : memref<60000xf32, #tpu.memory_space<vmem>>[vector<16xi32>], vector<16xf32>,
      %add3A_406 = arith.constant 3 : i32
      %add3A_407 = vector.broadcast %add3A_406 : i32 to vector<16xi32>
      %add3A_408 = arith.addi %mul3A_323, %add3A_407 : vector<16xi32>
      %gather3A_409 = tpu.vector_load_idx %arg8[%add3A_408] : memref<60000xf32, #tpu.memory_space<vmem>>[vector<16xi32>], vector<16xf32>,
      %add3A_410 = arith.addf %gather3A_405, %gather3A_409 : vector<16xf32>
      %neg3A_411 = arith.constant 0.000000e+00 : f32
      %neg3A_412 = vector.broadcast %neg3A_411 : f32 to vector<16xf32>
      %neg3A_413 = arith.subf %neg3A_412, %add3A_410 : vector<16xf32>
      %exp3A_414 = math.exp %neg3A_413 : vector<16xf32>
      %add3A_415 = arith.constant 1.000000e+00 : f32
      %add3A_416 = vector.broadcast %add3A_415 : f32 to vector<16xf32>
      %add3A_417 = arith.addf %add3A_416, %exp3A_414 : vector<16xf32>
      %div3A_418 = arith.divf %select_n3A_335, %add3A_417 : vector<16xf32>
      %add3A_419 = arith.constant 3 : i32
      %add3A_420 = vector.broadcast %add3A_419 : i32 to vector<16xi32>
      %add3A_421 = arith.addi %add3A_341, %add3A_420 : vector<16xi32>
      tpu.vector_store_idx %arg11[%add3A_421], %div3A_418 : memref<2048xf32, #tpu.memory_space<vmem>>[vector<16xi32>], vector<16xf32>,
      %add3A_422 = arith.constant 4 : i32
      %add3A_423 = vector.broadcast %add3A_422 : i32 to vector<16xi32>
      %add3A_424 = arith.addi %mul3A_318, %add3A_423 : vector<16xi32>
      %gather3A_425 = tpu.vector_load_idx %arg7[%add3A_424] : memref<60000xf32, #tpu.memory_space<vmem>>[vector<16xi32>], vector<16xf32>,
      %add3A_426 = arith.constant 4 : i32
      %add3A_427 = vector.broadcast %add3A_426 : i32 to vector<16xi32>
      %add3A_428 = arith.addi %mul3A_323, %add3A_427 : vector<16xi32>
      %gather3A_429 = tpu.vector_load_idx %arg8[%add3A_428] : memref<60000xf32, #tpu.memory_space<vmem>>[vector<16xi32>], vector<16xf32>,
      %add3A_430 = arith.addf %gather3A_425, %gather3A_429 : vector<16xf32>
      %neg3A_431 = arith.constant 0.000000e+00 : f32
      %neg3A_432 = vector.broadcast %neg3A_431 : f32 to vector<16xf32>
      %neg3A_433 = arith.subf %neg3A_432, %add3A_430 : vector<16xf32>
      %exp3A_434 = math.exp %neg3A_433 : vector<16xf32>
      %add3A_435 = arith.constant 1.000000e+00 : f32
      %add3A_436 = vector.broadcast %add3A_435 : f32 to vector<16xf32>
      %add3A_437 = arith.addf %add3A_436, %exp3A_434 : vector<16xf32>
      %div3A_438 = arith.divf %select_n3A_335, %add3A_437 : vector<16xf32>
      %add3A_439 = arith.constant 4 : i32
      %add3A_440 = vector.broadcast %add3A_439 : i32 to vector<16xi32>
      %add3A_441 = arith.addi %add3A_341, %add3A_440 : vector<16xi32>
      tpu.vector_store_idx %arg11[%add3A_441], %div3A_438 : memref<2048xf32, #tpu.memory_space<vmem>>[vector<16xi32>], vector<16xf32>,
      %add3A_442 = arith.constant 5 : i32
      %add3A_443 = vector.broadcast %add3A_442 : i32 to vector<16xi32>
      %add3A_444 = arith.addi %mul3A_318, %add3A_443 : vector<16xi32>
      %gather3A_445 = tpu.vector_load_idx %arg7[%add3A_444] : memref<60000xf32, #tpu.memory_space<vmem>>[vector<16xi32>], vector<16xf32>,
      %add3A_446 = arith.constant 5 : i32
      %add3A_447 = vector.broadcast %add3A_446 : i32 to vector<16xi32>
      %add3A_448 = arith.addi %mul3A_323, %add3A_447 : vector<16xi32>
      %gather3A_449 = tpu.vector_load_idx %arg8[%add3A_448] : memref<60000xf32, #tpu.memory_space<vmem>>[vector<16xi32>], vector<16xf32>,
      %add3A_450 = arith.addf %gather3A_445, %gather3A_449 : vector<16xf32>
      %neg3A_451 = arith.constant 0.000000e+00 : f32
      %neg3A_452 = vector.broadcast %neg3A_451 : f32 to vector<16xf32>
      %neg3A_453 = arith.subf %neg3A_452, %add3A_450 : vector<16xf32>
      %exp3A_454 = math.exp %neg3A_453 : vector<16xf32>
      %add3A_455 = arith.constant 1.000000e+00 : f32
      %add3A_456 = vector.broadcast %add3A_455 : f32 to vector<16xf32>
      %add3A_457 = arith.addf %add3A_456, %exp3A_454 : vector<16xf32>
      %div3A_458 = arith.divf %select_n3A_335, %add3A_457 : vector<16xf32>
      %add3A_459 = arith.constant 5 : i32
      %add3A_460 = vector.broadcast %add3A_459 : i32 to vector<16xi32>
      %add3A_461 = arith.addi %add3A_341, %add3A_460 : vector<16xi32>
      tpu.vector_store_idx %arg11[%add3A_461], %div3A_458 : memref<2048xf32, #tpu.memory_space<vmem>>[vector<16xi32>], vector<16xf32>,
      %add3A_462 = arith.constant 6 : i32
      %add3A_463 = vector.broadcast %add3A_462 : i32 to vector<16xi32>
      %add3A_464 = arith.addi %add3A_341, %add3A_463 : vector<16xi32>
      tpu.vector_store_idx %arg11[%add3A_464], %select_n3A_335 : memref<2048xf32, #tpu.memory_space<vmem>>[vector<16xi32>], vector<16xf32>,
      %get3A_465 = arith.constant 48 : index
      %get3A_466 = tpu.vector_load %arg9[%get3A_465] {strides = array<i32>} : memref<128xi32, #tpu.memory_space<vmem>>, vector<16xi32>,
      %mul3A_467 = arith.constant 6 : i32
      %mul3A_468 = vector.broadcast %mul3A_467 : i32 to vector<16xi32>
      %mul3A_469 = arith.muli %get3A_466, %mul3A_468 : vector<16xi32>
      %get3A_470 = arith.constant 48 : index
      %get3A_471 = tpu.vector_load %arg10[%get3A_470] {strides = array<i32>} : memref<128xi32, #tpu.memory_space<vmem>>, vector<16xi32>,
      %mul3A_472 = arith.constant 6 : i32
      %mul3A_473 = vector.broadcast %mul3A_472 : i32 to vector<16xi32>
      %mul3A_474 = arith.muli %get3A_471, %mul3A_473 : vector<16xi32>
      %add3A_475 = arith.constant 48 : i32
      %add3A_476 = arith.addi %add3A_20, %add3A_475 : i32
      %broadcast_in_dim3A_477 = vector.broadcast %add3A_476 : i32 to vector<16xi32>
      %add3A_478 = arith.addi %broadcast_in_dim3A_477, %iota3A : vector<16xi32>
      %lt3A_479 = arith.constant 320000 : i32
      %lt3A_480 = vector.broadcast %lt3A_479 : i32 to vector<16xi32>
      %lt3A_481 = arith.cmpi slt, %add3A_478, %lt3A_480 : vector<16xi32>
      %jit3A_482 = arith.constant 1.000000e+00 : f32
      %jit3A_483 = arith.constant 0.000000e+00 : f32
      %broadcast_in_dim3A_484 = vector.broadcast %jit3A_482 : f32 to vector<16xf32>
      %broadcast_in_dim3A_485 = vector.broadcast %jit3A_483 : f32 to vector<16xf32>
      %select_n3A_486 = arith.select %lt3A_481, %broadcast_in_dim3A_484, %broadcast_in_dim3A_485 : vector<16xi1>, vector<16xf32>
      %mul3A_487 = arith.constant 16 : i32
      %mul3A_488 = vector.broadcast %mul3A_487 : i32 to vector<16xi32>
      %mul3A_489 = arith.muli %iota3A, %mul3A_488 : vector<16xi32>
      %add3A_490 = arith.constant 768 : i32
      %add3A_491 = vector.broadcast %add3A_490 : i32 to vector<16xi32>
      %add3A_492 = arith.addi %mul3A_489, %add3A_491 : vector<16xi32>
      %add3A_493 = arith.constant 0 : i32
      %add3A_494 = vector.broadcast %add3A_493 : i32 to vector<16xi32>
      %add3A_495 = arith.addi %mul3A_469, %add3A_494 : vector<16xi32>
      %gather3A_496 = tpu.vector_load_idx %arg7[%add3A_495] : memref<60000xf32, #tpu.memory_space<vmem>>[vector<16xi32>], vector<16xf32>,
      %add3A_497 = arith.constant 0 : i32
      %add3A_498 = vector.broadcast %add3A_497 : i32 to vector<16xi32>
      %add3A_499 = arith.addi %mul3A_474, %add3A_498 : vector<16xi32>
      %gather3A_500 = tpu.vector_load_idx %arg8[%add3A_499] : memref<60000xf32, #tpu.memory_space<vmem>>[vector<16xi32>], vector<16xf32>,
      %add3A_501 = arith.addf %gather3A_496, %gather3A_500 : vector<16xf32>
      %neg3A_502 = arith.constant 0.000000e+00 : f32
      %neg3A_503 = vector.broadcast %neg3A_502 : f32 to vector<16xf32>
      %neg3A_504 = arith.subf %neg3A_503, %add3A_501 : vector<16xf32>
      %exp3A_505 = math.exp %neg3A_504 : vector<16xf32>
      %add3A_506 = arith.constant 1.000000e+00 : f32
      %add3A_507 = vector.broadcast %add3A_506 : f32 to vector<16xf32>
      %add3A_508 = arith.addf %add3A_507, %exp3A_505 : vector<16xf32>
      %div3A_509 = arith.divf %select_n3A_486, %add3A_508 : vector<16xf32>
      %add3A_510 = arith.constant 0 : i32
      %add3A_511 = vector.broadcast %add3A_510 : i32 to vector<16xi32>
      %add3A_512 = arith.addi %add3A_492, %add3A_511 : vector<16xi32>
      tpu.vector_store_idx %arg11[%add3A_512], %div3A_509 : memref<2048xf32, #tpu.memory_space<vmem>>[vector<16xi32>], vector<16xf32>,
      %add3A_513 = arith.constant 1 : i32
      %add3A_514 = vector.broadcast %add3A_513 : i32 to vector<16xi32>
      %add3A_515 = arith.addi %mul3A_469, %add3A_514 : vector<16xi32>
      %gather3A_516 = tpu.vector_load_idx %arg7[%add3A_515] : memref<60000xf32, #tpu.memory_space<vmem>>[vector<16xi32>], vector<16xf32>,
      %add3A_517 = arith.constant 1 : i32
      %add3A_518 = vector.broadcast %add3A_517 : i32 to vector<16xi32>
      %add3A_519 = arith.addi %mul3A_474, %add3A_518 : vector<16xi32>
      %gather3A_520 = tpu.vector_load_idx %arg8[%add3A_519] : memref<60000xf32, #tpu.memory_space<vmem>>[vector<16xi32>], vector<16xf32>,
      %add3A_521 = arith.addf %gather3A_516, %gather3A_520 : vector<16xf32>
      %neg3A_522 = arith.constant 0.000000e+00 : f32
      %neg3A_523 = vector.broadcast %neg3A_522 : f32 to vector<16xf32>
      %neg3A_524 = arith.subf %neg3A_523, %add3A_521 : vector<16xf32>
      %exp3A_525 = math.exp %neg3A_524 : vector<16xf32>
      %add3A_526 = arith.constant 1.000000e+00 : f32
      %add3A_527 = vector.broadcast %add3A_526 : f32 to vector<16xf32>
      %add3A_528 = arith.addf %add3A_527, %exp3A_525 : vector<16xf32>
      %div3A_529 = arith.divf %select_n3A_486, %add3A_528 : vector<16xf32>
      %add3A_530 = arith.constant 1 : i32
      %add3A_531 = vector.broadcast %add3A_530 : i32 to vector<16xi32>
      %add3A_532 = arith.addi %add3A_492, %add3A_531 : vector<16xi32>
      tpu.vector_store_idx %arg11[%add3A_532], %div3A_529 : memref<2048xf32, #tpu.memory_space<vmem>>[vector<16xi32>], vector<16xf32>,
      %add3A_533 = arith.constant 2 : i32
      %add3A_534 = vector.broadcast %add3A_533 : i32 to vector<16xi32>
      %add3A_535 = arith.addi %mul3A_469, %add3A_534 : vector<16xi32>
      %gather3A_536 = tpu.vector_load_idx %arg7[%add3A_535] : memref<60000xf32, #tpu.memory_space<vmem>>[vector<16xi32>], vector<16xf32>,
      %add3A_537 = arith.constant 2 : i32
      %add3A_538 = vector.broadcast %add3A_537 : i32 to vector<16xi32>
      %add3A_539 = arith.addi %mul3A_474, %add3A_538 : vector<16xi32>
      %gather3A_540 = tpu.vector_load_idx %arg8[%add3A_539] : memref<60000xf32, #tpu.memory_space<vmem>>[vector<16xi32>], vector<16xf32>,
      %add3A_541 = arith.addf %gather3A_536, %gather3A_540 : vector<16xf32>
      %neg3A_542 = arith.constant 0.000000e+00 : f32
      %neg3A_543 = vector.broadcast %neg3A_542 : f32 to vector<16xf32>
      %neg3A_544 = arith.subf %neg3A_543, %add3A_541 : vector<16xf32>
      %exp3A_545 = math.exp %neg3A_544 : vector<16xf32>
      %add3A_546 = arith.constant 1.000000e+00 : f32
      %add3A_547 = vector.broadcast %add3A_546 : f32 to vector<16xf32>
      %add3A_548 = arith.addf %add3A_547, %exp3A_545 : vector<16xf32>
      %div3A_549 = arith.divf %select_n3A_486, %add3A_548 : vector<16xf32>
      %add3A_550 = arith.constant 2 : i32
      %add3A_551 = vector.broadcast %add3A_550 : i32 to vector<16xi32>
      %add3A_552 = arith.addi %add3A_492, %add3A_551 : vector<16xi32>
      tpu.vector_store_idx %arg11[%add3A_552], %div3A_549 : memref<2048xf32, #tpu.memory_space<vmem>>[vector<16xi32>], vector<16xf32>,
      %add3A_553 = arith.constant 3 : i32
      %add3A_554 = vector.broadcast %add3A_553 : i32 to vector<16xi32>
      %add3A_555 = arith.addi %mul3A_469, %add3A_554 : vector<16xi32>
      %gather3A_556 = tpu.vector_load_idx %arg7[%add3A_555] : memref<60000xf32, #tpu.memory_space<vmem>>[vector<16xi32>], vector<16xf32>,
      %add3A_557 = arith.constant 3 : i32
      %add3A_558 = vector.broadcast %add3A_557 : i32 to vector<16xi32>
      %add3A_559 = arith.addi %mul3A_474, %add3A_558 : vector<16xi32>
      %gather3A_560 = tpu.vector_load_idx %arg8[%add3A_559] : memref<60000xf32, #tpu.memory_space<vmem>>[vector<16xi32>], vector<16xf32>,
      %add3A_561 = arith.addf %gather3A_556, %gather3A_560 : vector<16xf32>
      %neg3A_562 = arith.constant 0.000000e+00 : f32
      %neg3A_563 = vector.broadcast %neg3A_562 : f32 to vector<16xf32>
      %neg3A_564 = arith.subf %neg3A_563, %add3A_561 : vector<16xf32>
      %exp3A_565 = math.exp %neg3A_564 : vector<16xf32>
      %add3A_566 = arith.constant 1.000000e+00 : f32
      %add3A_567 = vector.broadcast %add3A_566 : f32 to vector<16xf32>
      %add3A_568 = arith.addf %add3A_567, %exp3A_565 : vector<16xf32>
      %div3A_569 = arith.divf %select_n3A_486, %add3A_568 : vector<16xf32>
      %add3A_570 = arith.constant 3 : i32
      %add3A_571 = vector.broadcast %add3A_570 : i32 to vector<16xi32>
      %add3A_572 = arith.addi %add3A_492, %add3A_571 : vector<16xi32>
      tpu.vector_store_idx %arg11[%add3A_572], %div3A_569 : memref<2048xf32, #tpu.memory_space<vmem>>[vector<16xi32>], vector<16xf32>,
      %add3A_573 = arith.constant 4 : i32
      %add3A_574 = vector.broadcast %add3A_573 : i32 to vector<16xi32>
      %add3A_575 = arith.addi %mul3A_469, %add3A_574 : vector<16xi32>
      %gather3A_576 = tpu.vector_load_idx %arg7[%add3A_575] : memref<60000xf32, #tpu.memory_space<vmem>>[vector<16xi32>], vector<16xf32>,
      %add3A_577 = arith.constant 4 : i32
      %add3A_578 = vector.broadcast %add3A_577 : i32 to vector<16xi32>
      %add3A_579 = arith.addi %mul3A_474, %add3A_578 : vector<16xi32>
      %gather3A_580 = tpu.vector_load_idx %arg8[%add3A_579] : memref<60000xf32, #tpu.memory_space<vmem>>[vector<16xi32>], vector<16xf32>,
      %add3A_581 = arith.addf %gather3A_576, %gather3A_580 : vector<16xf32>
      %neg3A_582 = arith.constant 0.000000e+00 : f32
      %neg3A_583 = vector.broadcast %neg3A_582 : f32 to vector<16xf32>
      %neg3A_584 = arith.subf %neg3A_583, %add3A_581 : vector<16xf32>
      %exp3A_585 = math.exp %neg3A_584 : vector<16xf32>
      %add3A_586 = arith.constant 1.000000e+00 : f32
      %add3A_587 = vector.broadcast %add3A_586 : f32 to vector<16xf32>
      %add3A_588 = arith.addf %add3A_587, %exp3A_585 : vector<16xf32>
      %div3A_589 = arith.divf %select_n3A_486, %add3A_588 : vector<16xf32>
      %add3A_590 = arith.constant 4 : i32
      %add3A_591 = vector.broadcast %add3A_590 : i32 to vector<16xi32>
      %add3A_592 = arith.addi %add3A_492, %add3A_591 : vector<16xi32>
      tpu.vector_store_idx %arg11[%add3A_592], %div3A_589 : memref<2048xf32, #tpu.memory_space<vmem>>[vector<16xi32>], vector<16xf32>,
      %add3A_593 = arith.constant 5 : i32
      %add3A_594 = vector.broadcast %add3A_593 : i32 to vector<16xi32>
      %add3A_595 = arith.addi %mul3A_469, %add3A_594 : vector<16xi32>
      %gather3A_596 = tpu.vector_load_idx %arg7[%add3A_595] : memref<60000xf32, #tpu.memory_space<vmem>>[vector<16xi32>], vector<16xf32>,
      %add3A_597 = arith.constant 5 : i32
      %add3A_598 = vector.broadcast %add3A_597 : i32 to vector<16xi32>
      %add3A_599 = arith.addi %mul3A_474, %add3A_598 : vector<16xi32>
      %gather3A_600 = tpu.vector_load_idx %arg8[%add3A_599] : memref<60000xf32, #tpu.memory_space<vmem>>[vector<16xi32>], vector<16xf32>,
      %add3A_601 = arith.addf %gather3A_596, %gather3A_600 : vector<16xf32>
      %neg3A_602 = arith.constant 0.000000e+00 : f32
      %neg3A_603 = vector.broadcast %neg3A_602 : f32 to vector<16xf32>
      %neg3A_604 = arith.subf %neg3A_603, %add3A_601 : vector<16xf32>
      %exp3A_605 = math.exp %neg3A_604 : vector<16xf32>
      %add3A_606 = arith.constant 1.000000e+00 : f32
      %add3A_607 = vector.broadcast %add3A_606 : f32 to vector<16xf32>
      %add3A_608 = arith.addf %add3A_607, %exp3A_605 : vector<16xf32>
      %div3A_609 = arith.divf %select_n3A_486, %add3A_608 : vector<16xf32>
      %add3A_610 = arith.constant 5 : i32
      %add3A_611 = vector.broadcast %add3A_610 : i32 to vector<16xi32>
      %add3A_612 = arith.addi %add3A_492, %add3A_611 : vector<16xi32>
      tpu.vector_store_idx %arg11[%add3A_612], %div3A_609 : memref<2048xf32, #tpu.memory_space<vmem>>[vector<16xi32>], vector<16xf32>,
      %add3A_613 = arith.constant 6 : i32
      %add3A_614 = vector.broadcast %add3A_613 : i32 to vector<16xi32>
      %add3A_615 = arith.addi %add3A_492, %add3A_614 : vector<16xi32>
      tpu.vector_store_idx %arg11[%add3A_615], %select_n3A_486 : memref<2048xf32, #tpu.memory_space<vmem>>[vector<16xi32>], vector<16xf32>,
      %get3A_616 = arith.constant 64 : index
      %get3A_617 = tpu.vector_load %arg9[%get3A_616] {strides = array<i32>} : memref<128xi32, #tpu.memory_space<vmem>>, vector<16xi32>,
      %mul3A_618 = arith.constant 6 : i32
      %mul3A_619 = vector.broadcast %mul3A_618 : i32 to vector<16xi32>
      %mul3A_620 = arith.muli %get3A_617, %mul3A_619 : vector<16xi32>
      %get3A_621 = arith.constant 64 : index
      %get3A_622 = tpu.vector_load %arg10[%get3A_621] {strides = array<i32>} : memref<128xi32, #tpu.memory_space<vmem>>, vector<16xi32>,
      %mul3A_623 = arith.constant 6 : i32
      %mul3A_624 = vector.broadcast %mul3A_623 : i32 to vector<16xi32>
      %mul3A_625 = arith.muli %get3A_622, %mul3A_624 : vector<16xi32>
      %add3A_626 = arith.constant 64 : i32
      %add3A_627 = arith.addi %add3A_20, %add3A_626 : i32
      %broadcast_in_dim3A_628 = vector.broadcast %add3A_627 : i32 to vector<16xi32>
      %add3A_629 = arith.addi %broadcast_in_dim3A_628, %iota3A : vector<16xi32>
      %lt3A_630 = arith.constant 320000 : i32
      %lt3A_631 = vector.broadcast %lt3A_630 : i32 to vector<16xi32>
      %lt3A_632 = arith.cmpi slt, %add3A_629, %lt3A_631 : vector<16xi32>
      %jit3A_633 = arith.constant 1.000000e+00 : f32
      %jit3A_634 = arith.constant 0.000000e+00 : f32
      %broadcast_in_dim3A_635 = vector.broadcast %jit3A_633 : f32 to vector<16xf32>
      %broadcast_in_dim3A_636 = vector.broadcast %jit3A_634 : f32 to vector<16xf32>
      %select_n3A_637 = arith.select %lt3A_632, %broadcast_in_dim3A_635, %broadcast_in_dim3A_636 : vector<16xi1>, vector<16xf32>
      %mul3A_638 = arith.constant 16 : i32
      %mul3A_639 = vector.broadcast %mul3A_638 : i32 to vector<16xi32>
      %mul3A_640 = arith.muli %iota3A, %mul3A_639 : vector<16xi32>
      %add3A_641 = arith.constant 1024 : i32
      %add3A_642 = vector.broadcast %add3A_641 : i32 to vector<16xi32>
      %add3A_643 = arith.addi %mul3A_640, %add3A_642 : vector<16xi32>
      %add3A_644 = arith.constant 0 : i32
      %add3A_645 = vector.broadcast %add3A_644 : i32 to vector<16xi32>
      %add3A_646 = arith.addi %mul3A_620, %add3A_645 : vector<16xi32>
      %gather3A_647 = tpu.vector_load_idx %arg7[%add3A_646] : memref<60000xf32, #tpu.memory_space<vmem>>[vector<16xi32>], vector<16xf32>,
      %add3A_648 = arith.constant 0 : i32
      %add3A_649 = vector.broadcast %add3A_648 : i32 to vector<16xi32>
      %add3A_650 = arith.addi %mul3A_625, %add3A_649 : vector<16xi32>
      %gather3A_651 = tpu.vector_load_idx %arg8[%add3A_650] : memref<60000xf32, #tpu.memory_space<vmem>>[vector<16xi32>], vector<16xf32>,
      %add3A_652 = arith.addf %gather3A_647, %gather3A_651 : vector<16xf32>
      %neg3A_653 = arith.constant 0.000000e+00 : f32
      %neg3A_654 = vector.broadcast %neg3A_653 : f32 to vector<16xf32>
      %neg3A_655 = arith.subf %neg3A_654, %add3A_652 : vector<16xf32>
      %exp3A_656 = math.exp %neg3A_655 : vector<16xf32>
      %add3A_657 = arith.constant 1.000000e+00 : f32
      %add3A_658 = vector.broadcast %add3A_657 : f32 to vector<16xf32>
      %add3A_659 = arith.addf %add3A_658, %exp3A_656 : vector<16xf32>
      %div3A_660 = arith.divf %select_n3A_637, %add3A_659 : vector<16xf32>
      %add3A_661 = arith.constant 0 : i32
      %add3A_662 = vector.broadcast %add3A_661 : i32 to vector<16xi32>
      %add3A_663 = arith.addi %add3A_643, %add3A_662 : vector<16xi32>
      tpu.vector_store_idx %arg11[%add3A_663], %div3A_660 : memref<2048xf32, #tpu.memory_space<vmem>>[vector<16xi32>], vector<16xf32>,
      %add3A_664 = arith.constant 1 : i32
      %add3A_665 = vector.broadcast %add3A_664 : i32 to vector<16xi32>
      %add3A_666 = arith.addi %mul3A_620, %add3A_665 : vector<16xi32>
      %gather3A_667 = tpu.vector_load_idx %arg7[%add3A_666] : memref<60000xf32, #tpu.memory_space<vmem>>[vector<16xi32>], vector<16xf32>,
      %add3A_668 = arith.constant 1 : i32
      %add3A_669 = vector.broadcast %add3A_668 : i32 to vector<16xi32>
      %add3A_670 = arith.addi %mul3A_625, %add3A_669 : vector<16xi32>
      %gather3A_671 = tpu.vector_load_idx %arg8[%add3A_670] : memref<60000xf32, #tpu.memory_space<vmem>>[vector<16xi32>], vector<16xf32>,
      %add3A_672 = arith.addf %gather3A_667, %gather3A_671 : vector<16xf32>
      %neg3A_673 = arith.constant 0.000000e+00 : f32
      %neg3A_674 = vector.broadcast %neg3A_673 : f32 to vector<16xf32>
      %neg3A_675 = arith.subf %neg3A_674, %add3A_672 : vector<16xf32>
      %exp3A_676 = math.exp %neg3A_675 : vector<16xf32>
      %add3A_677 = arith.constant 1.000000e+00 : f32
      %add3A_678 = vector.broadcast %add3A_677 : f32 to vector<16xf32>
      %add3A_679 = arith.addf %add3A_678, %exp3A_676 : vector<16xf32>
      %div3A_680 = arith.divf %select_n3A_637, %add3A_679 : vector<16xf32>
      %add3A_681 = arith.constant 1 : i32
      %add3A_682 = vector.broadcast %add3A_681 : i32 to vector<16xi32>
      %add3A_683 = arith.addi %add3A_643, %add3A_682 : vector<16xi32>
      tpu.vector_store_idx %arg11[%add3A_683], %div3A_680 : memref<2048xf32, #tpu.memory_space<vmem>>[vector<16xi32>], vector<16xf32>,
      %add3A_684 = arith.constant 2 : i32
      %add3A_685 = vector.broadcast %add3A_684 : i32 to vector<16xi32>
      %add3A_686 = arith.addi %mul3A_620, %add3A_685 : vector<16xi32>
      %gather3A_687 = tpu.vector_load_idx %arg7[%add3A_686] : memref<60000xf32, #tpu.memory_space<vmem>>[vector<16xi32>], vector<16xf32>,
      %add3A_688 = arith.constant 2 : i32
      %add3A_689 = vector.broadcast %add3A_688 : i32 to vector<16xi32>
      %add3A_690 = arith.addi %mul3A_625, %add3A_689 : vector<16xi32>
      %gather3A_691 = tpu.vector_load_idx %arg8[%add3A_690] : memref<60000xf32, #tpu.memory_space<vmem>>[vector<16xi32>], vector<16xf32>,
      %add3A_692 = arith.addf %gather3A_687, %gather3A_691 : vector<16xf32>
      %neg3A_693 = arith.constant 0.000000e+00 : f32
      %neg3A_694 = vector.broadcast %neg3A_693 : f32 to vector<16xf32>
      %neg3A_695 = arith.subf %neg3A_694, %add3A_692 : vector<16xf32>
      %exp3A_696 = math.exp %neg3A_695 : vector<16xf32>
      %add3A_697 = arith.constant 1.000000e+00 : f32
      %add3A_698 = vector.broadcast %add3A_697 : f32 to vector<16xf32>
      %add3A_699 = arith.addf %add3A_698, %exp3A_696 : vector<16xf32>
      %div3A_700 = arith.divf %select_n3A_637, %add3A_699 : vector<16xf32>
      %add3A_701 = arith.constant 2 : i32
      %add3A_702 = vector.broadcast %add3A_701 : i32 to vector<16xi32>
      %add3A_703 = arith.addi %add3A_643, %add3A_702 : vector<16xi32>
      tpu.vector_store_idx %arg11[%add3A_703], %div3A_700 : memref<2048xf32, #tpu.memory_space<vmem>>[vector<16xi32>], vector<16xf32>,
      %add3A_704 = arith.constant 3 : i32
      %add3A_705 = vector.broadcast %add3A_704 : i32 to vector<16xi32>
      %add3A_706 = arith.addi %mul3A_620, %add3A_705 : vector<16xi32>
      %gather3A_707 = tpu.vector_load_idx %arg7[%add3A_706] : memref<60000xf32, #tpu.memory_space<vmem>>[vector<16xi32>], vector<16xf32>,
      %add3A_708 = arith.constant 3 : i32
      %add3A_709 = vector.broadcast %add3A_708 : i32 to vector<16xi32>
      %add3A_710 = arith.addi %mul3A_625, %add3A_709 : vector<16xi32>
      %gather3A_711 = tpu.vector_load_idx %arg8[%add3A_710] : memref<60000xf32, #tpu.memory_space<vmem>>[vector<16xi32>], vector<16xf32>,
      %add3A_712 = arith.addf %gather3A_707, %gather3A_711 : vector<16xf32>
      %neg3A_713 = arith.constant 0.000000e+00 : f32
      %neg3A_714 = vector.broadcast %neg3A_713 : f32 to vector<16xf32>
      %neg3A_715 = arith.subf %neg3A_714, %add3A_712 : vector<16xf32>
      %exp3A_716 = math.exp %neg3A_715 : vector<16xf32>
      %add3A_717 = arith.constant 1.000000e+00 : f32
      %add3A_718 = vector.broadcast %add3A_717 : f32 to vector<16xf32>
      %add3A_719 = arith.addf %add3A_718, %exp3A_716 : vector<16xf32>
      %div3A_720 = arith.divf %select_n3A_637, %add3A_719 : vector<16xf32>
      %add3A_721 = arith.constant 3 : i32
      %add3A_722 = vector.broadcast %add3A_721 : i32 to vector<16xi32>
      %add3A_723 = arith.addi %add3A_643, %add3A_722 : vector<16xi32>
      tpu.vector_store_idx %arg11[%add3A_723], %div3A_720 : memref<2048xf32, #tpu.memory_space<vmem>>[vector<16xi32>], vector<16xf32>,
      %add3A_724 = arith.constant 4 : i32
      %add3A_725 = vector.broadcast %add3A_724 : i32 to vector<16xi32>
      %add3A_726 = arith.addi %mul3A_620, %add3A_725 : vector<16xi32>
      %gather3A_727 = tpu.vector_load_idx %arg7[%add3A_726] : memref<60000xf32, #tpu.memory_space<vmem>>[vector<16xi32>], vector<16xf32>,
      %add3A_728 = arith.constant 4 : i32
      %add3A_729 = vector.broadcast %add3A_728 : i32 to vector<16xi32>
      %add3A_730 = arith.addi %mul3A_625, %add3A_729 : vector<16xi32>
      %gather3A_731 = tpu.vector_load_idx %arg8[%add3A_730] : memref<60000xf32, #tpu.memory_space<vmem>>[vector<16xi32>], vector<16xf32>,
      %add3A_732 = arith.addf %gather3A_727, %gather3A_731 : vector<16xf32>
      %neg3A_733 = arith.constant 0.000000e+00 : f32
      %neg3A_734 = vector.broadcast %neg3A_733 : f32 to vector<16xf32>
      %neg3A_735 = arith.subf %neg3A_734, %add3A_732 : vector<16xf32>
      %exp3A_736 = math.exp %neg3A_735 : vector<16xf32>
      %add3A_737 = arith.constant 1.000000e+00 : f32
      %add3A_738 = vector.broadcast %add3A_737 : f32 to vector<16xf32>
      %add3A_739 = arith.addf %add3A_738, %exp3A_736 : vector<16xf32>
      %div3A_740 = arith.divf %select_n3A_637, %add3A_739 : vector<16xf32>
      %add3A_741 = arith.constant 4 : i32
      %add3A_742 = vector.broadcast %add3A_741 : i32 to vector<16xi32>
      %add3A_743 = arith.addi %add3A_643, %add3A_742 : vector<16xi32>
      tpu.vector_store_idx %arg11[%add3A_743], %div3A_740 : memref<2048xf32, #tpu.memory_space<vmem>>[vector<16xi32>], vector<16xf32>,
      %add3A_744 = arith.constant 5 : i32
      %add3A_745 = vector.broadcast %add3A_744 : i32 to vector<16xi32>
      %add3A_746 = arith.addi %mul3A_620, %add3A_745 : vector<16xi32>
      %gather3A_747 = tpu.vector_load_idx %arg7[%add3A_746] : memref<60000xf32, #tpu.memory_space<vmem>>[vector<16xi32>], vector<16xf32>,
      %add3A_748 = arith.constant 5 : i32
      %add3A_749 = vector.broadcast %add3A_748 : i32 to vector<16xi32>
      %add3A_750 = arith.addi %mul3A_625, %add3A_749 : vector<16xi32>
      %gather3A_751 = tpu.vector_load_idx %arg8[%add3A_750] : memref<60000xf32, #tpu.memory_space<vmem>>[vector<16xi32>], vector<16xf32>,
      %add3A_752 = arith.addf %gather3A_747, %gather3A_751 : vector<16xf32>
      %neg3A_753 = arith.constant 0.000000e+00 : f32
      %neg3A_754 = vector.broadcast %neg3A_753 : f32 to vector<16xf32>
      %neg3A_755 = arith.subf %neg3A_754, %add3A_752 : vector<16xf32>
      %exp3A_756 = math.exp %neg3A_755 : vector<16xf32>
      %add3A_757 = arith.constant 1.000000e+00 : f32
      %add3A_758 = vector.broadcast %add3A_757 : f32 to vector<16xf32>
      %add3A_759 = arith.addf %add3A_758, %exp3A_756 : vector<16xf32>
      %div3A_760 = arith.divf %select_n3A_637, %add3A_759 : vector<16xf32>
      %add3A_761 = arith.constant 5 : i32
      %add3A_762 = vector.broadcast %add3A_761 : i32 to vector<16xi32>
      %add3A_763 = arith.addi %add3A_643, %add3A_762 : vector<16xi32>
      tpu.vector_store_idx %arg11[%add3A_763], %div3A_760 : memref<2048xf32, #tpu.memory_space<vmem>>[vector<16xi32>], vector<16xf32>,
      %add3A_764 = arith.constant 6 : i32
      %add3A_765 = vector.broadcast %add3A_764 : i32 to vector<16xi32>
      %add3A_766 = arith.addi %add3A_643, %add3A_765 : vector<16xi32>
      tpu.vector_store_idx %arg11[%add3A_766], %select_n3A_637 : memref<2048xf32, #tpu.memory_space<vmem>>[vector<16xi32>], vector<16xf32>,
      %get3A_767 = arith.constant 80 : index
      %get3A_768 = tpu.vector_load %arg9[%get3A_767] {strides = array<i32>} : memref<128xi32, #tpu.memory_space<vmem>>, vector<16xi32>,
      %mul3A_769 = arith.constant 6 : i32
      %mul3A_770 = vector.broadcast %mul3A_769 : i32 to vector<16xi32>
      %mul3A_771 = arith.muli %get3A_768, %mul3A_770 : vector<16xi32>
      %get3A_772 = arith.constant 80 : index
      %get3A_773 = tpu.vector_load %arg10[%get3A_772] {strides = array<i32>} : memref<128xi32, #tpu.memory_space<vmem>>, vector<16xi32>,
      %mul3A_774 = arith.constant 6 : i32
      %mul3A_775 = vector.broadcast %mul3A_774 : i32 to vector<16xi32>
      %mul3A_776 = arith.muli %get3A_773, %mul3A_775 : vector<16xi32>
      %add3A_777 = arith.constant 80 : i32
      %add3A_778 = arith.addi %add3A_20, %add3A_777 : i32
      %broadcast_in_dim3A_779 = vector.broadcast %add3A_778 : i32 to vector<16xi32>
      %add3A_780 = arith.addi %broadcast_in_dim3A_779, %iota3A : vector<16xi32>
      %lt3A_781 = arith.constant 320000 : i32
      %lt3A_782 = vector.broadcast %lt3A_781 : i32 to vector<16xi32>
      %lt3A_783 = arith.cmpi slt, %add3A_780, %lt3A_782 : vector<16xi32>
      %jit3A_784 = arith.constant 1.000000e+00 : f32
      %jit3A_785 = arith.constant 0.000000e+00 : f32
      %broadcast_in_dim3A_786 = vector.broadcast %jit3A_784 : f32 to vector<16xf32>
      %broadcast_in_dim3A_787 = vector.broadcast %jit3A_785 : f32 to vector<16xf32>
      %select_n3A_788 = arith.select %lt3A_783, %broadcast_in_dim3A_786, %broadcast_in_dim3A_787 : vector<16xi1>, vector<16xf32>
      %mul3A_789 = arith.constant 16 : i32
      %mul3A_790 = vector.broadcast %mul3A_789 : i32 to vector<16xi32>
      %mul3A_791 = arith.muli %iota3A, %mul3A_790 : vector<16xi32>
      %add3A_792 = arith.constant 1280 : i32
      %add3A_793 = vector.broadcast %add3A_792 : i32 to vector<16xi32>
      %add3A_794 = arith.addi %mul3A_791, %add3A_793 : vector<16xi32>
      %add3A_795 = arith.constant 0 : i32
      %add3A_796 = vector.broadcast %add3A_795 : i32 to vector<16xi32>
      %add3A_797 = arith.addi %mul3A_771, %add3A_796 : vector<16xi32>
      %gather3A_798 = tpu.vector_load_idx %arg7[%add3A_797] : memref<60000xf32, #tpu.memory_space<vmem>>[vector<16xi32>], vector<16xf32>,
      %add3A_799 = arith.constant 0 : i32
      %add3A_800 = vector.broadcast %add3A_799 : i32 to vector<16xi32>
      %add3A_801 = arith.addi %mul3A_776, %add3A_800 : vector<16xi32>
      %gather3A_802 = tpu.vector_load_idx %arg8[%add3A_801] : memref<60000xf32, #tpu.memory_space<vmem>>[vector<16xi32>], vector<16xf32>,
      %add3A_803 = arith.addf %gather3A_798, %gather3A_802 : vector<16xf32>
      %neg3A_804 = arith.constant 0.000000e+00 : f32
      %neg3A_805 = vector.broadcast %neg3A_804 : f32 to vector<16xf32>
      %neg3A_806 = arith.subf %neg3A_805, %add3A_803 : vector<16xf32>
      %exp3A_807 = math.exp %neg3A_806 : vector<16xf32>
      %add3A_808 = arith.constant 1.000000e+00 : f32
      %add3A_809 = vector.broadcast %add3A_808 : f32 to vector<16xf32>
      %add3A_810 = arith.addf %add3A_809, %exp3A_807 : vector<16xf32>
      %div3A_811 = arith.divf %select_n3A_788, %add3A_810 : vector<16xf32>
      %add3A_812 = arith.constant 0 : i32
      %add3A_813 = vector.broadcast %add3A_812 : i32 to vector<16xi32>
      %add3A_814 = arith.addi %add3A_794, %add3A_813 : vector<16xi32>
      tpu.vector_store_idx %arg11[%add3A_814], %div3A_811 : memref<2048xf32, #tpu.memory_space<vmem>>[vector<16xi32>], vector<16xf32>,
      %add3A_815 = arith.constant 1 : i32
      %add3A_816 = vector.broadcast %add3A_815 : i32 to vector<16xi32>
      %add3A_817 = arith.addi %mul3A_771, %add3A_816 : vector<16xi32>
      %gather3A_818 = tpu.vector_load_idx %arg7[%add3A_817] : memref<60000xf32, #tpu.memory_space<vmem>>[vector<16xi32>], vector<16xf32>,
      %add3A_819 = arith.constant 1 : i32
      %add3A_820 = vector.broadcast %add3A_819 : i32 to vector<16xi32>
      %add3A_821 = arith.addi %mul3A_776, %add3A_820 : vector<16xi32>
      %gather3A_822 = tpu.vector_load_idx %arg8[%add3A_821] : memref<60000xf32, #tpu.memory_space<vmem>>[vector<16xi32>], vector<16xf32>,
      %add3A_823 = arith.addf %gather3A_818, %gather3A_822 : vector<16xf32>
      %neg3A_824 = arith.constant 0.000000e+00 : f32
      %neg3A_825 = vector.broadcast %neg3A_824 : f32 to vector<16xf32>
      %neg3A_826 = arith.subf %neg3A_825, %add3A_823 : vector<16xf32>
      %exp3A_827 = math.exp %neg3A_826 : vector<16xf32>
      %add3A_828 = arith.constant 1.000000e+00 : f32
      %add3A_829 = vector.broadcast %add3A_828 : f32 to vector<16xf32>
      %add3A_830 = arith.addf %add3A_829, %exp3A_827 : vector<16xf32>
      %div3A_831 = arith.divf %select_n3A_788, %add3A_830 : vector<16xf32>
      %add3A_832 = arith.constant 1 : i32
      %add3A_833 = vector.broadcast %add3A_832 : i32 to vector<16xi32>
      %add3A_834 = arith.addi %add3A_794, %add3A_833 : vector<16xi32>
      tpu.vector_store_idx %arg11[%add3A_834], %div3A_831 : memref<2048xf32, #tpu.memory_space<vmem>>[vector<16xi32>], vector<16xf32>,
      %add3A_835 = arith.constant 2 : i32
      %add3A_836 = vector.broadcast %add3A_835 : i32 to vector<16xi32>
      %add3A_837 = arith.addi %mul3A_771, %add3A_836 : vector<16xi32>
      %gather3A_838 = tpu.vector_load_idx %arg7[%add3A_837] : memref<60000xf32, #tpu.memory_space<vmem>>[vector<16xi32>], vector<16xf32>,
      %add3A_839 = arith.constant 2 : i32
      %add3A_840 = vector.broadcast %add3A_839 : i32 to vector<16xi32>
      %add3A_841 = arith.addi %mul3A_776, %add3A_840 : vector<16xi32>
      %gather3A_842 = tpu.vector_load_idx %arg8[%add3A_841] : memref<60000xf32, #tpu.memory_space<vmem>>[vector<16xi32>], vector<16xf32>,
      %add3A_843 = arith.addf %gather3A_838, %gather3A_842 : vector<16xf32>
      %neg3A_844 = arith.constant 0.000000e+00 : f32
      %neg3A_845 = vector.broadcast %neg3A_844 : f32 to vector<16xf32>
      %neg3A_846 = arith.subf %neg3A_845, %add3A_843 : vector<16xf32>
      %exp3A_847 = math.exp %neg3A_846 : vector<16xf32>
      %add3A_848 = arith.constant 1.000000e+00 : f32
      %add3A_849 = vector.broadcast %add3A_848 : f32 to vector<16xf32>
      %add3A_850 = arith.addf %add3A_849, %exp3A_847 : vector<16xf32>
      %div3A_851 = arith.divf %select_n3A_788, %add3A_850 : vector<16xf32>
      %add3A_852 = arith.constant 2 : i32
      %add3A_853 = vector.broadcast %add3A_852 : i32 to vector<16xi32>
      %add3A_854 = arith.addi %add3A_794, %add3A_853 : vector<16xi32>
      tpu.vector_store_idx %arg11[%add3A_854], %div3A_851 : memref<2048xf32, #tpu.memory_space<vmem>>[vector<16xi32>], vector<16xf32>,
      %add3A_855 = arith.constant 3 : i32
      %add3A_856 = vector.broadcast %add3A_855 : i32 to vector<16xi32>
      %add3A_857 = arith.addi %mul3A_771, %add3A_856 : vector<16xi32>
      %gather3A_858 = tpu.vector_load_idx %arg7[%add3A_857] : memref<60000xf32, #tpu.memory_space<vmem>>[vector<16xi32>], vector<16xf32>,
      %add3A_859 = arith.constant 3 : i32
      %add3A_860 = vector.broadcast %add3A_859 : i32 to vector<16xi32>
      %add3A_861 = arith.addi %mul3A_776, %add3A_860 : vector<16xi32>
      %gather3A_862 = tpu.vector_load_idx %arg8[%add3A_861] : memref<60000xf32, #tpu.memory_space<vmem>>[vector<16xi32>], vector<16xf32>,
      %add3A_863 = arith.addf %gather3A_858, %gather3A_862 : vector<16xf32>
      %neg3A_864 = arith.constant 0.000000e+00 : f32
      %neg3A_865 = vector.broadcast %neg3A_864 : f32 to vector<16xf32>
      %neg3A_866 = arith.subf %neg3A_865, %add3A_863 : vector<16xf32>
      %exp3A_867 = math.exp %neg3A_866 : vector<16xf32>
      %add3A_868 = arith.constant 1.000000e+00 : f32
      %add3A_869 = vector.broadcast %add3A_868 : f32 to vector<16xf32>
      %add3A_870 = arith.addf %add3A_869, %exp3A_867 : vector<16xf32>
      %div3A_871 = arith.divf %select_n3A_788, %add3A_870 : vector<16xf32>
      %add3A_872 = arith.constant 3 : i32
      %add3A_873 = vector.broadcast %add3A_872 : i32 to vector<16xi32>
      %add3A_874 = arith.addi %add3A_794, %add3A_873 : vector<16xi32>
      tpu.vector_store_idx %arg11[%add3A_874], %div3A_871 : memref<2048xf32, #tpu.memory_space<vmem>>[vector<16xi32>], vector<16xf32>,
      %add3A_875 = arith.constant 4 : i32
      %add3A_876 = vector.broadcast %add3A_875 : i32 to vector<16xi32>
      %add3A_877 = arith.addi %mul3A_771, %add3A_876 : vector<16xi32>
      %gather3A_878 = tpu.vector_load_idx %arg7[%add3A_877] : memref<60000xf32, #tpu.memory_space<vmem>>[vector<16xi32>], vector<16xf32>,
      %add3A_879 = arith.constant 4 : i32
      %add3A_880 = vector.broadcast %add3A_879 : i32 to vector<16xi32>
      %add3A_881 = arith.addi %mul3A_776, %add3A_880 : vector<16xi32>
      %gather3A_882 = tpu.vector_load_idx %arg8[%add3A_881] : memref<60000xf32, #tpu.memory_space<vmem>>[vector<16xi32>], vector<16xf32>,
      %add3A_883 = arith.addf %gather3A_878, %gather3A_882 : vector<16xf32>
      %neg3A_884 = arith.constant 0.000000e+00 : f32
      %neg3A_885 = vector.broadcast %neg3A_884 : f32 to vector<16xf32>
      %neg3A_886 = arith.subf %neg3A_885, %add3A_883 : vector<16xf32>
      %exp3A_887 = math.exp %neg3A_886 : vector<16xf32>
      %add3A_888 = arith.constant 1.000000e+00 : f32
      %add3A_889 = vector.broadcast %add3A_888 : f32 to vector<16xf32>
      %add3A_890 = arith.addf %add3A_889, %exp3A_887 : vector<16xf32>
      %div3A_891 = arith.divf %select_n3A_788, %add3A_890 : vector<16xf32>
      %add3A_892 = arith.constant 4 : i32
      %add3A_893 = vector.broadcast %add3A_892 : i32 to vector<16xi32>
      %add3A_894 = arith.addi %add3A_794, %add3A_893 : vector<16xi32>
      tpu.vector_store_idx %arg11[%add3A_894], %div3A_891 : memref<2048xf32, #tpu.memory_space<vmem>>[vector<16xi32>], vector<16xf32>,
      %add3A_895 = arith.constant 5 : i32
      %add3A_896 = vector.broadcast %add3A_895 : i32 to vector<16xi32>
      %add3A_897 = arith.addi %mul3A_771, %add3A_896 : vector<16xi32>
      %gather3A_898 = tpu.vector_load_idx %arg7[%add3A_897] : memref<60000xf32, #tpu.memory_space<vmem>>[vector<16xi32>], vector<16xf32>,
      %add3A_899 = arith.constant 5 : i32
      %add3A_900 = vector.broadcast %add3A_899 : i32 to vector<16xi32>
      %add3A_901 = arith.addi %mul3A_776, %add3A_900 : vector<16xi32>
      %gather3A_902 = tpu.vector_load_idx %arg8[%add3A_901] : memref<60000xf32, #tpu.memory_space<vmem>>[vector<16xi32>], vector<16xf32>,
      %add3A_903 = arith.addf %gather3A_898, %gather3A_902 : vector<16xf32>
      %neg3A_904 = arith.constant 0.000000e+00 : f32
      %neg3A_905 = vector.broadcast %neg3A_904 : f32 to vector<16xf32>
      %neg3A_906 = arith.subf %neg3A_905, %add3A_903 : vector<16xf32>
      %exp3A_907 = math.exp %neg3A_906 : vector<16xf32>
      %add3A_908 = arith.constant 1.000000e+00 : f32
      %add3A_909 = vector.broadcast %add3A_908 : f32 to vector<16xf32>
      %add3A_910 = arith.addf %add3A_909, %exp3A_907 : vector<16xf32>
      %div3A_911 = arith.divf %select_n3A_788, %add3A_910 : vector<16xf32>
      %add3A_912 = arith.constant 5 : i32
      %add3A_913 = vector.broadcast %add3A_912 : i32 to vector<16xi32>
      %add3A_914 = arith.addi %add3A_794, %add3A_913 : vector<16xi32>
      tpu.vector_store_idx %arg11[%add3A_914], %div3A_911 : memref<2048xf32, #tpu.memory_space<vmem>>[vector<16xi32>], vector<16xf32>,
      %add3A_915 = arith.constant 6 : i32
      %add3A_916 = vector.broadcast %add3A_915 : i32 to vector<16xi32>
      %add3A_917 = arith.addi %add3A_794, %add3A_916 : vector<16xi32>
      tpu.vector_store_idx %arg11[%add3A_917], %select_n3A_788 : memref<2048xf32, #tpu.memory_space<vmem>>[vector<16xi32>], vector<16xf32>,
      %get3A_918 = arith.constant 96 : index
      %get3A_919 = tpu.vector_load %arg9[%get3A_918] {strides = array<i32>} : memref<128xi32, #tpu.memory_space<vmem>>, vector<16xi32>,
      %mul3A_920 = arith.constant 6 : i32
      %mul3A_921 = vector.broadcast %mul3A_920 : i32 to vector<16xi32>
      %mul3A_922 = arith.muli %get3A_919, %mul3A_921 : vector<16xi32>
      %get3A_923 = arith.constant 96 : index
      %get3A_924 = tpu.vector_load %arg10[%get3A_923] {strides = array<i32>} : memref<128xi32, #tpu.memory_space<vmem>>, vector<16xi32>,
      %mul3A_925 = arith.constant 6 : i32
      %mul3A_926 = vector.broadcast %mul3A_925 : i32 to vector<16xi32>
      %mul3A_927 = arith.muli %get3A_924, %mul3A_926 : vector<16xi32>
      %add3A_928 = arith.constant 96 : i32
      %add3A_929 = arith.addi %add3A_20, %add3A_928 : i32
      %broadcast_in_dim3A_930 = vector.broadcast %add3A_929 : i32 to vector<16xi32>
      %add3A_931 = arith.addi %broadcast_in_dim3A_930, %iota3A : vector<16xi32>
      %lt3A_932 = arith.constant 320000 : i32
      %lt3A_933 = vector.broadcast %lt3A_932 : i32 to vector<16xi32>
      %lt3A_934 = arith.cmpi slt, %add3A_931, %lt3A_933 : vector<16xi32>
      %jit3A_935 = arith.constant 1.000000e+00 : f32
      %jit3A_936 = arith.constant 0.000000e+00 : f32
      %broadcast_in_dim3A_937 = vector.broadcast %jit3A_935 : f32 to vector<16xf32>
      %broadcast_in_dim3A_938 = vector.broadcast %jit3A_936 : f32 to vector<16xf32>
      %select_n3A_939 = arith.select %lt3A_934, %broadcast_in_dim3A_937, %broadcast_in_dim3A_938 : vector<16xi1>, vector<16xf32>
      %mul3A_940 = arith.constant 16 : i32
      %mul3A_941 = vector.broadcast %mul3A_940 : i32 to vector<16xi32>
      %mul3A_942 = arith.muli %iota3A, %mul3A_941 : vector<16xi32>
      %add3A_943 = arith.constant 1536 : i32
      %add3A_944 = vector.broadcast %add3A_943 : i32 to vector<16xi32>
      %add3A_945 = arith.addi %mul3A_942, %add3A_944 : vector<16xi32>
      %add3A_946 = arith.constant 0 : i32
      %add3A_947 = vector.broadcast %add3A_946 : i32 to vector<16xi32>
      %add3A_948 = arith.addi %mul3A_922, %add3A_947 : vector<16xi32>
      %gather3A_949 = tpu.vector_load_idx %arg7[%add3A_948] : memref<60000xf32, #tpu.memory_space<vmem>>[vector<16xi32>], vector<16xf32>,
      %add3A_950 = arith.constant 0 : i32
      %add3A_951 = vector.broadcast %add3A_950 : i32 to vector<16xi32>
      %add3A_952 = arith.addi %mul3A_927, %add3A_951 : vector<16xi32>
      %gather3A_953 = tpu.vector_load_idx %arg8[%add3A_952] : memref<60000xf32, #tpu.memory_space<vmem>>[vector<16xi32>], vector<16xf32>,
      %add3A_954 = arith.addf %gather3A_949, %gather3A_953 : vector<16xf32>
      %neg3A_955 = arith.constant 0.000000e+00 : f32
      %neg3A_956 = vector.broadcast %neg3A_955 : f32 to vector<16xf32>
      %neg3A_957 = arith.subf %neg3A_956, %add3A_954 : vector<16xf32>
      %exp3A_958 = math.exp %neg3A_957 : vector<16xf32>
      %add3A_959 = arith.constant 1.000000e+00 : f32
      %add3A_960 = vector.broadcast %add3A_959 : f32 to vector<16xf32>
      %add3A_961 = arith.addf %add3A_960, %exp3A_958 : vector<16xf32>
      %div3A_962 = arith.divf %select_n3A_939, %add3A_961 : vector<16xf32>
      %add3A_963 = arith.constant 0 : i32
      %add3A_964 = vector.broadcast %add3A_963 : i32 to vector<16xi32>
      %add3A_965 = arith.addi %add3A_945, %add3A_964 : vector<16xi32>
      tpu.vector_store_idx %arg11[%add3A_965], %div3A_962 : memref<2048xf32, #tpu.memory_space<vmem>>[vector<16xi32>], vector<16xf32>,
      %add3A_966 = arith.constant 1 : i32
      %add3A_967 = vector.broadcast %add3A_966 : i32 to vector<16xi32>
      %add3A_968 = arith.addi %mul3A_922, %add3A_967 : vector<16xi32>
      %gather3A_969 = tpu.vector_load_idx %arg7[%add3A_968] : memref<60000xf32, #tpu.memory_space<vmem>>[vector<16xi32>], vector<16xf32>,
      %add3A_970 = arith.constant 1 : i32
      %add3A_971 = vector.broadcast %add3A_970 : i32 to vector<16xi32>
      %add3A_972 = arith.addi %mul3A_927, %add3A_971 : vector<16xi32>
      %gather3A_973 = tpu.vector_load_idx %arg8[%add3A_972] : memref<60000xf32, #tpu.memory_space<vmem>>[vector<16xi32>], vector<16xf32>,
      %add3A_974 = arith.addf %gather3A_969, %gather3A_973 : vector<16xf32>
      %neg3A_975 = arith.constant 0.000000e+00 : f32
      %neg3A_976 = vector.broadcast %neg3A_975 : f32 to vector<16xf32>
      %neg3A_977 = arith.subf %neg3A_976, %add3A_974 : vector<16xf32>
      %exp3A_978 = math.exp %neg3A_977 : vector<16xf32>
      %add3A_979 = arith.constant 1.000000e+00 : f32
      %add3A_980 = vector.broadcast %add3A_979 : f32 to vector<16xf32>
      %add3A_981 = arith.addf %add3A_980, %exp3A_978 : vector<16xf32>
      %div3A_982 = arith.divf %select_n3A_939, %add3A_981 : vector<16xf32>
      %add3A_983 = arith.constant 1 : i32
      %add3A_984 = vector.broadcast %add3A_983 : i32 to vector<16xi32>
      %add3A_985 = arith.addi %add3A_945, %add3A_984 : vector<16xi32>
      tpu.vector_store_idx %arg11[%add3A_985], %div3A_982 : memref<2048xf32, #tpu.memory_space<vmem>>[vector<16xi32>], vector<16xf32>,
      %add3A_986 = arith.constant 2 : i32
      %add3A_987 = vector.broadcast %add3A_986 : i32 to vector<16xi32>
      %add3A_988 = arith.addi %mul3A_922, %add3A_987 : vector<16xi32>
      %gather3A_989 = tpu.vector_load_idx %arg7[%add3A_988] : memref<60000xf32, #tpu.memory_space<vmem>>[vector<16xi32>], vector<16xf32>,
      %add3A_990 = arith.constant 2 : i32
      %add3A_991 = vector.broadcast %add3A_990 : i32 to vector<16xi32>
      %add3A_992 = arith.addi %mul3A_927, %add3A_991 : vector<16xi32>
      %gather3A_993 = tpu.vector_load_idx %arg8[%add3A_992] : memref<60000xf32, #tpu.memory_space<vmem>>[vector<16xi32>], vector<16xf32>,
      %add3A_994 = arith.addf %gather3A_989, %gather3A_993 : vector<16xf32>
      %neg3A_995 = arith.constant 0.000000e+00 : f32
      %neg3A_996 = vector.broadcast %neg3A_995 : f32 to vector<16xf32>
      %neg3A_997 = arith.subf %neg3A_996, %add3A_994 : vector<16xf32>
      %exp3A_998 = math.exp %neg3A_997 : vector<16xf32>
      %add3A_999 = arith.constant 1.000000e+00 : f32
      %add3A_1000 = vector.broadcast %add3A_999 : f32 to vector<16xf32>
      %add3A_1001 = arith.addf %add3A_1000, %exp3A_998 : vector<16xf32>
      %div3A_1002 = arith.divf %select_n3A_939, %add3A_1001 : vector<16xf32>
      %add3A_1003 = arith.constant 2 : i32
      %add3A_1004 = vector.broadcast %add3A_1003 : i32 to vector<16xi32>
      %add3A_1005 = arith.addi %add3A_945, %add3A_1004 : vector<16xi32>
      tpu.vector_store_idx %arg11[%add3A_1005], %div3A_1002 : memref<2048xf32, #tpu.memory_space<vmem>>[vector<16xi32>], vector<16xf32>,
      %add3A_1006 = arith.constant 3 : i32
      %add3A_1007 = vector.broadcast %add3A_1006 : i32 to vector<16xi32>
      %add3A_1008 = arith.addi %mul3A_922, %add3A_1007 : vector<16xi32>
      %gather3A_1009 = tpu.vector_load_idx %arg7[%add3A_1008] : memref<60000xf32, #tpu.memory_space<vmem>>[vector<16xi32>], vector<16xf32>,
      %add3A_1010 = arith.constant 3 : i32
      %add3A_1011 = vector.broadcast %add3A_1010 : i32 to vector<16xi32>
      %add3A_1012 = arith.addi %mul3A_927, %add3A_1011 : vector<16xi32>
      %gather3A_1013 = tpu.vector_load_idx %arg8[%add3A_1012] : memref<60000xf32, #tpu.memory_space<vmem>>[vector<16xi32>], vector<16xf32>,
      %add3A_1014 = arith.addf %gather3A_1009, %gather3A_1013 : vector<16xf32>
      %neg3A_1015 = arith.constant 0.000000e+00 : f32
      %neg3A_1016 = vector.broadcast %neg3A_1015 : f32 to vector<16xf32>
      %neg3A_1017 = arith.subf %neg3A_1016, %add3A_1014 : vector<16xf32>
      %exp3A_1018 = math.exp %neg3A_1017 : vector<16xf32>
      %add3A_1019 = arith.constant 1.000000e+00 : f32
      %add3A_1020 = vector.broadcast %add3A_1019 : f32 to vector<16xf32>
      %add3A_1021 = arith.addf %add3A_1020, %exp3A_1018 : vector<16xf32>
      %div3A_1022 = arith.divf %select_n3A_939, %add3A_1021 : vector<16xf32>
      %add3A_1023 = arith.constant 3 : i32
      %add3A_1024 = vector.broadcast %add3A_1023 : i32 to vector<16xi32>
      %add3A_1025 = arith.addi %add3A_945, %add3A_1024 : vector<16xi32>
      tpu.vector_store_idx %arg11[%add3A_1025], %div3A_1022 : memref<2048xf32, #tpu.memory_space<vmem>>[vector<16xi32>], vector<16xf32>,
      %add3A_1026 = arith.constant 4 : i32
      %add3A_1027 = vector.broadcast %add3A_1026 : i32 to vector<16xi32>
      %add3A_1028 = arith.addi %mul3A_922, %add3A_1027 : vector<16xi32>
      %gather3A_1029 = tpu.vector_load_idx %arg7[%add3A_1028] : memref<60000xf32, #tpu.memory_space<vmem>>[vector<16xi32>], vector<16xf32>,
      %add3A_1030 = arith.constant 4 : i32
      %add3A_1031 = vector.broadcast %add3A_1030 : i32 to vector<16xi32>
      %add3A_1032 = arith.addi %mul3A_927, %add3A_1031 : vector<16xi32>
      %gather3A_1033 = tpu.vector_load_idx %arg8[%add3A_1032] : memref<60000xf32, #tpu.memory_space<vmem>>[vector<16xi32>], vector<16xf32>,
      %add3A_1034 = arith.addf %gather3A_1029, %gather3A_1033 : vector<16xf32>
      %neg3A_1035 = arith.constant 0.000000e+00 : f32
      %neg3A_1036 = vector.broadcast %neg3A_1035 : f32 to vector<16xf32>
      %neg3A_1037 = arith.subf %neg3A_1036, %add3A_1034 : vector<16xf32>
      %exp3A_1038 = math.exp %neg3A_1037 : vector<16xf32>
      %add3A_1039 = arith.constant 1.000000e+00 : f32
      %add3A_1040 = vector.broadcast %add3A_1039 : f32 to vector<16xf32>
      %add3A_1041 = arith.addf %add3A_1040, %exp3A_1038 : vector<16xf32>
      %div3A_1042 = arith.divf %select_n3A_939, %add3A_1041 : vector<16xf32>
      %add3A_1043 = arith.constant 4 : i32
      %add3A_1044 = vector.broadcast %add3A_1043 : i32 to vector<16xi32>
      %add3A_1045 = arith.addi %add3A_945, %add3A_1044 : vector<16xi32>
      tpu.vector_store_idx %arg11[%add3A_1045], %div3A_1042 : memref<2048xf32, #tpu.memory_space<vmem>>[vector<16xi32>], vector<16xf32>,
      %add3A_1046 = arith.constant 5 : i32
      %add3A_1047 = vector.broadcast %add3A_1046 : i32 to vector<16xi32>
      %add3A_1048 = arith.addi %mul3A_922, %add3A_1047 : vector<16xi32>
      %gather3A_1049 = tpu.vector_load_idx %arg7[%add3A_1048] : memref<60000xf32, #tpu.memory_space<vmem>>[vector<16xi32>], vector<16xf32>,
      %add3A_1050 = arith.constant 5 : i32
      %add3A_1051 = vector.broadcast %add3A_1050 : i32 to vector<16xi32>
      %add3A_1052 = arith.addi %mul3A_927, %add3A_1051 : vector<16xi32>
      %gather3A_1053 = tpu.vector_load_idx %arg8[%add3A_1052] : memref<60000xf32, #tpu.memory_space<vmem>>[vector<16xi32>], vector<16xf32>,
      %add3A_1054 = arith.addf %gather3A_1049, %gather3A_1053 : vector<16xf32>
      %neg3A_1055 = arith.constant 0.000000e+00 : f32
      %neg3A_1056 = vector.broadcast %neg3A_1055 : f32 to vector<16xf32>
      %neg3A_1057 = arith.subf %neg3A_1056, %add3A_1054 : vector<16xf32>
      %exp3A_1058 = math.exp %neg3A_1057 : vector<16xf32>
      %add3A_1059 = arith.constant 1.000000e+00 : f32
      %add3A_1060 = vector.broadcast %add3A_1059 : f32 to vector<16xf32>
      %add3A_1061 = arith.addf %add3A_1060, %exp3A_1058 : vector<16xf32>
      %div3A_1062 = arith.divf %select_n3A_939, %add3A_1061 : vector<16xf32>
      %add3A_1063 = arith.constant 5 : i32
      %add3A_1064 = vector.broadcast %add3A_1063 : i32 to vector<16xi32>
      %add3A_1065 = arith.addi %add3A_945, %add3A_1064 : vector<16xi32>
      tpu.vector_store_idx %arg11[%add3A_1065], %div3A_1062 : memref<2048xf32, #tpu.memory_space<vmem>>[vector<16xi32>], vector<16xf32>,
      %add3A_1066 = arith.constant 6 : i32
      %add3A_1067 = vector.broadcast %add3A_1066 : i32 to vector<16xi32>
      %add3A_1068 = arith.addi %add3A_945, %add3A_1067 : vector<16xi32>
      tpu.vector_store_idx %arg11[%add3A_1068], %select_n3A_939 : memref<2048xf32, #tpu.memory_space<vmem>>[vector<16xi32>], vector<16xf32>,
      %get3A_1069 = arith.constant 112 : index
      %get3A_1070 = tpu.vector_load %arg9[%get3A_1069] {strides = array<i32>} : memref<128xi32, #tpu.memory_space<vmem>>, vector<16xi32>,
      %mul3A_1071 = arith.constant 6 : i32
      %mul3A_1072 = vector.broadcast %mul3A_1071 : i32 to vector<16xi32>
      %mul3A_1073 = arith.muli %get3A_1070, %mul3A_1072 : vector<16xi32>
      %get3A_1074 = arith.constant 112 : index
      %get3A_1075 = tpu.vector_load %arg10[%get3A_1074] {strides = array<i32>} : memref<128xi32, #tpu.memory_space<vmem>>, vector<16xi32>,
      %mul3A_1076 = arith.constant 6 : i32
      %mul3A_1077 = vector.broadcast %mul3A_1076 : i32 to vector<16xi32>
      %mul3A_1078 = arith.muli %get3A_1075, %mul3A_1077 : vector<16xi32>
      %add3A_1079 = arith.constant 112 : i32
      %add3A_1080 = arith.addi %add3A_20, %add3A_1079 : i32
      %broadcast_in_dim3A_1081 = vector.broadcast %add3A_1080 : i32 to vector<16xi32>
      %add3A_1082 = arith.addi %broadcast_in_dim3A_1081, %iota3A : vector<16xi32>
      %lt3A_1083 = arith.constant 320000 : i32
      %lt3A_1084 = vector.broadcast %lt3A_1083 : i32 to vector<16xi32>
      %lt3A_1085 = arith.cmpi slt, %add3A_1082, %lt3A_1084 : vector<16xi32>
      %jit3A_1086 = arith.constant 1.000000e+00 : f32
      %jit3A_1087 = arith.constant 0.000000e+00 : f32
      %broadcast_in_dim3A_1088 = vector.broadcast %jit3A_1086 : f32 to vector<16xf32>
      %broadcast_in_dim3A_1089 = vector.broadcast %jit3A_1087 : f32 to vector<16xf32>
      %select_n3A_1090 = arith.select %lt3A_1085, %broadcast_in_dim3A_1088, %broadcast_in_dim3A_1089 : vector<16xi1>, vector<16xf32>
      %mul3A_1091 = arith.constant 16 : i32
      %mul3A_1092 = vector.broadcast %mul3A_1091 : i32 to vector<16xi32>
      %mul3A_1093 = arith.muli %iota3A, %mul3A_1092 : vector<16xi32>
      %add3A_1094 = arith.constant 1792 : i32
      %add3A_1095 = vector.broadcast %add3A_1094 : i32 to vector<16xi32>
      %add3A_1096 = arith.addi %mul3A_1093, %add3A_1095 : vector<16xi32>
      %add3A_1097 = arith.constant 0 : i32
      %add3A_1098 = vector.broadcast %add3A_1097 : i32 to vector<16xi32>
      %add3A_1099 = arith.addi %mul3A_1073, %add3A_1098 : vector<16xi32>
      %gather3A_1100 = tpu.vector_load_idx %arg7[%add3A_1099] : memref<60000xf32, #tpu.memory_space<vmem>>[vector<16xi32>], vector<16xf32>,
      %add3A_1101 = arith.constant 0 : i32
      %add3A_1102 = vector.broadcast %add3A_1101 : i32 to vector<16xi32>
      %add3A_1103 = arith.addi %mul3A_1078, %add3A_1102 : vector<16xi32>
      %gather3A_1104 = tpu.vector_load_idx %arg8[%add3A_1103] : memref<60000xf32, #tpu.memory_space<vmem>>[vector<16xi32>], vector<16xf32>,
      %add3A_1105 = arith.addf %gather3A_1100, %gather3A_1104 : vector<16xf32>
      %neg3A_1106 = arith.constant 0.000000e+00 : f32
      %neg3A_1107 = vector.broadcast %neg3A_1106 : f32 to vector<16xf32>
      %neg3A_1108 = arith.subf %neg3A_1107, %add3A_1105 : vector<16xf32>
      %exp3A_1109 = math.exp %neg3A_1108 : vector<16xf32>
      %add3A_1110 = arith.constant 1.000000e+00 : f32
      %add3A_1111 = vector.broadcast %add3A_1110 : f32 to vector<16xf32>
      %add3A_1112 = arith.addf %add3A_1111, %exp3A_1109 : vector<16xf32>
      %div3A_1113 = arith.divf %select_n3A_1090, %add3A_1112 : vector<16xf32>
      %add3A_1114 = arith.constant 0 : i32
      %add3A_1115 = vector.broadcast %add3A_1114 : i32 to vector<16xi32>
      %add3A_1116 = arith.addi %add3A_1096, %add3A_1115 : vector<16xi32>
      tpu.vector_store_idx %arg11[%add3A_1116], %div3A_1113 : memref<2048xf32, #tpu.memory_space<vmem>>[vector<16xi32>], vector<16xf32>,
      %add3A_1117 = arith.constant 1 : i32
      %add3A_1118 = vector.broadcast %add3A_1117 : i32 to vector<16xi32>
      %add3A_1119 = arith.addi %mul3A_1073, %add3A_1118 : vector<16xi32>
      %gather3A_1120 = tpu.vector_load_idx %arg7[%add3A_1119] : memref<60000xf32, #tpu.memory_space<vmem>>[vector<16xi32>], vector<16xf32>,
      %add3A_1121 = arith.constant 1 : i32
      %add3A_1122 = vector.broadcast %add3A_1121 : i32 to vector<16xi32>
      %add3A_1123 = arith.addi %mul3A_1078, %add3A_1122 : vector<16xi32>
      %gather3A_1124 = tpu.vector_load_idx %arg8[%add3A_1123] : memref<60000xf32, #tpu.memory_space<vmem>>[vector<16xi32>], vector<16xf32>,
      %add3A_1125 = arith.addf %gather3A_1120, %gather3A_1124 : vector<16xf32>
      %neg3A_1126 = arith.constant 0.000000e+00 : f32
      %neg3A_1127 = vector.broadcast %neg3A_1126 : f32 to vector<16xf32>
      %neg3A_1128 = arith.subf %neg3A_1127, %add3A_1125 : vector<16xf32>
      %exp3A_1129 = math.exp %neg3A_1128 : vector<16xf32>
      %add3A_1130 = arith.constant 1.000000e+00 : f32
      %add3A_1131 = vector.broadcast %add3A_1130 : f32 to vector<16xf32>
      %add3A_1132 = arith.addf %add3A_1131, %exp3A_1129 : vector<16xf32>
      %div3A_1133 = arith.divf %select_n3A_1090, %add3A_1132 : vector<16xf32>
      %add3A_1134 = arith.constant 1 : i32
      %add3A_1135 = vector.broadcast %add3A_1134 : i32 to vector<16xi32>
      %add3A_1136 = arith.addi %add3A_1096, %add3A_1135 : vector<16xi32>
      tpu.vector_store_idx %arg11[%add3A_1136], %div3A_1133 : memref<2048xf32, #tpu.memory_space<vmem>>[vector<16xi32>], vector<16xf32>,
      %add3A_1137 = arith.constant 2 : i32
      %add3A_1138 = vector.broadcast %add3A_1137 : i32 to vector<16xi32>
      %add3A_1139 = arith.addi %mul3A_1073, %add3A_1138 : vector<16xi32>
      %gather3A_1140 = tpu.vector_load_idx %arg7[%add3A_1139] : memref<60000xf32, #tpu.memory_space<vmem>>[vector<16xi32>], vector<16xf32>,
      %add3A_1141 = arith.constant 2 : i32
      %add3A_1142 = vector.broadcast %add3A_1141 : i32 to vector<16xi32>
      %add3A_1143 = arith.addi %mul3A_1078, %add3A_1142 : vector<16xi32>
      %gather3A_1144 = tpu.vector_load_idx %arg8[%add3A_1143] : memref<60000xf32, #tpu.memory_space<vmem>>[vector<16xi32>], vector<16xf32>,
      %add3A_1145 = arith.addf %gather3A_1140, %gather3A_1144 : vector<16xf32>
      %neg3A_1146 = arith.constant 0.000000e+00 : f32
      %neg3A_1147 = vector.broadcast %neg3A_1146 : f32 to vector<16xf32>
      %neg3A_1148 = arith.subf %neg3A_1147, %add3A_1145 : vector<16xf32>
      %exp3A_1149 = math.exp %neg3A_1148 : vector<16xf32>
      %add3A_1150 = arith.constant 1.000000e+00 : f32
      %add3A_1151 = vector.broadcast %add3A_1150 : f32 to vector<16xf32>
      %add3A_1152 = arith.addf %add3A_1151, %exp3A_1149 : vector<16xf32>
      %div3A_1153 = arith.divf %select_n3A_1090, %add3A_1152 : vector<16xf32>
      %add3A_1154 = arith.constant 2 : i32
      %add3A_1155 = vector.broadcast %add3A_1154 : i32 to vector<16xi32>
      %add3A_1156 = arith.addi %add3A_1096, %add3A_1155 : vector<16xi32>
      tpu.vector_store_idx %arg11[%add3A_1156], %div3A_1153 : memref<2048xf32, #tpu.memory_space<vmem>>[vector<16xi32>], vector<16xf32>,
      %add3A_1157 = arith.constant 3 : i32
      %add3A_1158 = vector.broadcast %add3A_1157 : i32 to vector<16xi32>
      %add3A_1159 = arith.addi %mul3A_1073, %add3A_1158 : vector<16xi32>
      %gather3A_1160 = tpu.vector_load_idx %arg7[%add3A_1159] : memref<60000xf32, #tpu.memory_space<vmem>>[vector<16xi32>], vector<16xf32>,
      %add3A_1161 = arith.constant 3 : i32
      %add3A_1162 = vector.broadcast %add3A_1161 : i32 to vector<16xi32>
      %add3A_1163 = arith.addi %mul3A_1078, %add3A_1162 : vector<16xi32>
      %gather3A_1164 = tpu.vector_load_idx %arg8[%add3A_1163] : memref<60000xf32, #tpu.memory_space<vmem>>[vector<16xi32>], vector<16xf32>,
      %add3A_1165 = arith.addf %gather3A_1160, %gather3A_1164 : vector<16xf32>
      %neg3A_1166 = arith.constant 0.000000e+00 : f32
      %neg3A_1167 = vector.broadcast %neg3A_1166 : f32 to vector<16xf32>
      %neg3A_1168 = arith.subf %neg3A_1167, %add3A_1165 : vector<16xf32>
      %exp3A_1169 = math.exp %neg3A_1168 : vector<16xf32>
      %add3A_1170 = arith.constant 1.000000e+00 : f32
      %add3A_1171 = vector.broadcast %add3A_1170 : f32 to vector<16xf32>
      %add3A_1172 = arith.addf %add3A_1171, %exp3A_1169 : vector<16xf32>
      %div3A_1173 = arith.divf %select_n3A_1090, %add3A_1172 : vector<16xf32>
      %add3A_1174 = arith.constant 3 : i32
      %add3A_1175 = vector.broadcast %add3A_1174 : i32 to vector<16xi32>
      %add3A_1176 = arith.addi %add3A_1096, %add3A_1175 : vector<16xi32>
      tpu.vector_store_idx %arg11[%add3A_1176], %div3A_1173 : memref<2048xf32, #tpu.memory_space<vmem>>[vector<16xi32>], vector<16xf32>,
      %add3A_1177 = arith.constant 4 : i32
      %add3A_1178 = vector.broadcast %add3A_1177 : i32 to vector<16xi32>
      %add3A_1179 = arith.addi %mul3A_1073, %add3A_1178 : vector<16xi32>
      %gather3A_1180 = tpu.vector_load_idx %arg7[%add3A_1179] : memref<60000xf32, #tpu.memory_space<vmem>>[vector<16xi32>], vector<16xf32>,
      %add3A_1181 = arith.constant 4 : i32
      %add3A_1182 = vector.broadcast %add3A_1181 : i32 to vector<16xi32>
      %add3A_1183 = arith.addi %mul3A_1078, %add3A_1182 : vector<16xi32>
      %gather3A_1184 = tpu.vector_load_idx %arg8[%add3A_1183] : memref<60000xf32, #tpu.memory_space<vmem>>[vector<16xi32>], vector<16xf32>,
      %add3A_1185 = arith.addf %gather3A_1180, %gather3A_1184 : vector<16xf32>
      %neg3A_1186 = arith.constant 0.000000e+00 : f32
      %neg3A_1187 = vector.broadcast %neg3A_1186 : f32 to vector<16xf32>
      %neg3A_1188 = arith.subf %neg3A_1187, %add3A_1185 : vector<16xf32>
      %exp3A_1189 = math.exp %neg3A_1188 : vector<16xf32>
      %add3A_1190 = arith.constant 1.000000e+00 : f32
      %add3A_1191 = vector.broadcast %add3A_1190 : f32 to vector<16xf32>
      %add3A_1192 = arith.addf %add3A_1191, %exp3A_1189 : vector<16xf32>
      %div3A_1193 = arith.divf %select_n3A_1090, %add3A_1192 : vector<16xf32>
      %add3A_1194 = arith.constant 4 : i32
      %add3A_1195 = vector.broadcast %add3A_1194 : i32 to vector<16xi32>
      %add3A_1196 = arith.addi %add3A_1096, %add3A_1195 : vector<16xi32>
      tpu.vector_store_idx %arg11[%add3A_1196], %div3A_1193 : memref<2048xf32, #tpu.memory_space<vmem>>[vector<16xi32>], vector<16xf32>,
      %add3A_1197 = arith.constant 5 : i32
      %add3A_1198 = vector.broadcast %add3A_1197 : i32 to vector<16xi32>
      %add3A_1199 = arith.addi %mul3A_1073, %add3A_1198 : vector<16xi32>
      %gather3A_1200 = tpu.vector_load_idx %arg7[%add3A_1199] : memref<60000xf32, #tpu.memory_space<vmem>>[vector<16xi32>], vector<16xf32>,
      %add3A_1201 = arith.constant 5 : i32
      %add3A_1202 = vector.broadcast %add3A_1201 : i32 to vector<16xi32>
      %add3A_1203 = arith.addi %mul3A_1078, %add3A_1202 : vector<16xi32>
      %gather3A_1204 = tpu.vector_load_idx %arg8[%add3A_1203] : memref<60000xf32, #tpu.memory_space<vmem>>[vector<16xi32>], vector<16xf32>,
      %add3A_1205 = arith.addf %gather3A_1200, %gather3A_1204 : vector<16xf32>
      %neg3A_1206 = arith.constant 0.000000e+00 : f32
      %neg3A_1207 = vector.broadcast %neg3A_1206 : f32 to vector<16xf32>
      %neg3A_1208 = arith.subf %neg3A_1207, %add3A_1205 : vector<16xf32>
      %exp3A_1209 = math.exp %neg3A_1208 : vector<16xf32>
      %add3A_1210 = arith.constant 1.000000e+00 : f32
      %add3A_1211 = vector.broadcast %add3A_1210 : f32 to vector<16xf32>
      %add3A_1212 = arith.addf %add3A_1211, %exp3A_1209 : vector<16xf32>
      %div3A_1213 = arith.divf %select_n3A_1090, %add3A_1212 : vector<16xf32>
      %add3A_1214 = arith.constant 5 : i32
      %add3A_1215 = vector.broadcast %add3A_1214 : i32 to vector<16xi32>
      %add3A_1216 = arith.addi %add3A_1096, %add3A_1215 : vector<16xi32>
      tpu.vector_store_idx %arg11[%add3A_1216], %div3A_1213 : memref<2048xf32, #tpu.memory_space<vmem>>[vector<16xi32>], vector<16xf32>,
      %add3A_1217 = arith.constant 6 : i32
      %add3A_1218 = vector.broadcast %add3A_1217 : i32 to vector<16xi32>
      %add3A_1219 = arith.addi %add3A_1096, %add3A_1218 : vector<16xi32>
      tpu.vector_store_idx %arg11[%add3A_1219], %select_n3A_1090 : memref<2048xf32, #tpu.memory_space<vmem>>[vector<16xi32>], vector<16xf32>,
      %mul3A_1220 = arith.constant 16 : i32
      %mul3A_1221 = arith.muli %add3A_20, %mul3A_1220 : i32
      "tpu.region"() ({
        %run_scoped3A = tpu.sem_alloc : memref<!tpu.dma_semaphore, #tpu.memory_space<semaphore_mem>>
        %dma_start3A = tpu.memref_slice %arg6[%mul3A_1221] : memref<5177344xf32, #tpu.memory_space<hbm>> -> memref<2048xf32, #tpu.memory_space<hbm>>
        %dma_start3A_1223 = tpu.memref_slice %arg6[%mul3A_1221] : memref<5177344xf32, #tpu.memory_space<hbm>> -> memref<2048xf32, #tpu.memory_space<hbm>>
        tpu.enqueue_dma source(%arg11 : memref<2048xf32, #tpu.memory_space<vmem>>) target(%dma_start3A_1223 : memref<2048xf32, #tpu.memory_space<hbm>>) target_semaphore(%run_scoped3A : memref<!tpu.dma_semaphore, #tpu.memory_space<semaphore_mem>>)
        %dma_wait3A = tpu.memref_slice %arg6[%mul3A_1221] : memref<5177344xf32, #tpu.memory_space<hbm>> -> memref<2048xf32, #tpu.memory_space<hbm>>
        %dma_wait3A_1224 = tpu.memref_slice %arg6[%mul3A_1221] : memref<5177344xf32, #tpu.memory_space<hbm>> -> memref<2048xf32, #tpu.memory_space<hbm>>
        tpu.wait_dma2 semaphore(%run_scoped3A : memref<!tpu.dma_semaphore, #tpu.memory_space<semaphore_mem>>) src(%arg11 : memref<2048xf32, #tpu.memory_space<vmem>>) dst(%dma_wait3A_1224 : memref<2048xf32, #tpu.memory_space<hbm>>)
        tpu.yield
      }) : () -> ()
      %scan3A_1222 = arith.constant 0 : i32
      scf.yield %scan3A_1222 : i32
    }
    %scan3A_13 = arith.constant 79 : i32
    return
  }
}

#map = affine_map<(d0, d1) -> (0, 0)>
#map1 = affine_map<(d0, d1) -> (0)>
#map2 = affine_map<(d0, d1) -> (0, 0, 0)>
module attributes {stable_mosaic.version = 14 : i64} {
  func.func @k(%arg0: i32, %arg1: i32, %arg2: memref<10000x128xf32, #tpu.memory_space<hbm>>, %arg3: memref<323584xi32, #tpu.memory_space<hbm>>, %arg4: memref<323584xi32, #tpu.memory_space<hbm>>, %arg5: memref<5177344xf32, #tpu.memory_space<hbm>>, %arg6: memref<2x10000x112xf32, #tpu.memory_space<hbm>>, %arg7: memref<128xi32, #tpu.memory_space<vmem>>, %arg8: memref<128xi32, #tpu.memory_space<vmem>>, %arg9: memref<2048xf32, #tpu.memory_space<vmem>>, %arg10: memref<128x128xf32, #tpu.memory_space<vmem>>, %arg11: memref<128x112xf32, #tpu.memory_space<vmem>>, %arg12: memref<200x112xf32, #tpu.memory_space<vmem>>, %arg13: memref<10000x112xf32, #tpu.memory_space<vmem_shared>>, %arg14: memref<!tpu.dma_semaphore, #tpu.memory_space<semaphore_mem>>) attributes {dimension_semantics = [#tpu.dimension_semantics<core_parallel>, #tpu.dimension_semantics<subcore_parallel>], iteration_bounds = array<i64: 2, 16>, scalar_prefetch = 0 : i64, scratch_operands = 8 : i64, tpu.core_type = #tpu.core_type<sc_vector_subcore>, window_params = [{transform_indices = #map}, {transform_indices = #map1}, {transform_indices = #map1}, {transform_indices = #map1}, {transform_indices = #map2}]} {
    %mul3A = arith.constant 2 : i32
    %mul3A_0 = arith.muli %arg1, %mul3A : i32
    %add3A = arith.addi %mul3A_0, %arg0 : i32
    %iota3A = tpu.iota {dimensions = array<i32: 0>} : vector<16xi32>
    %broadcast_in_dim3A = arith.constant 0.000000e+00 : f32
    %broadcast_in_dim3A_1 = vector.broadcast %broadcast_in_dim3A : f32 to vector<16xf32>
    %scan3A = arith.constant 0 : i32
    %scan3A_2 = arith.constant 0 : i32
    %scan3A_3 = arith.constant 200 : i32
    %scan3A_4 = arith.addi %scan3A_2, %scan3A_3 : i32
    %scan3A_5 = arith.constant 1 : i32
    %scan3A_6 = scf.for %scan3A_76 = %scan3A_2 to %scan3A_4 step %scan3A_5 iter_args(%scan3A_77 = %scan3A) -> (i32)  : i32 {
      %broadcast_in_dim3A_78 = vector.broadcast %scan3A_76 : i32 to vector<16xi32>
      %add3A_79 = arith.constant 0 : i32
      %add3A_80 = vector.broadcast %add3A_79 : i32 to vector<16xi32>
      %add3A_81 = arith.addi %iota3A, %add3A_80 : vector<16xi32>
      tpu.vector_store_idx %arg12[%broadcast_in_dim3A_78, %add3A_81], %broadcast_in_dim3A_1 : memref<200x112xf32, #tpu.memory_space<vmem>>[vector<16xi32>, vector<16xi32>], vector<16xf32>,
      %add3A_82 = arith.constant 16 : i32
      %add3A_83 = vector.broadcast %add3A_82 : i32 to vector<16xi32>
      %add3A_84 = arith.addi %iota3A, %add3A_83 : vector<16xi32>
      tpu.vector_store_idx %arg12[%broadcast_in_dim3A_78, %add3A_84], %broadcast_in_dim3A_1 : memref<200x112xf32, #tpu.memory_space<vmem>>[vector<16xi32>, vector<16xi32>], vector<16xf32>,
      %add3A_85 = arith.constant 32 : i32
      %add3A_86 = vector.broadcast %add3A_85 : i32 to vector<16xi32>
      %add3A_87 = arith.addi %iota3A, %add3A_86 : vector<16xi32>
      tpu.vector_store_idx %arg12[%broadcast_in_dim3A_78, %add3A_87], %broadcast_in_dim3A_1 : memref<200x112xf32, #tpu.memory_space<vmem>>[vector<16xi32>, vector<16xi32>], vector<16xf32>,
      %add3A_88 = arith.constant 48 : i32
      %add3A_89 = vector.broadcast %add3A_88 : i32 to vector<16xi32>
      %add3A_90 = arith.addi %iota3A, %add3A_89 : vector<16xi32>
      tpu.vector_store_idx %arg12[%broadcast_in_dim3A_78, %add3A_90], %broadcast_in_dim3A_1 : memref<200x112xf32, #tpu.memory_space<vmem>>[vector<16xi32>, vector<16xi32>], vector<16xf32>,
      %add3A_91 = arith.constant 64 : i32
      %add3A_92 = vector.broadcast %add3A_91 : i32 to vector<16xi32>
      %add3A_93 = arith.addi %iota3A, %add3A_92 : vector<16xi32>
      tpu.vector_store_idx %arg12[%broadcast_in_dim3A_78, %add3A_93], %broadcast_in_dim3A_1 : memref<200x112xf32, #tpu.memory_space<vmem>>[vector<16xi32>, vector<16xi32>], vector<16xf32>,
      %add3A_94 = arith.constant 80 : i32
      %add3A_95 = vector.broadcast %add3A_94 : i32 to vector<16xi32>
      %add3A_96 = arith.addi %iota3A, %add3A_95 : vector<16xi32>
      tpu.vector_store_idx %arg12[%broadcast_in_dim3A_78, %add3A_96], %broadcast_in_dim3A_1 : memref<200x112xf32, #tpu.memory_space<vmem>>[vector<16xi32>, vector<16xi32>], vector<16xf32>,
      %add3A_97 = arith.constant 96 : i32
      %add3A_98 = vector.broadcast %add3A_97 : i32 to vector<16xi32>
      %add3A_99 = arith.addi %iota3A, %add3A_98 : vector<16xi32>
      tpu.vector_store_idx %arg12[%broadcast_in_dim3A_78, %add3A_99], %broadcast_in_dim3A_1 : memref<200x112xf32, #tpu.memory_space<vmem>>[vector<16xi32>, vector<16xi32>], vector<16xf32>,
      %scan3A_100 = arith.constant 0 : i32
      scf.yield %scan3A_100 : i32
    }
    %scan3A_7 = arith.constant 200 : i32
    %scan3A_8 = arith.constant 0 : i32
    %scan3A_9 = arith.constant 0 : i32
    %scan3A_10 = arith.constant 128 : i32
    %scan3A_11 = arith.addi %scan3A_9, %scan3A_10 : i32
    %scan3A_12 = arith.constant 1 : i32
    %scan3A_13 = scf.for %scan3A_76 = %scan3A_9 to %scan3A_11 step %scan3A_12 iter_args(%scan3A_77 = %scan3A_8) -> (i32)  : i32 {
      %broadcast_in_dim3A_78 = vector.broadcast %scan3A_76 : i32 to vector<16xi32>
      %add3A_79 = arith.constant 96 : i32
      %add3A_80 = vector.broadcast %add3A_79 : i32 to vector<16xi32>
      %add3A_81 = arith.addi %iota3A, %add3A_80 : vector<16xi32>
      tpu.vector_store_idx %arg11[%broadcast_in_dim3A_78, %add3A_81], %broadcast_in_dim3A_1 : memref<128x112xf32, #tpu.memory_space<vmem>>[vector<16xi32>, vector<16xi32>], vector<16xf32>,
      %scan3A_82 = arith.constant 0 : i32
      scf.yield %scan3A_82 : i32
    }
    %scan3A_14 = arith.constant 128 : i32
    %add3A_15 = arith.constant 0 : i32
    %add3A_16 = arith.addi %arg1, %add3A_15 : i32
    %lt3A = arith.constant 50 : i32
    %lt3A_17 = arith.cmpi slt, %add3A_16, %lt3A : i32
    %convert_element_type3A = arith.extui %lt3A_17 : i1 to i32
    %cond3A = arith.constant 0 : i32
    %cond3A_18 = arith.cmpi ne, %convert_element_type3A, %cond3A : i32
    scf.if %cond3A_18 {
      %mul3A_76 = arith.constant 200 : i32
      %mul3A_77 = arith.muli %add3A_16, %mul3A_76 : i32
      "tpu.region"() ({
        %run_scoped3A = tpu.sem_alloc : memref<!tpu.dma_semaphore, #tpu.memory_space<semaphore_mem>>
        %dma_start3A = arith.constant 0 : i32
        %dma_start3A_78 = tpu.memref_slice %arg13[%mul3A_77, %dma_start3A] : memref<10000x112xf32, #tpu.memory_space<vmem_shared>> -> memref<200x112xf32, #tpu.memory_space<vmem_shared>>
        %dma_start3A_79 = arith.constant 0 : i32
        %dma_start3A_80 = tpu.memref_slice %arg13[%mul3A_77, %dma_start3A_79] : memref<10000x112xf32, #tpu.memory_space<vmem_shared>> -> memref<200x112xf32, #tpu.memory_space<vmem_shared>>
        tpu.enqueue_dma source(%arg12 : memref<200x112xf32, #tpu.memory_space<vmem>>) target(%dma_start3A_80 : memref<200x112xf32, #tpu.memory_space<vmem_shared>>) target_semaphore(%run_scoped3A : memref<!tpu.dma_semaphore, #tpu.memory_space<semaphore_mem>>)
        %dma_wait3A = arith.constant 0 : i32
        %dma_wait3A_81 = tpu.memref_slice %arg13[%mul3A_77, %dma_wait3A] : memref<10000x112xf32, #tpu.memory_space<vmem_shared>> -> memref<200x112xf32, #tpu.memory_space<vmem_shared>>
        %dma_wait3A_82 = arith.constant 0 : i32
        %dma_wait3A_83 = tpu.memref_slice %arg13[%mul3A_77, %dma_wait3A_82] : memref<10000x112xf32, #tpu.memory_space<vmem_shared>> -> memref<200x112xf32, #tpu.memory_space<vmem_shared>>
        tpu.wait_dma2 semaphore(%run_scoped3A : memref<!tpu.dma_semaphore, #tpu.memory_space<semaphore_mem>>) src(%arg12 : memref<200x112xf32, #tpu.memory_space<vmem>>) dst(%dma_wait3A_83 : memref<200x112xf32, #tpu.memory_space<vmem_shared>>)
        tpu.yield
      }) : () -> ()
    } else {
    }
    %add3A_19 = arith.constant 16 : i32
    %add3A_20 = arith.addi %arg1, %add3A_19 : i32
    %lt3A_21 = arith.constant 50 : i32
    %lt3A_22 = arith.cmpi slt, %add3A_20, %lt3A_21 : i32
    %convert_element_type3A_23 = arith.extui %lt3A_22 : i1 to i32
    %cond3A_24 = arith.constant 0 : i32
    %cond3A_25 = arith.cmpi ne, %convert_element_type3A_23, %cond3A_24 : i32
    scf.if %cond3A_25 {
      %mul3A_76 = arith.constant 200 : i32
      %mul3A_77 = arith.muli %add3A_20, %mul3A_76 : i32
      "tpu.region"() ({
        %run_scoped3A = tpu.sem_alloc : memref<!tpu.dma_semaphore, #tpu.memory_space<semaphore_mem>>
        %dma_start3A = arith.constant 0 : i32
        %dma_start3A_78 = tpu.memref_slice %arg13[%mul3A_77, %dma_start3A] : memref<10000x112xf32, #tpu.memory_space<vmem_shared>> -> memref<200x112xf32, #tpu.memory_space<vmem_shared>>
        %dma_start3A_79 = arith.constant 0 : i32
        %dma_start3A_80 = tpu.memref_slice %arg13[%mul3A_77, %dma_start3A_79] : memref<10000x112xf32, #tpu.memory_space<vmem_shared>> -> memref<200x112xf32, #tpu.memory_space<vmem_shared>>
        tpu.enqueue_dma source(%arg12 : memref<200x112xf32, #tpu.memory_space<vmem>>) target(%dma_start3A_80 : memref<200x112xf32, #tpu.memory_space<vmem_shared>>) target_semaphore(%run_scoped3A : memref<!tpu.dma_semaphore, #tpu.memory_space<semaphore_mem>>)
        %dma_wait3A = arith.constant 0 : i32
        %dma_wait3A_81 = tpu.memref_slice %arg13[%mul3A_77, %dma_wait3A] : memref<10000x112xf32, #tpu.memory_space<vmem_shared>> -> memref<200x112xf32, #tpu.memory_space<vmem_shared>>
        %dma_wait3A_82 = arith.constant 0 : i32
        %dma_wait3A_83 = tpu.memref_slice %arg13[%mul3A_77, %dma_wait3A_82] : memref<10000x112xf32, #tpu.memory_space<vmem_shared>> -> memref<200x112xf32, #tpu.memory_space<vmem_shared>>
        tpu.wait_dma2 semaphore(%run_scoped3A : memref<!tpu.dma_semaphore, #tpu.memory_space<semaphore_mem>>) src(%arg12 : memref<200x112xf32, #tpu.memory_space<vmem>>) dst(%dma_wait3A_83 : memref<200x112xf32, #tpu.memory_space<vmem_shared>>)
        tpu.yield
      }) : () -> ()
    } else {
    }
    %add3A_26 = arith.constant 32 : i32
    %add3A_27 = arith.addi %arg1, %add3A_26 : i32
    %lt3A_28 = arith.constant 50 : i32
    %lt3A_29 = arith.cmpi slt, %add3A_27, %lt3A_28 : i32
    %convert_element_type3A_30 = arith.extui %lt3A_29 : i1 to i32
    %cond3A_31 = arith.constant 0 : i32
    %cond3A_32 = arith.cmpi ne, %convert_element_type3A_30, %cond3A_31 : i32
    scf.if %cond3A_32 {
      %mul3A_76 = arith.constant 200 : i32
      %mul3A_77 = arith.muli %add3A_27, %mul3A_76 : i32
      "tpu.region"() ({
        %run_scoped3A = tpu.sem_alloc : memref<!tpu.dma_semaphore, #tpu.memory_space<semaphore_mem>>
        %dma_start3A = arith.constant 0 : i32
        %dma_start3A_78 = tpu.memref_slice %arg13[%mul3A_77, %dma_start3A] : memref<10000x112xf32, #tpu.memory_space<vmem_shared>> -> memref<200x112xf32, #tpu.memory_space<vmem_shared>>
        %dma_start3A_79 = arith.constant 0 : i32
        %dma_start3A_80 = tpu.memref_slice %arg13[%mul3A_77, %dma_start3A_79] : memref<10000x112xf32, #tpu.memory_space<vmem_shared>> -> memref<200x112xf32, #tpu.memory_space<vmem_shared>>
        tpu.enqueue_dma source(%arg12 : memref<200x112xf32, #tpu.memory_space<vmem>>) target(%dma_start3A_80 : memref<200x112xf32, #tpu.memory_space<vmem_shared>>) target_semaphore(%run_scoped3A : memref<!tpu.dma_semaphore, #tpu.memory_space<semaphore_mem>>)
        %dma_wait3A = arith.constant 0 : i32
        %dma_wait3A_81 = tpu.memref_slice %arg13[%mul3A_77, %dma_wait3A] : memref<10000x112xf32, #tpu.memory_space<vmem_shared>> -> memref<200x112xf32, #tpu.memory_space<vmem_shared>>
        %dma_wait3A_82 = arith.constant 0 : i32
        %dma_wait3A_83 = tpu.memref_slice %arg13[%mul3A_77, %dma_wait3A_82] : memref<10000x112xf32, #tpu.memory_space<vmem_shared>> -> memref<200x112xf32, #tpu.memory_space<vmem_shared>>
        tpu.wait_dma2 semaphore(%run_scoped3A : memref<!tpu.dma_semaphore, #tpu.memory_space<semaphore_mem>>) src(%arg12 : memref<200x112xf32, #tpu.memory_space<vmem>>) dst(%dma_wait3A_83 : memref<200x112xf32, #tpu.memory_space<vmem_shared>>)
        tpu.yield
      }) : () -> ()
    } else {
    }
    %add3A_33 = arith.constant 48 : i32
    %add3A_34 = arith.addi %arg1, %add3A_33 : i32
    %lt3A_35 = arith.constant 50 : i32
    %lt3A_36 = arith.cmpi slt, %add3A_34, %lt3A_35 : i32
    %convert_element_type3A_37 = arith.extui %lt3A_36 : i1 to i32
    %cond3A_38 = arith.constant 0 : i32
    %cond3A_39 = arith.cmpi ne, %convert_element_type3A_37, %cond3A_38 : i32
    scf.if %cond3A_39 {
      %mul3A_76 = arith.constant 200 : i32
      %mul3A_77 = arith.muli %add3A_34, %mul3A_76 : i32
      "tpu.region"() ({
        %run_scoped3A = tpu.sem_alloc : memref<!tpu.dma_semaphore, #tpu.memory_space<semaphore_mem>>
        %dma_start3A = arith.constant 0 : i32
        %dma_start3A_78 = tpu.memref_slice %arg13[%mul3A_77, %dma_start3A] : memref<10000x112xf32, #tpu.memory_space<vmem_shared>> -> memref<200x112xf32, #tpu.memory_space<vmem_shared>>
        %dma_start3A_79 = arith.constant 0 : i32
        %dma_start3A_80 = tpu.memref_slice %arg13[%mul3A_77, %dma_start3A_79] : memref<10000x112xf32, #tpu.memory_space<vmem_shared>> -> memref<200x112xf32, #tpu.memory_space<vmem_shared>>
        tpu.enqueue_dma source(%arg12 : memref<200x112xf32, #tpu.memory_space<vmem>>) target(%dma_start3A_80 : memref<200x112xf32, #tpu.memory_space<vmem_shared>>) target_semaphore(%run_scoped3A : memref<!tpu.dma_semaphore, #tpu.memory_space<semaphore_mem>>)
        %dma_wait3A = arith.constant 0 : i32
        %dma_wait3A_81 = tpu.memref_slice %arg13[%mul3A_77, %dma_wait3A] : memref<10000x112xf32, #tpu.memory_space<vmem_shared>> -> memref<200x112xf32, #tpu.memory_space<vmem_shared>>
        %dma_wait3A_82 = arith.constant 0 : i32
        %dma_wait3A_83 = tpu.memref_slice %arg13[%mul3A_77, %dma_wait3A_82] : memref<10000x112xf32, #tpu.memory_space<vmem_shared>> -> memref<200x112xf32, #tpu.memory_space<vmem_shared>>
        tpu.wait_dma2 semaphore(%run_scoped3A : memref<!tpu.dma_semaphore, #tpu.memory_space<semaphore_mem>>) src(%arg12 : memref<200x112xf32, #tpu.memory_space<vmem>>) dst(%dma_wait3A_83 : memref<200x112xf32, #tpu.memory_space<vmem_shared>>)
        tpu.yield
      }) : () -> ()
    } else {
    }
    %barrier3A = arith.constant 0 : index
    tpu.barrier barrier_id(%barrier3A)
    %scan3A_40 = arith.constant 0 : i32
    %scan3A_41 = arith.constant 0 : i32
    %scan3A_42 = arith.constant 79 : i32
    %scan3A_43 = arith.addi %scan3A_41, %scan3A_42 : i32
    %scan3A_44 = arith.constant 1 : i32
    %scan3A_45 = scf.for %scan3A_76 = %scan3A_41 to %scan3A_43 step %scan3A_44 iter_args(%scan3A_77 = %scan3A_40) -> (i32)  : i32 {
      %mul3A_78 = arith.constant 10112 : i32
      %mul3A_79 = arith.muli %add3A, %mul3A_78 : i32
      %mul3A_80 = arith.constant 128 : i32
      %mul3A_81 = arith.muli %scan3A_76, %mul3A_80 : i32
      %add3A_82 = arith.addi %mul3A_79, %mul3A_81 : i32
      "tpu.region"() ({
        %run_scoped3A = tpu.sem_alloc : memref<!tpu.dma_semaphore, #tpu.memory_space<semaphore_mem>>
        %dma_start3A_97 = tpu.memref_slice %arg3[%add3A_82] : memref<323584xi32, #tpu.memory_space<hbm>> -> memref<128xi32, #tpu.memory_space<hbm>>
        %dma_start3A_98 = tpu.memref_slice %arg3[%add3A_82] : memref<323584xi32, #tpu.memory_space<hbm>> -> memref<128xi32, #tpu.memory_space<hbm>>
        tpu.enqueue_dma source(%dma_start3A_98 : memref<128xi32, #tpu.memory_space<hbm>>) target(%arg7 : memref<128xi32, #tpu.memory_space<vmem>>) target_semaphore(%run_scoped3A : memref<!tpu.dma_semaphore, #tpu.memory_space<semaphore_mem>>)
        %dma_wait3A_99 = tpu.memref_slice %arg3[%add3A_82] : memref<323584xi32, #tpu.memory_space<hbm>> -> memref<128xi32, #tpu.memory_space<hbm>>
        %dma_wait3A_100 = tpu.memref_slice %arg3[%add3A_82] : memref<323584xi32, #tpu.memory_space<hbm>> -> memref<128xi32, #tpu.memory_space<hbm>>
        tpu.wait_dma2 semaphore(%run_scoped3A : memref<!tpu.dma_semaphore, #tpu.memory_space<semaphore_mem>>) src(%dma_wait3A_100 : memref<128xi32, #tpu.memory_space<hbm>>) dst(%arg7 : memref<128xi32, #tpu.memory_space<vmem>>)
        tpu.yield
      }) : () -> ()
      "tpu.region"() ({
        %run_scoped3A = tpu.sem_alloc : memref<!tpu.dma_semaphore, #tpu.memory_space<semaphore_mem>>
        %dma_start3A_97 = tpu.memref_slice %arg4[%add3A_82] : memref<323584xi32, #tpu.memory_space<hbm>> -> memref<128xi32, #tpu.memory_space<hbm>>
        %dma_start3A_98 = tpu.memref_slice %arg4[%add3A_82] : memref<323584xi32, #tpu.memory_space<hbm>> -> memref<128xi32, #tpu.memory_space<hbm>>
        tpu.enqueue_dma source(%dma_start3A_98 : memref<128xi32, #tpu.memory_space<hbm>>) target(%arg8 : memref<128xi32, #tpu.memory_space<vmem>>) target_semaphore(%run_scoped3A : memref<!tpu.dma_semaphore, #tpu.memory_space<semaphore_mem>>)
        %dma_wait3A_99 = tpu.memref_slice %arg4[%add3A_82] : memref<323584xi32, #tpu.memory_space<hbm>> -> memref<128xi32, #tpu.memory_space<hbm>>
        %dma_wait3A_100 = tpu.memref_slice %arg4[%add3A_82] : memref<323584xi32, #tpu.memory_space<hbm>> -> memref<128xi32, #tpu.memory_space<hbm>>
        tpu.wait_dma2 semaphore(%run_scoped3A : memref<!tpu.dma_semaphore, #tpu.memory_space<semaphore_mem>>) src(%dma_wait3A_100 : memref<128xi32, #tpu.memory_space<hbm>>) dst(%arg8 : memref<128xi32, #tpu.memory_space<vmem>>)
        tpu.yield
      }) : () -> ()
      %mul3A_83 = arith.constant 16 : i32
      %mul3A_84 = arith.muli %add3A_82, %mul3A_83 : i32
      "tpu.region"() ({
        %run_scoped3A = tpu.sem_alloc : memref<!tpu.dma_semaphore, #tpu.memory_space<semaphore_mem>>
        %dma_start3A_97 = tpu.memref_slice %arg5[%mul3A_84] : memref<5177344xf32, #tpu.memory_space<hbm>> -> memref<2048xf32, #tpu.memory_space<hbm>>
        %dma_start3A_98 = tpu.memref_slice %arg5[%mul3A_84] : memref<5177344xf32, #tpu.memory_space<hbm>> -> memref<2048xf32, #tpu.memory_space<hbm>>
        tpu.enqueue_dma source(%dma_start3A_98 : memref<2048xf32, #tpu.memory_space<hbm>>) target(%arg9 : memref<2048xf32, #tpu.memory_space<vmem>>) target_semaphore(%run_scoped3A : memref<!tpu.dma_semaphore, #tpu.memory_space<semaphore_mem>>)
        %dma_wait3A_99 = tpu.memref_slice %arg5[%mul3A_84] : memref<5177344xf32, #tpu.memory_space<hbm>> -> memref<2048xf32, #tpu.memory_space<hbm>>
        %dma_wait3A_100 = tpu.memref_slice %arg5[%mul3A_84] : memref<5177344xf32, #tpu.memory_space<hbm>> -> memref<2048xf32, #tpu.memory_space<hbm>>
        tpu.wait_dma2 semaphore(%run_scoped3A : memref<!tpu.dma_semaphore, #tpu.memory_space<semaphore_mem>>) src(%dma_wait3A_100 : memref<2048xf32, #tpu.memory_space<hbm>>) dst(%arg9 : memref<2048xf32, #tpu.memory_space<vmem>>)
        tpu.yield
      }) : () -> ()
      %dma_start3A = arith.constant 0 : i32
      %dma_start3A_85 = arith.constant 0 : i32
      %dma_start3A_86 = tpu.memref_slice %arg2[%dma_start3A, %dma_start3A_85] : memref<10000x128xf32, #tpu.memory_space<hbm>> -> memref<10000x128xf32, #tpu.memory_space<hbm>>
      tpu.enqueue_indirect_dma source(%dma_start3A_86 : memref<10000x128xf32, #tpu.memory_space<hbm>>) target(%arg10 : memref<128x128xf32, #tpu.memory_space<vmem>>) offsets(%arg7 : memref<128xi32, #tpu.memory_space<vmem>>) semaphore(%arg14 : memref<!tpu.dma_semaphore, #tpu.memory_space<semaphore_mem>>)
      %dma_wait3A = arith.constant 0 : i32
      %dma_wait3A_87 = arith.constant 0 : i32
      %dma_wait3A_88 = tpu.memref_slice %arg2[%dma_wait3A, %dma_wait3A_87] : memref<10000x128xf32, #tpu.memory_space<hbm>> -> memref<10000x128xf32, #tpu.memory_space<hbm>>
      tpu.wait_indirect_dma semaphore(%arg14 : memref<!tpu.dma_semaphore, #tpu.memory_space<semaphore_mem>>) src(%dma_wait3A_88 : memref<10000x128xf32, #tpu.memory_space<hbm>>) dst(%arg10 : memref<128x128xf32, #tpu.memory_space<vmem>>)
      %scan3A_89 = arith.constant 0 : i32
      %scan3A_90 = arith.constant 0 : i32
      %scan3A_91 = arith.constant 128 : i32
      %scan3A_92 = arith.addi %scan3A_90, %scan3A_91 : i32
      %scan3A_93 = arith.constant 1 : i32
      %scan3A_94 = scf.for %scan3A_97 = %scan3A_90 to %scan3A_92 step %scan3A_93 iter_args(%scan3A_98 = %scan3A_89) -> (i32)  : i32 {
        %mul3A_99 = arith.constant 16 : i32
        %mul3A_100 = arith.muli %scan3A_97, %mul3A_99 : i32
        %get3A = arith.index_cast %mul3A_100 : i32 to index
        %get3A_101 = tpu.vector_load %arg9[%get3A] {strides = array<i32>} : memref<2048xf32, #tpu.memory_space<vmem>>, vector<16xf32>,
        %broadcast_in_dim3A_102 = vector.broadcast %scan3A_97 : i32 to vector<16xi32>
        %broadcast_in_dim3A_103 = arith.constant 0 : i32
        %broadcast_in_dim3A_104 = vector.broadcast %broadcast_in_dim3A_103 : i32 to vector<16x1xi32>
        %gather3A = vector.shape_cast %broadcast_in_dim3A_104 : vector<16x1xi32> to vector<16xi32>
        %gather3A_105 = tpu.dynamic_gather %get3A_101[%gather3A] in [0] : vector<16xf32>, vector<16xi32> -> vector<16xf32>
        %add3A_106 = arith.constant 0 : i32
        %add3A_107 = vector.broadcast %add3A_106 : i32 to vector<16xi32>
        %add3A_108 = arith.addi %iota3A, %add3A_107 : vector<16xi32>
        %gather3A_109 = tpu.vector_load_idx %arg10[%broadcast_in_dim3A_102, %add3A_108] : memref<128x128xf32, #tpu.memory_space<vmem>>[vector<16xi32>, vector<16xi32>], vector<16xf32>,
        %add3A_110 = arith.constant 0 : i32
        %add3A_111 = vector.broadcast %add3A_110 : i32 to vector<16xi32>
        %add3A_112 = arith.addi %iota3A, %add3A_111 : vector<16xi32>
        %mul3A_113 = arith.mulf %gather3A_105, %gather3A_109 : vector<16xf32>
        tpu.vector_store_idx %arg11[%broadcast_in_dim3A_102, %add3A_112], %mul3A_113 : memref<128x112xf32, #tpu.memory_space<vmem>>[vector<16xi32>, vector<16xi32>], vector<16xf32>,
        %broadcast_in_dim3A_114 = arith.constant 1 : i32
        %broadcast_in_dim3A_115 = vector.broadcast %broadcast_in_dim3A_114 : i32 to vector<16x1xi32>
        %gather3A_116 = vector.shape_cast %broadcast_in_dim3A_115 : vector<16x1xi32> to vector<16xi32>
        %gather3A_117 = tpu.dynamic_gather %get3A_101[%gather3A_116] in [0] : vector<16xf32>, vector<16xi32> -> vector<16xf32>
        %add3A_118 = arith.constant 16 : i32
        %add3A_119 = vector.broadcast %add3A_118 : i32 to vector<16xi32>
        %add3A_120 = arith.addi %iota3A, %add3A_119 : vector<16xi32>
        %gather3A_121 = tpu.vector_load_idx %arg10[%broadcast_in_dim3A_102, %add3A_120] : memref<128x128xf32, #tpu.memory_space<vmem>>[vector<16xi32>, vector<16xi32>], vector<16xf32>,
        %add3A_122 = arith.constant 16 : i32
        %add3A_123 = vector.broadcast %add3A_122 : i32 to vector<16xi32>
        %add3A_124 = arith.addi %iota3A, %add3A_123 : vector<16xi32>
        %mul3A_125 = arith.mulf %gather3A_117, %gather3A_121 : vector<16xf32>
        tpu.vector_store_idx %arg11[%broadcast_in_dim3A_102, %add3A_124], %mul3A_125 : memref<128x112xf32, #tpu.memory_space<vmem>>[vector<16xi32>, vector<16xi32>], vector<16xf32>,
        %broadcast_in_dim3A_126 = arith.constant 2 : i32
        %broadcast_in_dim3A_127 = vector.broadcast %broadcast_in_dim3A_126 : i32 to vector<16x1xi32>
        %gather3A_128 = vector.shape_cast %broadcast_in_dim3A_127 : vector<16x1xi32> to vector<16xi32>
        %gather3A_129 = tpu.dynamic_gather %get3A_101[%gather3A_128] in [0] : vector<16xf32>, vector<16xi32> -> vector<16xf32>
        %add3A_130 = arith.constant 32 : i32
        %add3A_131 = vector.broadcast %add3A_130 : i32 to vector<16xi32>
        %add3A_132 = arith.addi %iota3A, %add3A_131 : vector<16xi32>
        %gather3A_133 = tpu.vector_load_idx %arg10[%broadcast_in_dim3A_102, %add3A_132] : memref<128x128xf32, #tpu.memory_space<vmem>>[vector<16xi32>, vector<16xi32>], vector<16xf32>,
        %add3A_134 = arith.constant 32 : i32
        %add3A_135 = vector.broadcast %add3A_134 : i32 to vector<16xi32>
        %add3A_136 = arith.addi %iota3A, %add3A_135 : vector<16xi32>
        %mul3A_137 = arith.mulf %gather3A_129, %gather3A_133 : vector<16xf32>
        tpu.vector_store_idx %arg11[%broadcast_in_dim3A_102, %add3A_136], %mul3A_137 : memref<128x112xf32, #tpu.memory_space<vmem>>[vector<16xi32>, vector<16xi32>], vector<16xf32>,
        %broadcast_in_dim3A_138 = arith.constant 3 : i32
        %broadcast_in_dim3A_139 = vector.broadcast %broadcast_in_dim3A_138 : i32 to vector<16x1xi32>
        %gather3A_140 = vector.shape_cast %broadcast_in_dim3A_139 : vector<16x1xi32> to vector<16xi32>
        %gather3A_141 = tpu.dynamic_gather %get3A_101[%gather3A_140] in [0] : vector<16xf32>, vector<16xi32> -> vector<16xf32>
        %add3A_142 = arith.constant 48 : i32
        %add3A_143 = vector.broadcast %add3A_142 : i32 to vector<16xi32>
        %add3A_144 = arith.addi %iota3A, %add3A_143 : vector<16xi32>
        %gather3A_145 = tpu.vector_load_idx %arg10[%broadcast_in_dim3A_102, %add3A_144] : memref<128x128xf32, #tpu.memory_space<vmem>>[vector<16xi32>, vector<16xi32>], vector<16xf32>,
        %add3A_146 = arith.constant 48 : i32
        %add3A_147 = vector.broadcast %add3A_146 : i32 to vector<16xi32>
        %add3A_148 = arith.addi %iota3A, %add3A_147 : vector<16xi32>
        %mul3A_149 = arith.mulf %gather3A_141, %gather3A_145 : vector<16xf32>
        tpu.vector_store_idx %arg11[%broadcast_in_dim3A_102, %add3A_148], %mul3A_149 : memref<128x112xf32, #tpu.memory_space<vmem>>[vector<16xi32>, vector<16xi32>], vector<16xf32>,
        %broadcast_in_dim3A_150 = arith.constant 4 : i32
        %broadcast_in_dim3A_151 = vector.broadcast %broadcast_in_dim3A_150 : i32 to vector<16x1xi32>
        %gather3A_152 = vector.shape_cast %broadcast_in_dim3A_151 : vector<16x1xi32> to vector<16xi32>
        %gather3A_153 = tpu.dynamic_gather %get3A_101[%gather3A_152] in [0] : vector<16xf32>, vector<16xi32> -> vector<16xf32>
        %add3A_154 = arith.constant 64 : i32
        %add3A_155 = vector.broadcast %add3A_154 : i32 to vector<16xi32>
        %add3A_156 = arith.addi %iota3A, %add3A_155 : vector<16xi32>
        %gather3A_157 = tpu.vector_load_idx %arg10[%broadcast_in_dim3A_102, %add3A_156] : memref<128x128xf32, #tpu.memory_space<vmem>>[vector<16xi32>, vector<16xi32>], vector<16xf32>,
        %add3A_158 = arith.constant 64 : i32
        %add3A_159 = vector.broadcast %add3A_158 : i32 to vector<16xi32>
        %add3A_160 = arith.addi %iota3A, %add3A_159 : vector<16xi32>
        %mul3A_161 = arith.mulf %gather3A_153, %gather3A_157 : vector<16xf32>
        tpu.vector_store_idx %arg11[%broadcast_in_dim3A_102, %add3A_160], %mul3A_161 : memref<128x112xf32, #tpu.memory_space<vmem>>[vector<16xi32>, vector<16xi32>], vector<16xf32>,
        %broadcast_in_dim3A_162 = arith.constant 5 : i32
        %broadcast_in_dim3A_163 = vector.broadcast %broadcast_in_dim3A_162 : i32 to vector<16x1xi32>
        %gather3A_164 = vector.shape_cast %broadcast_in_dim3A_163 : vector<16x1xi32> to vector<16xi32>
        %gather3A_165 = tpu.dynamic_gather %get3A_101[%gather3A_164] in [0] : vector<16xf32>, vector<16xi32> -> vector<16xf32>
        %add3A_166 = arith.constant 80 : i32
        %add3A_167 = vector.broadcast %add3A_166 : i32 to vector<16xi32>
        %add3A_168 = arith.addi %iota3A, %add3A_167 : vector<16xi32>
        %gather3A_169 = tpu.vector_load_idx %arg10[%broadcast_in_dim3A_102, %add3A_168] : memref<128x128xf32, #tpu.memory_space<vmem>>[vector<16xi32>, vector<16xi32>], vector<16xf32>,
        %add3A_170 = arith.constant 80 : i32
        %add3A_171 = vector.broadcast %add3A_170 : i32 to vector<16xi32>
        %add3A_172 = arith.addi %iota3A, %add3A_171 : vector<16xi32>
        %mul3A_173 = arith.mulf %gather3A_165, %gather3A_169 : vector<16xf32>
        tpu.vector_store_idx %arg11[%broadcast_in_dim3A_102, %add3A_172], %mul3A_173 : memref<128x112xf32, #tpu.memory_space<vmem>>[vector<16xi32>, vector<16xi32>], vector<16xf32>,
        %add3A_174 = arith.constant 96 : i32
        %add3A_175 = vector.broadcast %add3A_174 : i32 to vector<16xi32>
        %add3A_176 = arith.addi %iota3A, %add3A_175 : vector<16xi32>
        %broadcast_in_dim3A_177 = arith.constant 6 : i32
        %broadcast_in_dim3A_178 = vector.broadcast %broadcast_in_dim3A_177 : i32 to vector<16x1xi32>
        %gather3A_179 = vector.shape_cast %broadcast_in_dim3A_178 : vector<16x1xi32> to vector<16xi32>
        %gather3A_180 = tpu.dynamic_gather %get3A_101[%gather3A_179] in [0] : vector<16xf32>, vector<16xi32> -> vector<16xf32>
        tpu.vector_store_idx %arg11[%broadcast_in_dim3A_102, %add3A_176], %gather3A_180 : memref<128x112xf32, #tpu.memory_space<vmem>>[vector<16xi32>, vector<16xi32>], vector<16xf32>,
        %scan3A_181 = arith.constant 0 : i32
        scf.yield %scan3A_181 : i32
      }
      %scan3A_95 = arith.constant 128 : i32
      "tpu.region"() ({
        %run_scoped3A = tpu.sem_alloc : memref<!tpu.dma_semaphore, #tpu.memory_space<semaphore_mem>>
        %dma_start3A_97 = arith.constant 0 : i32
        %dma_start3A_98 = arith.constant 0 : i32
        %dma_start3A_99 = tpu.memref_slice %arg13[%dma_start3A_97, %dma_start3A_98] : memref<10000x112xf32, #tpu.memory_space<vmem_shared>> -> memref<10000x112xf32, #tpu.memory_space<vmem_shared>>
        tpu.enqueue_indirect_dma source(%arg11 : memref<128x112xf32, #tpu.memory_space<vmem>>) target(%dma_start3A_99 : memref<10000x112xf32, #tpu.memory_space<vmem_shared>>) offsets(%arg8 : memref<128xi32, #tpu.memory_space<vmem>>) semaphore(%run_scoped3A : memref<!tpu.dma_semaphore, #tpu.memory_space<semaphore_mem>>) {add = true}
        %dma_wait3A_100 = arith.constant 0 : i32
        %dma_wait3A_101 = arith.constant 0 : i32
        %dma_wait3A_102 = tpu.memref_slice %arg13[%dma_wait3A_100, %dma_wait3A_101] : memref<10000x112xf32, #tpu.memory_space<vmem_shared>> -> memref<10000x112xf32, #tpu.memory_space<vmem_shared>>
        tpu.wait_indirect_dma semaphore(%run_scoped3A : memref<!tpu.dma_semaphore, #tpu.memory_space<semaphore_mem>>) src(%arg11 : memref<128x112xf32, #tpu.memory_space<vmem>>) dst(%dma_wait3A_102 : memref<10000x112xf32, #tpu.memory_space<vmem_shared>>)
        tpu.yield
      }) : () -> ()
      %scan3A_96 = arith.constant 0 : i32
      scf.yield %scan3A_96 : i32
    }
    %scan3A_46 = arith.constant 79 : i32
    %barrier3A_47 = arith.constant 0 : index
    tpu.barrier barrier_id(%barrier3A_47)
    %add3A_48 = arith.constant 0 : i32
    %add3A_49 = arith.addi %arg1, %add3A_48 : i32
    %lt3A_50 = arith.constant 50 : i32
    %lt3A_51 = arith.cmpi slt, %add3A_49, %lt3A_50 : i32
    %convert_element_type3A_52 = arith.extui %lt3A_51 : i1 to i32
    %cond3A_53 = arith.constant 0 : i32
    %cond3A_54 = arith.cmpi ne, %convert_element_type3A_52, %cond3A_53 : i32
    scf.if %cond3A_54 {
      %mul3A_76 = arith.constant 200 : i32
      %mul3A_77 = arith.muli %add3A_49, %mul3A_76 : i32
      "tpu.region"() ({
        %run_scoped3A = tpu.sem_alloc : memref<!tpu.dma_semaphore, #tpu.memory_space<semaphore_mem>>
        %dma_start3A = arith.constant 0 : i32
        %dma_start3A_78 = tpu.memref_slice %arg6[%arg0, %mul3A_77, %dma_start3A] : memref<2x10000x112xf32, #tpu.memory_space<hbm>> -> memref<1x200x112xf32, #tpu.memory_space<hbm>>
        %dma_start3A_79 = tpu.memref_squeeze %dma_start3A_78 : memref<1x200x112xf32, #tpu.memory_space<hbm>> -> memref<200x112xf32, #tpu.memory_space<hbm>>
        %dma_start3A_80 = arith.constant 0 : i32
        %dma_start3A_81 = tpu.memref_slice %arg13[%mul3A_77, %dma_start3A_80] : memref<10000x112xf32, #tpu.memory_space<vmem_shared>> -> memref<200x112xf32, #tpu.memory_space<vmem_shared>>
        tpu.enqueue_dma source(%dma_start3A_81 : memref<200x112xf32, #tpu.memory_space<vmem_shared>>) target(%dma_start3A_79 : memref<200x112xf32, #tpu.memory_space<hbm>>) target_semaphore(%run_scoped3A : memref<!tpu.dma_semaphore, #tpu.memory_space<semaphore_mem>>)
        %dma_wait3A = arith.constant 0 : i32
        %dma_wait3A_82 = tpu.memref_slice %arg6[%arg0, %mul3A_77, %dma_wait3A] : memref<2x10000x112xf32, #tpu.memory_space<hbm>> -> memref<1x200x112xf32, #tpu.memory_space<hbm>>
        %dma_wait3A_83 = tpu.memref_squeeze %dma_wait3A_82 : memref<1x200x112xf32, #tpu.memory_space<hbm>> -> memref<200x112xf32, #tpu.memory_space<hbm>>
        %dma_wait3A_84 = arith.constant 0 : i32
        %dma_wait3A_85 = tpu.memref_slice %arg13[%mul3A_77, %dma_wait3A_84] : memref<10000x112xf32, #tpu.memory_space<vmem_shared>> -> memref<200x112xf32, #tpu.memory_space<vmem_shared>>
        tpu.wait_dma2 semaphore(%run_scoped3A : memref<!tpu.dma_semaphore, #tpu.memory_space<semaphore_mem>>) src(%dma_wait3A_85 : memref<200x112xf32, #tpu.memory_space<vmem_shared>>) dst(%dma_wait3A_83 : memref<200x112xf32, #tpu.memory_space<hbm>>)
        tpu.yield
      }) : () -> ()
    } else {
    }
    %add3A_55 = arith.constant 16 : i32
    %add3A_56 = arith.addi %arg1, %add3A_55 : i32
    %lt3A_57 = arith.constant 50 : i32
    %lt3A_58 = arith.cmpi slt, %add3A_56, %lt3A_57 : i32
    %convert_element_type3A_59 = arith.extui %lt3A_58 : i1 to i32
    %cond3A_60 = arith.constant 0 : i32
    %cond3A_61 = arith.cmpi ne, %convert_element_type3A_59, %cond3A_60 : i32
    scf.if %cond3A_61 {
      %mul3A_76 = arith.constant 200 : i32
      %mul3A_77 = arith.muli %add3A_56, %mul3A_76 : i32
      "tpu.region"() ({
        %run_scoped3A = tpu.sem_alloc : memref<!tpu.dma_semaphore, #tpu.memory_space<semaphore_mem>>
        %dma_start3A = arith.constant 0 : i32
        %dma_start3A_78 = tpu.memref_slice %arg6[%arg0, %mul3A_77, %dma_start3A] : memref<2x10000x112xf32, #tpu.memory_space<hbm>> -> memref<1x200x112xf32, #tpu.memory_space<hbm>>
        %dma_start3A_79 = tpu.memref_squeeze %dma_start3A_78 : memref<1x200x112xf32, #tpu.memory_space<hbm>> -> memref<200x112xf32, #tpu.memory_space<hbm>>
        %dma_start3A_80 = arith.constant 0 : i32
        %dma_start3A_81 = tpu.memref_slice %arg13[%mul3A_77, %dma_start3A_80] : memref<10000x112xf32, #tpu.memory_space<vmem_shared>> -> memref<200x112xf32, #tpu.memory_space<vmem_shared>>
        tpu.enqueue_dma source(%dma_start3A_81 : memref<200x112xf32, #tpu.memory_space<vmem_shared>>) target(%dma_start3A_79 : memref<200x112xf32, #tpu.memory_space<hbm>>) target_semaphore(%run_scoped3A : memref<!tpu.dma_semaphore, #tpu.memory_space<semaphore_mem>>)
        %dma_wait3A = arith.constant 0 : i32
        %dma_wait3A_82 = tpu.memref_slice %arg6[%arg0, %mul3A_77, %dma_wait3A] : memref<2x10000x112xf32, #tpu.memory_space<hbm>> -> memref<1x200x112xf32, #tpu.memory_space<hbm>>
        %dma_wait3A_83 = tpu.memref_squeeze %dma_wait3A_82 : memref<1x200x112xf32, #tpu.memory_space<hbm>> -> memref<200x112xf32, #tpu.memory_space<hbm>>
        %dma_wait3A_84 = arith.constant 0 : i32
        %dma_wait3A_85 = tpu.memref_slice %arg13[%mul3A_77, %dma_wait3A_84] : memref<10000x112xf32, #tpu.memory_space<vmem_shared>> -> memref<200x112xf32, #tpu.memory_space<vmem_shared>>
        tpu.wait_dma2 semaphore(%run_scoped3A : memref<!tpu.dma_semaphore, #tpu.memory_space<semaphore_mem>>) src(%dma_wait3A_85 : memref<200x112xf32, #tpu.memory_space<vmem_shared>>) dst(%dma_wait3A_83 : memref<200x112xf32, #tpu.memory_space<hbm>>)
        tpu.yield
      }) : () -> ()
    } else {
    }
    %add3A_62 = arith.constant 32 : i32
    %add3A_63 = arith.addi %arg1, %add3A_62 : i32
    %lt3A_64 = arith.constant 50 : i32
    %lt3A_65 = arith.cmpi slt, %add3A_63, %lt3A_64 : i32
    %convert_element_type3A_66 = arith.extui %lt3A_65 : i1 to i32
    %cond3A_67 = arith.constant 0 : i32
    %cond3A_68 = arith.cmpi ne, %convert_element_type3A_66, %cond3A_67 : i32
    scf.if %cond3A_68 {
      %mul3A_76 = arith.constant 200 : i32
      %mul3A_77 = arith.muli %add3A_63, %mul3A_76 : i32
      "tpu.region"() ({
        %run_scoped3A = tpu.sem_alloc : memref<!tpu.dma_semaphore, #tpu.memory_space<semaphore_mem>>
        %dma_start3A = arith.constant 0 : i32
        %dma_start3A_78 = tpu.memref_slice %arg6[%arg0, %mul3A_77, %dma_start3A] : memref<2x10000x112xf32, #tpu.memory_space<hbm>> -> memref<1x200x112xf32, #tpu.memory_space<hbm>>
        %dma_start3A_79 = tpu.memref_squeeze %dma_start3A_78 : memref<1x200x112xf32, #tpu.memory_space<hbm>> -> memref<200x112xf32, #tpu.memory_space<hbm>>
        %dma_start3A_80 = arith.constant 0 : i32
        %dma_start3A_81 = tpu.memref_slice %arg13[%mul3A_77, %dma_start3A_80] : memref<10000x112xf32, #tpu.memory_space<vmem_shared>> -> memref<200x112xf32, #tpu.memory_space<vmem_shared>>
        tpu.enqueue_dma source(%dma_start3A_81 : memref<200x112xf32, #tpu.memory_space<vmem_shared>>) target(%dma_start3A_79 : memref<200x112xf32, #tpu.memory_space<hbm>>) target_semaphore(%run_scoped3A : memref<!tpu.dma_semaphore, #tpu.memory_space<semaphore_mem>>)
        %dma_wait3A = arith.constant 0 : i32
        %dma_wait3A_82 = tpu.memref_slice %arg6[%arg0, %mul3A_77, %dma_wait3A] : memref<2x10000x112xf32, #tpu.memory_space<hbm>> -> memref<1x200x112xf32, #tpu.memory_space<hbm>>
        %dma_wait3A_83 = tpu.memref_squeeze %dma_wait3A_82 : memref<1x200x112xf32, #tpu.memory_space<hbm>> -> memref<200x112xf32, #tpu.memory_space<hbm>>
        %dma_wait3A_84 = arith.constant 0 : i32
        %dma_wait3A_85 = tpu.memref_slice %arg13[%mul3A_77, %dma_wait3A_84] : memref<10000x112xf32, #tpu.memory_space<vmem_shared>> -> memref<200x112xf32, #tpu.memory_space<vmem_shared>>
        tpu.wait_dma2 semaphore(%run_scoped3A : memref<!tpu.dma_semaphore, #tpu.memory_space<semaphore_mem>>) src(%dma_wait3A_85 : memref<200x112xf32, #tpu.memory_space<vmem_shared>>) dst(%dma_wait3A_83 : memref<200x112xf32, #tpu.memory_space<hbm>>)
        tpu.yield
      }) : () -> ()
    } else {
    }
    %add3A_69 = arith.constant 48 : i32
    %add3A_70 = arith.addi %arg1, %add3A_69 : i32
    %lt3A_71 = arith.constant 50 : i32
    %lt3A_72 = arith.cmpi slt, %add3A_70, %lt3A_71 : i32
    %convert_element_type3A_73 = arith.extui %lt3A_72 : i1 to i32
    %cond3A_74 = arith.constant 0 : i32
    %cond3A_75 = arith.cmpi ne, %convert_element_type3A_73, %cond3A_74 : i32
    scf.if %cond3A_75 {
      %mul3A_76 = arith.constant 200 : i32
      %mul3A_77 = arith.muli %add3A_70, %mul3A_76 : i32
      "tpu.region"() ({
        %run_scoped3A = tpu.sem_alloc : memref<!tpu.dma_semaphore, #tpu.memory_space<semaphore_mem>>
        %dma_start3A = arith.constant 0 : i32
        %dma_start3A_78 = tpu.memref_slice %arg6[%arg0, %mul3A_77, %dma_start3A] : memref<2x10000x112xf32, #tpu.memory_space<hbm>> -> memref<1x200x112xf32, #tpu.memory_space<hbm>>
        %dma_start3A_79 = tpu.memref_squeeze %dma_start3A_78 : memref<1x200x112xf32, #tpu.memory_space<hbm>> -> memref<200x112xf32, #tpu.memory_space<hbm>>
        %dma_start3A_80 = arith.constant 0 : i32
        %dma_start3A_81 = tpu.memref_slice %arg13[%mul3A_77, %dma_start3A_80] : memref<10000x112xf32, #tpu.memory_space<vmem_shared>> -> memref<200x112xf32, #tpu.memory_space<vmem_shared>>
        tpu.enqueue_dma source(%dma_start3A_81 : memref<200x112xf32, #tpu.memory_space<vmem_shared>>) target(%dma_start3A_79 : memref<200x112xf32, #tpu.memory_space<hbm>>) target_semaphore(%run_scoped3A : memref<!tpu.dma_semaphore, #tpu.memory_space<semaphore_mem>>)
        %dma_wait3A = arith.constant 0 : i32
        %dma_wait3A_82 = tpu.memref_slice %arg6[%arg0, %mul3A_77, %dma_wait3A] : memref<2x10000x112xf32, #tpu.memory_space<hbm>> -> memref<1x200x112xf32, #tpu.memory_space<hbm>>
        %dma_wait3A_83 = tpu.memref_squeeze %dma_wait3A_82 : memref<1x200x112xf32, #tpu.memory_space<hbm>> -> memref<200x112xf32, #tpu.memory_space<hbm>>
        %dma_wait3A_84 = arith.constant 0 : i32
        %dma_wait3A_85 = tpu.memref_slice %arg13[%mul3A_77, %dma_wait3A_84] : memref<10000x112xf32, #tpu.memory_space<vmem_shared>> -> memref<200x112xf32, #tpu.memory_space<vmem_shared>>
        tpu.wait_dma2 semaphore(%run_scoped3A : memref<!tpu.dma_semaphore, #tpu.memory_space<semaphore_mem>>) src(%dma_wait3A_85 : memref<200x112xf32, #tpu.memory_space<vmem_shared>>) dst(%dma_wait3A_83 : memref<200x112xf32, #tpu.memory_space<hbm>>)
        tpu.yield
      }) : () -> ()
    } else {
    }
    return
  }
}

#map = affine_map<(d0, d1) -> (0, 0)>
#map1 = affine_map<(d0, d1) -> (0)>
#map2 = affine_map<(d0, d1) -> (0, 0, 0)>
module attributes {stable_mosaic.version = 14 : i64} {
  func.func @k(%arg0: i32, %arg1: i32, %arg2: memref<10000x128xf32, #tpu.memory_space<hbm>>, %arg3: memref<323584xi32, #tpu.memory_space<hbm>>, %arg4: memref<323584xi32, #tpu.memory_space<hbm>>, %arg5: memref<5177344xf32, #tpu.memory_space<hbm>>, %arg6: memref<2x10000x112xf32, #tpu.memory_space<hbm>>, %arg7: memref<128xi32, #tpu.memory_space<vmem>>, %arg8: memref<128xi32, #tpu.memory_space<vmem>>, %arg9: memref<2048xf32, #tpu.memory_space<vmem>>, %arg10: memref<128x128xf32, #tpu.memory_space<vmem>>, %arg11: memref<128x112xf32, #tpu.memory_space<vmem>>, %arg12: memref<200x112xf32, #tpu.memory_space<vmem>>, %arg13: memref<10000x112xf32, #tpu.memory_space<vmem_shared>>, %arg14: memref<!tpu.dma_semaphore, #tpu.memory_space<semaphore_mem>>) attributes {dimension_semantics = [#tpu.dimension_semantics<core_parallel>, #tpu.dimension_semantics<subcore_parallel>], iteration_bounds = array<i64: 2, 16>, scalar_prefetch = 0 : i64, scratch_operands = 8 : i64, tpu.core_type = #tpu.core_type<sc_vector_subcore>, window_params = [{transform_indices = #map}, {transform_indices = #map1}, {transform_indices = #map1}, {transform_indices = #map1}, {transform_indices = #map2}]} {
    %mul3A = arith.constant 2 : i32
    %mul3A_0 = arith.muli %arg1, %mul3A : i32
    %add3A = arith.addi %mul3A_0, %arg0 : i32
    %iota3A = tpu.iota {dimensions = array<i32: 0>} : vector<16xi32>
    %broadcast_in_dim3A = arith.constant 0.000000e+00 : f32
    %broadcast_in_dim3A_1 = vector.broadcast %broadcast_in_dim3A : f32 to vector<16xf32>
    %scan3A = arith.constant 0 : i32
    %scan3A_2 = arith.constant 0 : i32
    %scan3A_3 = arith.constant 200 : i32
    %scan3A_4 = arith.addi %scan3A_2, %scan3A_3 : i32
    %scan3A_5 = arith.constant 1 : i32
    %scan3A_6 = scf.for %scan3A_76 = %scan3A_2 to %scan3A_4 step %scan3A_5 iter_args(%scan3A_77 = %scan3A) -> (i32)  : i32 {
      %broadcast_in_dim3A_78 = vector.broadcast %scan3A_76 : i32 to vector<16xi32>
      %add3A_79 = arith.constant 0 : i32
      %add3A_80 = vector.broadcast %add3A_79 : i32 to vector<16xi32>
      %add3A_81 = arith.addi %iota3A, %add3A_80 : vector<16xi32>
      tpu.vector_store_idx %arg12[%broadcast_in_dim3A_78, %add3A_81], %broadcast_in_dim3A_1 : memref<200x112xf32, #tpu.memory_space<vmem>>[vector<16xi32>, vector<16xi32>], vector<16xf32>,
      %add3A_82 = arith.constant 16 : i32
      %add3A_83 = vector.broadcast %add3A_82 : i32 to vector<16xi32>
      %add3A_84 = arith.addi %iota3A, %add3A_83 : vector<16xi32>
      tpu.vector_store_idx %arg12[%broadcast_in_dim3A_78, %add3A_84], %broadcast_in_dim3A_1 : memref<200x112xf32, #tpu.memory_space<vmem>>[vector<16xi32>, vector<16xi32>], vector<16xf32>,
      %add3A_85 = arith.constant 32 : i32
      %add3A_86 = vector.broadcast %add3A_85 : i32 to vector<16xi32>
      %add3A_87 = arith.addi %iota3A, %add3A_86 : vector<16xi32>
      tpu.vector_store_idx %arg12[%broadcast_in_dim3A_78, %add3A_87], %broadcast_in_dim3A_1 : memref<200x112xf32, #tpu.memory_space<vmem>>[vector<16xi32>, vector<16xi32>], vector<16xf32>,
      %add3A_88 = arith.constant 48 : i32
      %add3A_89 = vector.broadcast %add3A_88 : i32 to vector<16xi32>
      %add3A_90 = arith.addi %iota3A, %add3A_89 : vector<16xi32>
      tpu.vector_store_idx %arg12[%broadcast_in_dim3A_78, %add3A_90], %broadcast_in_dim3A_1 : memref<200x112xf32, #tpu.memory_space<vmem>>[vector<16xi32>, vector<16xi32>], vector<16xf32>,
      %add3A_91 = arith.constant 64 : i32
      %add3A_92 = vector.broadcast %add3A_91 : i32 to vector<16xi32>
      %add3A_93 = arith.addi %iota3A, %add3A_92 : vector<16xi32>
      tpu.vector_store_idx %arg12[%broadcast_in_dim3A_78, %add3A_93], %broadcast_in_dim3A_1 : memref<200x112xf32, #tpu.memory_space<vmem>>[vector<16xi32>, vector<16xi32>], vector<16xf32>,
      %add3A_94 = arith.constant 80 : i32
      %add3A_95 = vector.broadcast %add3A_94 : i32 to vector<16xi32>
      %add3A_96 = arith.addi %iota3A, %add3A_95 : vector<16xi32>
      tpu.vector_store_idx %arg12[%broadcast_in_dim3A_78, %add3A_96], %broadcast_in_dim3A_1 : memref<200x112xf32, #tpu.memory_space<vmem>>[vector<16xi32>, vector<16xi32>], vector<16xf32>,
      %add3A_97 = arith.constant 96 : i32
      %add3A_98 = vector.broadcast %add3A_97 : i32 to vector<16xi32>
      %add3A_99 = arith.addi %iota3A, %add3A_98 : vector<16xi32>
      tpu.vector_store_idx %arg12[%broadcast_in_dim3A_78, %add3A_99], %broadcast_in_dim3A_1 : memref<200x112xf32, #tpu.memory_space<vmem>>[vector<16xi32>, vector<16xi32>], vector<16xf32>,
      %scan3A_100 = arith.constant 0 : i32
      scf.yield %scan3A_100 : i32
    }
    %scan3A_7 = arith.constant 200 : i32
    %scan3A_8 = arith.constant 0 : i32
    %scan3A_9 = arith.constant 0 : i32
    %scan3A_10 = arith.constant 128 : i32
    %scan3A_11 = arith.addi %scan3A_9, %scan3A_10 : i32
    %scan3A_12 = arith.constant 1 : i32
    %scan3A_13 = scf.for %scan3A_76 = %scan3A_9 to %scan3A_11 step %scan3A_12 iter_args(%scan3A_77 = %scan3A_8) -> (i32)  : i32 {
      %broadcast_in_dim3A_78 = vector.broadcast %scan3A_76 : i32 to vector<16xi32>
      %add3A_79 = arith.constant 96 : i32
      %add3A_80 = vector.broadcast %add3A_79 : i32 to vector<16xi32>
      %add3A_81 = arith.addi %iota3A, %add3A_80 : vector<16xi32>
      tpu.vector_store_idx %arg11[%broadcast_in_dim3A_78, %add3A_81], %broadcast_in_dim3A_1 : memref<128x112xf32, #tpu.memory_space<vmem>>[vector<16xi32>, vector<16xi32>], vector<16xf32>,
      %scan3A_82 = arith.constant 0 : i32
      scf.yield %scan3A_82 : i32
    }
    %scan3A_14 = arith.constant 128 : i32
    %add3A_15 = arith.constant 0 : i32
    %add3A_16 = arith.addi %arg1, %add3A_15 : i32
    %lt3A = arith.constant 50 : i32
    %lt3A_17 = arith.cmpi slt, %add3A_16, %lt3A : i32
    %convert_element_type3A = arith.extui %lt3A_17 : i1 to i32
    %cond3A = arith.constant 0 : i32
    %cond3A_18 = arith.cmpi ne, %convert_element_type3A, %cond3A : i32
    scf.if %cond3A_18 {
      %mul3A_76 = arith.constant 200 : i32
      %mul3A_77 = arith.muli %add3A_16, %mul3A_76 : i32
      "tpu.region"() ({
        %run_scoped3A = tpu.sem_alloc : memref<!tpu.dma_semaphore, #tpu.memory_space<semaphore_mem>>
        %dma_start3A = arith.constant 0 : i32
        %dma_start3A_78 = tpu.memref_slice %arg13[%mul3A_77, %dma_start3A] : memref<10000x112xf32, #tpu.memory_space<vmem_shared>> -> memref<200x112xf32, #tpu.memory_space<vmem_shared>>
        %dma_start3A_79 = arith.constant 0 : i32
        %dma_start3A_80 = tpu.memref_slice %arg13[%mul3A_77, %dma_start3A_79] : memref<10000x112xf32, #tpu.memory_space<vmem_shared>> -> memref<200x112xf32, #tpu.memory_space<vmem_shared>>
        tpu.enqueue_dma source(%arg12 : memref<200x112xf32, #tpu.memory_space<vmem>>) target(%dma_start3A_80 : memref<200x112xf32, #tpu.memory_space<vmem_shared>>) target_semaphore(%run_scoped3A : memref<!tpu.dma_semaphore, #tpu.memory_space<semaphore_mem>>)
        %dma_wait3A = arith.constant 0 : i32
        %dma_wait3A_81 = tpu.memref_slice %arg13[%mul3A_77, %dma_wait3A] : memref<10000x112xf32, #tpu.memory_space<vmem_shared>> -> memref<200x112xf32, #tpu.memory_space<vmem_shared>>
        %dma_wait3A_82 = arith.constant 0 : i32
        %dma_wait3A_83 = tpu.memref_slice %arg13[%mul3A_77, %dma_wait3A_82] : memref<10000x112xf32, #tpu.memory_space<vmem_shared>> -> memref<200x112xf32, #tpu.memory_space<vmem_shared>>
        tpu.wait_dma2 semaphore(%run_scoped3A : memref<!tpu.dma_semaphore, #tpu.memory_space<semaphore_mem>>) src(%arg12 : memref<200x112xf32, #tpu.memory_space<vmem>>) dst(%dma_wait3A_83 : memref<200x112xf32, #tpu.memory_space<vmem_shared>>)
        tpu.yield
      }) : () -> ()
    } else {
    }
    %add3A_19 = arith.constant 16 : i32
    %add3A_20 = arith.addi %arg1, %add3A_19 : i32
    %lt3A_21 = arith.constant 50 : i32
    %lt3A_22 = arith.cmpi slt, %add3A_20, %lt3A_21 : i32
    %convert_element_type3A_23 = arith.extui %lt3A_22 : i1 to i32
    %cond3A_24 = arith.constant 0 : i32
    %cond3A_25 = arith.cmpi ne, %convert_element_type3A_23, %cond3A_24 : i32
    scf.if %cond3A_25 {
      %mul3A_76 = arith.constant 200 : i32
      %mul3A_77 = arith.muli %add3A_20, %mul3A_76 : i32
      "tpu.region"() ({
        %run_scoped3A = tpu.sem_alloc : memref<!tpu.dma_semaphore, #tpu.memory_space<semaphore_mem>>
        %dma_start3A = arith.constant 0 : i32
        %dma_start3A_78 = tpu.memref_slice %arg13[%mul3A_77, %dma_start3A] : memref<10000x112xf32, #tpu.memory_space<vmem_shared>> -> memref<200x112xf32, #tpu.memory_space<vmem_shared>>
        %dma_start3A_79 = arith.constant 0 : i32
        %dma_start3A_80 = tpu.memref_slice %arg13[%mul3A_77, %dma_start3A_79] : memref<10000x112xf32, #tpu.memory_space<vmem_shared>> -> memref<200x112xf32, #tpu.memory_space<vmem_shared>>
        tpu.enqueue_dma source(%arg12 : memref<200x112xf32, #tpu.memory_space<vmem>>) target(%dma_start3A_80 : memref<200x112xf32, #tpu.memory_space<vmem_shared>>) target_semaphore(%run_scoped3A : memref<!tpu.dma_semaphore, #tpu.memory_space<semaphore_mem>>)
        %dma_wait3A = arith.constant 0 : i32
        %dma_wait3A_81 = tpu.memref_slice %arg13[%mul3A_77, %dma_wait3A] : memref<10000x112xf32, #tpu.memory_space<vmem_shared>> -> memref<200x112xf32, #tpu.memory_space<vmem_shared>>
        %dma_wait3A_82 = arith.constant 0 : i32
        %dma_wait3A_83 = tpu.memref_slice %arg13[%mul3A_77, %dma_wait3A_82] : memref<10000x112xf32, #tpu.memory_space<vmem_shared>> -> memref<200x112xf32, #tpu.memory_space<vmem_shared>>
        tpu.wait_dma2 semaphore(%run_scoped3A : memref<!tpu.dma_semaphore, #tpu.memory_space<semaphore_mem>>) src(%arg12 : memref<200x112xf32, #tpu.memory_space<vmem>>) dst(%dma_wait3A_83 : memref<200x112xf32, #tpu.memory_space<vmem_shared>>)
        tpu.yield
      }) : () -> ()
    } else {
    }
    %add3A_26 = arith.constant 32 : i32
    %add3A_27 = arith.addi %arg1, %add3A_26 : i32
    %lt3A_28 = arith.constant 50 : i32
    %lt3A_29 = arith.cmpi slt, %add3A_27, %lt3A_28 : i32
    %convert_element_type3A_30 = arith.extui %lt3A_29 : i1 to i32
    %cond3A_31 = arith.constant 0 : i32
    %cond3A_32 = arith.cmpi ne, %convert_element_type3A_30, %cond3A_31 : i32
    scf.if %cond3A_32 {
      %mul3A_76 = arith.constant 200 : i32
      %mul3A_77 = arith.muli %add3A_27, %mul3A_76 : i32
      "tpu.region"() ({
        %run_scoped3A = tpu.sem_alloc : memref<!tpu.dma_semaphore, #tpu.memory_space<semaphore_mem>>
        %dma_start3A = arith.constant 0 : i32
        %dma_start3A_78 = tpu.memref_slice %arg13[%mul3A_77, %dma_start3A] : memref<10000x112xf32, #tpu.memory_space<vmem_shared>> -> memref<200x112xf32, #tpu.memory_space<vmem_shared>>
        %dma_start3A_79 = arith.constant 0 : i32
        %dma_start3A_80 = tpu.memref_slice %arg13[%mul3A_77, %dma_start3A_79] : memref<10000x112xf32, #tpu.memory_space<vmem_shared>> -> memref<200x112xf32, #tpu.memory_space<vmem_shared>>
        tpu.enqueue_dma source(%arg12 : memref<200x112xf32, #tpu.memory_space<vmem>>) target(%dma_start3A_80 : memref<200x112xf32, #tpu.memory_space<vmem_shared>>) target_semaphore(%run_scoped3A : memref<!tpu.dma_semaphore, #tpu.memory_space<semaphore_mem>>)
        %dma_wait3A = arith.constant 0 : i32
        %dma_wait3A_81 = tpu.memref_slice %arg13[%mul3A_77, %dma_wait3A] : memref<10000x112xf32, #tpu.memory_space<vmem_shared>> -> memref<200x112xf32, #tpu.memory_space<vmem_shared>>
        %dma_wait3A_82 = arith.constant 0 : i32
        %dma_wait3A_83 = tpu.memref_slice %arg13[%mul3A_77, %dma_wait3A_82] : memref<10000x112xf32, #tpu.memory_space<vmem_shared>> -> memref<200x112xf32, #tpu.memory_space<vmem_shared>>
        tpu.wait_dma2 semaphore(%run_scoped3A : memref<!tpu.dma_semaphore, #tpu.memory_space<semaphore_mem>>) src(%arg12 : memref<200x112xf32, #tpu.memory_space<vmem>>) dst(%dma_wait3A_83 : memref<200x112xf32, #tpu.memory_space<vmem_shared>>)
        tpu.yield
      }) : () -> ()
    } else {
    }
    %add3A_33 = arith.constant 48 : i32
    %add3A_34 = arith.addi %arg1, %add3A_33 : i32
    %lt3A_35 = arith.constant 50 : i32
    %lt3A_36 = arith.cmpi slt, %add3A_34, %lt3A_35 : i32
    %convert_element_type3A_37 = arith.extui %lt3A_36 : i1 to i32
    %cond3A_38 = arith.constant 0 : i32
    %cond3A_39 = arith.cmpi ne, %convert_element_type3A_37, %cond3A_38 : i32
    scf.if %cond3A_39 {
      %mul3A_76 = arith.constant 200 : i32
      %mul3A_77 = arith.muli %add3A_34, %mul3A_76 : i32
      "tpu.region"() ({
        %run_scoped3A = tpu.sem_alloc : memref<!tpu.dma_semaphore, #tpu.memory_space<semaphore_mem>>
        %dma_start3A = arith.constant 0 : i32
        %dma_start3A_78 = tpu.memref_slice %arg13[%mul3A_77, %dma_start3A] : memref<10000x112xf32, #tpu.memory_space<vmem_shared>> -> memref<200x112xf32, #tpu.memory_space<vmem_shared>>
        %dma_start3A_79 = arith.constant 0 : i32
        %dma_start3A_80 = tpu.memref_slice %arg13[%mul3A_77, %dma_start3A_79] : memref<10000x112xf32, #tpu.memory_space<vmem_shared>> -> memref<200x112xf32, #tpu.memory_space<vmem_shared>>
        tpu.enqueue_dma source(%arg12 : memref<200x112xf32, #tpu.memory_space<vmem>>) target(%dma_start3A_80 : memref<200x112xf32, #tpu.memory_space<vmem_shared>>) target_semaphore(%run_scoped3A : memref<!tpu.dma_semaphore, #tpu.memory_space<semaphore_mem>>)
        %dma_wait3A = arith.constant 0 : i32
        %dma_wait3A_81 = tpu.memref_slice %arg13[%mul3A_77, %dma_wait3A] : memref<10000x112xf32, #tpu.memory_space<vmem_shared>> -> memref<200x112xf32, #tpu.memory_space<vmem_shared>>
        %dma_wait3A_82 = arith.constant 0 : i32
        %dma_wait3A_83 = tpu.memref_slice %arg13[%mul3A_77, %dma_wait3A_82] : memref<10000x112xf32, #tpu.memory_space<vmem_shared>> -> memref<200x112xf32, #tpu.memory_space<vmem_shared>>
        tpu.wait_dma2 semaphore(%run_scoped3A : memref<!tpu.dma_semaphore, #tpu.memory_space<semaphore_mem>>) src(%arg12 : memref<200x112xf32, #tpu.memory_space<vmem>>) dst(%dma_wait3A_83 : memref<200x112xf32, #tpu.memory_space<vmem_shared>>)
        tpu.yield
      }) : () -> ()
    } else {
    }
    %barrier3A = arith.constant 0 : index
    tpu.barrier barrier_id(%barrier3A)
    %scan3A_40 = arith.constant 0 : i32
    %scan3A_41 = arith.constant 0 : i32
    %scan3A_42 = arith.constant 79 : i32
    %scan3A_43 = arith.addi %scan3A_41, %scan3A_42 : i32
    %scan3A_44 = arith.constant 1 : i32
    %scan3A_45 = scf.for %scan3A_76 = %scan3A_41 to %scan3A_43 step %scan3A_44 iter_args(%scan3A_77 = %scan3A_40) -> (i32)  : i32 {
      %mul3A_78 = arith.constant 10112 : i32
      %mul3A_79 = arith.muli %add3A, %mul3A_78 : i32
      %mul3A_80 = arith.constant 128 : i32
      %mul3A_81 = arith.muli %scan3A_76, %mul3A_80 : i32
      %add3A_82 = arith.addi %mul3A_79, %mul3A_81 : i32
      "tpu.region"() ({
        %run_scoped3A = tpu.sem_alloc : memref<!tpu.dma_semaphore, #tpu.memory_space<semaphore_mem>>
        %dma_start3A_97 = tpu.memref_slice %arg3[%add3A_82] : memref<323584xi32, #tpu.memory_space<hbm>> -> memref<128xi32, #tpu.memory_space<hbm>>
        %dma_start3A_98 = tpu.memref_slice %arg3[%add3A_82] : memref<323584xi32, #tpu.memory_space<hbm>> -> memref<128xi32, #tpu.memory_space<hbm>>
        tpu.enqueue_dma source(%dma_start3A_98 : memref<128xi32, #tpu.memory_space<hbm>>) target(%arg7 : memref<128xi32, #tpu.memory_space<vmem>>) target_semaphore(%run_scoped3A : memref<!tpu.dma_semaphore, #tpu.memory_space<semaphore_mem>>)
        %dma_wait3A_99 = tpu.memref_slice %arg3[%add3A_82] : memref<323584xi32, #tpu.memory_space<hbm>> -> memref<128xi32, #tpu.memory_space<hbm>>
        %dma_wait3A_100 = tpu.memref_slice %arg3[%add3A_82] : memref<323584xi32, #tpu.memory_space<hbm>> -> memref<128xi32, #tpu.memory_space<hbm>>
        tpu.wait_dma2 semaphore(%run_scoped3A : memref<!tpu.dma_semaphore, #tpu.memory_space<semaphore_mem>>) src(%dma_wait3A_100 : memref<128xi32, #tpu.memory_space<hbm>>) dst(%arg7 : memref<128xi32, #tpu.memory_space<vmem>>)
        tpu.yield
      }) : () -> ()
      "tpu.region"() ({
        %run_scoped3A = tpu.sem_alloc : memref<!tpu.dma_semaphore, #tpu.memory_space<semaphore_mem>>
        %dma_start3A_97 = tpu.memref_slice %arg4[%add3A_82] : memref<323584xi32, #tpu.memory_space<hbm>> -> memref<128xi32, #tpu.memory_space<hbm>>
        %dma_start3A_98 = tpu.memref_slice %arg4[%add3A_82] : memref<323584xi32, #tpu.memory_space<hbm>> -> memref<128xi32, #tpu.memory_space<hbm>>
        tpu.enqueue_dma source(%dma_start3A_98 : memref<128xi32, #tpu.memory_space<hbm>>) target(%arg8 : memref<128xi32, #tpu.memory_space<vmem>>) target_semaphore(%run_scoped3A : memref<!tpu.dma_semaphore, #tpu.memory_space<semaphore_mem>>)
        %dma_wait3A_99 = tpu.memref_slice %arg4[%add3A_82] : memref<323584xi32, #tpu.memory_space<hbm>> -> memref<128xi32, #tpu.memory_space<hbm>>
        %dma_wait3A_100 = tpu.memref_slice %arg4[%add3A_82] : memref<323584xi32, #tpu.memory_space<hbm>> -> memref<128xi32, #tpu.memory_space<hbm>>
        tpu.wait_dma2 semaphore(%run_scoped3A : memref<!tpu.dma_semaphore, #tpu.memory_space<semaphore_mem>>) src(%dma_wait3A_100 : memref<128xi32, #tpu.memory_space<hbm>>) dst(%arg8 : memref<128xi32, #tpu.memory_space<vmem>>)
        tpu.yield
      }) : () -> ()
      %mul3A_83 = arith.constant 16 : i32
      %mul3A_84 = arith.muli %add3A_82, %mul3A_83 : i32
      "tpu.region"() ({
        %run_scoped3A = tpu.sem_alloc : memref<!tpu.dma_semaphore, #tpu.memory_space<semaphore_mem>>
        %dma_start3A_97 = tpu.memref_slice %arg5[%mul3A_84] : memref<5177344xf32, #tpu.memory_space<hbm>> -> memref<2048xf32, #tpu.memory_space<hbm>>
        %dma_start3A_98 = tpu.memref_slice %arg5[%mul3A_84] : memref<5177344xf32, #tpu.memory_space<hbm>> -> memref<2048xf32, #tpu.memory_space<hbm>>
        tpu.enqueue_dma source(%dma_start3A_98 : memref<2048xf32, #tpu.memory_space<hbm>>) target(%arg9 : memref<2048xf32, #tpu.memory_space<vmem>>) target_semaphore(%run_scoped3A : memref<!tpu.dma_semaphore, #tpu.memory_space<semaphore_mem>>)
        %dma_wait3A_99 = tpu.memref_slice %arg5[%mul3A_84] : memref<5177344xf32, #tpu.memory_space<hbm>> -> memref<2048xf32, #tpu.memory_space<hbm>>
        %dma_wait3A_100 = tpu.memref_slice %arg5[%mul3A_84] : memref<5177344xf32, #tpu.memory_space<hbm>> -> memref<2048xf32, #tpu.memory_space<hbm>>
        tpu.wait_dma2 semaphore(%run_scoped3A : memref<!tpu.dma_semaphore, #tpu.memory_space<semaphore_mem>>) src(%dma_wait3A_100 : memref<2048xf32, #tpu.memory_space<hbm>>) dst(%arg9 : memref<2048xf32, #tpu.memory_space<vmem>>)
        tpu.yield
      }) : () -> ()
      %dma_start3A = arith.constant 0 : i32
      %dma_start3A_85 = arith.constant 0 : i32
      %dma_start3A_86 = tpu.memref_slice %arg2[%dma_start3A, %dma_start3A_85] : memref<10000x128xf32, #tpu.memory_space<hbm>> -> memref<10000x128xf32, #tpu.memory_space<hbm>>
      tpu.enqueue_indirect_dma source(%dma_start3A_86 : memref<10000x128xf32, #tpu.memory_space<hbm>>) target(%arg10 : memref<128x128xf32, #tpu.memory_space<vmem>>) offsets(%arg7 : memref<128xi32, #tpu.memory_space<vmem>>) semaphore(%arg14 : memref<!tpu.dma_semaphore, #tpu.memory_space<semaphore_mem>>)
      %dma_wait3A = arith.constant 0 : i32
      %dma_wait3A_87 = arith.constant 0 : i32
      %dma_wait3A_88 = tpu.memref_slice %arg2[%dma_wait3A, %dma_wait3A_87] : memref<10000x128xf32, #tpu.memory_space<hbm>> -> memref<10000x128xf32, #tpu.memory_space<hbm>>
      tpu.wait_indirect_dma semaphore(%arg14 : memref<!tpu.dma_semaphore, #tpu.memory_space<semaphore_mem>>) src(%dma_wait3A_88 : memref<10000x128xf32, #tpu.memory_space<hbm>>) dst(%arg10 : memref<128x128xf32, #tpu.memory_space<vmem>>)
      %scan3A_89 = arith.constant 0 : i32
      %scan3A_90 = arith.constant 0 : i32
      %scan3A_91 = arith.constant 128 : i32
      %scan3A_92 = arith.addi %scan3A_90, %scan3A_91 : i32
      %scan3A_93 = arith.constant 1 : i32
      %scan3A_94 = scf.for %scan3A_97 = %scan3A_90 to %scan3A_92 step %scan3A_93 iter_args(%scan3A_98 = %scan3A_89) -> (i32)  : i32 {
        %mul3A_99 = arith.constant 16 : i32
        %mul3A_100 = arith.muli %scan3A_97, %mul3A_99 : i32
        %get3A = arith.index_cast %mul3A_100 : i32 to index
        %get3A_101 = tpu.vector_load %arg9[%get3A] {strides = array<i32>} : memref<2048xf32, #tpu.memory_space<vmem>>, vector<16xf32>,
        %broadcast_in_dim3A_102 = vector.broadcast %scan3A_97 : i32 to vector<16xi32>
        %broadcast_in_dim3A_103 = arith.constant 0 : i32
        %broadcast_in_dim3A_104 = vector.broadcast %broadcast_in_dim3A_103 : i32 to vector<16x1xi32>
        %gather3A = vector.shape_cast %broadcast_in_dim3A_104 : vector<16x1xi32> to vector<16xi32>
        %gather3A_105 = tpu.dynamic_gather %get3A_101[%gather3A] in [0] : vector<16xf32>, vector<16xi32> -> vector<16xf32>
        %add3A_106 = arith.constant 0 : i32
        %add3A_107 = vector.broadcast %add3A_106 : i32 to vector<16xi32>
        %add3A_108 = arith.addi %iota3A, %add3A_107 : vector<16xi32>
        %gather3A_109 = tpu.vector_load_idx %arg10[%broadcast_in_dim3A_102, %add3A_108] : memref<128x128xf32, #tpu.memory_space<vmem>>[vector<16xi32>, vector<16xi32>], vector<16xf32>,
        %add3A_110 = arith.constant 0 : i32
        %add3A_111 = vector.broadcast %add3A_110 : i32 to vector<16xi32>
        %add3A_112 = arith.addi %iota3A, %add3A_111 : vector<16xi32>
        %mul3A_113 = arith.mulf %gather3A_105, %gather3A_109 : vector<16xf32>
        tpu.vector_store_idx %arg11[%broadcast_in_dim3A_102, %add3A_112], %mul3A_113 : memref<128x112xf32, #tpu.memory_space<vmem>>[vector<16xi32>, vector<16xi32>], vector<16xf32>,
        %broadcast_in_dim3A_114 = arith.constant 1 : i32
        %broadcast_in_dim3A_115 = vector.broadcast %broadcast_in_dim3A_114 : i32 to vector<16x1xi32>
        %gather3A_116 = vector.shape_cast %broadcast_in_dim3A_115 : vector<16x1xi32> to vector<16xi32>
        %gather3A_117 = tpu.dynamic_gather %get3A_101[%gather3A_116] in [0] : vector<16xf32>, vector<16xi32> -> vector<16xf32>
        %add3A_118 = arith.constant 16 : i32
        %add3A_119 = vector.broadcast %add3A_118 : i32 to vector<16xi32>
        %add3A_120 = arith.addi %iota3A, %add3A_119 : vector<16xi32>
        %gather3A_121 = tpu.vector_load_idx %arg10[%broadcast_in_dim3A_102, %add3A_120] : memref<128x128xf32, #tpu.memory_space<vmem>>[vector<16xi32>, vector<16xi32>], vector<16xf32>,
        %add3A_122 = arith.constant 16 : i32
        %add3A_123 = vector.broadcast %add3A_122 : i32 to vector<16xi32>
        %add3A_124 = arith.addi %iota3A, %add3A_123 : vector<16xi32>
        %mul3A_125 = arith.mulf %gather3A_117, %gather3A_121 : vector<16xf32>
        tpu.vector_store_idx %arg11[%broadcast_in_dim3A_102, %add3A_124], %mul3A_125 : memref<128x112xf32, #tpu.memory_space<vmem>>[vector<16xi32>, vector<16xi32>], vector<16xf32>,
        %broadcast_in_dim3A_126 = arith.constant 2 : i32
        %broadcast_in_dim3A_127 = vector.broadcast %broadcast_in_dim3A_126 : i32 to vector<16x1xi32>
        %gather3A_128 = vector.shape_cast %broadcast_in_dim3A_127 : vector<16x1xi32> to vector<16xi32>
        %gather3A_129 = tpu.dynamic_gather %get3A_101[%gather3A_128] in [0] : vector<16xf32>, vector<16xi32> -> vector<16xf32>
        %add3A_130 = arith.constant 32 : i32
        %add3A_131 = vector.broadcast %add3A_130 : i32 to vector<16xi32>
        %add3A_132 = arith.addi %iota3A, %add3A_131 : vector<16xi32>
        %gather3A_133 = tpu.vector_load_idx %arg10[%broadcast_in_dim3A_102, %add3A_132] : memref<128x128xf32, #tpu.memory_space<vmem>>[vector<16xi32>, vector<16xi32>], vector<16xf32>,
        %add3A_134 = arith.constant 32 : i32
        %add3A_135 = vector.broadcast %add3A_134 : i32 to vector<16xi32>
        %add3A_136 = arith.addi %iota3A, %add3A_135 : vector<16xi32>
        %mul3A_137 = arith.mulf %gather3A_129, %gather3A_133 : vector<16xf32>
        tpu.vector_store_idx %arg11[%broadcast_in_dim3A_102, %add3A_136], %mul3A_137 : memref<128x112xf32, #tpu.memory_space<vmem>>[vector<16xi32>, vector<16xi32>], vector<16xf32>,
        %broadcast_in_dim3A_138 = arith.constant 3 : i32
        %broadcast_in_dim3A_139 = vector.broadcast %broadcast_in_dim3A_138 : i32 to vector<16x1xi32>
        %gather3A_140 = vector.shape_cast %broadcast_in_dim3A_139 : vector<16x1xi32> to vector<16xi32>
        %gather3A_141 = tpu.dynamic_gather %get3A_101[%gather3A_140] in [0] : vector<16xf32>, vector<16xi32> -> vector<16xf32>
        %add3A_142 = arith.constant 48 : i32
        %add3A_143 = vector.broadcast %add3A_142 : i32 to vector<16xi32>
        %add3A_144 = arith.addi %iota3A, %add3A_143 : vector<16xi32>
        %gather3A_145 = tpu.vector_load_idx %arg10[%broadcast_in_dim3A_102, %add3A_144] : memref<128x128xf32, #tpu.memory_space<vmem>>[vector<16xi32>, vector<16xi32>], vector<16xf32>,
        %add3A_146 = arith.constant 48 : i32
        %add3A_147 = vector.broadcast %add3A_146 : i32 to vector<16xi32>
        %add3A_148 = arith.addi %iota3A, %add3A_147 : vector<16xi32>
        %mul3A_149 = arith.mulf %gather3A_141, %gather3A_145 : vector<16xf32>
        tpu.vector_store_idx %arg11[%broadcast_in_dim3A_102, %add3A_148], %mul3A_149 : memref<128x112xf32, #tpu.memory_space<vmem>>[vector<16xi32>, vector<16xi32>], vector<16xf32>,
        %broadcast_in_dim3A_150 = arith.constant 4 : i32
        %broadcast_in_dim3A_151 = vector.broadcast %broadcast_in_dim3A_150 : i32 to vector<16x1xi32>
        %gather3A_152 = vector.shape_cast %broadcast_in_dim3A_151 : vector<16x1xi32> to vector<16xi32>
        %gather3A_153 = tpu.dynamic_gather %get3A_101[%gather3A_152] in [0] : vector<16xf32>, vector<16xi32> -> vector<16xf32>
        %add3A_154 = arith.constant 64 : i32
        %add3A_155 = vector.broadcast %add3A_154 : i32 to vector<16xi32>
        %add3A_156 = arith.addi %iota3A, %add3A_155 : vector<16xi32>
        %gather3A_157 = tpu.vector_load_idx %arg10[%broadcast_in_dim3A_102, %add3A_156] : memref<128x128xf32, #tpu.memory_space<vmem>>[vector<16xi32>, vector<16xi32>], vector<16xf32>,
        %add3A_158 = arith.constant 64 : i32
        %add3A_159 = vector.broadcast %add3A_158 : i32 to vector<16xi32>
        %add3A_160 = arith.addi %iota3A, %add3A_159 : vector<16xi32>
        %mul3A_161 = arith.mulf %gather3A_153, %gather3A_157 : vector<16xf32>
        tpu.vector_store_idx %arg11[%broadcast_in_dim3A_102, %add3A_160], %mul3A_161 : memref<128x112xf32, #tpu.memory_space<vmem>>[vector<16xi32>, vector<16xi32>], vector<16xf32>,
        %broadcast_in_dim3A_162 = arith.constant 5 : i32
        %broadcast_in_dim3A_163 = vector.broadcast %broadcast_in_dim3A_162 : i32 to vector<16x1xi32>
        %gather3A_164 = vector.shape_cast %broadcast_in_dim3A_163 : vector<16x1xi32> to vector<16xi32>
        %gather3A_165 = tpu.dynamic_gather %get3A_101[%gather3A_164] in [0] : vector<16xf32>, vector<16xi32> -> vector<16xf32>
        %add3A_166 = arith.constant 80 : i32
        %add3A_167 = vector.broadcast %add3A_166 : i32 to vector<16xi32>
        %add3A_168 = arith.addi %iota3A, %add3A_167 : vector<16xi32>
        %gather3A_169 = tpu.vector_load_idx %arg10[%broadcast_in_dim3A_102, %add3A_168] : memref<128x128xf32, #tpu.memory_space<vmem>>[vector<16xi32>, vector<16xi32>], vector<16xf32>,
        %add3A_170 = arith.constant 80 : i32
        %add3A_171 = vector.broadcast %add3A_170 : i32 to vector<16xi32>
        %add3A_172 = arith.addi %iota3A, %add3A_171 : vector<16xi32>
        %mul3A_173 = arith.mulf %gather3A_165, %gather3A_169 : vector<16xf32>
        tpu.vector_store_idx %arg11[%broadcast_in_dim3A_102, %add3A_172], %mul3A_173 : memref<128x112xf32, #tpu.memory_space<vmem>>[vector<16xi32>, vector<16xi32>], vector<16xf32>,
        %add3A_174 = arith.constant 96 : i32
        %add3A_175 = vector.broadcast %add3A_174 : i32 to vector<16xi32>
        %add3A_176 = arith.addi %iota3A, %add3A_175 : vector<16xi32>
        tpu.vector_store_idx %arg11[%broadcast_in_dim3A_102, %add3A_176], %get3A_101 : memref<128x112xf32, #tpu.memory_space<vmem>>[vector<16xi32>, vector<16xi32>], vector<16xf32>,
        %scan3A_177 = arith.constant 0 : i32
        scf.yield %scan3A_177 : i32
      }
      %scan3A_95 = arith.constant 128 : i32
      "tpu.region"() ({
        %run_scoped3A = tpu.sem_alloc : memref<!tpu.dma_semaphore, #tpu.memory_space<semaphore_mem>>
        %dma_start3A_97 = arith.constant 0 : i32
        %dma_start3A_98 = arith.constant 0 : i32
        %dma_start3A_99 = tpu.memref_slice %arg13[%dma_start3A_97, %dma_start3A_98] : memref<10000x112xf32, #tpu.memory_space<vmem_shared>> -> memref<10000x112xf32, #tpu.memory_space<vmem_shared>>
        tpu.enqueue_indirect_dma source(%arg11 : memref<128x112xf32, #tpu.memory_space<vmem>>) target(%dma_start3A_99 : memref<10000x112xf32, #tpu.memory_space<vmem_shared>>) offsets(%arg8 : memref<128xi32, #tpu.memory_space<vmem>>) semaphore(%run_scoped3A : memref<!tpu.dma_semaphore, #tpu.memory_space<semaphore_mem>>) {add = true}
        %dma_wait3A_100 = arith.constant 0 : i32
        %dma_wait3A_101 = arith.constant 0 : i32
        %dma_wait3A_102 = tpu.memref_slice %arg13[%dma_wait3A_100, %dma_wait3A_101] : memref<10000x112xf32, #tpu.memory_space<vmem_shared>> -> memref<10000x112xf32, #tpu.memory_space<vmem_shared>>
        tpu.wait_indirect_dma semaphore(%run_scoped3A : memref<!tpu.dma_semaphore, #tpu.memory_space<semaphore_mem>>) src(%arg11 : memref<128x112xf32, #tpu.memory_space<vmem>>) dst(%dma_wait3A_102 : memref<10000x112xf32, #tpu.memory_space<vmem_shared>>)
        tpu.yield
      }) : () -> ()
      %scan3A_96 = arith.constant 0 : i32
      scf.yield %scan3A_96 : i32
    }
    %scan3A_46 = arith.constant 79 : i32
    %barrier3A_47 = arith.constant 0 : index
    tpu.barrier barrier_id(%barrier3A_47)
    %add3A_48 = arith.constant 0 : i32
    %add3A_49 = arith.addi %arg1, %add3A_48 : i32
    %lt3A_50 = arith.constant 50 : i32
    %lt3A_51 = arith.cmpi slt, %add3A_49, %lt3A_50 : i32
    %convert_element_type3A_52 = arith.extui %lt3A_51 : i1 to i32
    %cond3A_53 = arith.constant 0 : i32
    %cond3A_54 = arith.cmpi ne, %convert_element_type3A_52, %cond3A_53 : i32
    scf.if %cond3A_54 {
      %mul3A_76 = arith.constant 200 : i32
      %mul3A_77 = arith.muli %add3A_49, %mul3A_76 : i32
      "tpu.region"() ({
        %run_scoped3A = tpu.sem_alloc : memref<!tpu.dma_semaphore, #tpu.memory_space<semaphore_mem>>
        %dma_start3A = arith.constant 0 : i32
        %dma_start3A_78 = tpu.memref_slice %arg6[%arg0, %mul3A_77, %dma_start3A] : memref<2x10000x112xf32, #tpu.memory_space<hbm>> -> memref<1x200x112xf32, #tpu.memory_space<hbm>>
        %dma_start3A_79 = tpu.memref_squeeze %dma_start3A_78 : memref<1x200x112xf32, #tpu.memory_space<hbm>> -> memref<200x112xf32, #tpu.memory_space<hbm>>
        %dma_start3A_80 = arith.constant 0 : i32
        %dma_start3A_81 = tpu.memref_slice %arg13[%mul3A_77, %dma_start3A_80] : memref<10000x112xf32, #tpu.memory_space<vmem_shared>> -> memref<200x112xf32, #tpu.memory_space<vmem_shared>>
        tpu.enqueue_dma source(%dma_start3A_81 : memref<200x112xf32, #tpu.memory_space<vmem_shared>>) target(%dma_start3A_79 : memref<200x112xf32, #tpu.memory_space<hbm>>) target_semaphore(%run_scoped3A : memref<!tpu.dma_semaphore, #tpu.memory_space<semaphore_mem>>)
        %dma_wait3A = arith.constant 0 : i32
        %dma_wait3A_82 = tpu.memref_slice %arg6[%arg0, %mul3A_77, %dma_wait3A] : memref<2x10000x112xf32, #tpu.memory_space<hbm>> -> memref<1x200x112xf32, #tpu.memory_space<hbm>>
        %dma_wait3A_83 = tpu.memref_squeeze %dma_wait3A_82 : memref<1x200x112xf32, #tpu.memory_space<hbm>> -> memref<200x112xf32, #tpu.memory_space<hbm>>
        %dma_wait3A_84 = arith.constant 0 : i32
        %dma_wait3A_85 = tpu.memref_slice %arg13[%mul3A_77, %dma_wait3A_84] : memref<10000x112xf32, #tpu.memory_space<vmem_shared>> -> memref<200x112xf32, #tpu.memory_space<vmem_shared>>
        tpu.wait_dma2 semaphore(%run_scoped3A : memref<!tpu.dma_semaphore, #tpu.memory_space<semaphore_mem>>) src(%dma_wait3A_85 : memref<200x112xf32, #tpu.memory_space<vmem_shared>>) dst(%dma_wait3A_83 : memref<200x112xf32, #tpu.memory_space<hbm>>)
        tpu.yield
      }) : () -> ()
    } else {
    }
    %add3A_55 = arith.constant 16 : i32
    %add3A_56 = arith.addi %arg1, %add3A_55 : i32
    %lt3A_57 = arith.constant 50 : i32
    %lt3A_58 = arith.cmpi slt, %add3A_56, %lt3A_57 : i32
    %convert_element_type3A_59 = arith.extui %lt3A_58 : i1 to i32
    %cond3A_60 = arith.constant 0 : i32
    %cond3A_61 = arith.cmpi ne, %convert_element_type3A_59, %cond3A_60 : i32
    scf.if %cond3A_61 {
      %mul3A_76 = arith.constant 200 : i32
      %mul3A_77 = arith.muli %add3A_56, %mul3A_76 : i32
      "tpu.region"() ({
        %run_scoped3A = tpu.sem_alloc : memref<!tpu.dma_semaphore, #tpu.memory_space<semaphore_mem>>
        %dma_start3A = arith.constant 0 : i32
        %dma_start3A_78 = tpu.memref_slice %arg6[%arg0, %mul3A_77, %dma_start3A] : memref<2x10000x112xf32, #tpu.memory_space<hbm>> -> memref<1x200x112xf32, #tpu.memory_space<hbm>>
        %dma_start3A_79 = tpu.memref_squeeze %dma_start3A_78 : memref<1x200x112xf32, #tpu.memory_space<hbm>> -> memref<200x112xf32, #tpu.memory_space<hbm>>
        %dma_start3A_80 = arith.constant 0 : i32
        %dma_start3A_81 = tpu.memref_slice %arg13[%mul3A_77, %dma_start3A_80] : memref<10000x112xf32, #tpu.memory_space<vmem_shared>> -> memref<200x112xf32, #tpu.memory_space<vmem_shared>>
        tpu.enqueue_dma source(%dma_start3A_81 : memref<200x112xf32, #tpu.memory_space<vmem_shared>>) target(%dma_start3A_79 : memref<200x112xf32, #tpu.memory_space<hbm>>) target_semaphore(%run_scoped3A : memref<!tpu.dma_semaphore, #tpu.memory_space<semaphore_mem>>)
        %dma_wait3A = arith.constant 0 : i32
        %dma_wait3A_82 = tpu.memref_slice %arg6[%arg0, %mul3A_77, %dma_wait3A] : memref<2x10000x112xf32, #tpu.memory_space<hbm>> -> memref<1x200x112xf32, #tpu.memory_space<hbm>>
        %dma_wait3A_83 = tpu.memref_squeeze %dma_wait3A_82 : memref<1x200x112xf32, #tpu.memory_space<hbm>> -> memref<200x112xf32, #tpu.memory_space<hbm>>
        %dma_wait3A_84 = arith.constant 0 : i32
        %dma_wait3A_85 = tpu.memref_slice %arg13[%mul3A_77, %dma_wait3A_84] : memref<10000x112xf32, #tpu.memory_space<vmem_shared>> -> memref<200x112xf32, #tpu.memory_space<vmem_shared>>
        tpu.wait_dma2 semaphore(%run_scoped3A : memref<!tpu.dma_semaphore, #tpu.memory_space<semaphore_mem>>) src(%dma_wait3A_85 : memref<200x112xf32, #tpu.memory_space<vmem_shared>>) dst(%dma_wait3A_83 : memref<200x112xf32, #tpu.memory_space<hbm>>)
        tpu.yield
      }) : () -> ()
    } else {
    }
    %add3A_62 = arith.constant 32 : i32
    %add3A_63 = arith.addi %arg1, %add3A_62 : i32
    %lt3A_64 = arith.constant 50 : i32
    %lt3A_65 = arith.cmpi slt, %add3A_63, %lt3A_64 : i32
    %convert_element_type3A_66 = arith.extui %lt3A_65 : i1 to i32
    %cond3A_67 = arith.constant 0 : i32
    %cond3A_68 = arith.cmpi ne, %convert_element_type3A_66, %cond3A_67 : i32
    scf.if %cond3A_68 {
      %mul3A_76 = arith.constant 200 : i32
      %mul3A_77 = arith.muli %add3A_63, %mul3A_76 : i32
      "tpu.region"() ({
        %run_scoped3A = tpu.sem_alloc : memref<!tpu.dma_semaphore, #tpu.memory_space<semaphore_mem>>
        %dma_start3A = arith.constant 0 : i32
        %dma_start3A_78 = tpu.memref_slice %arg6[%arg0, %mul3A_77, %dma_start3A] : memref<2x10000x112xf32, #tpu.memory_space<hbm>> -> memref<1x200x112xf32, #tpu.memory_space<hbm>>
        %dma_start3A_79 = tpu.memref_squeeze %dma_start3A_78 : memref<1x200x112xf32, #tpu.memory_space<hbm>> -> memref<200x112xf32, #tpu.memory_space<hbm>>
        %dma_start3A_80 = arith.constant 0 : i32
        %dma_start3A_81 = tpu.memref_slice %arg13[%mul3A_77, %dma_start3A_80] : memref<10000x112xf32, #tpu.memory_space<vmem_shared>> -> memref<200x112xf32, #tpu.memory_space<vmem_shared>>
        tpu.enqueue_dma source(%dma_start3A_81 : memref<200x112xf32, #tpu.memory_space<vmem_shared>>) target(%dma_start3A_79 : memref<200x112xf32, #tpu.memory_space<hbm>>) target_semaphore(%run_scoped3A : memref<!tpu.dma_semaphore, #tpu.memory_space<semaphore_mem>>)
        %dma_wait3A = arith.constant 0 : i32
        %dma_wait3A_82 = tpu.memref_slice %arg6[%arg0, %mul3A_77, %dma_wait3A] : memref<2x10000x112xf32, #tpu.memory_space<hbm>> -> memref<1x200x112xf32, #tpu.memory_space<hbm>>
        %dma_wait3A_83 = tpu.memref_squeeze %dma_wait3A_82 : memref<1x200x112xf32, #tpu.memory_space<hbm>> -> memref<200x112xf32, #tpu.memory_space<hbm>>
        %dma_wait3A_84 = arith.constant 0 : i32
        %dma_wait3A_85 = tpu.memref_slice %arg13[%mul3A_77, %dma_wait3A_84] : memref<10000x112xf32, #tpu.memory_space<vmem_shared>> -> memref<200x112xf32, #tpu.memory_space<vmem_shared>>
        tpu.wait_dma2 semaphore(%run_scoped3A : memref<!tpu.dma_semaphore, #tpu.memory_space<semaphore_mem>>) src(%dma_wait3A_85 : memref<200x112xf32, #tpu.memory_space<vmem_shared>>) dst(%dma_wait3A_83 : memref<200x112xf32, #tpu.memory_space<hbm>>)
        tpu.yield
      }) : () -> ()
    } else {
    }
    %add3A_69 = arith.constant 48 : i32
    %add3A_70 = arith.addi %arg1, %add3A_69 : i32
    %lt3A_71 = arith.constant 50 : i32
    %lt3A_72 = arith.cmpi slt, %add3A_70, %lt3A_71 : i32
    %convert_element_type3A_73 = arith.extui %lt3A_72 : i1 to i32
    %cond3A_74 = arith.constant 0 : i32
    %cond3A_75 = arith.cmpi ne, %convert_element_type3A_73, %cond3A_74 : i32
    scf.if %cond3A_75 {
      %mul3A_76 = arith.constant 200 : i32
      %mul3A_77 = arith.muli %add3A_70, %mul3A_76 : i32
      "tpu.region"() ({
        %run_scoped3A = tpu.sem_alloc : memref<!tpu.dma_semaphore, #tpu.memory_space<semaphore_mem>>
        %dma_start3A = arith.constant 0 : i32
        %dma_start3A_78 = tpu.memref_slice %arg6[%arg0, %mul3A_77, %dma_start3A] : memref<2x10000x112xf32, #tpu.memory_space<hbm>> -> memref<1x200x112xf32, #tpu.memory_space<hbm>>
        %dma_start3A_79 = tpu.memref_squeeze %dma_start3A_78 : memref<1x200x112xf32, #tpu.memory_space<hbm>> -> memref<200x112xf32, #tpu.memory_space<hbm>>
        %dma_start3A_80 = arith.constant 0 : i32
        %dma_start3A_81 = tpu.memref_slice %arg13[%mul3A_77, %dma_start3A_80] : memref<10000x112xf32, #tpu.memory_space<vmem_shared>> -> memref<200x112xf32, #tpu.memory_space<vmem_shared>>
        tpu.enqueue_dma source(%dma_start3A_81 : memref<200x112xf32, #tpu.memory_space<vmem_shared>>) target(%dma_start3A_79 : memref<200x112xf32, #tpu.memory_space<hbm>>) target_semaphore(%run_scoped3A : memref<!tpu.dma_semaphore, #tpu.memory_space<semaphore_mem>>)
        %dma_wait3A = arith.constant 0 : i32
        %dma_wait3A_82 = tpu.memref_slice %arg6[%arg0, %mul3A_77, %dma_wait3A] : memref<2x10000x112xf32, #tpu.memory_space<hbm>> -> memref<1x200x112xf32, #tpu.memory_space<hbm>>
        %dma_wait3A_83 = tpu.memref_squeeze %dma_wait3A_82 : memref<1x200x112xf32, #tpu.memory_space<hbm>> -> memref<200x112xf32, #tpu.memory_space<hbm>>
        %dma_wait3A_84 = arith.constant 0 : i32
        %dma_wait3A_85 = tpu.memref_slice %arg13[%mul3A_77, %dma_wait3A_84] : memref<10000x112xf32, #tpu.memory_space<vmem_shared>> -> memref<200x112xf32, #tpu.memory_space<vmem_shared>>
        tpu.wait_dma2 semaphore(%run_scoped3A : memref<!tpu.dma_semaphore, #tpu.memory_space<semaphore_mem>>) src(%dma_wait3A_85 : memref<200x112xf32, #tpu.memory_space<vmem_shared>>) dst(%dma_wait3A_83 : memref<200x112xf32, #tpu.memory_space<hbm>>)
        tpu.yield
      }) : () -> ()
    } else {
    }
    return
  }
}

#map = affine_map<(d0, d1) -> (0, 0)>
#map1 = affine_map<(d0, d1) -> (0)>
#map2 = affine_map<(d0, d1) -> (0, 0, 0)>
module attributes {stable_mosaic.version = 14 : i64} {
  func.func @k(%arg0: i32, %arg1: i32, %arg2: memref<10000x128xf32, #tpu.memory_space<hbm>>, %arg3: memref<323584xi32, #tpu.memory_space<hbm>>, %arg4: memref<323584xi32, #tpu.memory_space<hbm>>, %arg5: memref<5177344xf32, #tpu.memory_space<hbm>>, %arg6: memref<2x10000x112xf32, #tpu.memory_space<hbm>>, %arg7: memref<128xi32, #tpu.memory_space<vmem>>, %arg8: memref<128xi32, #tpu.memory_space<vmem>>, %arg9: memref<2048xf32, #tpu.memory_space<vmem>>, %arg10: memref<128x128xf32, #tpu.memory_space<vmem>>, %arg11: memref<128x112xf32, #tpu.memory_space<vmem>>, %arg12: memref<200x112xf32, #tpu.memory_space<vmem>>, %arg13: memref<10000x112xf32, #tpu.memory_space<vmem_shared>>, %arg14: memref<!tpu.dma_semaphore, #tpu.memory_space<semaphore_mem>>) attributes {dimension_semantics = [#tpu.dimension_semantics<core_parallel>, #tpu.dimension_semantics<subcore_parallel>], iteration_bounds = array<i64: 2, 16>, scalar_prefetch = 0 : i64, scratch_operands = 8 : i64, tpu.core_type = #tpu.core_type<sc_vector_subcore>, window_params = [{transform_indices = #map}, {transform_indices = #map1}, {transform_indices = #map1}, {transform_indices = #map1}, {transform_indices = #map2}]} {
    %mul3A = arith.constant 2 : i32
    %mul3A_0 = arith.muli %arg1, %mul3A : i32
    %add3A = arith.addi %mul3A_0, %arg0 : i32
    %iota3A = tpu.iota {dimensions = array<i32: 0>} : vector<16xi32>
    %broadcast_in_dim3A = arith.constant 0.000000e+00 : f32
    %broadcast_in_dim3A_1 = vector.broadcast %broadcast_in_dim3A : f32 to vector<16xf32>
    %scan3A = arith.constant 0 : i32
    %scan3A_2 = arith.constant 0 : i32
    %scan3A_3 = arith.constant 200 : i32
    %scan3A_4 = arith.addi %scan3A_2, %scan3A_3 : i32
    %scan3A_5 = arith.constant 1 : i32
    %scan3A_6 = scf.for %scan3A_76 = %scan3A_2 to %scan3A_4 step %scan3A_5 iter_args(%scan3A_77 = %scan3A) -> (i32)  : i32 {
      %broadcast_in_dim3A_78 = vector.broadcast %scan3A_76 : i32 to vector<16xi32>
      %add3A_79 = arith.constant 0 : i32
      %add3A_80 = vector.broadcast %add3A_79 : i32 to vector<16xi32>
      %add3A_81 = arith.addi %iota3A, %add3A_80 : vector<16xi32>
      tpu.vector_store_idx %arg12[%broadcast_in_dim3A_78, %add3A_81], %broadcast_in_dim3A_1 : memref<200x112xf32, #tpu.memory_space<vmem>>[vector<16xi32>, vector<16xi32>], vector<16xf32>,
      %add3A_82 = arith.constant 16 : i32
      %add3A_83 = vector.broadcast %add3A_82 : i32 to vector<16xi32>
      %add3A_84 = arith.addi %iota3A, %add3A_83 : vector<16xi32>
      tpu.vector_store_idx %arg12[%broadcast_in_dim3A_78, %add3A_84], %broadcast_in_dim3A_1 : memref<200x112xf32, #tpu.memory_space<vmem>>[vector<16xi32>, vector<16xi32>], vector<16xf32>,
      %add3A_85 = arith.constant 32 : i32
      %add3A_86 = vector.broadcast %add3A_85 : i32 to vector<16xi32>
      %add3A_87 = arith.addi %iota3A, %add3A_86 : vector<16xi32>
      tpu.vector_store_idx %arg12[%broadcast_in_dim3A_78, %add3A_87], %broadcast_in_dim3A_1 : memref<200x112xf32, #tpu.memory_space<vmem>>[vector<16xi32>, vector<16xi32>], vector<16xf32>,
      %add3A_88 = arith.constant 48 : i32
      %add3A_89 = vector.broadcast %add3A_88 : i32 to vector<16xi32>
      %add3A_90 = arith.addi %iota3A, %add3A_89 : vector<16xi32>
      tpu.vector_store_idx %arg12[%broadcast_in_dim3A_78, %add3A_90], %broadcast_in_dim3A_1 : memref<200x112xf32, #tpu.memory_space<vmem>>[vector<16xi32>, vector<16xi32>], vector<16xf32>,
      %add3A_91 = arith.constant 64 : i32
      %add3A_92 = vector.broadcast %add3A_91 : i32 to vector<16xi32>
      %add3A_93 = arith.addi %iota3A, %add3A_92 : vector<16xi32>
      tpu.vector_store_idx %arg12[%broadcast_in_dim3A_78, %add3A_93], %broadcast_in_dim3A_1 : memref<200x112xf32, #tpu.memory_space<vmem>>[vector<16xi32>, vector<16xi32>], vector<16xf32>,
      %add3A_94 = arith.constant 80 : i32
      %add3A_95 = vector.broadcast %add3A_94 : i32 to vector<16xi32>
      %add3A_96 = arith.addi %iota3A, %add3A_95 : vector<16xi32>
      tpu.vector_store_idx %arg12[%broadcast_in_dim3A_78, %add3A_96], %broadcast_in_dim3A_1 : memref<200x112xf32, #tpu.memory_space<vmem>>[vector<16xi32>, vector<16xi32>], vector<16xf32>,
      %add3A_97 = arith.constant 96 : i32
      %add3A_98 = vector.broadcast %add3A_97 : i32 to vector<16xi32>
      %add3A_99 = arith.addi %iota3A, %add3A_98 : vector<16xi32>
      tpu.vector_store_idx %arg12[%broadcast_in_dim3A_78, %add3A_99], %broadcast_in_dim3A_1 : memref<200x112xf32, #tpu.memory_space<vmem>>[vector<16xi32>, vector<16xi32>], vector<16xf32>,
      %scan3A_100 = arith.constant 0 : i32
      scf.yield %scan3A_100 : i32
    }
    %scan3A_7 = arith.constant 200 : i32
    %scan3A_8 = arith.constant 0 : i32
    %scan3A_9 = arith.constant 0 : i32
    %scan3A_10 = arith.constant 128 : i32
    %scan3A_11 = arith.addi %scan3A_9, %scan3A_10 : i32
    %scan3A_12 = arith.constant 1 : i32
    %scan3A_13 = scf.for %scan3A_76 = %scan3A_9 to %scan3A_11 step %scan3A_12 iter_args(%scan3A_77 = %scan3A_8) -> (i32)  : i32 {
      %broadcast_in_dim3A_78 = vector.broadcast %scan3A_76 : i32 to vector<16xi32>
      %add3A_79 = arith.constant 96 : i32
      %add3A_80 = vector.broadcast %add3A_79 : i32 to vector<16xi32>
      %add3A_81 = arith.addi %iota3A, %add3A_80 : vector<16xi32>
      tpu.vector_store_idx %arg11[%broadcast_in_dim3A_78, %add3A_81], %broadcast_in_dim3A_1 : memref<128x112xf32, #tpu.memory_space<vmem>>[vector<16xi32>, vector<16xi32>], vector<16xf32>,
      %scan3A_82 = arith.constant 0 : i32
      scf.yield %scan3A_82 : i32
    }
    %scan3A_14 = arith.constant 128 : i32
    %add3A_15 = arith.constant 0 : i32
    %add3A_16 = arith.addi %arg1, %add3A_15 : i32
    %lt3A = arith.constant 50 : i32
    %lt3A_17 = arith.cmpi slt, %add3A_16, %lt3A : i32
    %convert_element_type3A = arith.extui %lt3A_17 : i1 to i32
    %cond3A = arith.constant 0 : i32
    %cond3A_18 = arith.cmpi ne, %convert_element_type3A, %cond3A : i32
    scf.if %cond3A_18 {
      %mul3A_76 = arith.constant 200 : i32
      %mul3A_77 = arith.muli %add3A_16, %mul3A_76 : i32
      "tpu.region"() ({
        %run_scoped3A = tpu.sem_alloc : memref<!tpu.dma_semaphore, #tpu.memory_space<semaphore_mem>>
        %dma_start3A = arith.constant 0 : i32
        %dma_start3A_78 = tpu.memref_slice %arg13[%mul3A_77, %dma_start3A] : memref<10000x112xf32, #tpu.memory_space<vmem_shared>> -> memref<200x112xf32, #tpu.memory_space<vmem_shared>>
        %dma_start3A_79 = arith.constant 0 : i32
        %dma_start3A_80 = tpu.memref_slice %arg13[%mul3A_77, %dma_start3A_79] : memref<10000x112xf32, #tpu.memory_space<vmem_shared>> -> memref<200x112xf32, #tpu.memory_space<vmem_shared>>
        tpu.enqueue_dma source(%arg12 : memref<200x112xf32, #tpu.memory_space<vmem>>) target(%dma_start3A_80 : memref<200x112xf32, #tpu.memory_space<vmem_shared>>) target_semaphore(%run_scoped3A : memref<!tpu.dma_semaphore, #tpu.memory_space<semaphore_mem>>)
        %dma_wait3A = arith.constant 0 : i32
        %dma_wait3A_81 = tpu.memref_slice %arg13[%mul3A_77, %dma_wait3A] : memref<10000x112xf32, #tpu.memory_space<vmem_shared>> -> memref<200x112xf32, #tpu.memory_space<vmem_shared>>
        %dma_wait3A_82 = arith.constant 0 : i32
        %dma_wait3A_83 = tpu.memref_slice %arg13[%mul3A_77, %dma_wait3A_82] : memref<10000x112xf32, #tpu.memory_space<vmem_shared>> -> memref<200x112xf32, #tpu.memory_space<vmem_shared>>
        tpu.wait_dma2 semaphore(%run_scoped3A : memref<!tpu.dma_semaphore, #tpu.memory_space<semaphore_mem>>) src(%arg12 : memref<200x112xf32, #tpu.memory_space<vmem>>) dst(%dma_wait3A_83 : memref<200x112xf32, #tpu.memory_space<vmem_shared>>)
        tpu.yield
      }) : () -> ()
    } else {
    }
    %add3A_19 = arith.constant 16 : i32
    %add3A_20 = arith.addi %arg1, %add3A_19 : i32
    %lt3A_21 = arith.constant 50 : i32
    %lt3A_22 = arith.cmpi slt, %add3A_20, %lt3A_21 : i32
    %convert_element_type3A_23 = arith.extui %lt3A_22 : i1 to i32
    %cond3A_24 = arith.constant 0 : i32
    %cond3A_25 = arith.cmpi ne, %convert_element_type3A_23, %cond3A_24 : i32
    scf.if %cond3A_25 {
      %mul3A_76 = arith.constant 200 : i32
      %mul3A_77 = arith.muli %add3A_20, %mul3A_76 : i32
      "tpu.region"() ({
        %run_scoped3A = tpu.sem_alloc : memref<!tpu.dma_semaphore, #tpu.memory_space<semaphore_mem>>
        %dma_start3A = arith.constant 0 : i32
        %dma_start3A_78 = tpu.memref_slice %arg13[%mul3A_77, %dma_start3A] : memref<10000x112xf32, #tpu.memory_space<vmem_shared>> -> memref<200x112xf32, #tpu.memory_space<vmem_shared>>
        %dma_start3A_79 = arith.constant 0 : i32
        %dma_start3A_80 = tpu.memref_slice %arg13[%mul3A_77, %dma_start3A_79] : memref<10000x112xf32, #tpu.memory_space<vmem_shared>> -> memref<200x112xf32, #tpu.memory_space<vmem_shared>>
        tpu.enqueue_dma source(%arg12 : memref<200x112xf32, #tpu.memory_space<vmem>>) target(%dma_start3A_80 : memref<200x112xf32, #tpu.memory_space<vmem_shared>>) target_semaphore(%run_scoped3A : memref<!tpu.dma_semaphore, #tpu.memory_space<semaphore_mem>>)
        %dma_wait3A = arith.constant 0 : i32
        %dma_wait3A_81 = tpu.memref_slice %arg13[%mul3A_77, %dma_wait3A] : memref<10000x112xf32, #tpu.memory_space<vmem_shared>> -> memref<200x112xf32, #tpu.memory_space<vmem_shared>>
        %dma_wait3A_82 = arith.constant 0 : i32
        %dma_wait3A_83 = tpu.memref_slice %arg13[%mul3A_77, %dma_wait3A_82] : memref<10000x112xf32, #tpu.memory_space<vmem_shared>> -> memref<200x112xf32, #tpu.memory_space<vmem_shared>>
        tpu.wait_dma2 semaphore(%run_scoped3A : memref<!tpu.dma_semaphore, #tpu.memory_space<semaphore_mem>>) src(%arg12 : memref<200x112xf32, #tpu.memory_space<vmem>>) dst(%dma_wait3A_83 : memref<200x112xf32, #tpu.memory_space<vmem_shared>>)
        tpu.yield
      }) : () -> ()
    } else {
    }
    %add3A_26 = arith.constant 32 : i32
    %add3A_27 = arith.addi %arg1, %add3A_26 : i32
    %lt3A_28 = arith.constant 50 : i32
    %lt3A_29 = arith.cmpi slt, %add3A_27, %lt3A_28 : i32
    %convert_element_type3A_30 = arith.extui %lt3A_29 : i1 to i32
    %cond3A_31 = arith.constant 0 : i32
    %cond3A_32 = arith.cmpi ne, %convert_element_type3A_30, %cond3A_31 : i32
    scf.if %cond3A_32 {
      %mul3A_76 = arith.constant 200 : i32
      %mul3A_77 = arith.muli %add3A_27, %mul3A_76 : i32
      "tpu.region"() ({
        %run_scoped3A = tpu.sem_alloc : memref<!tpu.dma_semaphore, #tpu.memory_space<semaphore_mem>>
        %dma_start3A = arith.constant 0 : i32
        %dma_start3A_78 = tpu.memref_slice %arg13[%mul3A_77, %dma_start3A] : memref<10000x112xf32, #tpu.memory_space<vmem_shared>> -> memref<200x112xf32, #tpu.memory_space<vmem_shared>>
        %dma_start3A_79 = arith.constant 0 : i32
        %dma_start3A_80 = tpu.memref_slice %arg13[%mul3A_77, %dma_start3A_79] : memref<10000x112xf32, #tpu.memory_space<vmem_shared>> -> memref<200x112xf32, #tpu.memory_space<vmem_shared>>
        tpu.enqueue_dma source(%arg12 : memref<200x112xf32, #tpu.memory_space<vmem>>) target(%dma_start3A_80 : memref<200x112xf32, #tpu.memory_space<vmem_shared>>) target_semaphore(%run_scoped3A : memref<!tpu.dma_semaphore, #tpu.memory_space<semaphore_mem>>)
        %dma_wait3A = arith.constant 0 : i32
        %dma_wait3A_81 = tpu.memref_slice %arg13[%mul3A_77, %dma_wait3A] : memref<10000x112xf32, #tpu.memory_space<vmem_shared>> -> memref<200x112xf32, #tpu.memory_space<vmem_shared>>
        %dma_wait3A_82 = arith.constant 0 : i32
        %dma_wait3A_83 = tpu.memref_slice %arg13[%mul3A_77, %dma_wait3A_82] : memref<10000x112xf32, #tpu.memory_space<vmem_shared>> -> memref<200x112xf32, #tpu.memory_space<vmem_shared>>
        tpu.wait_dma2 semaphore(%run_scoped3A : memref<!tpu.dma_semaphore, #tpu.memory_space<semaphore_mem>>) src(%arg12 : memref<200x112xf32, #tpu.memory_space<vmem>>) dst(%dma_wait3A_83 : memref<200x112xf32, #tpu.memory_space<vmem_shared>>)
        tpu.yield
      }) : () -> ()
    } else {
    }
    %add3A_33 = arith.constant 48 : i32
    %add3A_34 = arith.addi %arg1, %add3A_33 : i32
    %lt3A_35 = arith.constant 50 : i32
    %lt3A_36 = arith.cmpi slt, %add3A_34, %lt3A_35 : i32
    %convert_element_type3A_37 = arith.extui %lt3A_36 : i1 to i32
    %cond3A_38 = arith.constant 0 : i32
    %cond3A_39 = arith.cmpi ne, %convert_element_type3A_37, %cond3A_38 : i32
    scf.if %cond3A_39 {
      %mul3A_76 = arith.constant 200 : i32
      %mul3A_77 = arith.muli %add3A_34, %mul3A_76 : i32
      "tpu.region"() ({
        %run_scoped3A = tpu.sem_alloc : memref<!tpu.dma_semaphore, #tpu.memory_space<semaphore_mem>>
        %dma_start3A = arith.constant 0 : i32
        %dma_start3A_78 = tpu.memref_slice %arg13[%mul3A_77, %dma_start3A] : memref<10000x112xf32, #tpu.memory_space<vmem_shared>> -> memref<200x112xf32, #tpu.memory_space<vmem_shared>>
        %dma_start3A_79 = arith.constant 0 : i32
        %dma_start3A_80 = tpu.memref_slice %arg13[%mul3A_77, %dma_start3A_79] : memref<10000x112xf32, #tpu.memory_space<vmem_shared>> -> memref<200x112xf32, #tpu.memory_space<vmem_shared>>
        tpu.enqueue_dma source(%arg12 : memref<200x112xf32, #tpu.memory_space<vmem>>) target(%dma_start3A_80 : memref<200x112xf32, #tpu.memory_space<vmem_shared>>) target_semaphore(%run_scoped3A : memref<!tpu.dma_semaphore, #tpu.memory_space<semaphore_mem>>)
        %dma_wait3A = arith.constant 0 : i32
        %dma_wait3A_81 = tpu.memref_slice %arg13[%mul3A_77, %dma_wait3A] : memref<10000x112xf32, #tpu.memory_space<vmem_shared>> -> memref<200x112xf32, #tpu.memory_space<vmem_shared>>
        %dma_wait3A_82 = arith.constant 0 : i32
        %dma_wait3A_83 = tpu.memref_slice %arg13[%mul3A_77, %dma_wait3A_82] : memref<10000x112xf32, #tpu.memory_space<vmem_shared>> -> memref<200x112xf32, #tpu.memory_space<vmem_shared>>
        tpu.wait_dma2 semaphore(%run_scoped3A : memref<!tpu.dma_semaphore, #tpu.memory_space<semaphore_mem>>) src(%arg12 : memref<200x112xf32, #tpu.memory_space<vmem>>) dst(%dma_wait3A_83 : memref<200x112xf32, #tpu.memory_space<vmem_shared>>)
        tpu.yield
      }) : () -> ()
    } else {
    }
    %barrier3A = arith.constant 0 : index
    tpu.barrier barrier_id(%barrier3A)
    %scan3A_40 = arith.constant 0 : i32
    %scan3A_41 = arith.constant 0 : i32
    %scan3A_42 = arith.constant 79 : i32
    %scan3A_43 = arith.addi %scan3A_41, %scan3A_42 : i32
    %scan3A_44 = arith.constant 1 : i32
    %scan3A_45 = scf.for %scan3A_76 = %scan3A_41 to %scan3A_43 step %scan3A_44 iter_args(%scan3A_77 = %scan3A_40) -> (i32)  : i32 {
      %mul3A_78 = arith.constant 10112 : i32
      %mul3A_79 = arith.muli %add3A, %mul3A_78 : i32
      %mul3A_80 = arith.constant 128 : i32
      %mul3A_81 = arith.muli %scan3A_76, %mul3A_80 : i32
      %add3A_82 = arith.addi %mul3A_79, %mul3A_81 : i32
      "tpu.region"() ({
        %run_scoped3A = tpu.sem_alloc : memref<!tpu.dma_semaphore, #tpu.memory_space<semaphore_mem>>
        %dma_start3A_97 = tpu.memref_slice %arg3[%add3A_82] : memref<323584xi32, #tpu.memory_space<hbm>> -> memref<128xi32, #tpu.memory_space<hbm>>
        %dma_start3A_98 = tpu.memref_slice %arg3[%add3A_82] : memref<323584xi32, #tpu.memory_space<hbm>> -> memref<128xi32, #tpu.memory_space<hbm>>
        tpu.enqueue_dma source(%dma_start3A_98 : memref<128xi32, #tpu.memory_space<hbm>>) target(%arg7 : memref<128xi32, #tpu.memory_space<vmem>>) target_semaphore(%run_scoped3A : memref<!tpu.dma_semaphore, #tpu.memory_space<semaphore_mem>>)
        %dma_wait3A_99 = tpu.memref_slice %arg3[%add3A_82] : memref<323584xi32, #tpu.memory_space<hbm>> -> memref<128xi32, #tpu.memory_space<hbm>>
        %dma_wait3A_100 = tpu.memref_slice %arg3[%add3A_82] : memref<323584xi32, #tpu.memory_space<hbm>> -> memref<128xi32, #tpu.memory_space<hbm>>
        tpu.wait_dma2 semaphore(%run_scoped3A : memref<!tpu.dma_semaphore, #tpu.memory_space<semaphore_mem>>) src(%dma_wait3A_100 : memref<128xi32, #tpu.memory_space<hbm>>) dst(%arg7 : memref<128xi32, #tpu.memory_space<vmem>>)
        tpu.yield
      }) : () -> ()
      "tpu.region"() ({
        %run_scoped3A = tpu.sem_alloc : memref<!tpu.dma_semaphore, #tpu.memory_space<semaphore_mem>>
        %dma_start3A_97 = tpu.memref_slice %arg4[%add3A_82] : memref<323584xi32, #tpu.memory_space<hbm>> -> memref<128xi32, #tpu.memory_space<hbm>>
        %dma_start3A_98 = tpu.memref_slice %arg4[%add3A_82] : memref<323584xi32, #tpu.memory_space<hbm>> -> memref<128xi32, #tpu.memory_space<hbm>>
        tpu.enqueue_dma source(%dma_start3A_98 : memref<128xi32, #tpu.memory_space<hbm>>) target(%arg8 : memref<128xi32, #tpu.memory_space<vmem>>) target_semaphore(%run_scoped3A : memref<!tpu.dma_semaphore, #tpu.memory_space<semaphore_mem>>)
        %dma_wait3A_99 = tpu.memref_slice %arg4[%add3A_82] : memref<323584xi32, #tpu.memory_space<hbm>> -> memref<128xi32, #tpu.memory_space<hbm>>
        %dma_wait3A_100 = tpu.memref_slice %arg4[%add3A_82] : memref<323584xi32, #tpu.memory_space<hbm>> -> memref<128xi32, #tpu.memory_space<hbm>>
        tpu.wait_dma2 semaphore(%run_scoped3A : memref<!tpu.dma_semaphore, #tpu.memory_space<semaphore_mem>>) src(%dma_wait3A_100 : memref<128xi32, #tpu.memory_space<hbm>>) dst(%arg8 : memref<128xi32, #tpu.memory_space<vmem>>)
        tpu.yield
      }) : () -> ()
      %mul3A_83 = arith.constant 16 : i32
      %mul3A_84 = arith.muli %add3A_82, %mul3A_83 : i32
      "tpu.region"() ({
        %run_scoped3A = tpu.sem_alloc : memref<!tpu.dma_semaphore, #tpu.memory_space<semaphore_mem>>
        %dma_start3A_97 = tpu.memref_slice %arg5[%mul3A_84] : memref<5177344xf32, #tpu.memory_space<hbm>> -> memref<2048xf32, #tpu.memory_space<hbm>>
        %dma_start3A_98 = tpu.memref_slice %arg5[%mul3A_84] : memref<5177344xf32, #tpu.memory_space<hbm>> -> memref<2048xf32, #tpu.memory_space<hbm>>
        tpu.enqueue_dma source(%dma_start3A_98 : memref<2048xf32, #tpu.memory_space<hbm>>) target(%arg9 : memref<2048xf32, #tpu.memory_space<vmem>>) target_semaphore(%run_scoped3A : memref<!tpu.dma_semaphore, #tpu.memory_space<semaphore_mem>>)
        %dma_wait3A_99 = tpu.memref_slice %arg5[%mul3A_84] : memref<5177344xf32, #tpu.memory_space<hbm>> -> memref<2048xf32, #tpu.memory_space<hbm>>
        %dma_wait3A_100 = tpu.memref_slice %arg5[%mul3A_84] : memref<5177344xf32, #tpu.memory_space<hbm>> -> memref<2048xf32, #tpu.memory_space<hbm>>
        tpu.wait_dma2 semaphore(%run_scoped3A : memref<!tpu.dma_semaphore, #tpu.memory_space<semaphore_mem>>) src(%dma_wait3A_100 : memref<2048xf32, #tpu.memory_space<hbm>>) dst(%arg9 : memref<2048xf32, #tpu.memory_space<vmem>>)
        tpu.yield
      }) : () -> ()
      %dma_start3A = arith.constant 0 : i32
      %dma_start3A_85 = arith.constant 0 : i32
      %dma_start3A_86 = tpu.memref_slice %arg2[%dma_start3A, %dma_start3A_85] : memref<10000x128xf32, #tpu.memory_space<hbm>> -> memref<10000x128xf32, #tpu.memory_space<hbm>>
      tpu.enqueue_indirect_dma source(%dma_start3A_86 : memref<10000x128xf32, #tpu.memory_space<hbm>>) target(%arg10 : memref<128x128xf32, #tpu.memory_space<vmem>>) offsets(%arg7 : memref<128xi32, #tpu.memory_space<vmem>>) semaphore(%arg14 : memref<!tpu.dma_semaphore, #tpu.memory_space<semaphore_mem>>)
      %dma_wait3A = arith.constant 0 : i32
      %dma_wait3A_87 = arith.constant 0 : i32
      %dma_wait3A_88 = tpu.memref_slice %arg2[%dma_wait3A, %dma_wait3A_87] : memref<10000x128xf32, #tpu.memory_space<hbm>> -> memref<10000x128xf32, #tpu.memory_space<hbm>>
      tpu.wait_indirect_dma semaphore(%arg14 : memref<!tpu.dma_semaphore, #tpu.memory_space<semaphore_mem>>) src(%dma_wait3A_88 : memref<10000x128xf32, #tpu.memory_space<hbm>>) dst(%arg10 : memref<128x128xf32, #tpu.memory_space<vmem>>)
      %scan3A_89 = arith.constant 0 : i32
      %scan3A_90 = arith.constant 0 : i32
      %scan3A_91 = arith.constant 128 : i32
      %scan3A_92 = arith.addi %scan3A_90, %scan3A_91 : i32
      %scan3A_93 = arith.constant 1 : i32
      %scan3A_94 = scf.for %scan3A_97 = %scan3A_90 to %scan3A_92 step %scan3A_93 iter_args(%scan3A_98 = %scan3A_89) -> (i32)  : i32 {
        %mul3A_99 = arith.constant 16 : i32
        %mul3A_100 = arith.muli %scan3A_97, %mul3A_99 : i32
        %get3A = arith.index_cast %mul3A_100 : i32 to index
        %get3A_101 = tpu.vector_load %arg9[%get3A] {strides = array<i32>} : memref<2048xf32, #tpu.memory_space<vmem>>, vector<16xf32>,
        %broadcast_in_dim3A_102 = vector.broadcast %scan3A_97 : i32 to vector<16xi32>
        %broadcast_in_dim3A_103 = arith.constant 0 : i32
        %broadcast_in_dim3A_104 = vector.broadcast %broadcast_in_dim3A_103 : i32 to vector<16x1xi32>
        %gather3A = vector.shape_cast %broadcast_in_dim3A_104 : vector<16x1xi32> to vector<16xi32>
        %gather3A_105 = tpu.dynamic_gather %get3A_101[%gather3A] in [0] : vector<16xf32>, vector<16xi32> -> vector<16xf32>
        %add3A_106 = arith.constant 0 : i32
        %add3A_107 = vector.broadcast %add3A_106 : i32 to vector<16xi32>
        %add3A_108 = arith.addi %iota3A, %add3A_107 : vector<16xi32>
        %gather3A_109 = tpu.vector_load_idx %arg10[%broadcast_in_dim3A_102, %add3A_108] : memref<128x128xf32, #tpu.memory_space<vmem>>[vector<16xi32>, vector<16xi32>], vector<16xf32>,
        %add3A_110 = arith.constant 0 : i32
        %add3A_111 = vector.broadcast %add3A_110 : i32 to vector<16xi32>
        %add3A_112 = arith.addi %iota3A, %add3A_111 : vector<16xi32>
        %mul3A_113 = arith.mulf %gather3A_105, %gather3A_109 : vector<16xf32>
        tpu.vector_store_idx %arg11[%broadcast_in_dim3A_102, %add3A_112], %mul3A_113 : memref<128x112xf32, #tpu.memory_space<vmem>>[vector<16xi32>, vector<16xi32>], vector<16xf32>,
        %broadcast_in_dim3A_114 = arith.constant 1 : i32
        %broadcast_in_dim3A_115 = vector.broadcast %broadcast_in_dim3A_114 : i32 to vector<16x1xi32>
        %gather3A_116 = vector.shape_cast %broadcast_in_dim3A_115 : vector<16x1xi32> to vector<16xi32>
        %gather3A_117 = tpu.dynamic_gather %get3A_101[%gather3A_116] in [0] : vector<16xf32>, vector<16xi32> -> vector<16xf32>
        %add3A_118 = arith.constant 16 : i32
        %add3A_119 = vector.broadcast %add3A_118 : i32 to vector<16xi32>
        %add3A_120 = arith.addi %iota3A, %add3A_119 : vector<16xi32>
        %gather3A_121 = tpu.vector_load_idx %arg10[%broadcast_in_dim3A_102, %add3A_120] : memref<128x128xf32, #tpu.memory_space<vmem>>[vector<16xi32>, vector<16xi32>], vector<16xf32>,
        %add3A_122 = arith.constant 16 : i32
        %add3A_123 = vector.broadcast %add3A_122 : i32 to vector<16xi32>
        %add3A_124 = arith.addi %iota3A, %add3A_123 : vector<16xi32>
        %mul3A_125 = arith.mulf %gather3A_117, %gather3A_121 : vector<16xf32>
        tpu.vector_store_idx %arg11[%broadcast_in_dim3A_102, %add3A_124], %mul3A_125 : memref<128x112xf32, #tpu.memory_space<vmem>>[vector<16xi32>, vector<16xi32>], vector<16xf32>,
        %broadcast_in_dim3A_126 = arith.constant 2 : i32
        %broadcast_in_dim3A_127 = vector.broadcast %broadcast_in_dim3A_126 : i32 to vector<16x1xi32>
        %gather3A_128 = vector.shape_cast %broadcast_in_dim3A_127 : vector<16x1xi32> to vector<16xi32>
        %gather3A_129 = tpu.dynamic_gather %get3A_101[%gather3A_128] in [0] : vector<16xf32>, vector<16xi32> -> vector<16xf32>
        %add3A_130 = arith.constant 32 : i32
        %add3A_131 = vector.broadcast %add3A_130 : i32 to vector<16xi32>
        %add3A_132 = arith.addi %iota3A, %add3A_131 : vector<16xi32>
        %gather3A_133 = tpu.vector_load_idx %arg10[%broadcast_in_dim3A_102, %add3A_132] : memref<128x128xf32, #tpu.memory_space<vmem>>[vector<16xi32>, vector<16xi32>], vector<16xf32>,
        %add3A_134 = arith.constant 32 : i32
        %add3A_135 = vector.broadcast %add3A_134 : i32 to vector<16xi32>
        %add3A_136 = arith.addi %iota3A, %add3A_135 : vector<16xi32>
        %mul3A_137 = arith.mulf %gather3A_129, %gather3A_133 : vector<16xf32>
        tpu.vector_store_idx %arg11[%broadcast_in_dim3A_102, %add3A_136], %mul3A_137 : memref<128x112xf32, #tpu.memory_space<vmem>>[vector<16xi32>, vector<16xi32>], vector<16xf32>,
        %broadcast_in_dim3A_138 = arith.constant 3 : i32
        %broadcast_in_dim3A_139 = vector.broadcast %broadcast_in_dim3A_138 : i32 to vector<16x1xi32>
        %gather3A_140 = vector.shape_cast %broadcast_in_dim3A_139 : vector<16x1xi32> to vector<16xi32>
        %gather3A_141 = tpu.dynamic_gather %get3A_101[%gather3A_140] in [0] : vector<16xf32>, vector<16xi32> -> vector<16xf32>
        %add3A_142 = arith.constant 48 : i32
        %add3A_143 = vector.broadcast %add3A_142 : i32 to vector<16xi32>
        %add3A_144 = arith.addi %iota3A, %add3A_143 : vector<16xi32>
        %gather3A_145 = tpu.vector_load_idx %arg10[%broadcast_in_dim3A_102, %add3A_144] : memref<128x128xf32, #tpu.memory_space<vmem>>[vector<16xi32>, vector<16xi32>], vector<16xf32>,
        %add3A_146 = arith.constant 48 : i32
        %add3A_147 = vector.broadcast %add3A_146 : i32 to vector<16xi32>
        %add3A_148 = arith.addi %iota3A, %add3A_147 : vector<16xi32>
        %mul3A_149 = arith.mulf %gather3A_141, %gather3A_145 : vector<16xf32>
        tpu.vector_store_idx %arg11[%broadcast_in_dim3A_102, %add3A_148], %mul3A_149 : memref<128x112xf32, #tpu.memory_space<vmem>>[vector<16xi32>, vector<16xi32>], vector<16xf32>,
        %broadcast_in_dim3A_150 = arith.constant 4 : i32
        %broadcast_in_dim3A_151 = vector.broadcast %broadcast_in_dim3A_150 : i32 to vector<16x1xi32>
        %gather3A_152 = vector.shape_cast %broadcast_in_dim3A_151 : vector<16x1xi32> to vector<16xi32>
        %gather3A_153 = tpu.dynamic_gather %get3A_101[%gather3A_152] in [0] : vector<16xf32>, vector<16xi32> -> vector<16xf32>
        %add3A_154 = arith.constant 64 : i32
        %add3A_155 = vector.broadcast %add3A_154 : i32 to vector<16xi32>
        %add3A_156 = arith.addi %iota3A, %add3A_155 : vector<16xi32>
        %gather3A_157 = tpu.vector_load_idx %arg10[%broadcast_in_dim3A_102, %add3A_156] : memref<128x128xf32, #tpu.memory_space<vmem>>[vector<16xi32>, vector<16xi32>], vector<16xf32>,
        %add3A_158 = arith.constant 64 : i32
        %add3A_159 = vector.broadcast %add3A_158 : i32 to vector<16xi32>
        %add3A_160 = arith.addi %iota3A, %add3A_159 : vector<16xi32>
        %mul3A_161 = arith.mulf %gather3A_153, %gather3A_157 : vector<16xf32>
        tpu.vector_store_idx %arg11[%broadcast_in_dim3A_102, %add3A_160], %mul3A_161 : memref<128x112xf32, #tpu.memory_space<vmem>>[vector<16xi32>, vector<16xi32>], vector<16xf32>,
        %broadcast_in_dim3A_162 = arith.constant 5 : i32
        %broadcast_in_dim3A_163 = vector.broadcast %broadcast_in_dim3A_162 : i32 to vector<16x1xi32>
        %gather3A_164 = vector.shape_cast %broadcast_in_dim3A_163 : vector<16x1xi32> to vector<16xi32>
        %gather3A_165 = tpu.dynamic_gather %get3A_101[%gather3A_164] in [0] : vector<16xf32>, vector<16xi32> -> vector<16xf32>
        %add3A_166 = arith.constant 80 : i32
        %add3A_167 = vector.broadcast %add3A_166 : i32 to vector<16xi32>
        %add3A_168 = arith.addi %iota3A, %add3A_167 : vector<16xi32>
        %gather3A_169 = tpu.vector_load_idx %arg10[%broadcast_in_dim3A_102, %add3A_168] : memref<128x128xf32, #tpu.memory_space<vmem>>[vector<16xi32>, vector<16xi32>], vector<16xf32>,
        %add3A_170 = arith.constant 80 : i32
        %add3A_171 = vector.broadcast %add3A_170 : i32 to vector<16xi32>
        %add3A_172 = arith.addi %iota3A, %add3A_171 : vector<16xi32>
        %mul3A_173 = arith.mulf %gather3A_165, %gather3A_169 : vector<16xf32>
        tpu.vector_store_idx %arg11[%broadcast_in_dim3A_102, %add3A_172], %mul3A_173 : memref<128x112xf32, #tpu.memory_space<vmem>>[vector<16xi32>, vector<16xi32>], vector<16xf32>,
        %scan3A_174 = arith.constant 0 : i32
        scf.yield %scan3A_174 : i32
      }
      %scan3A_95 = arith.constant 128 : i32
      "tpu.region"() ({
        %run_scoped3A = tpu.sem_alloc : memref<!tpu.dma_semaphore, #tpu.memory_space<semaphore_mem>>
        %dma_start3A_97 = arith.constant 0 : i32
        %dma_start3A_98 = arith.constant 0 : i32
        %dma_start3A_99 = tpu.memref_slice %arg13[%dma_start3A_97, %dma_start3A_98] : memref<10000x112xf32, #tpu.memory_space<vmem_shared>> -> memref<10000x112xf32, #tpu.memory_space<vmem_shared>>
        tpu.enqueue_indirect_dma source(%arg11 : memref<128x112xf32, #tpu.memory_space<vmem>>) target(%dma_start3A_99 : memref<10000x112xf32, #tpu.memory_space<vmem_shared>>) offsets(%arg8 : memref<128xi32, #tpu.memory_space<vmem>>) semaphore(%run_scoped3A : memref<!tpu.dma_semaphore, #tpu.memory_space<semaphore_mem>>) {add = true}
        %dma_wait3A_100 = arith.constant 0 : i32
        %dma_wait3A_101 = arith.constant 0 : i32
        %dma_wait3A_102 = tpu.memref_slice %arg13[%dma_wait3A_100, %dma_wait3A_101] : memref<10000x112xf32, #tpu.memory_space<vmem_shared>> -> memref<10000x112xf32, #tpu.memory_space<vmem_shared>>
        tpu.wait_indirect_dma semaphore(%run_scoped3A : memref<!tpu.dma_semaphore, #tpu.memory_space<semaphore_mem>>) src(%arg11 : memref<128x112xf32, #tpu.memory_space<vmem>>) dst(%dma_wait3A_102 : memref<10000x112xf32, #tpu.memory_space<vmem_shared>>)
        tpu.yield
      }) : () -> ()
      %scan3A_96 = arith.constant 0 : i32
      scf.yield %scan3A_96 : i32
    }
    %scan3A_46 = arith.constant 79 : i32
    %barrier3A_47 = arith.constant 0 : index
    tpu.barrier barrier_id(%barrier3A_47)
    %add3A_48 = arith.constant 0 : i32
    %add3A_49 = arith.addi %arg1, %add3A_48 : i32
    %lt3A_50 = arith.constant 50 : i32
    %lt3A_51 = arith.cmpi slt, %add3A_49, %lt3A_50 : i32
    %convert_element_type3A_52 = arith.extui %lt3A_51 : i1 to i32
    %cond3A_53 = arith.constant 0 : i32
    %cond3A_54 = arith.cmpi ne, %convert_element_type3A_52, %cond3A_53 : i32
    scf.if %cond3A_54 {
      %mul3A_76 = arith.constant 200 : i32
      %mul3A_77 = arith.muli %add3A_49, %mul3A_76 : i32
      "tpu.region"() ({
        %run_scoped3A = tpu.sem_alloc : memref<!tpu.dma_semaphore, #tpu.memory_space<semaphore_mem>>
        %dma_start3A = arith.constant 0 : i32
        %dma_start3A_78 = tpu.memref_slice %arg6[%arg0, %mul3A_77, %dma_start3A] : memref<2x10000x112xf32, #tpu.memory_space<hbm>> -> memref<1x200x112xf32, #tpu.memory_space<hbm>>
        %dma_start3A_79 = tpu.memref_squeeze %dma_start3A_78 : memref<1x200x112xf32, #tpu.memory_space<hbm>> -> memref<200x112xf32, #tpu.memory_space<hbm>>
        %dma_start3A_80 = arith.constant 0 : i32
        %dma_start3A_81 = tpu.memref_slice %arg13[%mul3A_77, %dma_start3A_80] : memref<10000x112xf32, #tpu.memory_space<vmem_shared>> -> memref<200x112xf32, #tpu.memory_space<vmem_shared>>
        tpu.enqueue_dma source(%dma_start3A_81 : memref<200x112xf32, #tpu.memory_space<vmem_shared>>) target(%dma_start3A_79 : memref<200x112xf32, #tpu.memory_space<hbm>>) target_semaphore(%run_scoped3A : memref<!tpu.dma_semaphore, #tpu.memory_space<semaphore_mem>>)
        %dma_wait3A = arith.constant 0 : i32
        %dma_wait3A_82 = tpu.memref_slice %arg6[%arg0, %mul3A_77, %dma_wait3A] : memref<2x10000x112xf32, #tpu.memory_space<hbm>> -> memref<1x200x112xf32, #tpu.memory_space<hbm>>
        %dma_wait3A_83 = tpu.memref_squeeze %dma_wait3A_82 : memref<1x200x112xf32, #tpu.memory_space<hbm>> -> memref<200x112xf32, #tpu.memory_space<hbm>>
        %dma_wait3A_84 = arith.constant 0 : i32
        %dma_wait3A_85 = tpu.memref_slice %arg13[%mul3A_77, %dma_wait3A_84] : memref<10000x112xf32, #tpu.memory_space<vmem_shared>> -> memref<200x112xf32, #tpu.memory_space<vmem_shared>>
        tpu.wait_dma2 semaphore(%run_scoped3A : memref<!tpu.dma_semaphore, #tpu.memory_space<semaphore_mem>>) src(%dma_wait3A_85 : memref<200x112xf32, #tpu.memory_space<vmem_shared>>) dst(%dma_wait3A_83 : memref<200x112xf32, #tpu.memory_space<hbm>>)
        tpu.yield
      }) : () -> ()
    } else {
    }
    %add3A_55 = arith.constant 16 : i32
    %add3A_56 = arith.addi %arg1, %add3A_55 : i32
    %lt3A_57 = arith.constant 50 : i32
    %lt3A_58 = arith.cmpi slt, %add3A_56, %lt3A_57 : i32
    %convert_element_type3A_59 = arith.extui %lt3A_58 : i1 to i32
    %cond3A_60 = arith.constant 0 : i32
    %cond3A_61 = arith.cmpi ne, %convert_element_type3A_59, %cond3A_60 : i32
    scf.if %cond3A_61 {
      %mul3A_76 = arith.constant 200 : i32
      %mul3A_77 = arith.muli %add3A_56, %mul3A_76 : i32
      "tpu.region"() ({
        %run_scoped3A = tpu.sem_alloc : memref<!tpu.dma_semaphore, #tpu.memory_space<semaphore_mem>>
        %dma_start3A = arith.constant 0 : i32
        %dma_start3A_78 = tpu.memref_slice %arg6[%arg0, %mul3A_77, %dma_start3A] : memref<2x10000x112xf32, #tpu.memory_space<hbm>> -> memref<1x200x112xf32, #tpu.memory_space<hbm>>
        %dma_start3A_79 = tpu.memref_squeeze %dma_start3A_78 : memref<1x200x112xf32, #tpu.memory_space<hbm>> -> memref<200x112xf32, #tpu.memory_space<hbm>>
        %dma_start3A_80 = arith.constant 0 : i32
        %dma_start3A_81 = tpu.memref_slice %arg13[%mul3A_77, %dma_start3A_80] : memref<10000x112xf32, #tpu.memory_space<vmem_shared>> -> memref<200x112xf32, #tpu.memory_space<vmem_shared>>
        tpu.enqueue_dma source(%dma_start3A_81 : memref<200x112xf32, #tpu.memory_space<vmem_shared>>) target(%dma_start3A_79 : memref<200x112xf32, #tpu.memory_space<hbm>>) target_semaphore(%run_scoped3A : memref<!tpu.dma_semaphore, #tpu.memory_space<semaphore_mem>>)
        %dma_wait3A = arith.constant 0 : i32
        %dma_wait3A_82 = tpu.memref_slice %arg6[%arg0, %mul3A_77, %dma_wait3A] : memref<2x10000x112xf32, #tpu.memory_space<hbm>> -> memref<1x200x112xf32, #tpu.memory_space<hbm>>
        %dma_wait3A_83 = tpu.memref_squeeze %dma_wait3A_82 : memref<1x200x112xf32, #tpu.memory_space<hbm>> -> memref<200x112xf32, #tpu.memory_space<hbm>>
        %dma_wait3A_84 = arith.constant 0 : i32
        %dma_wait3A_85 = tpu.memref_slice %arg13[%mul3A_77, %dma_wait3A_84] : memref<10000x112xf32, #tpu.memory_space<vmem_shared>> -> memref<200x112xf32, #tpu.memory_space<vmem_shared>>
        tpu.wait_dma2 semaphore(%run_scoped3A : memref<!tpu.dma_semaphore, #tpu.memory_space<semaphore_mem>>) src(%dma_wait3A_85 : memref<200x112xf32, #tpu.memory_space<vmem_shared>>) dst(%dma_wait3A_83 : memref<200x112xf32, #tpu.memory_space<hbm>>)
        tpu.yield
      }) : () -> ()
    } else {
    }
    %add3A_62 = arith.constant 32 : i32
    %add3A_63 = arith.addi %arg1, %add3A_62 : i32
    %lt3A_64 = arith.constant 50 : i32
    %lt3A_65 = arith.cmpi slt, %add3A_63, %lt3A_64 : i32
    %convert_element_type3A_66 = arith.extui %lt3A_65 : i1 to i32
    %cond3A_67 = arith.constant 0 : i32
    %cond3A_68 = arith.cmpi ne, %convert_element_type3A_66, %cond3A_67 : i32
    scf.if %cond3A_68 {
      %mul3A_76 = arith.constant 200 : i32
      %mul3A_77 = arith.muli %add3A_63, %mul3A_76 : i32
      "tpu.region"() ({
        %run_scoped3A = tpu.sem_alloc : memref<!tpu.dma_semaphore, #tpu.memory_space<semaphore_mem>>
        %dma_start3A = arith.constant 0 : i32
        %dma_start3A_78 = tpu.memref_slice %arg6[%arg0, %mul3A_77, %dma_start3A] : memref<2x10000x112xf32, #tpu.memory_space<hbm>> -> memref<1x200x112xf32, #tpu.memory_space<hbm>>
        %dma_start3A_79 = tpu.memref_squeeze %dma_start3A_78 : memref<1x200x112xf32, #tpu.memory_space<hbm>> -> memref<200x112xf32, #tpu.memory_space<hbm>>
        %dma_start3A_80 = arith.constant 0 : i32
        %dma_start3A_81 = tpu.memref_slice %arg13[%mul3A_77, %dma_start3A_80] : memref<10000x112xf32, #tpu.memory_space<vmem_shared>> -> memref<200x112xf32, #tpu.memory_space<vmem_shared>>
        tpu.enqueue_dma source(%dma_start3A_81 : memref<200x112xf32, #tpu.memory_space<vmem_shared>>) target(%dma_start3A_79 : memref<200x112xf32, #tpu.memory_space<hbm>>) target_semaphore(%run_scoped3A : memref<!tpu.dma_semaphore, #tpu.memory_space<semaphore_mem>>)
        %dma_wait3A = arith.constant 0 : i32
        %dma_wait3A_82 = tpu.memref_slice %arg6[%arg0, %mul3A_77, %dma_wait3A] : memref<2x10000x112xf32, #tpu.memory_space<hbm>> -> memref<1x200x112xf32, #tpu.memory_space<hbm>>
        %dma_wait3A_83 = tpu.memref_squeeze %dma_wait3A_82 : memref<1x200x112xf32, #tpu.memory_space<hbm>> -> memref<200x112xf32, #tpu.memory_space<hbm>>
        %dma_wait3A_84 = arith.constant 0 : i32
        %dma_wait3A_85 = tpu.memref_slice %arg13[%mul3A_77, %dma_wait3A_84] : memref<10000x112xf32, #tpu.memory_space<vmem_shared>> -> memref<200x112xf32, #tpu.memory_space<vmem_shared>>
        tpu.wait_dma2 semaphore(%run_scoped3A : memref<!tpu.dma_semaphore, #tpu.memory_space<semaphore_mem>>) src(%dma_wait3A_85 : memref<200x112xf32, #tpu.memory_space<vmem_shared>>) dst(%dma_wait3A_83 : memref<200x112xf32, #tpu.memory_space<hbm>>)
        tpu.yield
      }) : () -> ()
    } else {
    }
    %add3A_69 = arith.constant 48 : i32
    %add3A_70 = arith.addi %arg1, %add3A_69 : i32
    %lt3A_71 = arith.constant 50 : i32
    %lt3A_72 = arith.cmpi slt, %add3A_70, %lt3A_71 : i32
    %convert_element_type3A_73 = arith.extui %lt3A_72 : i1 to i32
    %cond3A_74 = arith.constant 0 : i32
    %cond3A_75 = arith.cmpi ne, %convert_element_type3A_73, %cond3A_74 : i32
    scf.if %cond3A_75 {
      %mul3A_76 = arith.constant 200 : i32
      %mul3A_77 = arith.muli %add3A_70, %mul3A_76 : i32
      "tpu.region"() ({
        %run_scoped3A = tpu.sem_alloc : memref<!tpu.dma_semaphore, #tpu.memory_space<semaphore_mem>>
        %dma_start3A = arith.constant 0 : i32
        %dma_start3A_78 = tpu.memref_slice %arg6[%arg0, %mul3A_77, %dma_start3A] : memref<2x10000x112xf32, #tpu.memory_space<hbm>> -> memref<1x200x112xf32, #tpu.memory_space<hbm>>
        %dma_start3A_79 = tpu.memref_squeeze %dma_start3A_78 : memref<1x200x112xf32, #tpu.memory_space<hbm>> -> memref<200x112xf32, #tpu.memory_space<hbm>>
        %dma_start3A_80 = arith.constant 0 : i32
        %dma_start3A_81 = tpu.memref_slice %arg13[%mul3A_77, %dma_start3A_80] : memref<10000x112xf32, #tpu.memory_space<vmem_shared>> -> memref<200x112xf32, #tpu.memory_space<vmem_shared>>
        tpu.enqueue_dma source(%dma_start3A_81 : memref<200x112xf32, #tpu.memory_space<vmem_shared>>) target(%dma_start3A_79 : memref<200x112xf32, #tpu.memory_space<hbm>>) target_semaphore(%run_scoped3A : memref<!tpu.dma_semaphore, #tpu.memory_space<semaphore_mem>>)
        %dma_wait3A = arith.constant 0 : i32
        %dma_wait3A_82 = tpu.memref_slice %arg6[%arg0, %mul3A_77, %dma_wait3A] : memref<2x10000x112xf32, #tpu.memory_space<hbm>> -> memref<1x200x112xf32, #tpu.memory_space<hbm>>
        %dma_wait3A_83 = tpu.memref_squeeze %dma_wait3A_82 : memref<1x200x112xf32, #tpu.memory_space<hbm>> -> memref<200x112xf32, #tpu.memory_space<hbm>>
        %dma_wait3A_84 = arith.constant 0 : i32
        %dma_wait3A_85 = tpu.memref_slice %arg13[%mul3A_77, %dma_wait3A_84] : memref<10000x112xf32, #tpu.memory_space<vmem_shared>> -> memref<200x112xf32, #tpu.memory_space<vmem_shared>>
        tpu.wait_dma2 semaphore(%run_scoped3A : memref<!tpu.dma_semaphore, #tpu.memory_space<semaphore_mem>>) src(%dma_wait3A_85 : memref<200x112xf32, #tpu.memory_space<vmem_shared>>) dst(%dma_wait3A_83 : memref<200x112xf32, #tpu.memory_space<hbm>>)
        tpu.yield
      }) : () -> ()
    } else {
    }
    return
  }
}

#map = affine_map<(d0, d1) -> (0, 0)>
#map1 = affine_map<(d0, d1) -> (0)>
#map2 = affine_map<(d0, d1) -> (0, 0, 0)>
module attributes {stable_mosaic.version = 14 : i64} {
  func.func @k(%arg0: i32, %arg1: i32, %arg2: memref<10000x128xf32, #tpu.memory_space<hbm>>, %arg3: memref<323584xi32, #tpu.memory_space<hbm>>, %arg4: memref<323584xi32, #tpu.memory_space<hbm>>, %arg5: memref<5177344xf32, #tpu.memory_space<hbm>>, %arg6: memref<2x10000x112xf32, #tpu.memory_space<hbm>>, %arg7: memref<128xi32, #tpu.memory_space<vmem>>, %arg8: memref<128xi32, #tpu.memory_space<vmem>>, %arg9: memref<2048xf32, #tpu.memory_space<vmem>>, %arg10: memref<128x128xf32, #tpu.memory_space<vmem>>, %arg11: memref<128x112xf32, #tpu.memory_space<vmem>>, %arg12: memref<200x112xf32, #tpu.memory_space<vmem>>, %arg13: memref<10000x112xf32, #tpu.memory_space<vmem_shared>>, %arg14: memref<!tpu.dma_semaphore, #tpu.memory_space<semaphore_mem>>) attributes {dimension_semantics = [#tpu.dimension_semantics<core_parallel>, #tpu.dimension_semantics<subcore_parallel>], iteration_bounds = array<i64: 2, 16>, scalar_prefetch = 0 : i64, scratch_operands = 8 : i64, tpu.core_type = #tpu.core_type<sc_vector_subcore>, window_params = [{transform_indices = #map}, {transform_indices = #map1}, {transform_indices = #map1}, {transform_indices = #map1}, {transform_indices = #map2}]} {
    %mul3A = arith.constant 2 : i32
    %mul3A_0 = arith.muli %arg1, %mul3A : i32
    %add3A = arith.addi %mul3A_0, %arg0 : i32
    %iota3A = tpu.iota {dimensions = array<i32: 0>} : vector<16xi32>
    %broadcast_in_dim3A = arith.constant 0.000000e+00 : f32
    %broadcast_in_dim3A_1 = vector.broadcast %broadcast_in_dim3A : f32 to vector<16xf32>
    %scan3A = arith.constant 0 : i32
    %scan3A_2 = arith.constant 0 : i32
    %scan3A_3 = arith.constant 200 : i32
    %scan3A_4 = arith.addi %scan3A_2, %scan3A_3 : i32
    %scan3A_5 = arith.constant 1 : i32
    %scan3A_6 = scf.for %scan3A_76 = %scan3A_2 to %scan3A_4 step %scan3A_5 iter_args(%scan3A_77 = %scan3A) -> (i32)  : i32 {
      %broadcast_in_dim3A_78 = vector.broadcast %scan3A_76 : i32 to vector<16xi32>
      %add3A_79 = arith.constant 0 : i32
      %add3A_80 = vector.broadcast %add3A_79 : i32 to vector<16xi32>
      %add3A_81 = arith.addi %iota3A, %add3A_80 : vector<16xi32>
      tpu.vector_store_idx %arg12[%broadcast_in_dim3A_78, %add3A_81], %broadcast_in_dim3A_1 : memref<200x112xf32, #tpu.memory_space<vmem>>[vector<16xi32>, vector<16xi32>], vector<16xf32>,
      %add3A_82 = arith.constant 16 : i32
      %add3A_83 = vector.broadcast %add3A_82 : i32 to vector<16xi32>
      %add3A_84 = arith.addi %iota3A, %add3A_83 : vector<16xi32>
      tpu.vector_store_idx %arg12[%broadcast_in_dim3A_78, %add3A_84], %broadcast_in_dim3A_1 : memref<200x112xf32, #tpu.memory_space<vmem>>[vector<16xi32>, vector<16xi32>], vector<16xf32>,
      %add3A_85 = arith.constant 32 : i32
      %add3A_86 = vector.broadcast %add3A_85 : i32 to vector<16xi32>
      %add3A_87 = arith.addi %iota3A, %add3A_86 : vector<16xi32>
      tpu.vector_store_idx %arg12[%broadcast_in_dim3A_78, %add3A_87], %broadcast_in_dim3A_1 : memref<200x112xf32, #tpu.memory_space<vmem>>[vector<16xi32>, vector<16xi32>], vector<16xf32>,
      %add3A_88 = arith.constant 48 : i32
      %add3A_89 = vector.broadcast %add3A_88 : i32 to vector<16xi32>
      %add3A_90 = arith.addi %iota3A, %add3A_89 : vector<16xi32>
      tpu.vector_store_idx %arg12[%broadcast_in_dim3A_78, %add3A_90], %broadcast_in_dim3A_1 : memref<200x112xf32, #tpu.memory_space<vmem>>[vector<16xi32>, vector<16xi32>], vector<16xf32>,
      %add3A_91 = arith.constant 64 : i32
      %add3A_92 = vector.broadcast %add3A_91 : i32 to vector<16xi32>
      %add3A_93 = arith.addi %iota3A, %add3A_92 : vector<16xi32>
      tpu.vector_store_idx %arg12[%broadcast_in_dim3A_78, %add3A_93], %broadcast_in_dim3A_1 : memref<200x112xf32, #tpu.memory_space<vmem>>[vector<16xi32>, vector<16xi32>], vector<16xf32>,
      %add3A_94 = arith.constant 80 : i32
      %add3A_95 = vector.broadcast %add3A_94 : i32 to vector<16xi32>
      %add3A_96 = arith.addi %iota3A, %add3A_95 : vector<16xi32>
      tpu.vector_store_idx %arg12[%broadcast_in_dim3A_78, %add3A_96], %broadcast_in_dim3A_1 : memref<200x112xf32, #tpu.memory_space<vmem>>[vector<16xi32>, vector<16xi32>], vector<16xf32>,
      %add3A_97 = arith.constant 96 : i32
      %add3A_98 = vector.broadcast %add3A_97 : i32 to vector<16xi32>
      %add3A_99 = arith.addi %iota3A, %add3A_98 : vector<16xi32>
      tpu.vector_store_idx %arg12[%broadcast_in_dim3A_78, %add3A_99], %broadcast_in_dim3A_1 : memref<200x112xf32, #tpu.memory_space<vmem>>[vector<16xi32>, vector<16xi32>], vector<16xf32>,
      %scan3A_100 = arith.constant 0 : i32
      scf.yield %scan3A_100 : i32
    }
    %scan3A_7 = arith.constant 200 : i32
    %scan3A_8 = arith.constant 0 : i32
    %scan3A_9 = arith.constant 0 : i32
    %scan3A_10 = arith.constant 128 : i32
    %scan3A_11 = arith.addi %scan3A_9, %scan3A_10 : i32
    %scan3A_12 = arith.constant 1 : i32
    %scan3A_13 = scf.for %scan3A_76 = %scan3A_9 to %scan3A_11 step %scan3A_12 iter_args(%scan3A_77 = %scan3A_8) -> (i32)  : i32 {
      %broadcast_in_dim3A_78 = vector.broadcast %scan3A_76 : i32 to vector<16xi32>
      %add3A_79 = arith.constant 96 : i32
      %add3A_80 = vector.broadcast %add3A_79 : i32 to vector<16xi32>
      %add3A_81 = arith.addi %iota3A, %add3A_80 : vector<16xi32>
      tpu.vector_store_idx %arg11[%broadcast_in_dim3A_78, %add3A_81], %broadcast_in_dim3A_1 : memref<128x112xf32, #tpu.memory_space<vmem>>[vector<16xi32>, vector<16xi32>], vector<16xf32>,
      %scan3A_82 = arith.constant 0 : i32
      scf.yield %scan3A_82 : i32
    }
    %scan3A_14 = arith.constant 128 : i32
    %add3A_15 = arith.constant 0 : i32
    %add3A_16 = arith.addi %arg1, %add3A_15 : i32
    %lt3A = arith.constant 50 : i32
    %lt3A_17 = arith.cmpi slt, %add3A_16, %lt3A : i32
    %convert_element_type3A = arith.extui %lt3A_17 : i1 to i32
    %cond3A = arith.constant 0 : i32
    %cond3A_18 = arith.cmpi ne, %convert_element_type3A, %cond3A : i32
    scf.if %cond3A_18 {
      %mul3A_76 = arith.constant 200 : i32
      %mul3A_77 = arith.muli %add3A_16, %mul3A_76 : i32
      "tpu.region"() ({
        %run_scoped3A = tpu.sem_alloc : memref<!tpu.dma_semaphore, #tpu.memory_space<semaphore_mem>>
        %dma_start3A = arith.constant 0 : i32
        %dma_start3A_78 = tpu.memref_slice %arg13[%mul3A_77, %dma_start3A] : memref<10000x112xf32, #tpu.memory_space<vmem_shared>> -> memref<200x112xf32, #tpu.memory_space<vmem_shared>>
        %dma_start3A_79 = arith.constant 0 : i32
        %dma_start3A_80 = tpu.memref_slice %arg13[%mul3A_77, %dma_start3A_79] : memref<10000x112xf32, #tpu.memory_space<vmem_shared>> -> memref<200x112xf32, #tpu.memory_space<vmem_shared>>
        tpu.enqueue_dma source(%arg12 : memref<200x112xf32, #tpu.memory_space<vmem>>) target(%dma_start3A_80 : memref<200x112xf32, #tpu.memory_space<vmem_shared>>) target_semaphore(%run_scoped3A : memref<!tpu.dma_semaphore, #tpu.memory_space<semaphore_mem>>)
        %dma_wait3A = arith.constant 0 : i32
        %dma_wait3A_81 = tpu.memref_slice %arg13[%mul3A_77, %dma_wait3A] : memref<10000x112xf32, #tpu.memory_space<vmem_shared>> -> memref<200x112xf32, #tpu.memory_space<vmem_shared>>
        %dma_wait3A_82 = arith.constant 0 : i32
        %dma_wait3A_83 = tpu.memref_slice %arg13[%mul3A_77, %dma_wait3A_82] : memref<10000x112xf32, #tpu.memory_space<vmem_shared>> -> memref<200x112xf32, #tpu.memory_space<vmem_shared>>
        tpu.wait_dma2 semaphore(%run_scoped3A : memref<!tpu.dma_semaphore, #tpu.memory_space<semaphore_mem>>) src(%arg12 : memref<200x112xf32, #tpu.memory_space<vmem>>) dst(%dma_wait3A_83 : memref<200x112xf32, #tpu.memory_space<vmem_shared>>)
        tpu.yield
      }) : () -> ()
    } else {
    }
    %add3A_19 = arith.constant 16 : i32
    %add3A_20 = arith.addi %arg1, %add3A_19 : i32
    %lt3A_21 = arith.constant 50 : i32
    %lt3A_22 = arith.cmpi slt, %add3A_20, %lt3A_21 : i32
    %convert_element_type3A_23 = arith.extui %lt3A_22 : i1 to i32
    %cond3A_24 = arith.constant 0 : i32
    %cond3A_25 = arith.cmpi ne, %convert_element_type3A_23, %cond3A_24 : i32
    scf.if %cond3A_25 {
      %mul3A_76 = arith.constant 200 : i32
      %mul3A_77 = arith.muli %add3A_20, %mul3A_76 : i32
      "tpu.region"() ({
        %run_scoped3A = tpu.sem_alloc : memref<!tpu.dma_semaphore, #tpu.memory_space<semaphore_mem>>
        %dma_start3A = arith.constant 0 : i32
        %dma_start3A_78 = tpu.memref_slice %arg13[%mul3A_77, %dma_start3A] : memref<10000x112xf32, #tpu.memory_space<vmem_shared>> -> memref<200x112xf32, #tpu.memory_space<vmem_shared>>
        %dma_start3A_79 = arith.constant 0 : i32
        %dma_start3A_80 = tpu.memref_slice %arg13[%mul3A_77, %dma_start3A_79] : memref<10000x112xf32, #tpu.memory_space<vmem_shared>> -> memref<200x112xf32, #tpu.memory_space<vmem_shared>>
        tpu.enqueue_dma source(%arg12 : memref<200x112xf32, #tpu.memory_space<vmem>>) target(%dma_start3A_80 : memref<200x112xf32, #tpu.memory_space<vmem_shared>>) target_semaphore(%run_scoped3A : memref<!tpu.dma_semaphore, #tpu.memory_space<semaphore_mem>>)
        %dma_wait3A = arith.constant 0 : i32
        %dma_wait3A_81 = tpu.memref_slice %arg13[%mul3A_77, %dma_wait3A] : memref<10000x112xf32, #tpu.memory_space<vmem_shared>> -> memref<200x112xf32, #tpu.memory_space<vmem_shared>>
        %dma_wait3A_82 = arith.constant 0 : i32
        %dma_wait3A_83 = tpu.memref_slice %arg13[%mul3A_77, %dma_wait3A_82] : memref<10000x112xf32, #tpu.memory_space<vmem_shared>> -> memref<200x112xf32, #tpu.memory_space<vmem_shared>>
        tpu.wait_dma2 semaphore(%run_scoped3A : memref<!tpu.dma_semaphore, #tpu.memory_space<semaphore_mem>>) src(%arg12 : memref<200x112xf32, #tpu.memory_space<vmem>>) dst(%dma_wait3A_83 : memref<200x112xf32, #tpu.memory_space<vmem_shared>>)
        tpu.yield
      }) : () -> ()
    } else {
    }
    %add3A_26 = arith.constant 32 : i32
    %add3A_27 = arith.addi %arg1, %add3A_26 : i32
    %lt3A_28 = arith.constant 50 : i32
    %lt3A_29 = arith.cmpi slt, %add3A_27, %lt3A_28 : i32
    %convert_element_type3A_30 = arith.extui %lt3A_29 : i1 to i32
    %cond3A_31 = arith.constant 0 : i32
    %cond3A_32 = arith.cmpi ne, %convert_element_type3A_30, %cond3A_31 : i32
    scf.if %cond3A_32 {
      %mul3A_76 = arith.constant 200 : i32
      %mul3A_77 = arith.muli %add3A_27, %mul3A_76 : i32
      "tpu.region"() ({
        %run_scoped3A = tpu.sem_alloc : memref<!tpu.dma_semaphore, #tpu.memory_space<semaphore_mem>>
        %dma_start3A = arith.constant 0 : i32
        %dma_start3A_78 = tpu.memref_slice %arg13[%mul3A_77, %dma_start3A] : memref<10000x112xf32, #tpu.memory_space<vmem_shared>> -> memref<200x112xf32, #tpu.memory_space<vmem_shared>>
        %dma_start3A_79 = arith.constant 0 : i32
        %dma_start3A_80 = tpu.memref_slice %arg13[%mul3A_77, %dma_start3A_79] : memref<10000x112xf32, #tpu.memory_space<vmem_shared>> -> memref<200x112xf32, #tpu.memory_space<vmem_shared>>
        tpu.enqueue_dma source(%arg12 : memref<200x112xf32, #tpu.memory_space<vmem>>) target(%dma_start3A_80 : memref<200x112xf32, #tpu.memory_space<vmem_shared>>) target_semaphore(%run_scoped3A : memref<!tpu.dma_semaphore, #tpu.memory_space<semaphore_mem>>)
        %dma_wait3A = arith.constant 0 : i32
        %dma_wait3A_81 = tpu.memref_slice %arg13[%mul3A_77, %dma_wait3A] : memref<10000x112xf32, #tpu.memory_space<vmem_shared>> -> memref<200x112xf32, #tpu.memory_space<vmem_shared>>
        %dma_wait3A_82 = arith.constant 0 : i32
        %dma_wait3A_83 = tpu.memref_slice %arg13[%mul3A_77, %dma_wait3A_82] : memref<10000x112xf32, #tpu.memory_space<vmem_shared>> -> memref<200x112xf32, #tpu.memory_space<vmem_shared>>
        tpu.wait_dma2 semaphore(%run_scoped3A : memref<!tpu.dma_semaphore, #tpu.memory_space<semaphore_mem>>) src(%arg12 : memref<200x112xf32, #tpu.memory_space<vmem>>) dst(%dma_wait3A_83 : memref<200x112xf32, #tpu.memory_space<vmem_shared>>)
        tpu.yield
      }) : () -> ()
    } else {
    }
    %add3A_33 = arith.constant 48 : i32
    %add3A_34 = arith.addi %arg1, %add3A_33 : i32
    %lt3A_35 = arith.constant 50 : i32
    %lt3A_36 = arith.cmpi slt, %add3A_34, %lt3A_35 : i32
    %convert_element_type3A_37 = arith.extui %lt3A_36 : i1 to i32
    %cond3A_38 = arith.constant 0 : i32
    %cond3A_39 = arith.cmpi ne, %convert_element_type3A_37, %cond3A_38 : i32
    scf.if %cond3A_39 {
      %mul3A_76 = arith.constant 200 : i32
      %mul3A_77 = arith.muli %add3A_34, %mul3A_76 : i32
      "tpu.region"() ({
        %run_scoped3A = tpu.sem_alloc : memref<!tpu.dma_semaphore, #tpu.memory_space<semaphore_mem>>
        %dma_start3A = arith.constant 0 : i32
        %dma_start3A_78 = tpu.memref_slice %arg13[%mul3A_77, %dma_start3A] : memref<10000x112xf32, #tpu.memory_space<vmem_shared>> -> memref<200x112xf32, #tpu.memory_space<vmem_shared>>
        %dma_start3A_79 = arith.constant 0 : i32
        %dma_start3A_80 = tpu.memref_slice %arg13[%mul3A_77, %dma_start3A_79] : memref<10000x112xf32, #tpu.memory_space<vmem_shared>> -> memref<200x112xf32, #tpu.memory_space<vmem_shared>>
        tpu.enqueue_dma source(%arg12 : memref<200x112xf32, #tpu.memory_space<vmem>>) target(%dma_start3A_80 : memref<200x112xf32, #tpu.memory_space<vmem_shared>>) target_semaphore(%run_scoped3A : memref<!tpu.dma_semaphore, #tpu.memory_space<semaphore_mem>>)
        %dma_wait3A = arith.constant 0 : i32
        %dma_wait3A_81 = tpu.memref_slice %arg13[%mul3A_77, %dma_wait3A] : memref<10000x112xf32, #tpu.memory_space<vmem_shared>> -> memref<200x112xf32, #tpu.memory_space<vmem_shared>>
        %dma_wait3A_82 = arith.constant 0 : i32
        %dma_wait3A_83 = tpu.memref_slice %arg13[%mul3A_77, %dma_wait3A_82] : memref<10000x112xf32, #tpu.memory_space<vmem_shared>> -> memref<200x112xf32, #tpu.memory_space<vmem_shared>>
        tpu.wait_dma2 semaphore(%run_scoped3A : memref<!tpu.dma_semaphore, #tpu.memory_space<semaphore_mem>>) src(%arg12 : memref<200x112xf32, #tpu.memory_space<vmem>>) dst(%dma_wait3A_83 : memref<200x112xf32, #tpu.memory_space<vmem_shared>>)
        tpu.yield
      }) : () -> ()
    } else {
    }
    %barrier3A = arith.constant 0 : index
    tpu.barrier barrier_id(%barrier3A)
    %scan3A_40 = arith.constant 0 : i32
    %scan3A_41 = arith.constant 0 : i32
    %scan3A_42 = arith.constant 79 : i32
    %scan3A_43 = arith.addi %scan3A_41, %scan3A_42 : i32
    %scan3A_44 = arith.constant 1 : i32
    %scan3A_45 = scf.for %scan3A_76 = %scan3A_41 to %scan3A_43 step %scan3A_44 iter_args(%scan3A_77 = %scan3A_40) -> (i32)  : i32 {
      %mul3A_78 = arith.constant 10112 : i32
      %mul3A_79 = arith.muli %add3A, %mul3A_78 : i32
      %mul3A_80 = arith.constant 128 : i32
      %mul3A_81 = arith.muli %scan3A_76, %mul3A_80 : i32
      %add3A_82 = arith.addi %mul3A_79, %mul3A_81 : i32
      "tpu.region"() ({
        %run_scoped3A = tpu.sem_alloc : memref<!tpu.dma_semaphore, #tpu.memory_space<semaphore_mem>>
        %dma_start3A_97 = tpu.memref_slice %arg3[%add3A_82] : memref<323584xi32, #tpu.memory_space<hbm>> -> memref<128xi32, #tpu.memory_space<hbm>>
        %dma_start3A_98 = tpu.memref_slice %arg3[%add3A_82] : memref<323584xi32, #tpu.memory_space<hbm>> -> memref<128xi32, #tpu.memory_space<hbm>>
        tpu.enqueue_dma source(%dma_start3A_98 : memref<128xi32, #tpu.memory_space<hbm>>) target(%arg7 : memref<128xi32, #tpu.memory_space<vmem>>) target_semaphore(%run_scoped3A : memref<!tpu.dma_semaphore, #tpu.memory_space<semaphore_mem>>)
        %dma_wait3A_99 = tpu.memref_slice %arg3[%add3A_82] : memref<323584xi32, #tpu.memory_space<hbm>> -> memref<128xi32, #tpu.memory_space<hbm>>
        %dma_wait3A_100 = tpu.memref_slice %arg3[%add3A_82] : memref<323584xi32, #tpu.memory_space<hbm>> -> memref<128xi32, #tpu.memory_space<hbm>>
        tpu.wait_dma2 semaphore(%run_scoped3A : memref<!tpu.dma_semaphore, #tpu.memory_space<semaphore_mem>>) src(%dma_wait3A_100 : memref<128xi32, #tpu.memory_space<hbm>>) dst(%arg7 : memref<128xi32, #tpu.memory_space<vmem>>)
        tpu.yield
      }) : () -> ()
      "tpu.region"() ({
        %run_scoped3A = tpu.sem_alloc : memref<!tpu.dma_semaphore, #tpu.memory_space<semaphore_mem>>
        %dma_start3A_97 = tpu.memref_slice %arg4[%add3A_82] : memref<323584xi32, #tpu.memory_space<hbm>> -> memref<128xi32, #tpu.memory_space<hbm>>
        %dma_start3A_98 = tpu.memref_slice %arg4[%add3A_82] : memref<323584xi32, #tpu.memory_space<hbm>> -> memref<128xi32, #tpu.memory_space<hbm>>
        tpu.enqueue_dma source(%dma_start3A_98 : memref<128xi32, #tpu.memory_space<hbm>>) target(%arg8 : memref<128xi32, #tpu.memory_space<vmem>>) target_semaphore(%run_scoped3A : memref<!tpu.dma_semaphore, #tpu.memory_space<semaphore_mem>>)
        %dma_wait3A_99 = tpu.memref_slice %arg4[%add3A_82] : memref<323584xi32, #tpu.memory_space<hbm>> -> memref<128xi32, #tpu.memory_space<hbm>>
        %dma_wait3A_100 = tpu.memref_slice %arg4[%add3A_82] : memref<323584xi32, #tpu.memory_space<hbm>> -> memref<128xi32, #tpu.memory_space<hbm>>
        tpu.wait_dma2 semaphore(%run_scoped3A : memref<!tpu.dma_semaphore, #tpu.memory_space<semaphore_mem>>) src(%dma_wait3A_100 : memref<128xi32, #tpu.memory_space<hbm>>) dst(%arg8 : memref<128xi32, #tpu.memory_space<vmem>>)
        tpu.yield
      }) : () -> ()
      %mul3A_83 = arith.constant 16 : i32
      %mul3A_84 = arith.muli %add3A_82, %mul3A_83 : i32
      "tpu.region"() ({
        %run_scoped3A = tpu.sem_alloc : memref<!tpu.dma_semaphore, #tpu.memory_space<semaphore_mem>>
        %dma_start3A_97 = tpu.memref_slice %arg5[%mul3A_84] : memref<5177344xf32, #tpu.memory_space<hbm>> -> memref<2048xf32, #tpu.memory_space<hbm>>
        %dma_start3A_98 = tpu.memref_slice %arg5[%mul3A_84] : memref<5177344xf32, #tpu.memory_space<hbm>> -> memref<2048xf32, #tpu.memory_space<hbm>>
        tpu.enqueue_dma source(%dma_start3A_98 : memref<2048xf32, #tpu.memory_space<hbm>>) target(%arg9 : memref<2048xf32, #tpu.memory_space<vmem>>) target_semaphore(%run_scoped3A : memref<!tpu.dma_semaphore, #tpu.memory_space<semaphore_mem>>)
        %dma_wait3A_99 = tpu.memref_slice %arg5[%mul3A_84] : memref<5177344xf32, #tpu.memory_space<hbm>> -> memref<2048xf32, #tpu.memory_space<hbm>>
        %dma_wait3A_100 = tpu.memref_slice %arg5[%mul3A_84] : memref<5177344xf32, #tpu.memory_space<hbm>> -> memref<2048xf32, #tpu.memory_space<hbm>>
        tpu.wait_dma2 semaphore(%run_scoped3A : memref<!tpu.dma_semaphore, #tpu.memory_space<semaphore_mem>>) src(%dma_wait3A_100 : memref<2048xf32, #tpu.memory_space<hbm>>) dst(%arg9 : memref<2048xf32, #tpu.memory_space<vmem>>)
        tpu.yield
      }) : () -> ()
      %dma_start3A = arith.constant 0 : i32
      %dma_start3A_85 = arith.constant 0 : i32
      %dma_start3A_86 = tpu.memref_slice %arg2[%dma_start3A, %dma_start3A_85] : memref<10000x128xf32, #tpu.memory_space<hbm>> -> memref<10000x128xf32, #tpu.memory_space<hbm>>
      tpu.enqueue_indirect_dma source(%dma_start3A_86 : memref<10000x128xf32, #tpu.memory_space<hbm>>) target(%arg10 : memref<128x128xf32, #tpu.memory_space<vmem>>) offsets(%arg7 : memref<128xi32, #tpu.memory_space<vmem>>) semaphore(%arg14 : memref<!tpu.dma_semaphore, #tpu.memory_space<semaphore_mem>>)
      %dma_wait3A = arith.constant 0 : i32
      %dma_wait3A_87 = arith.constant 0 : i32
      %dma_wait3A_88 = tpu.memref_slice %arg2[%dma_wait3A, %dma_wait3A_87] : memref<10000x128xf32, #tpu.memory_space<hbm>> -> memref<10000x128xf32, #tpu.memory_space<hbm>>
      tpu.wait_indirect_dma semaphore(%arg14 : memref<!tpu.dma_semaphore, #tpu.memory_space<semaphore_mem>>) src(%dma_wait3A_88 : memref<10000x128xf32, #tpu.memory_space<hbm>>) dst(%arg10 : memref<128x128xf32, #tpu.memory_space<vmem>>)
      %scan3A_89 = arith.constant 0 : i32
      %scan3A_90 = arith.constant 0 : i32
      %scan3A_91 = arith.constant 128 : i32
      %scan3A_92 = arith.addi %scan3A_90, %scan3A_91 : i32
      %scan3A_93 = arith.constant 1 : i32
      %scan3A_94 = scf.for %scan3A_97 = %scan3A_90 to %scan3A_92 step %scan3A_93 iter_args(%scan3A_98 = %scan3A_89) -> (i32)  : i32 {
        %mul3A_99 = arith.constant 16 : i32
        %mul3A_100 = arith.muli %scan3A_97, %mul3A_99 : i32
        %get3A = arith.index_cast %mul3A_100 : i32 to index
        %get3A_101 = tpu.vector_load %arg9[%get3A] {strides = array<i32>} : memref<2048xf32, #tpu.memory_space<vmem>>, vector<16xf32>,
        %broadcast_in_dim3A_102 = vector.broadcast %scan3A_97 : i32 to vector<16xi32>
        %broadcast_in_dim3A_103 = arith.constant 0 : i32
        %broadcast_in_dim3A_104 = vector.broadcast %broadcast_in_dim3A_103 : i32 to vector<16x1xi32>
        %gather3A = vector.shape_cast %broadcast_in_dim3A_104 : vector<16x1xi32> to vector<16xi32>
        %gather3A_105 = tpu.dynamic_gather %get3A_101[%gather3A] in [0] : vector<16xf32>, vector<16xi32> -> vector<16xf32>
        %add3A_106 = arith.constant 0 : i32
        %add3A_107 = vector.broadcast %add3A_106 : i32 to vector<16xi32>
        %add3A_108 = arith.addi %iota3A, %add3A_107 : vector<16xi32>
        %gather3A_109 = tpu.vector_load_idx %arg10[%broadcast_in_dim3A_102, %add3A_108] : memref<128x128xf32, #tpu.memory_space<vmem>>[vector<16xi32>, vector<16xi32>], vector<16xf32>,
        %add3A_110 = arith.constant 0 : i32
        %add3A_111 = vector.broadcast %add3A_110 : i32 to vector<16xi32>
        %add3A_112 = arith.addi %iota3A, %add3A_111 : vector<16xi32>
        %mul3A_113 = arith.mulf %gather3A_105, %gather3A_109 : vector<16xf32>
        tpu.vector_store_idx %arg11[%broadcast_in_dim3A_102, %add3A_112], %mul3A_113 : memref<128x112xf32, #tpu.memory_space<vmem>>[vector<16xi32>, vector<16xi32>], vector<16xf32>,
        %broadcast_in_dim3A_114 = arith.constant 1 : i32
        %broadcast_in_dim3A_115 = vector.broadcast %broadcast_in_dim3A_114 : i32 to vector<16x1xi32>
        %gather3A_116 = vector.shape_cast %broadcast_in_dim3A_115 : vector<16x1xi32> to vector<16xi32>
        %gather3A_117 = tpu.dynamic_gather %get3A_101[%gather3A_116] in [0] : vector<16xf32>, vector<16xi32> -> vector<16xf32>
        %add3A_118 = arith.constant 16 : i32
        %add3A_119 = vector.broadcast %add3A_118 : i32 to vector<16xi32>
        %add3A_120 = arith.addi %iota3A, %add3A_119 : vector<16xi32>
        %gather3A_121 = tpu.vector_load_idx %arg10[%broadcast_in_dim3A_102, %add3A_120] : memref<128x128xf32, #tpu.memory_space<vmem>>[vector<16xi32>, vector<16xi32>], vector<16xf32>,
        %add3A_122 = arith.constant 16 : i32
        %add3A_123 = vector.broadcast %add3A_122 : i32 to vector<16xi32>
        %add3A_124 = arith.addi %iota3A, %add3A_123 : vector<16xi32>
        %mul3A_125 = arith.mulf %gather3A_117, %gather3A_121 : vector<16xf32>
        tpu.vector_store_idx %arg11[%broadcast_in_dim3A_102, %add3A_124], %mul3A_125 : memref<128x112xf32, #tpu.memory_space<vmem>>[vector<16xi32>, vector<16xi32>], vector<16xf32>,
        %broadcast_in_dim3A_126 = arith.constant 2 : i32
        %broadcast_in_dim3A_127 = vector.broadcast %broadcast_in_dim3A_126 : i32 to vector<16x1xi32>
        %gather3A_128 = vector.shape_cast %broadcast_in_dim3A_127 : vector<16x1xi32> to vector<16xi32>
        %gather3A_129 = tpu.dynamic_gather %get3A_101[%gather3A_128] in [0] : vector<16xf32>, vector<16xi32> -> vector<16xf32>
        %add3A_130 = arith.constant 32 : i32
        %add3A_131 = vector.broadcast %add3A_130 : i32 to vector<16xi32>
        %add3A_132 = arith.addi %iota3A, %add3A_131 : vector<16xi32>
        %gather3A_133 = tpu.vector_load_idx %arg10[%broadcast_in_dim3A_102, %add3A_132] : memref<128x128xf32, #tpu.memory_space<vmem>>[vector<16xi32>, vector<16xi32>], vector<16xf32>,
        %add3A_134 = arith.constant 32 : i32
        %add3A_135 = vector.broadcast %add3A_134 : i32 to vector<16xi32>
        %add3A_136 = arith.addi %iota3A, %add3A_135 : vector<16xi32>
        %mul3A_137 = arith.mulf %gather3A_129, %gather3A_133 : vector<16xf32>
        tpu.vector_store_idx %arg11[%broadcast_in_dim3A_102, %add3A_136], %mul3A_137 : memref<128x112xf32, #tpu.memory_space<vmem>>[vector<16xi32>, vector<16xi32>], vector<16xf32>,
        %broadcast_in_dim3A_138 = arith.constant 3 : i32
        %broadcast_in_dim3A_139 = vector.broadcast %broadcast_in_dim3A_138 : i32 to vector<16x1xi32>
        %gather3A_140 = vector.shape_cast %broadcast_in_dim3A_139 : vector<16x1xi32> to vector<16xi32>
        %gather3A_141 = tpu.dynamic_gather %get3A_101[%gather3A_140] in [0] : vector<16xf32>, vector<16xi32> -> vector<16xf32>
        %add3A_142 = arith.constant 48 : i32
        %add3A_143 = vector.broadcast %add3A_142 : i32 to vector<16xi32>
        %add3A_144 = arith.addi %iota3A, %add3A_143 : vector<16xi32>
        %gather3A_145 = tpu.vector_load_idx %arg10[%broadcast_in_dim3A_102, %add3A_144] : memref<128x128xf32, #tpu.memory_space<vmem>>[vector<16xi32>, vector<16xi32>], vector<16xf32>,
        %add3A_146 = arith.constant 48 : i32
        %add3A_147 = vector.broadcast %add3A_146 : i32 to vector<16xi32>
        %add3A_148 = arith.addi %iota3A, %add3A_147 : vector<16xi32>
        %mul3A_149 = arith.mulf %gather3A_141, %gather3A_145 : vector<16xf32>
        tpu.vector_store_idx %arg11[%broadcast_in_dim3A_102, %add3A_148], %mul3A_149 : memref<128x112xf32, #tpu.memory_space<vmem>>[vector<16xi32>, vector<16xi32>], vector<16xf32>,
        %broadcast_in_dim3A_150 = arith.constant 4 : i32
        %broadcast_in_dim3A_151 = vector.broadcast %broadcast_in_dim3A_150 : i32 to vector<16x1xi32>
        %gather3A_152 = vector.shape_cast %broadcast_in_dim3A_151 : vector<16x1xi32> to vector<16xi32>
        %gather3A_153 = tpu.dynamic_gather %get3A_101[%gather3A_152] in [0] : vector<16xf32>, vector<16xi32> -> vector<16xf32>
        %add3A_154 = arith.constant 64 : i32
        %add3A_155 = vector.broadcast %add3A_154 : i32 to vector<16xi32>
        %add3A_156 = arith.addi %iota3A, %add3A_155 : vector<16xi32>
        %gather3A_157 = tpu.vector_load_idx %arg10[%broadcast_in_dim3A_102, %add3A_156] : memref<128x128xf32, #tpu.memory_space<vmem>>[vector<16xi32>, vector<16xi32>], vector<16xf32>,
        %add3A_158 = arith.constant 64 : i32
        %add3A_159 = vector.broadcast %add3A_158 : i32 to vector<16xi32>
        %add3A_160 = arith.addi %iota3A, %add3A_159 : vector<16xi32>
        %mul3A_161 = arith.mulf %gather3A_153, %gather3A_157 : vector<16xf32>
        tpu.vector_store_idx %arg11[%broadcast_in_dim3A_102, %add3A_160], %mul3A_161 : memref<128x112xf32, #tpu.memory_space<vmem>>[vector<16xi32>, vector<16xi32>], vector<16xf32>,
        %broadcast_in_dim3A_162 = arith.constant 5 : i32
        %broadcast_in_dim3A_163 = vector.broadcast %broadcast_in_dim3A_162 : i32 to vector<16x1xi32>
        %gather3A_164 = vector.shape_cast %broadcast_in_dim3A_163 : vector<16x1xi32> to vector<16xi32>
        %gather3A_165 = tpu.dynamic_gather %get3A_101[%gather3A_164] in [0] : vector<16xf32>, vector<16xi32> -> vector<16xf32>
        %add3A_166 = arith.constant 80 : i32
        %add3A_167 = vector.broadcast %add3A_166 : i32 to vector<16xi32>
        %add3A_168 = arith.addi %iota3A, %add3A_167 : vector<16xi32>
        %gather3A_169 = tpu.vector_load_idx %arg10[%broadcast_in_dim3A_102, %add3A_168] : memref<128x128xf32, #tpu.memory_space<vmem>>[vector<16xi32>, vector<16xi32>], vector<16xf32>,
        %add3A_170 = arith.constant 80 : i32
        %add3A_171 = vector.broadcast %add3A_170 : i32 to vector<16xi32>
        %add3A_172 = arith.addi %iota3A, %add3A_171 : vector<16xi32>
        %mul3A_173 = arith.mulf %gather3A_165, %gather3A_169 : vector<16xf32>
        tpu.vector_store_idx %arg11[%broadcast_in_dim3A_102, %add3A_172], %mul3A_173 : memref<128x112xf32, #tpu.memory_space<vmem>>[vector<16xi32>, vector<16xi32>], vector<16xf32>,
        %add3A_174 = arith.constant 96 : i32
        %add3A_175 = vector.broadcast %add3A_174 : i32 to vector<16xi32>
        %add3A_176 = arith.addi %iota3A, %add3A_175 : vector<16xi32>
        %gather3A_177 = tpu.vector_load_idx %arg10[%broadcast_in_dim3A_102, %add3A_176] : memref<128x128xf32, #tpu.memory_space<vmem>>[vector<16xi32>, vector<16xi32>], vector<16xf32>,
        %add3A_178 = arith.constant 96 : i32
        %add3A_179 = vector.broadcast %add3A_178 : i32 to vector<16xi32>
        %add3A_180 = arith.addi %iota3A, %add3A_179 : vector<16xi32>
        %mul3A_181 = arith.mulf %get3A_101, %gather3A_177 : vector<16xf32>
        tpu.vector_store_idx %arg11[%broadcast_in_dim3A_102, %add3A_180], %mul3A_181 : memref<128x112xf32, #tpu.memory_space<vmem>>[vector<16xi32>, vector<16xi32>], vector<16xf32>,
        %scan3A_182 = arith.constant 0 : i32
        scf.yield %scan3A_182 : i32
      }
      %scan3A_95 = arith.constant 128 : i32
      "tpu.region"() ({
        %run_scoped3A = tpu.sem_alloc : memref<!tpu.dma_semaphore, #tpu.memory_space<semaphore_mem>>
        %dma_start3A_97 = arith.constant 0 : i32
        %dma_start3A_98 = arith.constant 0 : i32
        %dma_start3A_99 = tpu.memref_slice %arg13[%dma_start3A_97, %dma_start3A_98] : memref<10000x112xf32, #tpu.memory_space<vmem_shared>> -> memref<10000x112xf32, #tpu.memory_space<vmem_shared>>
        tpu.enqueue_indirect_dma source(%arg11 : memref<128x112xf32, #tpu.memory_space<vmem>>) target(%dma_start3A_99 : memref<10000x112xf32, #tpu.memory_space<vmem_shared>>) offsets(%arg8 : memref<128xi32, #tpu.memory_space<vmem>>) semaphore(%run_scoped3A : memref<!tpu.dma_semaphore, #tpu.memory_space<semaphore_mem>>) {add = true}
        %dma_wait3A_100 = arith.constant 0 : i32
        %dma_wait3A_101 = arith.constant 0 : i32
        %dma_wait3A_102 = tpu.memref_slice %arg13[%dma_wait3A_100, %dma_wait3A_101] : memref<10000x112xf32, #tpu.memory_space<vmem_shared>> -> memref<10000x112xf32, #tpu.memory_space<vmem_shared>>
        tpu.wait_indirect_dma semaphore(%run_scoped3A : memref<!tpu.dma_semaphore, #tpu.memory_space<semaphore_mem>>) src(%arg11 : memref<128x112xf32, #tpu.memory_space<vmem>>) dst(%dma_wait3A_102 : memref<10000x112xf32, #tpu.memory_space<vmem_shared>>)
        tpu.yield
      }) : () -> ()
      %scan3A_96 = arith.constant 0 : i32
      scf.yield %scan3A_96 : i32
    }
    %scan3A_46 = arith.constant 79 : i32
    %barrier3A_47 = arith.constant 0 : index
    tpu.barrier barrier_id(%barrier3A_47)
    %add3A_48 = arith.constant 0 : i32
    %add3A_49 = arith.addi %arg1, %add3A_48 : i32
    %lt3A_50 = arith.constant 50 : i32
    %lt3A_51 = arith.cmpi slt, %add3A_49, %lt3A_50 : i32
    %convert_element_type3A_52 = arith.extui %lt3A_51 : i1 to i32
    %cond3A_53 = arith.constant 0 : i32
    %cond3A_54 = arith.cmpi ne, %convert_element_type3A_52, %cond3A_53 : i32
    scf.if %cond3A_54 {
      %mul3A_76 = arith.constant 200 : i32
      %mul3A_77 = arith.muli %add3A_49, %mul3A_76 : i32
      "tpu.region"() ({
        %run_scoped3A = tpu.sem_alloc : memref<!tpu.dma_semaphore, #tpu.memory_space<semaphore_mem>>
        %dma_start3A = arith.constant 0 : i32
        %dma_start3A_78 = tpu.memref_slice %arg6[%arg0, %mul3A_77, %dma_start3A] : memref<2x10000x112xf32, #tpu.memory_space<hbm>> -> memref<1x200x112xf32, #tpu.memory_space<hbm>>
        %dma_start3A_79 = tpu.memref_squeeze %dma_start3A_78 : memref<1x200x112xf32, #tpu.memory_space<hbm>> -> memref<200x112xf32, #tpu.memory_space<hbm>>
        %dma_start3A_80 = arith.constant 0 : i32
        %dma_start3A_81 = tpu.memref_slice %arg13[%mul3A_77, %dma_start3A_80] : memref<10000x112xf32, #tpu.memory_space<vmem_shared>> -> memref<200x112xf32, #tpu.memory_space<vmem_shared>>
        tpu.enqueue_dma source(%dma_start3A_81 : memref<200x112xf32, #tpu.memory_space<vmem_shared>>) target(%dma_start3A_79 : memref<200x112xf32, #tpu.memory_space<hbm>>) target_semaphore(%run_scoped3A : memref<!tpu.dma_semaphore, #tpu.memory_space<semaphore_mem>>)
        %dma_wait3A = arith.constant 0 : i32
        %dma_wait3A_82 = tpu.memref_slice %arg6[%arg0, %mul3A_77, %dma_wait3A] : memref<2x10000x112xf32, #tpu.memory_space<hbm>> -> memref<1x200x112xf32, #tpu.memory_space<hbm>>
        %dma_wait3A_83 = tpu.memref_squeeze %dma_wait3A_82 : memref<1x200x112xf32, #tpu.memory_space<hbm>> -> memref<200x112xf32, #tpu.memory_space<hbm>>
        %dma_wait3A_84 = arith.constant 0 : i32
        %dma_wait3A_85 = tpu.memref_slice %arg13[%mul3A_77, %dma_wait3A_84] : memref<10000x112xf32, #tpu.memory_space<vmem_shared>> -> memref<200x112xf32, #tpu.memory_space<vmem_shared>>
        tpu.wait_dma2 semaphore(%run_scoped3A : memref<!tpu.dma_semaphore, #tpu.memory_space<semaphore_mem>>) src(%dma_wait3A_85 : memref<200x112xf32, #tpu.memory_space<vmem_shared>>) dst(%dma_wait3A_83 : memref<200x112xf32, #tpu.memory_space<hbm>>)
        tpu.yield
      }) : () -> ()
    } else {
    }
    %add3A_55 = arith.constant 16 : i32
    %add3A_56 = arith.addi %arg1, %add3A_55 : i32
    %lt3A_57 = arith.constant 50 : i32
    %lt3A_58 = arith.cmpi slt, %add3A_56, %lt3A_57 : i32
    %convert_element_type3A_59 = arith.extui %lt3A_58 : i1 to i32
    %cond3A_60 = arith.constant 0 : i32
    %cond3A_61 = arith.cmpi ne, %convert_element_type3A_59, %cond3A_60 : i32
    scf.if %cond3A_61 {
      %mul3A_76 = arith.constant 200 : i32
      %mul3A_77 = arith.muli %add3A_56, %mul3A_76 : i32
      "tpu.region"() ({
        %run_scoped3A = tpu.sem_alloc : memref<!tpu.dma_semaphore, #tpu.memory_space<semaphore_mem>>
        %dma_start3A = arith.constant 0 : i32
        %dma_start3A_78 = tpu.memref_slice %arg6[%arg0, %mul3A_77, %dma_start3A] : memref<2x10000x112xf32, #tpu.memory_space<hbm>> -> memref<1x200x112xf32, #tpu.memory_space<hbm>>
        %dma_start3A_79 = tpu.memref_squeeze %dma_start3A_78 : memref<1x200x112xf32, #tpu.memory_space<hbm>> -> memref<200x112xf32, #tpu.memory_space<hbm>>
        %dma_start3A_80 = arith.constant 0 : i32
        %dma_start3A_81 = tpu.memref_slice %arg13[%mul3A_77, %dma_start3A_80] : memref<10000x112xf32, #tpu.memory_space<vmem_shared>> -> memref<200x112xf32, #tpu.memory_space<vmem_shared>>
        tpu.enqueue_dma source(%dma_start3A_81 : memref<200x112xf32, #tpu.memory_space<vmem_shared>>) target(%dma_start3A_79 : memref<200x112xf32, #tpu.memory_space<hbm>>) target_semaphore(%run_scoped3A : memref<!tpu.dma_semaphore, #tpu.memory_space<semaphore_mem>>)
        %dma_wait3A = arith.constant 0 : i32
        %dma_wait3A_82 = tpu.memref_slice %arg6[%arg0, %mul3A_77, %dma_wait3A] : memref<2x10000x112xf32, #tpu.memory_space<hbm>> -> memref<1x200x112xf32, #tpu.memory_space<hbm>>
        %dma_wait3A_83 = tpu.memref_squeeze %dma_wait3A_82 : memref<1x200x112xf32, #tpu.memory_space<hbm>> -> memref<200x112xf32, #tpu.memory_space<hbm>>
        %dma_wait3A_84 = arith.constant 0 : i32
        %dma_wait3A_85 = tpu.memref_slice %arg13[%mul3A_77, %dma_wait3A_84] : memref<10000x112xf32, #tpu.memory_space<vmem_shared>> -> memref<200x112xf32, #tpu.memory_space<vmem_shared>>
        tpu.wait_dma2 semaphore(%run_scoped3A : memref<!tpu.dma_semaphore, #tpu.memory_space<semaphore_mem>>) src(%dma_wait3A_85 : memref<200x112xf32, #tpu.memory_space<vmem_shared>>) dst(%dma_wait3A_83 : memref<200x112xf32, #tpu.memory_space<hbm>>)
        tpu.yield
      }) : () -> ()
    } else {
    }
    %add3A_62 = arith.constant 32 : i32
    %add3A_63 = arith.addi %arg1, %add3A_62 : i32
    %lt3A_64 = arith.constant 50 : i32
    %lt3A_65 = arith.cmpi slt, %add3A_63, %lt3A_64 : i32
    %convert_element_type3A_66 = arith.extui %lt3A_65 : i1 to i32
    %cond3A_67 = arith.constant 0 : i32
    %cond3A_68 = arith.cmpi ne, %convert_element_type3A_66, %cond3A_67 : i32
    scf.if %cond3A_68 {
      %mul3A_76 = arith.constant 200 : i32
      %mul3A_77 = arith.muli %add3A_63, %mul3A_76 : i32
      "tpu.region"() ({
        %run_scoped3A = tpu.sem_alloc : memref<!tpu.dma_semaphore, #tpu.memory_space<semaphore_mem>>
        %dma_start3A = arith.constant 0 : i32
        %dma_start3A_78 = tpu.memref_slice %arg6[%arg0, %mul3A_77, %dma_start3A] : memref<2x10000x112xf32, #tpu.memory_space<hbm>> -> memref<1x200x112xf32, #tpu.memory_space<hbm>>
        %dma_start3A_79 = tpu.memref_squeeze %dma_start3A_78 : memref<1x200x112xf32, #tpu.memory_space<hbm>> -> memref<200x112xf32, #tpu.memory_space<hbm>>
        %dma_start3A_80 = arith.constant 0 : i32
        %dma_start3A_81 = tpu.memref_slice %arg13[%mul3A_77, %dma_start3A_80] : memref<10000x112xf32, #tpu.memory_space<vmem_shared>> -> memref<200x112xf32, #tpu.memory_space<vmem_shared>>
        tpu.enqueue_dma source(%dma_start3A_81 : memref<200x112xf32, #tpu.memory_space<vmem_shared>>) target(%dma_start3A_79 : memref<200x112xf32, #tpu.memory_space<hbm>>) target_semaphore(%run_scoped3A : memref<!tpu.dma_semaphore, #tpu.memory_space<semaphore_mem>>)
        %dma_wait3A = arith.constant 0 : i32
        %dma_wait3A_82 = tpu.memref_slice %arg6[%arg0, %mul3A_77, %dma_wait3A] : memref<2x10000x112xf32, #tpu.memory_space<hbm>> -> memref<1x200x112xf32, #tpu.memory_space<hbm>>
        %dma_wait3A_83 = tpu.memref_squeeze %dma_wait3A_82 : memref<1x200x112xf32, #tpu.memory_space<hbm>> -> memref<200x112xf32, #tpu.memory_space<hbm>>
        %dma_wait3A_84 = arith.constant 0 : i32
        %dma_wait3A_85 = tpu.memref_slice %arg13[%mul3A_77, %dma_wait3A_84] : memref<10000x112xf32, #tpu.memory_space<vmem_shared>> -> memref<200x112xf32, #tpu.memory_space<vmem_shared>>
        tpu.wait_dma2 semaphore(%run_scoped3A : memref<!tpu.dma_semaphore, #tpu.memory_space<semaphore_mem>>) src(%dma_wait3A_85 : memref<200x112xf32, #tpu.memory_space<vmem_shared>>) dst(%dma_wait3A_83 : memref<200x112xf32, #tpu.memory_space<hbm>>)
        tpu.yield
      }) : () -> ()
    } else {
    }
    %add3A_69 = arith.constant 48 : i32
    %add3A_70 = arith.addi %arg1, %add3A_69 : i32
    %lt3A_71 = arith.constant 50 : i32
    %lt3A_72 = arith.cmpi slt, %add3A_70, %lt3A_71 : i32
    %convert_element_type3A_73 = arith.extui %lt3A_72 : i1 to i32
    %cond3A_74 = arith.constant 0 : i32
    %cond3A_75 = arith.cmpi ne, %convert_element_type3A_73, %cond3A_74 : i32
    scf.if %cond3A_75 {
      %mul3A_76 = arith.constant 200 : i32
      %mul3A_77 = arith.muli %add3A_70, %mul3A_76 : i32
      "tpu.region"() ({
        %run_scoped3A = tpu.sem_alloc : memref<!tpu.dma_semaphore, #tpu.memory_space<semaphore_mem>>
        %dma_start3A = arith.constant 0 : i32
        %dma_start3A_78 = tpu.memref_slice %arg6[%arg0, %mul3A_77, %dma_start3A] : memref<2x10000x112xf32, #tpu.memory_space<hbm>> -> memref<1x200x112xf32, #tpu.memory_space<hbm>>
        %dma_start3A_79 = tpu.memref_squeeze %dma_start3A_78 : memref<1x200x112xf32, #tpu.memory_space<hbm>> -> memref<200x112xf32, #tpu.memory_space<hbm>>
        %dma_start3A_80 = arith.constant 0 : i32
        %dma_start3A_81 = tpu.memref_slice %arg13[%mul3A_77, %dma_start3A_80] : memref<10000x112xf32, #tpu.memory_space<vmem_shared>> -> memref<200x112xf32, #tpu.memory_space<vmem_shared>>
        tpu.enqueue_dma source(%dma_start3A_81 : memref<200x112xf32, #tpu.memory_space<vmem_shared>>) target(%dma_start3A_79 : memref<200x112xf32, #tpu.memory_space<hbm>>) target_semaphore(%run_scoped3A : memref<!tpu.dma_semaphore, #tpu.memory_space<semaphore_mem>>)
        %dma_wait3A = arith.constant 0 : i32
        %dma_wait3A_82 = tpu.memref_slice %arg6[%arg0, %mul3A_77, %dma_wait3A] : memref<2x10000x112xf32, #tpu.memory_space<hbm>> -> memref<1x200x112xf32, #tpu.memory_space<hbm>>
        %dma_wait3A_83 = tpu.memref_squeeze %dma_wait3A_82 : memref<1x200x112xf32, #tpu.memory_space<hbm>> -> memref<200x112xf32, #tpu.memory_space<hbm>>
        %dma_wait3A_84 = arith.constant 0 : i32
        %dma_wait3A_85 = tpu.memref_slice %arg13[%mul3A_77, %dma_wait3A_84] : memref<10000x112xf32, #tpu.memory_space<vmem_shared>> -> memref<200x112xf32, #tpu.memory_space<vmem_shared>>
        tpu.wait_dma2 semaphore(%run_scoped3A : memref<!tpu.dma_semaphore, #tpu.memory_space<semaphore_mem>>) src(%dma_wait3A_85 : memref<200x112xf32, #tpu.memory_space<vmem_shared>>) dst(%dma_wait3A_83 : memref<200x112xf32, #tpu.memory_space<hbm>>)
        tpu.yield
      }) : () -> ()
    } else {
    }
    return
  }
}

module attributes {stable_mosaic.version = 14 : i64} {
  func.func @_pre_body(%arg0: i32, %arg1: memref<1000x128xf32, #tpu.memory_space<vmem>>, %arg2: memref<1000x128xf32, #tpu.memory_space<vmem>>, %arg3: memref<128x128xf32, #tpu.memory_space<vmem>>, %arg4: memref<1x128xf32, #tpu.memory_space<vmem>>, %arg5: memref<128x16xf32, #tpu.memory_space<vmem>>, %arg6: memref<1x16xf32, #tpu.memory_space<vmem>>, %arg7: memref<1000x128xf32, #tpu.memory_space<vmem>>, %arg8: memref<1000x16xf32, #tpu.memory_space<vmem>>) attributes {dimension_semantics = [#tpu.dimension_semantics<arbitrary>], iteration_bounds = array<i64: 10>, scalar_prefetch = 0 : i64, scratch_operands = 0 : i64, tpu.core_type = #tpu.core_type<tc>, window_params = [{transform_indices = @transform_0, window_bounds = array<i64: 1000, 128>}, {transform_indices = @transform_1, window_bounds = array<i64: 1000, 128>}, {pipeline_mode = #tpu.pipeline_mode<synchronous>, transform_indices = @transform_2, window_bounds = array<i64: 128, 128>}, {pipeline_mode = #tpu.pipeline_mode<synchronous>, transform_indices = @transform_3, window_bounds = array<i64: 1, 128>}, {pipeline_mode = #tpu.pipeline_mode<synchronous>, transform_indices = @transform_4, window_bounds = array<i64: 128, 16>}, {pipeline_mode = #tpu.pipeline_mode<synchronous>, transform_indices = @transform_5, window_bounds = array<i64: 1, 16>}, {transform_indices = @transform_6, window_bounds = array<i64: 1000, 128>}, {transform_indices = @transform_7, window_bounds = array<i64: 1000, 16>}]} {
    %get3A = arith.constant 0 : index
    %get3A_0 = arith.constant 0 : index
    %get3A_1 = vector.load %arg1[%get3A, %get3A_0] : memref<1000x128xf32, #tpu.memory_space<vmem>>, vector<1000x128xf32>
    %get3A_2 = arith.constant 0 : index
    %get3A_3 = arith.constant 0 : index
    %get3A_4 = vector.load %arg3[%get3A_2, %get3A_3] : memref<128x128xf32, #tpu.memory_space<vmem>>, vector<128x128xf32>
    %dot_general3A = arith.constant dense<0.000000e+00> : vector<1000x128xf32>
    %dot_general3A_5 = tpu.matmul %get3A_1, %get3A_4, %dot_general3A {dimension_numbers = #tpu.dot_dimension_numbers<[1], [0], [0], [1], [0, 0, 1, 1], [], []>, transpose_lhs_hint = false} : vector<1000x128xf32>, vector<128x128xf32>, vector<1000x128xf32> -> vector<1000x128xf32>
    %get3A_6 = arith.constant 0 : index
    %get3A_7 = arith.constant 0 : index
    %get3A_8 = vector.load %arg4[%get3A_6, %get3A_7] : memref<1x128xf32, #tpu.memory_space<vmem>>, vector<1x128xf32>
    %add3A = vector.broadcast %get3A_8 : vector<1x128xf32> to vector<1000x128xf32>
    %add3A_9 = arith.addf %dot_general3A_5, %add3A : vector<1000x128xf32>
    %swap3A = arith.constant 0 : index
    %swap3A_10 = arith.constant 0 : index
    %swap3A_11 = vector.load %arg7[%swap3A, %swap3A_10] : memref<1000x128xf32, #tpu.memory_space<vmem>>, vector<1000x128xf32>
    tpu.vector_store %arg7[%swap3A, %swap3A_10], %add3A_9 {strides = array<i32>} : memref<1000x128xf32, #tpu.memory_space<vmem>>, vector<1000x128xf32>,
    %get3A_12 = arith.constant 0 : index
    %get3A_13 = arith.constant 0 : index
    %get3A_14 = vector.load %arg2[%get3A_12, %get3A_13] : memref<1000x128xf32, #tpu.memory_space<vmem>>, vector<1000x128xf32>
    %get3A_15 = arith.constant 0 : index
    %get3A_16 = arith.constant 0 : index
    %get3A_17 = vector.load %arg5[%get3A_15, %get3A_16] : memref<128x16xf32, #tpu.memory_space<vmem>>, vector<128x16xf32>
    %dot_general3A_18 = arith.constant dense<0.000000e+00> : vector<1000x16xf32>
    %dot_general3A_19 = tpu.matmul %get3A_14, %get3A_17, %dot_general3A_18 {dimension_numbers = #tpu.dot_dimension_numbers<[1], [0], [0], [1], [0, 0, 1, 1], [], []>, transpose_lhs_hint = false} : vector<1000x128xf32>, vector<128x16xf32>, vector<1000x16xf32> -> vector<1000x16xf32>
    %get3A_20 = arith.constant 0 : index
    %get3A_21 = arith.constant 0 : index
    %get3A_22 = vector.load %arg6[%get3A_20, %get3A_21] : memref<1x16xf32, #tpu.memory_space<vmem>>, vector<1x16xf32>
    %add3A_23 = vector.broadcast %get3A_22 : vector<1x16xf32> to vector<1000x16xf32>
    %add3A_24 = arith.addf %dot_general3A_19, %add3A_23 : vector<1000x16xf32>
    %swap3A_25 = arith.constant 0 : index
    %swap3A_26 = arith.constant 0 : index
    %swap3A_27 = vector.load %arg8[%swap3A_25, %swap3A_26] : memref<1000x16xf32, #tpu.memory_space<vmem>>, vector<1000x16xf32>
    tpu.vector_store %arg8[%swap3A_25, %swap3A_26], %add3A_24 {strides = array<i32>} : memref<1000x16xf32, #tpu.memory_space<vmem>>, vector<1000x16xf32>,
    return
  }
  func.func @transform_0(%arg0: i32) -> (i32, i32) {
    %c0_i32 = arith.constant 0 : i32
    %c0_i32_0 = arith.constant 0 : i32
    return %arg0, %c0_i32 : i32, i32
  }
  func.func @transform_1(%arg0: i32) -> (i32, i32) {
    %c0_i32 = arith.constant 0 : i32
    %c0_i32_0 = arith.constant 0 : i32
    return %arg0, %c0_i32 : i32, i32
  }
  func.func @transform_2(%arg0: i32) -> (i32, i32) {
    %c0_i32 = arith.constant 0 : i32
    %c0_i32_0 = arith.constant 0 : i32
    %c0_i32_1 = arith.constant 0 : i32
    return %c0_i32, %c0_i32_0 : i32, i32
  }
  func.func @transform_3(%arg0: i32) -> (i32, i32) {
    %c0_i32 = arith.constant 0 : i32
    %c0_i32_0 = arith.constant 0 : i32
    %c0_i32_1 = arith.constant 0 : i32
    return %c0_i32, %c0_i32_0 : i32, i32
  }
  func.func @transform_4(%arg0: i32) -> (i32, i32) {
    %c0_i32 = arith.constant 0 : i32
    %c0_i32_0 = arith.constant 0 : i32
    %c0_i32_1 = arith.constant 0 : i32
    return %c0_i32, %c0_i32_0 : i32, i32
  }
  func.func @transform_5(%arg0: i32) -> (i32, i32) {
    %c0_i32 = arith.constant 0 : i32
    %c0_i32_0 = arith.constant 0 : i32
    %c0_i32_1 = arith.constant 0 : i32
    return %c0_i32, %c0_i32_0 : i32, i32
  }
  func.func @transform_6(%arg0: i32) -> (i32, i32) {
    %c0_i32 = arith.constant 0 : i32
    %c0_i32_0 = arith.constant 0 : i32
    return %arg0, %c0_i32 : i32, i32
  }
  func.func @transform_7(%arg0: i32) -> (i32, i32) {
    %c0_i32 = arith.constant 0 : i32
    %c0_i32_0 = arith.constant 0 : i32
    return %arg0, %c0_i32 : i32, i32
  }
}

module attributes {stable_mosaic.version = 14 : i64} {
  func.func @_comb_body(%arg0: i32, %arg1: memref<2x1000x112xf32, #tpu.memory_space<vmem>>, %arg2: memref<1000x128xf32, #tpu.memory_space<vmem>>) attributes {dimension_semantics = [#tpu.dimension_semantics<arbitrary>], iteration_bounds = array<i64: 10>, scalar_prefetch = 0 : i64, scratch_operands = 0 : i64, tpu.core_type = #tpu.core_type<tc>, window_params = [{transform_indices = @transform_0, window_bounds = array<i64: 2, 1000, 112>}, {transform_indices = @transform_1, window_bounds = array<i64: 1000, 128>}]} {
    %get3A = arith.constant 0 : index
    %get3A_0 = arith.constant 0 : index
    %get3A_1 = arith.constant 0 : index
    %get3A_2 = vector.load %arg1[%get3A, %get3A_0, %get3A_1] : memref<2x1000x112xf32, #tpu.memory_space<vmem>>, vector<1x1000x112xf32>
    %get3A_3 = vector.shape_cast %get3A_2 : vector<1x1000x112xf32> to vector<1000x112xf32>
    %get3A_4 = arith.constant 1 : index
    %get3A_5 = arith.constant 0 : index
    %get3A_6 = arith.constant 0 : index
    %get3A_7 = vector.load %arg1[%get3A_4, %get3A_5, %get3A_6] : memref<2x1000x112xf32, #tpu.memory_space<vmem>>, vector<1x1000x112xf32>
    %get3A_8 = vector.shape_cast %get3A_7 : vector<1x1000x112xf32> to vector<1000x112xf32>
    %add3A = arith.addf %get3A_3, %get3A_8 : vector<1000x112xf32>
    %broadcast_in_dim3A = arith.constant 0.000000e+00 : f32
    %broadcast_in_dim3A_9 = vector.broadcast %broadcast_in_dim3A : f32 to vector<1000x16xf32>
    %concatenate3A = tpu.concatenate %add3A, %broadcast_in_dim3A_9 in 1 : vector<1000x112xf32>, vector<1000x16xf32> -> vector<1000x128xf32>
    %swap3A = arith.constant 0 : index
    %swap3A_10 = arith.constant 0 : index
    %swap3A_11 = vector.load %arg2[%swap3A, %swap3A_10] : memref<1000x128xf32, #tpu.memory_space<vmem>>, vector<1000x128xf32>
    tpu.vector_store %arg2[%swap3A, %swap3A_10], %concatenate3A {strides = array<i32>} : memref<1000x128xf32, #tpu.memory_space<vmem>>, vector<1000x128xf32>,
    return
  }
  func.func @transform_0(%arg0: i32) -> (i32, i32, i32) {
    %c0_i32 = arith.constant 0 : i32
    %c0_i32_0 = arith.constant 0 : i32
    %c0_i32_1 = arith.constant 0 : i32
    return %c0_i32, %arg0, %c0_i32_0 : i32, i32, i32
  }
  func.func @transform_1(%arg0: i32) -> (i32, i32) {
    %c0_i32 = arith.constant 0 : i32
    %c0_i32_0 = arith.constant 0 : i32
    return %arg0, %c0_i32 : i32, i32
  }
}

module attributes {stable_mosaic.version = 14 : i64} {
  func.func @_fin1_body(%arg0: i32, %arg1: memref<2x1000x112xf32, #tpu.memory_space<vmem>>, %arg2: memref<1000x128xf32, #tpu.memory_space<vmem>>, %arg3: memref<1000x16xf32, #tpu.memory_space<vmem>>) attributes {dimension_semantics = [#tpu.dimension_semantics<arbitrary>], iteration_bounds = array<i64: 10>, scalar_prefetch = 0 : i64, scratch_operands = 0 : i64, tpu.core_type = #tpu.core_type<tc>, window_params = [{transform_indices = @transform_0, window_bounds = array<i64: 2, 1000, 112>}, {transform_indices = @transform_1, window_bounds = array<i64: 1000, 128>}, {transform_indices = @transform_2, window_bounds = array<i64: 1000, 16>}]} {
    %get3A = arith.constant 0 : index
    %get3A_0 = arith.constant 0 : index
    %get3A_1 = arith.constant 0 : index
    %get3A_2 = vector.load %arg1[%get3A, %get3A_0, %get3A_1] : memref<2x1000x112xf32, #tpu.memory_space<vmem>>, vector<1x1000x112xf32>
    %get3A_3 = vector.shape_cast %get3A_2 : vector<1x1000x112xf32> to vector<1000x112xf32>
    %get3A_4 = arith.constant 1 : index
    %get3A_5 = arith.constant 0 : index
    %get3A_6 = arith.constant 0 : index
    %get3A_7 = vector.load %arg1[%get3A_4, %get3A_5, %get3A_6] : memref<2x1000x112xf32, #tpu.memory_space<vmem>>, vector<1x1000x112xf32>
    %get3A_8 = vector.shape_cast %get3A_7 : vector<1x1000x112xf32> to vector<1000x112xf32>
    %add3A = arith.addf %get3A_3, %get3A_8 : vector<1000x112xf32>
    %slice3A = vector.extract_strided_slice %add3A {offsets = [0, 96], sizes = [1000, 1], strides = [1, 1]} : vector<1000x112xf32> to vector<1000x1xf32>
    %gt3A = arith.constant 0.000000e+00 : f32
    %gt3A_9 = vector.broadcast %gt3A : f32 to vector<1000x1xf32>
    %gt3A_10 = arith.cmpf ogt, %slice3A, %gt3A_9 : vector<1000x1xf32>
    %div3A = arith.constant 1.000000e+00 : f32
    %div3A_11 = vector.broadcast %div3A : f32 to vector<1000x1xf32>
    %div3A_12 = arith.divf %div3A_11, %slice3A : vector<1000x1xf32>
    %jit3A = arith.constant 0.000000e+00 : f32
    %broadcast_in_dim3A = vector.broadcast %jit3A : f32 to vector<1000x1xf32>
    %select_n3A = arith.select %gt3A_10, %div3A_12, %broadcast_in_dim3A : vector<1000x1xi1>, vector<1000x1xf32>
    %slice3A_13 = vector.extract_strided_slice %add3A {offsets = [0, 0], sizes = [1000, 96], strides = [1, 1]} : vector<1000x112xf32> to vector<1000x96xf32>
    %mul3A = vector.broadcast %select_n3A : vector<1000x1xf32> to vector<1000x96xf32>
    %mul3A_14 = arith.mulf %slice3A_13, %mul3A : vector<1000x96xf32>
    %max3A = arith.constant 0.000000e+00 : f32
    %max3A_15 = vector.broadcast %max3A : f32 to vector<1000x96xf32>
    %max3A_16 = arith.maximumf %mul3A_14, %max3A_15 : vector<1000x96xf32>
    %broadcast_in_dim3A_17 = arith.constant 0.000000e+00 : f32
    %broadcast_in_dim3A_18 = vector.broadcast %broadcast_in_dim3A_17 : f32 to vector<1000x32xf32>
    %concatenate3A = tpu.concatenate %max3A_16, %broadcast_in_dim3A_18 in 1 : vector<1000x96xf32>, vector<1000x32xf32> -> vector<1000x128xf32>
    %swap3A = arith.constant 0 : index
    %swap3A_19 = arith.constant 0 : index
    %swap3A_20 = vector.load %arg2[%swap3A, %swap3A_19] : memref<1000x128xf32, #tpu.memory_space<vmem>>, vector<1000x128xf32>
    tpu.vector_store %arg2[%swap3A, %swap3A_19], %concatenate3A {strides = array<i32>} : memref<1000x128xf32, #tpu.memory_space<vmem>>, vector<1000x128xf32>,
    %broadcast_in_dim3A_21 = vector.shape_cast %select_n3A : vector<1000x1xf32> to vector<1000x1xf32>
    %broadcast_in_dim3A_22 = vector.broadcast %broadcast_in_dim3A_21 : vector<1000x1xf32> to vector<1000x16xf32>
    %swap3A_23 = arith.constant 0 : index
    %swap3A_24 = arith.constant 0 : index
    %swap3A_25 = vector.load %arg3[%swap3A_23, %swap3A_24] : memref<1000x16xf32, #tpu.memory_space<vmem>>, vector<1000x16xf32>
    tpu.vector_store %arg3[%swap3A_23, %swap3A_24], %broadcast_in_dim3A_22 {strides = array<i32>} : memref<1000x16xf32, #tpu.memory_space<vmem>>, vector<1000x16xf32>,
    return
  }
  func.func @transform_0(%arg0: i32) -> (i32, i32, i32) {
    %c0_i32 = arith.constant 0 : i32
    %c0_i32_0 = arith.constant 0 : i32
    %c0_i32_1 = arith.constant 0 : i32
    return %c0_i32, %arg0, %c0_i32_0 : i32, i32, i32
  }
  func.func @transform_1(%arg0: i32) -> (i32, i32) {
    %c0_i32 = arith.constant 0 : i32
    %c0_i32_0 = arith.constant 0 : i32
    return %arg0, %c0_i32 : i32, i32
  }
  func.func @transform_2(%arg0: i32) -> (i32, i32) {
    %c0_i32 = arith.constant 0 : i32
    %c0_i32_0 = arith.constant 0 : i32
    return %arg0, %c0_i32 : i32, i32
  }
}

module attributes {stable_mosaic.version = 14 : i64} {
  func.func @_post_body(%arg0: i32, %arg1: memref<2x1000x112xf32, #tpu.memory_space<vmem>>, %arg2: memref<1000x16xf32, #tpu.memory_space<vmem>>, %arg3: memref<16x128xf32, #tpu.memory_space<vmem>>, %arg4: memref<1x128xf32, #tpu.memory_space<vmem>>, %arg5: memref<1000x768xf32, #tpu.memory_space<vmem>>) attributes {dimension_semantics = [#tpu.dimension_semantics<arbitrary>], iteration_bounds = array<i64: 10>, scalar_prefetch = 0 : i64, scratch_operands = 0 : i64, tpu.core_type = #tpu.core_type<tc>, window_params = [{transform_indices = @transform_0, window_bounds = array<i64: 2, 1000, 112>}, {transform_indices = @transform_1, window_bounds = array<i64: 1000, 16>}, {pipeline_mode = #tpu.pipeline_mode<synchronous>, transform_indices = @transform_2, window_bounds = array<i64: 16, 128>}, {pipeline_mode = #tpu.pipeline_mode<synchronous>, transform_indices = @transform_3, window_bounds = array<i64: 1, 128>}, {transform_indices = @transform_4, window_bounds = array<i64: 1000, 768>}]} {
    %get3A = arith.constant 0 : index
    %get3A_0 = arith.constant 0 : index
    %get3A_1 = arith.constant 0 : index
    %get3A_2 = vector.load %arg1[%get3A, %get3A_0, %get3A_1] : memref<2x1000x112xf32, #tpu.memory_space<vmem>>, vector<1x1000x112xf32>
    %get3A_3 = vector.shape_cast %get3A_2 : vector<1x1000x112xf32> to vector<1000x112xf32>
    %get3A_4 = arith.constant 1 : index
    %get3A_5 = arith.constant 0 : index
    %get3A_6 = arith.constant 0 : index
    %get3A_7 = vector.load %arg1[%get3A_4, %get3A_5, %get3A_6] : memref<2x1000x112xf32, #tpu.memory_space<vmem>>, vector<1x1000x112xf32>
    %get3A_8 = vector.shape_cast %get3A_7 : vector<1x1000x112xf32> to vector<1000x112xf32>
    %add3A = arith.addf %get3A_3, %get3A_8 : vector<1000x112xf32>
    %get3A_9 = arith.constant 0 : index
    %get3A_10 = arith.constant 0 : index
    %get3A_11 = vector.load %arg2[%get3A_9, %get3A_10] : memref<1000x16xf32, #tpu.memory_space<vmem>>, vector<1000x1xf32>
    %mul3A = vector.broadcast %get3A_11 : vector<1000x1xf32> to vector<1000x112xf32>
    %mul3A_12 = arith.mulf %add3A, %mul3A : vector<1000x112xf32>
    %slice3A = vector.extract_strided_slice %mul3A_12 {offsets = [0, 0], sizes = [1000, 16], strides = [1, 1]} : vector<1000x112xf32> to vector<1000x16xf32>
    %get3A_13 = arith.constant 0 : index
    %get3A_14 = arith.constant 0 : index
    %get3A_15 = vector.load %arg3[%get3A_13, %get3A_14] : memref<16x128xf32, #tpu.memory_space<vmem>>, vector<16x128xf32>
    %dot_general3A = arith.constant dense<0.000000e+00> : vector<1000x128xf32>
    %dot_general3A_16 = tpu.matmul %slice3A, %get3A_15, %dot_general3A {dimension_numbers = #tpu.dot_dimension_numbers<[1], [0], [0], [1], [0, 0, 1, 1], [], []>, transpose_lhs_hint = false} : vector<1000x16xf32>, vector<16x128xf32>, vector<1000x128xf32> -> vector<1000x128xf32>
    %slice3A_17 = vector.extract_strided_slice %mul3A_12 {offsets = [0, 96], sizes = [1000, 1], strides = [1, 1]} : vector<1000x112xf32> to vector<1000x1xf32>
    %get3A_18 = arith.constant 0 : index
    %get3A_19 = arith.constant 0 : index
    %get3A_20 = vector.load %arg4[%get3A_18, %get3A_19] : memref<1x128xf32, #tpu.memory_space<vmem>>, vector<1x128xf32>
    %mul3A_21 = vector.broadcast %slice3A_17 : vector<1000x1xf32> to vector<1000x128xf32>
    %mul3A_22 = vector.broadcast %get3A_20 : vector<1x128xf32> to vector<1000x128xf32>
    %mul3A_23 = arith.mulf %mul3A_21, %mul3A_22 : vector<1000x128xf32>
    %add3A_24 = arith.addf %dot_general3A_16, %mul3A_23 : vector<1000x128xf32>
    %swap3A = arith.constant 0 : index
    %swap3A_25 = arith.constant 0 : index
    %swap3A_26 = vector.load %arg5[%swap3A, %swap3A_25] : memref<1000x768xf32, #tpu.memory_space<vmem>>, vector<1000x128xf32>
    tpu.vector_store %arg5[%swap3A, %swap3A_25], %add3A_24 {strides = array<i32>} : memref<1000x768xf32, #tpu.memory_space<vmem>>, vector<1000x128xf32>,
    %slice3A_27 = vector.extract_strided_slice %mul3A_12 {offsets = [0, 16], sizes = [1000, 16], strides = [1, 1]} : vector<1000x112xf32> to vector<1000x16xf32>
    %get3A_28 = arith.constant 0 : index
    %get3A_29 = arith.constant 0 : index
    %get3A_30 = vector.load %arg3[%get3A_28, %get3A_29] : memref<16x128xf32, #tpu.memory_space<vmem>>, vector<16x128xf32>
    %dot_general3A_31 = arith.constant dense<0.000000e+00> : vector<1000x128xf32>
    %dot_general3A_32 = tpu.matmul %slice3A_27, %get3A_30, %dot_general3A_31 {dimension_numbers = #tpu.dot_dimension_numbers<[1], [0], [0], [1], [0, 0, 1, 1], [], []>, transpose_lhs_hint = false} : vector<1000x16xf32>, vector<16x128xf32>, vector<1000x128xf32> -> vector<1000x128xf32>
    %slice3A_33 = vector.extract_strided_slice %mul3A_12 {offsets = [0, 97], sizes = [1000, 1], strides = [1, 1]} : vector<1000x112xf32> to vector<1000x1xf32>
    %get3A_34 = arith.constant 0 : index
    %get3A_35 = arith.constant 0 : index
    %get3A_36 = vector.load %arg4[%get3A_34, %get3A_35] : memref<1x128xf32, #tpu.memory_space<vmem>>, vector<1x128xf32>
    %mul3A_37 = vector.broadcast %slice3A_33 : vector<1000x1xf32> to vector<1000x128xf32>
    %mul3A_38 = vector.broadcast %get3A_36 : vector<1x128xf32> to vector<1000x128xf32>
    %mul3A_39 = arith.mulf %mul3A_37, %mul3A_38 : vector<1000x128xf32>
    %add3A_40 = arith.addf %dot_general3A_32, %mul3A_39 : vector<1000x128xf32>
    %swap3A_41 = arith.constant 0 : index
    %swap3A_42 = arith.constant 128 : index
    %swap3A_43 = vector.load %arg5[%swap3A_41, %swap3A_42] : memref<1000x768xf32, #tpu.memory_space<vmem>>, vector<1000x128xf32>
    tpu.vector_store %arg5[%swap3A_41, %swap3A_42], %add3A_40 {strides = array<i32>} : memref<1000x768xf32, #tpu.memory_space<vmem>>, vector<1000x128xf32>,
    %slice3A_44 = vector.extract_strided_slice %mul3A_12 {offsets = [0, 32], sizes = [1000, 16], strides = [1, 1]} : vector<1000x112xf32> to vector<1000x16xf32>
    %get3A_45 = arith.constant 0 : index
    %get3A_46 = arith.constant 0 : index
    %get3A_47 = vector.load %arg3[%get3A_45, %get3A_46] : memref<16x128xf32, #tpu.memory_space<vmem>>, vector<16x128xf32>
    %dot_general3A_48 = arith.constant dense<0.000000e+00> : vector<1000x128xf32>
    %dot_general3A_49 = tpu.matmul %slice3A_44, %get3A_47, %dot_general3A_48 {dimension_numbers = #tpu.dot_dimension_numbers<[1], [0], [0], [1], [0, 0, 1, 1], [], []>, transpose_lhs_hint = false} : vector<1000x16xf32>, vector<16x128xf32>, vector<1000x128xf32> -> vector<1000x128xf32>
    %slice3A_50 = vector.extract_strided_slice %mul3A_12 {offsets = [0, 98], sizes = [1000, 1], strides = [1, 1]} : vector<1000x112xf32> to vector<1000x1xf32>
    %get3A_51 = arith.constant 0 : index
    %get3A_52 = arith.constant 0 : index
    %get3A_53 = vector.load %arg4[%get3A_51, %get3A_52] : memref<1x128xf32, #tpu.memory_space<vmem>>, vector<1x128xf32>
    %mul3A_54 = vector.broadcast %slice3A_50 : vector<1000x1xf32> to vector<1000x128xf32>
    %mul3A_55 = vector.broadcast %get3A_53 : vector<1x128xf32> to vector<1000x128xf32>
    %mul3A_56 = arith.mulf %mul3A_54, %mul3A_55 : vector<1000x128xf32>
    %add3A_57 = arith.addf %dot_general3A_49, %mul3A_56 : vector<1000x128xf32>
    %swap3A_58 = arith.constant 0 : index
    %swap3A_59 = arith.constant 256 : index
    %swap3A_60 = vector.load %arg5[%swap3A_58, %swap3A_59] : memref<1000x768xf32, #tpu.memory_space<vmem>>, vector<1000x128xf32>
    tpu.vector_store %arg5[%swap3A_58, %swap3A_59], %add3A_57 {strides = array<i32>} : memref<1000x768xf32, #tpu.memory_space<vmem>>, vector<1000x128xf32>,
    %slice3A_61 = vector.extract_strided_slice %mul3A_12 {offsets = [0, 48], sizes = [1000, 16], strides = [1, 1]} : vector<1000x112xf32> to vector<1000x16xf32>
    %get3A_62 = arith.constant 0 : index
    %get3A_63 = arith.constant 0 : index
    %get3A_64 = vector.load %arg3[%get3A_62, %get3A_63] : memref<16x128xf32, #tpu.memory_space<vmem>>, vector<16x128xf32>
    %dot_general3A_65 = arith.constant dense<0.000000e+00> : vector<1000x128xf32>
    %dot_general3A_66 = tpu.matmul %slice3A_61, %get3A_64, %dot_general3A_65 {dimension_numbers = #tpu.dot_dimension_numbers<[1], [0], [0], [1], [0, 0, 1, 1], [], []>, transpose_lhs_hint = false} : vector<1000x16xf32>, vector<16x128xf32>, vector<1000x128xf32> -> vector<1000x128xf32>
    %slice3A_67 = vector.extract_strided_slice %mul3A_12 {offsets = [0, 99], sizes = [1000, 1], strides = [1, 1]} : vector<1000x112xf32> to vector<1000x1xf32>
    %get3A_68 = arith.constant 0 : index
    %get3A_69 = arith.constant 0 : index
    %get3A_70 = vector.load %arg4[%get3A_68, %get3A_69] : memref<1x128xf32, #tpu.memory_space<vmem>>, vector<1x128xf32>
    %mul3A_71 = vector.broadcast %slice3A_67 : vector<1000x1xf32> to vector<1000x128xf32>
    %mul3A_72 = vector.broadcast %get3A_70 : vector<1x128xf32> to vector<1000x128xf32>
    %mul3A_73 = arith.mulf %mul3A_71, %mul3A_72 : vector<1000x128xf32>
    %add3A_74 = arith.addf %dot_general3A_66, %mul3A_73 : vector<1000x128xf32>
    %swap3A_75 = arith.constant 0 : index
    %swap3A_76 = arith.constant 384 : index
    %swap3A_77 = vector.load %arg5[%swap3A_75, %swap3A_76] : memref<1000x768xf32, #tpu.memory_space<vmem>>, vector<1000x128xf32>
    tpu.vector_store %arg5[%swap3A_75, %swap3A_76], %add3A_74 {strides = array<i32>} : memref<1000x768xf32, #tpu.memory_space<vmem>>, vector<1000x128xf32>,
    %slice3A_78 = vector.extract_strided_slice %mul3A_12 {offsets = [0, 64], sizes = [1000, 16], strides = [1, 1]} : vector<1000x112xf32> to vector<1000x16xf32>
    %get3A_79 = arith.constant 0 : index
    %get3A_80 = arith.constant 0 : index
    %get3A_81 = vector.load %arg3[%get3A_79, %get3A_80] : memref<16x128xf32, #tpu.memory_space<vmem>>, vector<16x128xf32>
    %dot_general3A_82 = arith.constant dense<0.000000e+00> : vector<1000x128xf32>
    %dot_general3A_83 = tpu.matmul %slice3A_78, %get3A_81, %dot_general3A_82 {dimension_numbers = #tpu.dot_dimension_numbers<[1], [0], [0], [1], [0, 0, 1, 1], [], []>, transpose_lhs_hint = false} : vector<1000x16xf32>, vector<16x128xf32>, vector<1000x128xf32> -> vector<1000x128xf32>
    %slice3A_84 = vector.extract_strided_slice %mul3A_12 {offsets = [0, 100], sizes = [1000, 1], strides = [1, 1]} : vector<1000x112xf32> to vector<1000x1xf32>
    %get3A_85 = arith.constant 0 : index
    %get3A_86 = arith.constant 0 : index
    %get3A_87 = vector.load %arg4[%get3A_85, %get3A_86] : memref<1x128xf32, #tpu.memory_space<vmem>>, vector<1x128xf32>
    %mul3A_88 = vector.broadcast %slice3A_84 : vector<1000x1xf32> to vector<1000x128xf32>
    %mul3A_89 = vector.broadcast %get3A_87 : vector<1x128xf32> to vector<1000x128xf32>
    %mul3A_90 = arith.mulf %mul3A_88, %mul3A_89 : vector<1000x128xf32>
    %add3A_91 = arith.addf %dot_general3A_83, %mul3A_90 : vector<1000x128xf32>
    %swap3A_92 = arith.constant 0 : index
    %swap3A_93 = arith.constant 512 : index
    %swap3A_94 = vector.load %arg5[%swap3A_92, %swap3A_93] : memref<1000x768xf32, #tpu.memory_space<vmem>>, vector<1000x128xf32>
    tpu.vector_store %arg5[%swap3A_92, %swap3A_93], %add3A_91 {strides = array<i32>} : memref<1000x768xf32, #tpu.memory_space<vmem>>, vector<1000x128xf32>,
    %slice3A_95 = vector.extract_strided_slice %mul3A_12 {offsets = [0, 80], sizes = [1000, 16], strides = [1, 1]} : vector<1000x112xf32> to vector<1000x16xf32>
    %get3A_96 = arith.constant 0 : index
    %get3A_97 = arith.constant 0 : index
    %get3A_98 = vector.load %arg3[%get3A_96, %get3A_97] : memref<16x128xf32, #tpu.memory_space<vmem>>, vector<16x128xf32>
    %dot_general3A_99 = arith.constant dense<0.000000e+00> : vector<1000x128xf32>
    %dot_general3A_100 = tpu.matmul %slice3A_95, %get3A_98, %dot_general3A_99 {dimension_numbers = #tpu.dot_dimension_numbers<[1], [0], [0], [1], [0, 0, 1, 1], [], []>, transpose_lhs_hint = false} : vector<1000x16xf32>, vector<16x128xf32>, vector<1000x128xf32> -> vector<1000x128xf32>
    %slice3A_101 = vector.extract_strided_slice %mul3A_12 {offsets = [0, 101], sizes = [1000, 1], strides = [1, 1]} : vector<1000x112xf32> to vector<1000x1xf32>
    %get3A_102 = arith.constant 0 : index
    %get3A_103 = arith.constant 0 : index
    %get3A_104 = vector.load %arg4[%get3A_102, %get3A_103] : memref<1x128xf32, #tpu.memory_space<vmem>>, vector<1x128xf32>
    %mul3A_105 = vector.broadcast %slice3A_101 : vector<1000x1xf32> to vector<1000x128xf32>
    %mul3A_106 = vector.broadcast %get3A_104 : vector<1x128xf32> to vector<1000x128xf32>
    %mul3A_107 = arith.mulf %mul3A_105, %mul3A_106 : vector<1000x128xf32>
    %add3A_108 = arith.addf %dot_general3A_100, %mul3A_107 : vector<1000x128xf32>
    %swap3A_109 = arith.constant 0 : index
    %swap3A_110 = arith.constant 640 : index
    %swap3A_111 = vector.load %arg5[%swap3A_109, %swap3A_110] : memref<1000x768xf32, #tpu.memory_space<vmem>>, vector<1000x128xf32>
    tpu.vector_store %arg5[%swap3A_109, %swap3A_110], %add3A_108 {strides = array<i32>} : memref<1000x768xf32, #tpu.memory_space<vmem>>, vector<1000x128xf32>,
    return
  }
  func.func @transform_0(%arg0: i32) -> (i32, i32, i32) {
    %c0_i32 = arith.constant 0 : i32
    %c0_i32_0 = arith.constant 0 : i32
    %c0_i32_1 = arith.constant 0 : i32
    return %c0_i32, %arg0, %c0_i32_0 : i32, i32, i32
  }
  func.func @transform_1(%arg0: i32) -> (i32, i32) {
    %c0_i32 = arith.constant 0 : i32
    %c0_i32_0 = arith.constant 0 : i32
    return %arg0, %c0_i32 : i32, i32
  }
  func.func @transform_2(%arg0: i32) -> (i32, i32) {
    %c0_i32 = arith.constant 0 : i32
    %c0_i32_0 = arith.constant 0 : i32
    %c0_i32_1 = arith.constant 0 : i32
    return %c0_i32, %c0_i32_0 : i32, i32
  }
  func.func @transform_3(%arg0: i32) -> (i32, i32) {
    %c0_i32 = arith.constant 0 : i32
    %c0_i32_0 = arith.constant 0 : i32
    %c0_i32_1 = arith.constant 0 : i32
    return %c0_i32, %c0_i32_0 : i32, i32
  }
  func.func @transform_4(%arg0: i32) -> (i32, i32) {
    %c0_i32 = arith.constant 0 : i32
    %c0_i32_0 = arith.constant 0 : i32
    return %arg0, %c0_i32 : i32, i32
  }
}

</mosaic_0001>

<sc_bundles>
// kernel: kernel.12.cloned.1.call-start
scs
__scs_entry_jumppad:
0x0: {  	(pc) =	sbr.rel $0x88, $3  }
0x1: {  	(tag) =	ssettag $0x0;
	lr =	simm.s32 $0x1  }
0x2: {  	[smem:$0x3F96] =	sst lr;
	_ =	strace $0xD0000000  }
0x3: {  	_ = 	snop  }
0x4: {  	_ = 	snop  }
0x5: {  	_ = 	snop  }
0x6: {  	_ = 	snop  }
0x7: {  	_ = 	snop  }
__scs_overlays_trampoline_lowered:
0x8: {  	[smem:$0x3FA5] =	sst s0  }
0x9: {  	[smem:$0x3FA6] =	sst s1  }
0xa: {  	[smem:$0x3FA7] =	sst s2  }
0xb: {  	[smem:$0x3FA8] =	sst s3  }
0xc: {  	[smem:$0x3FA9] =	sst s4  }
0xd: {  	[smem:$0x3FAA] =	sst s5  }
0xe: {  	[smem:$0x3FAB] =	sst s6  }
0xf: {  	[smem:$0x3FAC] =	sst s7  }
0x10: {  	[smem:$0x3FAD] =	sst s8  }
0x11: {  	[smem:$0x3FAE] =	sst s9;
	s0 =	simm.s32 @!p0 $0x0  }
0x12: {  	s1 =	sld [smem:$0x3F94];
	s0 =	simm.s32 @p0 $0x1  }
0x13: {  	[smem:$0x3FAF] =	sst s0;
	s0 =	simm.s32 @!p1 $0x0  }
0x14: {  	s2 =	sld [smem:$0x3F93];
	s0 =	simm.s32 @p1 $0x1  }
0x15: {  	[smem:$0x3FB0] =	sst s0;
	s0 =	simm.s32 @!p2 $0x0  }
0x16: {  	s3 =	sld [smem:$0x3FDB];
	s0 =	simm.s32 @p2 $0x1  }
0x17: {  	s4 =	simm.s32 $0x1BF5;
	[smem:$0x3FB2] =	sst s0  }
0x18: {  	s0 =	sld [smem:$0x3F95];
	_ =	swait.ge [sflag:s4], $0x0  }
0x19: {  	s7 =	sld [smem:$0x3F96]  }
0x1a: {  	s8 =	sadd.s32 $0xFFFFE003, lr  }
0x1b: {  	s9 =	sadd.s32 $0xFFFFFEF7, lr;
	s5 =	simm.s32 $0xFFFFFFFF;
	p2 =	slt.u32 s8, $0xFFFFF086  }
0x1c: {  	p1 =	slt.u32 s9, $0xF7A;
	s5 =	simm.s32 @!p2 $0x0  }
0x1d: {  	s5 =	simm.s32 @p1 $0x1;
	p0 =	seq.s32 s7, s2  }
0x1e: {  	s7 =	smul.u32 @!p0 $0xF7A, s2;
	p2 =	seq.s32 @!p0 s5, $0x0  }
0x1f: {  	s9 =	smul.u32 $0xF7A, s1;
	s8 =	simm.s32 @!p0 $0x1BF5;
	p2 =	por !p2, p0  }
0x20: {  	[sflag:s8] =	ssyncset.s32 @!p0 $0xFFFFF086;
	s6 =	sadd.s32 @!p0 s3, s7;
	s7 =	simm.s32 @!p0 $0x108  }
0x21: {  	s3 =	sadd.s32 s3, s9;
	s6 =	sadd.s32 @!p0 $0x88, s6;
	s7 =	simm.s32 @p2 $0x1082  }
0x22: {  	[simem:s7], [sflag:s8] =	dma.local @!p0 [hbm:s6], $0xF7A  }
0x23: {  	s9 =	sor.u32 $0xD0000000, s2;
	s6 =	simm.s32 $0x108;
	_ =	swait.ge @!p0 [sflag:s8], $0x0  }
0x24: {  	s3 =	sadd.s32 $0x88, s3;
	s6 =	simm.s32 @!p1 $0x1082;
	[sflag:s4] =	ssyncset.s32 $0xFFFFF086  }
0x25: {  	[simem:s6], [sflag:s4] =	dma.local [hbm:s3], $0xF7A  }
0x26: {  	[smem:$0x3F96] =	sst s1;
	(tag) =	ssettag s2;
	_ =	strace s9  }
0x27: {  	s1 =	sld [smem:$0x3FA6]  }
0x28: {  	s2 =	sld [smem:$0x3FA7]  }
0x29: {  	s4 =	sld [smem:$0x3FA9]  }
0x2a: {  	p0 =	seq.s32 s5, $0x0;
	s5 =	sld [smem:$0x3FAA]  }
0x2b: {  	s6 =	sld [smem:$0x3FAB]  }
0x2c: {  	s7 =	sld [smem:$0x3FAC]  }
0x2d: {  	s3 =	simm.s32 $0x108;
	s8 =	sld [smem:$0x3FAD]  }
0x2e: {  	s3 =	simm.s32 @!p0 $0x1082;
	s9 =	sld [smem:$0x3FAE]  }
0x2f: {  	lr =	sadd.s32 s0, s3;
	s0 =	sld [smem:$0x3FA5]  }
0x30: {  	s3 =	sld [smem:$0x3FA8]  }
0x31: {  	[smem:$0x3FB1] =	sst s10  }
0x32: {  	s10 =	sld [smem:$0x3FAF];
	_ =	sdelay $0x3  }
0x33: {  	p0 =	seq.s32 s10, $0x1;
	s10 =	sld [smem:$0x3FB1];
	_ =	sdelay $0x3  }
0x34: {  	[smem:$0x3FB1] =	sst s10  }
0x35: {  	s10 =	sld [smem:$0x3FB0];
	_ =	sdelay $0x3  }
0x36: {  	p1 =	seq.s32 s10, $0x1;
	s10 =	sld [smem:$0x3FB1];
	_ =	sdelay $0x3  }
0x37: {  	[smem:$0x3FB1] =	sst s10  }
0x38: {  	s10 =	sld [smem:$0x3FB2]  }
0x39: {  	_ = 	snop;
	(pc) =	sbr.ind lr, $3  }
0x3a: {  	_ = 	snop  }
0x3b: {  	_ = 	snop  }
0x3c: {  	p2 =	seq.s32 s10, $0x1;
	s10 =	sld [smem:$0x3FB1]  }
0x3d: {  	_ =	shalt  }
0x3e: {  	_ =	shalt  }
0x3f: {  	_ =	shalt  }
0x40: {  	_ =	shalt  }
0x41: {  	_ =	shalt  }
0x42: {  	_ =	shalt  }
0x43: {  	_ =	shalt  }
0x44: {  	_ =	shalt  }
0x45: {  	_ =	shalt  }
0x46: {  	_ =	shalt  }
0x47: {  	_ =	shalt  }
0x48: {  	_ =	shalt  }
0x49: {  	_ =	shalt  }
0x4a: {  	_ =	shalt  }
0x4b: {  	_ =	shalt  }
0x4c: {  	_ =	shalt  }
0x4d: {  	_ =	shalt  }
0x4e: {  	_ =	shalt  }
0x4f: {  	_ =	shalt  }
0x50: {  	_ =	shalt  }
0x51: {  	_ =	shalt  }
0x52: {  	_ =	shalt  }
0x53: {  	_ =	shalt  }
0x54: {  	_ =	shalt  }
0x55: {  	_ =	shalt  }
0x56: {  	_ =	shalt  }
0x57: {  	_ =	shalt  }
0x58: {  	_ =	shalt  }
0x59: {  	_ =	shalt  }
0x5a: {  	_ =	shalt  }
0x5b: {  	_ =	shalt  }
0x5c: {  	_ =	shalt  }
0x5d: {  	_ =	shalt  }
0x5e: {  	_ =	shalt  }
0x5f: {  	_ =	shalt  }
0x60: {  	_ =	shalt  }
0x61: {  	_ =	shalt  }
0x62: {  	_ =	shalt  }
0x63: {  	_ =	shalt  }
0x64: {  	_ =	shalt  }
0x65: {  	_ =	shalt  }
0x66: {  	_ =	shalt  }
0x67: {  	_ =	shalt  }
0x68: {  	_ =	shalt  }
0x69: {  	_ =	shalt  }
0x6a: {  	_ =	shalt  }
0x6b: {  	_ =	shalt  }
0x6c: {  	_ =	shalt  }
0x6d: {  	_ =	shalt  }
0x6e: {  	_ =	shalt  }
0x6f: {  	_ =	shalt  }
0x70: {  	_ =	shalt  }
0x71: {  	_ =	shalt  }
0x72: {  	_ =	shalt  }
0x73: {  	_ =	shalt  }
0x74: {  	_ =	shalt  }
0x75: {  	_ =	shalt  }
0x76: {  	_ =	shalt  }
0x77: {  	_ =	shalt  }
0x78: {  	_ =	shalt  }
0x79: {  	_ =	shalt  }
0x7a: {  	_ =	shalt  }
0x7b: {  	_ =	shalt  }
0x7c: {  	_ =	shalt  }
0x7d: {  	_ =	shalt  }
0x7e: {  	_ =	shalt  }
0x7f: {  	_ =	shalt  }
0x80: {  	_ =	shalt  }
0x81: {  	_ =	shalt  }
0x82: {  	_ =	shalt  }
0x83: {  	_ =	shalt  }
0x84: {  	_ =	shalt  }
0x85: {  	_ =	shalt  }
0x86: {  	_ =	shalt  }
0x87: {  	_ =	shalt  }
.Lfunc_end0:
.L_simem_size_0:
called_computation_lowered:
.L_overlay_start_0:
0x88: {  	s2 =	sld [smem:$0x3FD9]  }
0x89: {  	s3 =	sld [smem:$0x3FFE];
	_ =	sdelay $0x1  }
0x8a: {  	s1 =	srdreg.scid  }
0x8b: {  	s0 =	sand.u32 $0x1, s1  }
0x8c: {  	s17 =	sshll.u32 s0, $0xA;
	s2 =	sadd.s32 s3, s2  }
0x8d: {  	s2 =	sadd.s32 s2, s17  }
0x8e: {  	[smem:$0x3FBD] =	sst s2  }
0x8f: {  	_ = 	snop  }
0x90: {  	s2 =	sld [smem:$0x3FD0];
	(tm) =	ssettm $0x1  }
0x91: {  	s18 =	sld [smem:$0x3FFB];
	_ =	sdelay $0x3  }
0x92: {  	_ =	strace s18  }
0x93: {  	s3 =	sld [smem:$0x3FFC];
	_ =	sdelay $0x3  }
0x94: {  	_ =	strace s3  }
0x95: {  	s3 =	sld [smem:$0x3FFD];
	_ =	sdelay $0x3  }
0x96: {  	_ =	strace s3  }
0x97: {  	_ =	strace $0x8FFFFFFF  }
0x98: {  	s19 =	sld [smem:$0x3FDB];
	_ =	sdelay $0x1  }
0x99: {  	s4 =	simm.s32 $_scs_section_size  }
0x9a: {  	s5 =	simm.s32 $_size__tile_overlayer_lowered;
	s6 =	simm.s32 $_tile_overlayer_lowered  }
0x9b: {  	s22 =	simm.s32 $0x1BFF;
	s21 =	sshll.u32 s6, $0x1;
	s3 =	sadd.s32 s4, s19  }
0x9c: {  	s7 =	simm.s32 $0x0;
	s20 =	sshll.u32 s5, $0x1;
	s5 =	sadd.s32 s21, s3  }
0x9d: {  	[timem:s7], [sflag:s22] =	dma.local [hbm:s5], s20  }
0x9e: {  	_ =	swait.ge [sflag:s22], s20  }
0x9f: {  	s4 =	ssub.s32 $0x0, s20;
	[sflag:s22] =	ssyncset.done $0x0  }
0xa0: {  	[sflag:s22] =	ssyncadd.s32 s4;
	_ =	sdelay $0x1  }
0xa1: {  	s23 =	simm.s32 $0x1B8B  }
0xa2: {  	_ =	swait.ge [sflag:s23], $0x1  }
0xa3: {  	[sflag:s23] =	ssyncset.done $0x0  }
0xa4: {  	s25 =	simm.s32 $0x1B8E;
	s24 =	sld [smem:$0x3FFE];
	[sflag:s23] =	ssyncadd.s32 $0xFFFFFFFF  }
0xa5: {  	s26 =	simm.s32 $execute0_lowered;
	[smem:$0x3FD2] =	sst s25  }
0xa6: {  	s5 =	sshll.u32 s26, $0x1;
	_ =	strace $0x80000046;
	[dreg:$0x1] =	wrdreg $0xFFFFFFFF  }
0xa7: {  	s28 =	simm.s32 $_size_execute0_lowered;
	s3 =	sadd.s32 s3, s5;
	[dreg:$0x0] =	wrdreg $0x0  }
0xa8: {  	s5 =	sshll.u32 s28, $0x1;
	[dreg:$0x2] =	wrdreg s3  }
0xa9: {  	[dreg:$0x3] =	wrdreg s5  }
0xaa: {  	[dreg:$0x4] =	wrdreg $0xC0  }
0xab: {  	_ =	task [dreg:s7], $0x5FFFF  }
0xac: {  	[dreg:$0x1] =	wrdreg $0xFFFFFFFF  }
0xad: {  	[dreg:$0x0] =	wrdreg $0x60  }
0xae: {  	[dreg:$0x2] =	wrdreg s24  }
0xaf: {  	[dreg:$0x3] =	wrdreg s2  }
0xb0: {  	[dreg:$0x4] =	wrdreg $0x9  }
0xb1: {  	_ =	task.clear_ibuf [dreg:s7], $0x5FFFF;
	_ =	strace $0x90000046  }
0xb2: {  	s29 =	simm.s32 $0x9;
	_ =	strace $0x80000048  }
0xb3: {  	_ =	swait.ge [sflag:s29], $0x1  }
0xb4: {  	[sflag:s29] =	ssyncadd.s32 $0xFFFFFFFF  }
0xb5: {  	_ =	strace $0x90000048  }
0xb6: {  	_ =	sfence  }
0xb7: {  	s30 =	sld [smem:$0x0];
	_ =	sdelay $0x2  }
0xb8: {  	s31 =	sshll.u32 s1, $0xD;
	s1 =	sshrl.u32 s1, $0x2  }
0xb9: {  	s3 =	sand.u32 $0x4000, s31;
	s1 =	sadd.s32 s1, s30  }
0xba: {  	s0 =	sor.u32 s3, s0;
	s1 =	sshll.u32 s1, $0x11  }
0xbb: {  	s0 =	sor.u32 s1, s0  }
0xbc: {  	s0 =	sadd.s32 $0x8F2B, s0  }
0xbd: {  	[sflag:s0] =	ssyncadd.remote.s32 $0x1  }
0xbe: {  	_ =	sfence.sel $0xFFFF  }
0xbf: {  	[dreg:$0x0] =	wrdreg $0xFFFFFFFF;
	(pc) =	sbr.abs _section_cstart, $3  }
0xc0: {  	[dreg:$0x1] =	wrdreg $0xFFFFFFFF  }
0xc1: {  	_ =	task.clear_ibuf [dreg:s7], $0x2FFFF;
	_ =	strace $0x9FFFFFFF  }
0xc2: {  	(tm) =	ssettm $0x7FFFFFFF  }
0xc3: {  	_ =	shalt  }
tec
execute0_lowered:
.L_overlay_start_1:
0x0: {  	(tag) =	ssettag $0x1  }
0x1: {  	v0 =	vlaneseq.u32  }
0x2: {  	v0 =	vmul.u32 $0x10, v0;
	_ =	sdelay $0x1  }
0x3: {  	v1 =	vimm.f32 $0.0e+00;
	v2 =	vimm.f32 $1.000000000e+00;
	v3 =	vor.u32 $0x1, v0  }
0x4: {  	v4 =	vor.u32 $0x2, v0;
	v5 =	vor.u32 $0x3, v0;
	v6 =	vor.u32 $0x4, v0  }
0x5: {  	v7 =	vor.u32 $0x5, v0;
	v8 =	vor.u32 $0x6, v0;
	v9 =	vor.u32 $0x100, v0  }
0x6: {  	v10 =	vor.u32 $0x101, v0;
	v11 =	vor.u32 $0x102, v0;
	v12 =	vor.u32 $0x103, v0  }
0x7: {  	v13 =	vor.u32 $0x104, v0;
	v14 =	vor.u32 $0x105, v0;
	v15 =	vor.u32 $0x106, v0  }
0x8: {  	v16 =	vor.u32 $0x200, v0;
	v17 =	vor.u32 $0x201, v0;
	v18 =	vor.u32 $0x202, v0  }
0x9: {  	v19 =	vor.u32 $0x203, v0;
	v20 =	vor.u32 $0x204, v0;
	v21 =	vor.u32 $0x205, v0  }
0xa: {  	s6 =	rddreg [dreg:$0x0];
	v22 =	vor.u32 $0x206, v0;
	v23 =	vor.u32 $0x300, v0;
	v24 =	vor.u32 $0x301, v0  }
0xb: {  	s7 =	rddreg [dreg:$0x1];
	v25 =	vor.u32 $0x302, v0;
	v26 =	vor.u32 $0x303, v0;
	v27 =	vor.u32 $0x304, v0  }
0xc: {  	s0 =	rddreg [dreg:$0x2];
	s2 =	simm.s32 $0x0;
	s3 =	srdreg.scid;
	v28 =	vor.u32 $0x305, v0;
	v29 =	vor.u32 $0x306, v0;
	v30 =	vor.u32 $0x400, v0  }
0xd: {  	s1 =	stileid.u32;
	s13 =	simm.s32 $0x1D580;
	s14 =	simm.s32 $0x1D600;
	v31 =	vor.u32 $0x401, v0;
	v32 =	vor.u32 $0x402, v0;
	v33 =	vor.u32 $0x403, v0  }
0xe: {  	s15 =	simm.s32 $0x0;
	[smem:$0x7FF] =	sst s2;
	s5 =	smul.u32 $0x4F00, s1;
	v34 =	vor.u32 $0x404, v0;
	v35 =	vor.u32 $0x405, v0;
	v36 =	vor.u32 $0x406, v0  }
0xf: {  	s8 =	sand.u32 $0x1, s3;
	s3 =	sadd.s32 $0x3EC00, s6;
	s11 =	smul.u32 $0x9E00, s1;
	v37 =	vor.u32 $0x500, v0;
	v38 =	vor.u32 $0x501, v0;
	v39 =	vor.u32 $0x502, v0  }
0x10: {  	s4 =	sadd.s32 $0x3CE00, s6;
	s9 =	smul.u32 $0x2780, s8;
	s10 =	ssub.s32 $0x2, s8;
	v40 =	vor.u32 $0x503, v0;
	v41 =	vor.u32 $0x504, v0;
	v42 =	vor.u32 $0x505, v0  }
0x11: {  	_ =	strace $0x80000047;
	s8 =	smul.u32 $0x4F00, s8;
	s30 =	sshrl.u32 s10, $0x1;
	v43 =	vor.u32 $0x506, v0;
	v44 =	vor.u32 $0x600, v0;
	v45 =	vor.u32 $0x601, v0  }
0x12: {  	s7 =	sadd.s32 s11, s7;
	v46 =	vor.u32 $0x602, v0;
	v47 =	vor.u32 $0x603, v0;
	v48 =	vor.u32 $0x604, v0;
	s11 =	simm.s32 $0xEA80;
	s5 =	sadd.s32 s9, s5  }
0x13: {  	v49 =	vor.u32 $0x605, v0;
	v50 =	vor.u32 $0x606, v0;
	v51 =	vor.u32 $0x700, v0;
	s9 =	ssub.s32 s10, s30;
	s7 =	sadd.s32 s8, s7;
	s12 =	sshrl.u32 s5, $0x3  }
0x14: {  	v52 =	vor.u32 $0x701, v0;
	v53 =	vor.u32 $0x702, v0;
	v54 =	vor.u32 $0x703, v0;
	s10 =	simm.s32 $0x1;
	s31 =	sadd.s32 s12, s6;
	s6 =	smax.u32 s9, $0x1  }
0x15: {  	v55 =	vor.u32 $0x704, v0;
	v56 =	vor.u32 $0x705, v0;
	v57 =	vor.u32 $0x706, v0;
	s12 =	simm.s32 $0x1D500;
	s8 =	sadd.s32 $0x2000, s31;
	s9 =	sadd.s32 $0xBE00, s31  }
.LBB2_1:
0x16: {  	[tilespmem:s2], [sflag:$0x1] =	stream.linear.gather [hbm4b:s3+s2], $0xEA80, $0x38;
	[tilespmem:$0x1DE00] =	vst v63  }
0x17: {  	_ =	swait.ge [sflag:s10], $0xEA80  }
0x18: {  	[sflag:s10] =	ssyncset.done $0x0  }
0x19: {  	[sflag:s10] =	ssyncadd.s32 $0xFFFF1580  }
0x1a: {  	[tilespmem:s11], [sflag:$0x1] =	stream.linear.gather [hbm4b:s4+s2], $0xEA80, $0x38;
	[tilespmem:$0x1DE00] =	vst v63  }
0x1b: {  	_ =	swait.ge [sflag:s10], $0xEA80  }
0x1c: {  	[sflag:s10] =	ssyncset.done $0x0  }
0x1d: {  	s16 =	simm.s32 $0x0;
	[sflag:s10] =	ssyncadd.s32 $0xFFFF1580  }
.LBB2_2:
0x1e: {  	p0 =	sne.s32 s16, $0x1FC0  }
.Ltmp0:
0x1f: {  	_ = 	snop;
	(pc) =	sbr.rel @p0 .LBB2_2-.Ltmp0, $3  }
0x20: {  	_ =	sdelay $0x1  }
0x21: {  	s17 =	sshra.s32 s16, $0x2  }
0x22: {  	s16 =	sadd.s32 $0x40, s16;
	[tilespmem:s17+$0x1D600] =	vst v1  }
0x23: {  	s16 =	simm.s32 $0x0  }
0x24: {  	s17 =	smov.u32 s9;
	s18 =	smov.u32 s8;
	s19 =	smov.u32 s7  }
.LBB2_4:
0x25: {  	[tilespmem:s12], [sflag:$0x1] =	stream.linear.gather [hbm4b:s17+s2], $0x80, $0x38;
	[tilespmem:$0x1DE00] =	vst v63  }
0x26: {  	_ =	swait.ge [sflag:s10], $0x80  }
0x27: {  	[sflag:s10] =	ssyncset.done $0x0  }
0x28: {  	[sflag:s10] =	ssyncadd.s32 $0xFFFFFF80  }
0x29: {  	[tilespmem:s13], [sflag:$0x1] =	stream.linear.gather [hbm4b:s18+s2], $0x80, $0x38;
	[tilespmem:$0x1DE00] =	vst v63  }
0x2a: {  	_ =	swait.ge [sflag:s10], $0x80  }
0x2b: {  	[sflag:s10] =	ssyncset.done $0x0  }
0x2c: {  	[sflag:s10] =	ssyncadd.s32 $0xFFFFFF80  }
0x2d: {  	v58 =	vld [tilespmem:$0x1D500]  }
0x2e: {  	v59 =	vld [tilespmem:$0x1D580];
	_ =	sdelay $0x3  }
0x2f: {  	v58 =	vmul.u32 $0x6, v58  }
0x30: {  	v59 =	vmul.u32 $0x6, v59;
	_ =	sdelay $0x4  }
0x31: {  	v60 =	vld.idx.msk [tilespmem:v58+s2+$0x0], $0xffff  }
0x32: {  	v61 =	vld.idx.msk [tilespmem:v59+s11+$0x0], $0xffff;
	_ =	sdelay $0x4  }
0x33: {  	v60 =	vadd.f32 v61, v60;
	_ =	sdelay $0x1  }
0x34: {  	v60 =	vsub.f32 $0.0e+00, v60;
	_ =	sdelay $0x1  }
0x35: {  	v60 =	vmul.f32 $1.442695020e+00, v60;
	_ =	sdelay $0x1  }
0x36: {  	(erf) = vpow2.f32 v60;
	_ =	sdelay $0x8  }
0x37: {  	v60 =	vpop (erf)  }
0x38: {  	v60 =	vadd.f32 $1.000000000e+00, v60;
	_ =	sdelay $0x1  }
0x39: {  	(erf) = vrcp.f32 v60;
	_ =	sdelay $0x6  }
0x3a: {  	s20 =	sadd.s32 s16, s5  }
0x3b: {  	p0 =	slt.u32 s20, $0x4E200;
	v60 =	vor.u32 $0x1, v58  }
0x3c: {  	v63 =	vor.u32 $0x1, v59;
	v61 =	vpsel !p0, $0x0, v2;
	v62 =	vpop (erf)  }
0x3d: {  	v62 =	vmul.f32 v62, v61;
	_ =	sdelay $0x1  }
0x3e: {  	[tilespmem:v0+s14+$0x0] =	vst.idx.msk $0xffff, v62  }
0x3f: {  	v60 =	vld.idx.msk [tilespmem:v60+s2+$0x0], $0xffff  }
0x40: {  	v62 =	vld.idx.msk [tilespmem:v63+s11+$0x0], $0xffff;
	_ =	sdelay $0x4  }
0x41: {  	v60 =	vadd.f32 v62, v60;
	_ =	sdelay $0x1  }
0x42: {  	v60 =	vsub.f32 $0.0e+00, v60;
	_ =	sdelay $0x1  }
0x43: {  	v60 =	vmul.f32 $1.442695020e+00, v60;
	_ =	sdelay $0x1  }
0x44: {  	(erf) = vpow2.f32 v60;
	_ =	sdelay $0x8  }
0x45: {  	v60 =	vpop (erf)  }
0x46: {  	v60 =	vadd.f32 $1.000000000e+00, v60;
	_ =	sdelay $0x1  }
0x47: {  	(erf) = vrcp.f32 v60;
	_ =	sdelay $0x7  }
0x48: {  	v60 =	vadd.s32 $0x2, v58  }
0x49: {  	v63 =	vadd.s32 $0x2, v59;
	v62 =	vpop (erf)  }
0x4a: {  	v62 =	vmul.f32 v62, v61;
	_ =	sdelay $0x1  }
0x4b: {  	[tilespmem:v3+s14+$0x0] =	vst.idx.msk $0xffff, v62  }
0x4c: {  	v60 =	vld.idx.msk [tilespmem:v60+s2+$0x0], $0xffff  }
0x4d: {  	v62 =	vld.idx.msk [tilespmem:v63+s11+$0x0], $0xffff;
	_ =	sdelay $0x4  }
0x4e: {  	v60 =	vadd.f32 v62, v60;
	_ =	sdelay $0x1  }
0x4f: {  	v60 =	vsub.f32 $0.0e+00, v60;
	_ =	sdelay $0x1  }
0x50: {  	v60 =	vmul.f32 $1.442695020e+00, v60;
	_ =	sdelay $0x1  }
0x51: {  	(erf) = vpow2.f32 v60;
	_ =	sdelay $0x8  }
0x52: {  	v60 =	vpop (erf)  }
0x53: {  	v60 =	vadd.f32 $1.000000000e+00, v60;
	_ =	sdelay $0x1  }
0x54: {  	(erf) = vrcp.f32 v60;
	_ =	sdelay $0x7  }
0x55: {  	v60 =	vadd.s32 $0x3, v58  }
0x56: {  	v63 =	vadd.s32 $0x3, v59;
	v62 =	vpop (erf)  }
0x57: {  	v62 =	vmul.f32 v62, v61;
	_ =	sdelay $0x1  }
0x58: {  	[tilespmem:v4+s14+$0x0] =	vst.idx.msk $0xffff, v62  }
0x59: {  	v60 =	vld.idx.msk [tilespmem:v60+s2+$0x0], $0xffff  }
0x5a: {  	v62 =	vld.idx.msk [tilespmem:v63+s11+$0x0], $0xffff;
	_ =	sdelay $0x4  }
0x5b: {  	v60 =	vadd.f32 v62, v60;
	_ =	sdelay $0x1  }
0x5c: {  	v60 =	vsub.f32 $0.0e+00, v60;
	_ =	sdelay $0x1  }
0x5d: {  	v60 =	vmul.f32 $1.442695020e+00, v60;
	_ =	sdelay $0x1  }
0x5e: {  	(erf) = vpow2.f32 v60;
	_ =	sdelay $0x8  }
0x5f: {  	v60 =	vpop (erf)  }
0x60: {  	v60 =	vadd.f32 $1.000000000e+00, v60;
	_ =	sdelay $0x1  }
0x61: {  	(erf) = vrcp.f32 v60;
	_ =	sdelay $0x7  }
0x62: {  	v60 =	vadd.s32 $0x4, v58  }
0x63: {  	v63 =	vadd.s32 $0x4, v59;
	v62 =	vpop (erf)  }
0x64: {  	v62 =	vmul.f32 v62, v61;
	_ =	sdelay $0x1  }
0x65: {  	[tilespmem:v5+s14+$0x0] =	vst.idx.msk $0xffff, v62  }
0x66: {  	v60 =	vld.idx.msk [tilespmem:v60+s2+$0x0], $0xffff  }
0x67: {  	v62 =	vld.idx.msk [tilespmem:v63+s11+$0x0], $0xffff;
	_ =	sdelay $0x4  }
0x68: {  	v60 =	vadd.f32 v62, v60;
	_ =	sdelay $0x1  }
0x69: {  	v60 =	vsub.f32 $0.0e+00, v60;
	_ =	sdelay $0x1  }
0x6a: {  	v60 =	vmul.f32 $1.442695020e+00, v60;
	_ =	sdelay $0x1  }
0x6b: {  	(erf) = vpow2.f32 v60;
	_ =	sdelay $0x8  }
0x6c: {  	v60 =	vpop (erf)  }
0x6d: {  	v60 =	vadd.f32 $1.000000000e+00, v60;
	_ =	sdelay $0x1  }
0x6e: {  	(erf) = vrcp.f32 v60;
	_ =	sdelay $0x7  }
0x6f: {  	v58 =	vadd.s32 $0x5, v58  }
0x70: {  	v59 =	vadd.s32 $0x5, v59;
	v60 =	vpop (erf)  }
0x71: {  	v60 =	vmul.f32 v60, v61;
	_ =	sdelay $0x1  }
0x72: {  	[tilespmem:v6+s14+$0x0] =	vst.idx.msk $0xffff, v60  }
0x73: {  	v58 =	vld.idx.msk [tilespmem:v58+s2+$0x0], $0xffff  }
0x74: {  	v59 =	vld.idx.msk [tilespmem:v59+s11+$0x0], $0xffff;
	_ =	sdelay $0x4  }
0x75: {  	v58 =	vadd.f32 v59, v58;
	_ =	sdelay $0x1  }
0x76: {  	v58 =	vsub.f32 $0.0e+00, v58;
	_ =	sdelay $0x1  }
0x77: {  	v58 =	vmul.f32 $1.442695020e+00, v58;
	_ =	sdelay $0x1  }
0x78: {  	(erf) = vpow2.f32 v58;
	_ =	sdelay $0x8  }
0x79: {  	v58 =	vpop (erf)  }
0x7a: {  	v58 =	vadd.f32 $1.000000000e+00, v58;
	_ =	sdelay $0x1  }
0x7b: {  	(erf) = vrcp.f32 v58;
	_ =	sdelay $0x8  }
0x7c: {  	v58 =	vpop (erf)  }
0x7d: {  	v58 =	vmul.f32 v58, v61;
	_ =	sdelay $0x1  }
0x7e: {  	[tilespmem:v7+s14+$0x0] =	vst.idx.msk $0xffff, v58  }
0x7f: {  	[tilespmem:v8+s14+$0x0] =	vst.idx.msk $0xffff, v61  }
0x80: {  	v58 =	vld [tilespmem:$0x1D510]  }
0x81: {  	v61 =	vld [tilespmem:$0x1D590];
	_ =	sdelay $0x3  }
0x82: {  	v58 =	vmul.u32 $0x6, v58  }
0x83: {  	v59 =	vmul.u32 $0x6, v61;
	_ =	sdelay $0x4  }
0x84: {  	v60 =	vld.idx.msk [tilespmem:v58+s2+$0x0], $0xffff  }
0x85: {  	v61 =	vld.idx.msk [tilespmem:v59+s11+$0x0], $0xffff;
	_ =	sdelay $0x4  }
0x86: {  	v60 =	vadd.f32 v61, v60;
	_ =	sdelay $0x1  }
0x87: {  	v60 =	vsub.f32 $0.0e+00, v60;
	_ =	sdelay $0x1  }
0x88: {  	v60 =	vmul.f32 $1.442695020e+00, v60;
	_ =	sdelay $0x1  }
0x89: {  	(erf) = vpow2.f32 v60;
	_ =	sdelay $0x8  }
0x8a: {  	v60 =	vpop (erf)  }
0x8b: {  	v60 =	vadd.f32 $1.000000000e+00, v60;
	_ =	sdelay $0x1  }
0x8c: {  	(erf) = vrcp.f32 v60;
	_ =	sdelay $0x6  }
0x8d: {  	s21 =	sadd.s32 $0x10, s20  }
0x8e: {  	p6 =	slt.u32 s21, $0x4E200;
	v60 =	vor.u32 $0x1, v58  }
0x8f: {  	v63 =	vor.u32 $0x1, v59;
	v61 =	vpsel !p6, $0x0, v2;
	v62 =	vpop (erf)  }
0x90: {  	v62 =	vmul.f32 v62, v61;
	_ =	sdelay $0x1  }
0x91: {  	[tilespmem:v9+s14+$0x0] =	vst.idx.msk $0xffff, v62  }
0x92: {  	v60 =	vld.idx.msk [tilespmem:v60+s2+$0x0], $0xffff  }
0x93: {  	v62 =	vld.idx.msk [tilespmem:v63+s11+$0x0], $0xffff;
	_ =	sdelay $0x4  }
0x94: {  	v60 =	vadd.f32 v62, v60;
	_ =	sdelay $0x1  }
0x95: {  	v60 =	vsub.f32 $0.0e+00, v60;
	_ =	sdelay $0x1  }
0x96: {  	v60 =	vmul.f32 $1.442695020e+00, v60;
	_ =	sdelay $0x1  }
0x97: {  	(erf) = vpow2.f32 v60;
	_ =	sdelay $0x8  }
0x98: {  	v60 =	vpop (erf)  }
0x99: {  	v60 =	vadd.f32 $1.000000000e+00, v60;
	_ =	sdelay $0x1  }
0x9a: {  	(erf) = vrcp.f32 v60;
	_ =	sdelay $0x7  }
0x9b: {  	v60 =	vadd.s32 $0x2, v58  }
0x9c: {  	v63 =	vadd.s32 $0x2, v59;
	v62 =	vpop (erf)  }
0x9d: {  	v62 =	vmul.f32 v62, v61;
	_ =	sdelay $0x1  }
0x9e: {  	[tilespmem:v10+s14+$0x0] =	vst.idx.msk $0xffff, v62  }
0x9f: {  	v60 =	vld.idx.msk [tilespmem:v60+s2+$0x0], $0xffff  }
0xa0: {  	v62 =	vld.idx.msk [tilespmem:v63+s11+$0x0], $0xffff;
	_ =	sdelay $0x4  }
0xa1: {  	v60 =	vadd.f32 v62, v60;
	_ =	sdelay $0x1  }
0xa2: {  	v60 =	vsub.f32 $0.0e+00, v60;
	_ =	sdelay $0x1  }
0xa3: {  	v60 =	vmul.f32 $1.442695020e+00, v60;
	_ =	sdelay $0x1  }
0xa4: {  	(erf) = vpow2.f32 v60;
	_ =	sdelay $0x8  }
0xa5: {  	v60 =	vpop (erf)  }
0xa6: {  	v60 =	vadd.f32 $1.000000000e+00, v60;
	_ =	sdelay $0x1  }
0xa7: {  	(erf) = vrcp.f32 v60;
	_ =	sdelay $0x7  }
0xa8: {  	v60 =	vadd.s32 $0x3, v58  }
0xa9: {  	v63 =	vadd.s32 $0x3, v59;
	v62 =	vpop (erf)  }
0xaa: {  	v62 =	vmul.f32 v62, v61;
	_ =	sdelay $0x1  }
0xab: {  	[tilespmem:v11+s14+$0x0] =	vst.idx.msk $0xffff, v62  }
0xac: {  	v60 =	vld.idx.msk [tilespmem:v60+s2+$0x0], $0xffff  }
0xad: {  	v62 =	vld.idx.msk [tilespmem:v63+s11+$0x0], $0xffff;
	_ =	sdelay $0x4  }
0xae: {  	v60 =	vadd.f32 v62, v60;
	_ =	sdelay $0x1  }
0xaf: {  	v60 =	vsub.f32 $0.0e+00, v60;
	_ =	sdelay $0x1  }
0xb0: {  	v60 =	vmul.f32 $1.442695020e+00, v60;
	_ =	sdelay $0x1  }
0xb1: {  	(erf) = vpow2.f32 v60;
	_ =	sdelay $0x8  }
0xb2: {  	v60 =	vpop (erf)  }
0xb3: {  	v60 =	vadd.f32 $1.000000000e+00, v60;
	_ =	sdelay $0x1  }
0xb4: {  	(erf) = vrcp.f32 v60;
	_ =	sdelay $0x7  }
0xb5: {  	v60 =	vadd.s32 $0x4, v58  }
0xb6: {  	v63 =	vadd.s32 $0x4, v59;
	v62 =	vpop (erf)  }
0xb7: {  	v62 =	vmul.f32 v62, v61;
	_ =	sdelay $0x1  }
0xb8: {  	[tilespmem:v12+s14+$0x0] =	vst.idx.msk $0xffff, v62  }
0xb9: {  	v60 =	vld.idx.msk [tilespmem:v60+s2+$0x0], $0xffff  }
0xba: {  	v62 =	vld.idx.msk [tilespmem:v63+s11+$0x0], $0xffff;
	_ =	sdelay $0x4  }
0xbb: {  	v60 =	vadd.f32 v62, v60;
	_ =	sdelay $0x1  }
0xbc: {  	v60 =	vsub.f32 $0.0e+00, v60;
	_ =	sdelay $0x1  }
0xbd: {  	v60 =	vmul.f32 $1.442695020e+00, v60;
	_ =	sdelay $0x1  }
0xbe: {  	(erf) = vpow2.f32 v60;
	_ =	sdelay $0x8  }
0xbf: {  	v60 =	vpop (erf)  }
0xc0: {  	v60 =	vadd.f32 $1.000000000e+00, v60;
	_ =	sdelay $0x1  }
0xc1: {  	(erf) = vrcp.f32 v60;
	_ =	sdelay $0x7  }
0xc2: {  	v58 =	vadd.s32 $0x5, v58  }
0xc3: {  	v59 =	vadd.s32 $0x5, v59;
	v60 =	vpop (erf)  }
0xc4: {  	v60 =	vmul.f32 v60, v61;
	_ =	sdelay $0x1  }
0xc5: {  	[tilespmem:v13+s14+$0x0] =	vst.idx.msk $0xffff, v60  }
0xc6: {  	v58 =	vld.idx.msk [tilespmem:v58+s2+$0x0], $0xffff  }
0xc7: {  	v59 =	vld.idx.msk [tilespmem:v59+s11+$0x0], $0xffff;
	_ =	sdelay $0x4  }
0xc8: {  	v58 =	vadd.f32 v59, v58;
	_ =	sdelay $0x1  }
0xc9: {  	v58 =	vsub.f32 $0.0e+00, v58;
	_ =	sdelay $0x1  }
0xca: {  	v58 =	vmul.f32 $1.442695020e+00, v58;
	_ =	sdelay $0x1  }
0xcb: {  	(erf) = vpow2.f32 v58;
	_ =	sdelay $0x8  }
0xcc: {  	v58 =	vpop (erf)  }
0xcd: {  	v58 =	vadd.f32 $1.000000000e+00, v58;
	_ =	sdelay $0x1  }
0xce: {  	(erf) = vrcp.f32 v58;
	_ =	sdelay $0x8  }
0xcf: {  	v58 =	vpop (erf)  }
0xd0: {  	v58 =	vmul.f32 v58, v61;
	_ =	sdelay $0x1  }
0xd1: {  	[tilespmem:v14+s14+$0x0] =	vst.idx.msk $0xffff, v58  }
0xd2: {  	[tilespmem:v15+s14+$0x0] =	vst.idx.msk $0xffff, v61  }
0xd3: {  	v58 =	vld [tilespmem:$0x1D520]  }
0xd4: {  	v62 =	vld [tilespmem:$0x1D5A0];
	_ =	sdelay $0x3  }
0xd5: {  	v58 =	vmul.u32 $0x6, v58  }
0xd6: {  	v59 =	vmul.u32 $0x6, v62;
	_ =	sdelay $0x4  }
0xd7: {  	v60 =	vld.idx.msk [tilespmem:v58+s2+$0x0], $0xffff  }
0xd8: {  	v61 =	vld.idx.msk [tilespmem:v59+s11+$0x0], $0xffff;
	_ =	sdelay $0x4  }
0xd9: {  	v60 =	vadd.f32 v61, v60;
	_ =	sdelay $0x1  }
0xda: {  	v60 =	vsub.f32 $0.0e+00, v60;
	_ =	sdelay $0x1  }
0xdb: {  	v60 =	vmul.f32 $1.442695020e+00, v60;
	_ =	sdelay $0x1  }
0xdc: {  	(erf) = vpow2.f32 v60;
	_ =	sdelay $0x8  }
0xdd: {  	v60 =	vpop (erf)  }
0xde: {  	v60 =	vadd.f32 $1.000000000e+00, v60;
	_ =	sdelay $0x1  }
0xdf: {  	(erf) = vrcp.f32 v60;
	_ =	sdelay $0x6  }
0xe0: {  	s26 =	sadd.s32 $0x20, s20  }
0xe1: {  	p1 =	slt.u32 s26, $0x4E200;
	v60 =	vor.u32 $0x1, v58  }
0xe2: {  	v63 =	vor.u32 $0x1, v59;
	v61 =	vpsel !p1, $0x0, v2;
	v62 =	vpop (erf)  }
0xe3: {  	v62 =	vmul.f32 v62, v61;
	_ =	sdelay $0x1  }
0xe4: {  	[tilespmem:v16+s14+$0x0] =	vst.idx.msk $0xffff, v62  }
0xe5: {  	v60 =	vld.idx.msk [tilespmem:v60+s2+$0x0], $0xffff  }
0xe6: {  	v62 =	vld.idx.msk [tilespmem:v63+s11+$0x0], $0xffff;
	_ =	sdelay $0x4  }
0xe7: {  	v60 =	vadd.f32 v62, v60;
	_ =	sdelay $0x1  }
0xe8: {  	v60 =	vsub.f32 $0.0e+00, v60;
	_ =	sdelay $0x1  }
0xe9: {  	v60 =	vmul.f32 $1.442695020e+00, v60;
	_ =	sdelay $0x1  }
0xea: {  	(erf) = vpow2.f32 v60;
	_ =	sdelay $0x8  }
0xeb: {  	v60 =	vpop (erf)  }
0xec: {  	v60 =	vadd.f32 $1.000000000e+00, v60;
	_ =	sdelay $0x1  }
0xed: {  	(erf) = vrcp.f32 v60;
	_ =	sdelay $0x7  }
0xee: {  	v60 =	vadd.s32 $0x2, v58  }
0xef: {  	v63 =	vadd.s32 $0x2, v59;
	v62 =	vpop (erf)  }
0xf0: {  	v62 =	vmul.f32 v62, v61;
	_ =	sdelay $0x1  }
0xf1: {  	[tilespmem:v17+s14+$0x0] =	vst.idx.msk $0xffff, v62  }
0xf2: {  	v60 =	vld.idx.msk [tilespmem:v60+s2+$0x0], $0xffff  }
0xf3: {  	v62 =	vld.idx.msk [tilespmem:v63+s11+$0x0], $0xffff;
	_ =	sdelay $0x4  }
0xf4: {  	v60 =	vadd.f32 v62, v60;
	_ =	sdelay $0x1  }
0xf5: {  	v60 =	vsub.f32 $0.0e+00, v60;
	_ =	sdelay $0x1  }
0xf6: {  	v60 =	vmul.f32 $1.442695020e+00, v60;
	_ =	sdelay $0x1  }
0xf7: {  	(erf) = vpow2.f32 v60;
	_ =	sdelay $0x8  }
0xf8: {  	v60 =	vpop (erf)  }
0xf9: {  	v60 =	vadd.f32 $1.000000000e+00, v60;
	_ =	sdelay $0x1  }
0xfa: {  	(erf) = vrcp.f32 v60;
	_ =	sdelay $0x7  }
0xfb: {  	v60 =	vadd.s32 $0x3, v58  }
0xfc: {  	v63 =	vadd.s32 $0x3, v59;
	v62 =	vpop (erf)  }
0xfd: {  	v62 =	vmul.f32 v62, v61;
	_ =	sdelay $0x1  }
0xfe: {  	[tilespmem:v18+s14+$0x0] =	vst.idx.msk $0xffff, v62  }
0xff: {  	v60 =	vld.idx.msk [tilespmem:v60+s2+$0x0], $0xffff  }
0x100: {  	v62 =	vld.idx.msk [tilespmem:v63+s11+$0x0], $0xffff;
	_ =	sdelay $0x4  }
0x101: {  	v60 =	vadd.f32 v62, v60;
	_ =	sdelay $0x1  }
0x102: {  	v60 =	vsub.f32 $0.0e+00, v60;
	_ =	sdelay $0x1  }
0x103: {  	v60 =	vmul.f32 $1.442695020e+00, v60;
	_ =	sdelay $0x1  }
0x104: {  	(erf) = vpow2.f32 v60;
	_ =	sdelay $0x8  }
0x105: {  	v60 =	vpop (erf)  }
0x106: {  	v60 =	vadd.f32 $1.000000000e+00, v60;
	_ =	sdelay $0x1  }
0x107: {  	(erf) = vrcp.f32 v60;
	_ =	sdelay $0x7  }
0x108: {  	v60 =	vadd.s32 $0x4, v58  }
0x109: {  	v63 =	vadd.s32 $0x4, v59;
	v62 =	vpop (erf)  }
0x10a: {  	v62 =	vmul.f32 v62, v61;
	_ =	sdelay $0x1  }
0x10b: {  	[tilespmem:v19+s14+$0x0] =	vst.idx.msk $0xffff, v62  }
0x10c: {  	v60 =	vld.idx.msk [tilespmem:v60+s2+$0x0], $0xffff  }
0x10d: {  	v62 =	vld.idx.msk [tilespmem:v63+s11+$0x0], $0xffff;
	_ =	sdelay $0x4  }
0x10e: {  	v60 =	vadd.f32 v62, v60;
	_ =	sdelay $0x1  }
0x10f: {  	v60 =	vsub.f32 $0.0e+00, v60;
	_ =	sdelay $0x1  }
0x110: {  	v60 =	vmul.f32 $1.442695020e+00, v60;
	_ =	sdelay $0x1  }
0x111: {  	(erf) = vpow2.f32 v60;
	_ =	sdelay $0x8  }
0x112: {  	v60 =	vpop (erf)  }
0x113: {  	v60 =	vadd.f32 $1.000000000e+00, v60;
	_ =	sdelay $0x1  }
0x114: {  	(erf) = vrcp.f32 v60;
	_ =	sdelay $0x7  }
0x115: {  	v58 =	vadd.s32 $0x5, v58  }
0x116: {  	v59 =	vadd.s32 $0x5, v59;
	v60 =	vpop (erf)  }
0x117: {  	v60 =	vmul.f32 v60, v61;
	_ =	sdelay $0x1  }
0x118: {  	[tilespmem:v20+s14+$0x0] =	vst.idx.msk $0xffff, v60  }
0x119: {  	v58 =	vld.idx.msk [tilespmem:v58+s2+$0x0], $0xffff  }
0x11a: {  	v59 =	vld.idx.msk [tilespmem:v59+s11+$0x0], $0xffff;
	_ =	sdelay $0x4  }
0x11b: {  	v58 =	vadd.f32 v59, v58;
	_ =	sdelay $0x1  }
0x11c: {  	v58 =	vsub.f32 $0.0e+00, v58;
	_ =	sdelay $0x1  }
0x11d: {  	v58 =	vmul.f32 $1.442695020e+00, v58;
	_ =	sdelay $0x1  }
0x11e: {  	(erf) = vpow2.f32 v58;
	_ =	sdelay $0x8  }
0x11f: {  	v58 =	vpop (erf)  }
0x120: {  	v58 =	vadd.f32 $1.000000000e+00, v58;
	_ =	sdelay $0x1  }
0x121: {  	(erf) = vrcp.f32 v58;
	_ =	sdelay $0x8  }
0x122: {  	v58 =	vpop (erf)  }
0x123: {  	v58 =	vmul.f32 v58, v61;
	_ =	sdelay $0x1  }
0x124: {  	[tilespmem:v21+s14+$0x0] =	vst.idx.msk $0xffff, v58  }
0x125: {  	[tilespmem:v22+s14+$0x0] =	vst.idx.msk $0xffff, v61  }
0x126: {  	v58 =	vld [tilespmem:$0x1D530]  }
0x127: {  	v63 =	vld [tilespmem:$0x1D5B0];
	_ =	sdelay $0x3  }
0x128: {  	v58 =	vmul.u32 $0x6, v58  }
0x129: {  	v59 =	vmul.u32 $0x6, v63;
	_ =	sdelay $0x4  }
0x12a: {  	v60 =	vld.idx.msk [tilespmem:v58+s2+$0x0], $0xffff  }
0x12b: {  	v61 =	vld.idx.msk [tilespmem:v59+s11+$0x0], $0xffff;
	_ =	sdelay $0x4  }
0x12c: {  	v60 =	vadd.f32 v61, v60;
	_ =	sdelay $0x1  }
0x12d: {  	v60 =	vsub.f32 $0.0e+00, v60;
	_ =	sdelay $0x1  }
0x12e: {  	v60 =	vmul.f32 $1.442695020e+00, v60;
	_ =	sdelay $0x1  }
0x12f: {  	(erf) = vpow2.f32 v60;
	_ =	sdelay $0x8  }
0x130: {  	v60 =	vpop (erf)  }
0x131: {  	v60 =	vadd.f32 $1.000000000e+00, v60;
	_ =	sdelay $0x1  }
0x132: {  	(erf) = vrcp.f32 v60;
	_ =	sdelay $0x6  }
0x133: {  	s28 =	sadd.s32 $0x30, s20  }
0x134: {  	p2 =	slt.u32 s28, $0x4E200;
	v60 =	vor.u32 $0x1, v58  }
0x135: {  	v63 =	vor.u32 $0x1, v59;
	v61 =	vpsel !p2, $0x0, v2;
	v62 =	vpop (erf)  }
0x136: {  	v62 =	vmul.f32 v62, v61;
	_ =	sdelay $0x1  }
0x137: {  	[tilespmem:v23+s14+$0x0] =	vst.idx.msk $0xffff, v62  }
0x138: {  	v60 =	vld.idx.msk [tilespmem:v60+s2+$0x0], $0xffff  }
0x139: {  	v62 =	vld.idx.msk [tilespmem:v63+s11+$0x0], $0xffff;
	_ =	sdelay $0x4  }
0x13a: {  	v60 =	vadd.f32 v62, v60;
	_ =	sdelay $0x1  }
0x13b: {  	v60 =	vsub.f32 $0.0e+00, v60;
	_ =	sdelay $0x1  }
0x13c: {  	v60 =	vmul.f32 $1.442695020e+00, v60;
	_ =	sdelay $0x1  }
0x13d: {  	(erf) = vpow2.f32 v60;
	_ =	sdelay $0x8  }
0x13e: {  	v60 =	vpop (erf)  }
0x13f: {  	v60 =	vadd.f32 $1.000000000e+00, v60;
	_ =	sdelay $0x1  }
0x140: {  	(erf) = vrcp.f32 v60;
	_ =	sdelay $0x7  }
0x141: {  	v60 =	vadd.s32 $0x2, v58  }
0x142: {  	v63 =	vadd.s32 $0x2, v59;
	v62 =	vpop (erf)  }
0x143: {  	v62 =	vmul.f32 v62, v61;
	_ =	sdelay $0x1  }
0x144: {  	[tilespmem:v24+s14+$0x0] =	vst.idx.msk $0xffff, v62  }
0x145: {  	v60 =	vld.idx.msk [tilespmem:v60+s2+$0x0], $0xffff  }
0x146: {  	v62 =	vld.idx.msk [tilespmem:v63+s11+$0x0], $0xffff;
	_ =	sdelay $0x4  }
0x147: {  	v60 =	vadd.f32 v62, v60;
	_ =	sdelay $0x1  }
0x148: {  	v60 =	vsub.f32 $0.0e+00, v60;
	_ =	sdelay $0x1  }
0x149: {  	v60 =	vmul.f32 $1.442695020e+00, v60;
	_ =	sdelay $0x1  }
0x14a: {  	(erf) = vpow2.f32 v60;
	_ =	sdelay $0x8  }
0x14b: {  	v60 =	vpop (erf)  }
0x14c: {  	v60 =	vadd.f32 $1.000000000e+00, v60;
	_ =	sdelay $0x1  }
0x14d: {  	(erf) = vrcp.f32 v60;
	_ =	sdelay $0x7  }
0x14e: {  	v60 =	vadd.s32 $0x3, v58  }
0x14f: {  	v63 =	vadd.s32 $0x3, v59;
	v62 =	vpop (erf)  }
0x150: {  	v62 =	vmul.f32 v62, v61;
	_ =	sdelay $0x1  }
0x151: {  	[tilespmem:v25+s14+$0x0] =	vst.idx.msk $0xffff, v62  }
0x152: {  	v60 =	vld.idx.msk [tilespmem:v60+s2+$0x0], $0xffff  }
0x153: {  	v62 =	vld.idx.msk [tilespmem:v63+s11+$0x0], $0xffff;
	_ =	sdelay $0x4  }
0x154: {  	v60 =	vadd.f32 v62, v60;
	_ =	sdelay $0x1  }
0x155: {  	v60 =	vsub.f32 $0.0e+00, v60;
	_ =	sdelay $0x1  }
0x156: {  	v60 =	vmul.f32 $1.442695020e+00, v60;
	_ =	sdelay $0x1  }
0x157: {  	(erf) = vpow2.f32 v60;
	_ =	sdelay $0x8  }
0x158: {  	v60 =	vpop (erf)  }
0x159: {  	v60 =	vadd.f32 $1.000000000e+00, v60;
	_ =	sdelay $0x1  }
0x15a: {  	(erf) = vrcp.f32 v60;
	_ =	sdelay $0x7  }
0x15b: {  	v60 =	vadd.s32 $0x4, v58  }
0x15c: {  	v63 =	vadd.s32 $0x4, v59;
	v62 =	vpop (erf)  }
0x15d: {  	v62 =	vmul.f32 v62, v61;
	_ =	sdelay $0x1  }
0x15e: {  	[tilespmem:v26+s14+$0x0] =	vst.idx.msk $0xffff, v62  }
0x15f: {  	v60 =	vld.idx.msk [tilespmem:v60+s2+$0x0], $0xffff  }
0x160: {  	v62 =	vld.idx.msk [tilespmem:v63+s11+$0x0], $0xffff;
	_ =	sdelay $0x4  }
0x161: {  	v60 =	vadd.f32 v62, v60;
	_ =	sdelay $0x1  }
0x162: {  	v60 =	vsub.f32 $0.0e+00, v60;
	_ =	sdelay $0x1  }
0x163: {  	v60 =	vmul.f32 $1.442695020e+00, v60;
	_ =	sdelay $0x1  }
0x164: {  	(erf) = vpow2.f32 v60;
	_ =	sdelay $0x8  }
0x165: {  	v60 =	vpop (erf)  }
0x166: {  	v60 =	vadd.f32 $1.000000000e+00, v60;
	_ =	sdelay $0x1  }
0x167: {  	(erf) = vrcp.f32 v60;
	_ =	sdelay $0x7  }
0x168: {  	v58 =	vadd.s32 $0x5, v58  }
0x169: {  	v59 =	vadd.s32 $0x5, v59;
	v60 =	vpop (erf)  }
0x16a: {  	v60 =	vmul.f32 v60, v61;
	_ =	sdelay $0x1  }
0x16b: {  	[tilespmem:v27+s14+$0x0] =	vst.idx.msk $0xffff, v60  }
0x16c: {  	v58 =	vld.idx.msk [tilespmem:v58+s2+$0x0], $0xffff  }
0x16d: {  	v59 =	vld.idx.msk [tilespmem:v59+s11+$0x0], $0xffff;
	_ =	sdelay $0x4  }
0x16e: {  	v58 =	vadd.f32 v59, v58;
	_ =	sdelay $0x1  }
0x16f: {  	v58 =	vsub.f32 $0.0e+00, v58;
	_ =	sdelay $0x1  }
0x170: {  	v58 =	vmul.f32 $1.442695020e+00, v58;
	_ =	sdelay $0x1  }
0x171: {  	(erf) = vpow2.f32 v58;
	_ =	sdelay $0x8  }
0x172: {  	v58 =	vpop (erf)  }
0x173: {  	v58 =	vadd.f32 $1.000000000e+00, v58;
	_ =	sdelay $0x1  }
0x174: {  	(erf) = vrcp.f32 v58;
	_ =	sdelay $0x8  }
0x175: {  	v58 =	vpop (erf)  }
0x176: {  	v58 =	vmul.f32 v58, v61;
	_ =	sdelay $0x1  }
0x177: {  	[tilespmem:v28+s14+$0x0] =	vst.idx.msk $0xffff, v58  }
0x178: {  	[tilespmem:v29+s14+$0x0] =	vst.idx.msk $0xffff, v61  }
0x179: {  	v58 =	vld [tilespmem:$0x1D540]  }
0x17a: {  	v60 =	vld [tilespmem:$0x1D5C0];
	_ =	sdelay $0x3  }
0x17b: {  	v58 =	vmul.u32 $0x6, v58  }
0x17c: {  	v59 =	vmul.u32 $0x6, v60;
	_ =	sdelay $0x4  }
0x17d: {  	v60 =	vld.idx.msk [tilespmem:v58+s2+$0x0], $0xffff  }
0x17e: {  	v61 =	vld.idx.msk [tilespmem:v59+s11+$0x0], $0xffff;
	_ =	sdelay $0x4  }
0x17f: {  	v60 =	vadd.f32 v61, v60;
	_ =	sdelay $0x1  }
0x180: {  	v60 =	vsub.f32 $0.0e+00, v60;
	_ =	sdelay $0x1  }
0x181: {  	v60 =	vmul.f32 $1.442695020e+00, v60;
	_ =	sdelay $0x1  }
0x182: {  	(erf) = vpow2.f32 v60;
	_ =	sdelay $0x8  }
0x183: {  	v60 =	vpop (erf)  }
0x184: {  	v60 =	vadd.f32 $1.000000000e+00, v60;
	_ =	sdelay $0x1  }
0x185: {  	(erf) = vrcp.f32 v60;
	_ =	sdelay $0x6  }
0x186: {  	s29 =	sadd.s32 $0x40, s20  }
0x187: {  	p3 =	slt.u32 s29, $0x4E200;
	v60 =	vor.u32 $0x1, v58  }
0x188: {  	v63 =	vor.u32 $0x1, v59;
	v61 =	vpsel !p3, $0x0, v2;
	v62 =	vpop (erf)  }
0x189: {  	v62 =	vmul.f32 v62, v61;
	_ =	sdelay $0x1  }
0x18a: {  	[tilespmem:v30+s14+$0x0] =	vst.idx.msk $0xffff, v62  }
0x18b: {  	v60 =	vld.idx.msk [tilespmem:v60+s2+$0x0], $0xffff  }
0x18c: {  	v62 =	vld.idx.msk [tilespmem:v63+s11+$0x0], $0xffff;
	_ =	sdelay $0x4  }
0x18d: {  	v60 =	vadd.f32 v62, v60;
	_ =	sdelay $0x1  }
0x18e: {  	v60 =	vsub.f32 $0.0e+00, v60;
	_ =	sdelay $0x1  }
0x18f: {  	v60 =	vmul.f32 $1.442695020e+00, v60;
	_ =	sdelay $0x1  }
0x190: {  	(erf) = vpow2.f32 v60;
	_ =	sdelay $0x8  }
0x191: {  	v60 =	vpop (erf)  }
0x192: {  	v60 =	vadd.f32 $1.000000000e+00, v60;
	_ =	sdelay $0x1  }
0x193: {  	(erf) = vrcp.f32 v60;
	_ =	sdelay $0x7  }
0x194: {  	v60 =	vadd.s32 $0x2, v58  }
0x195: {  	v63 =	vadd.s32 $0x2, v59;
	v62 =	vpop (erf)  }
0x196: {  	v62 =	vmul.f32 v62, v61;
	_ =	sdelay $0x1  }
0x197: {  	[tilespmem:v31+s14+$0x0] =	vst.idx.msk $0xffff, v62  }
0x198: {  	v60 =	vld.idx.msk [tilespmem:v60+s2+$0x0], $0xffff  }
0x199: {  	v62 =	vld.idx.msk [tilespmem:v63+s11+$0x0], $0xffff;
	_ =	sdelay $0x4  }
0x19a: {  	v60 =	vadd.f32 v62, v60;
	_ =	sdelay $0x1  }
0x19b: {  	v60 =	vsub.f32 $0.0e+00, v60;
	_ =	sdelay $0x1  }
0x19c: {  	v60 =	vmul.f32 $1.442695020e+00, v60;
	_ =	sdelay $0x1  }
0x19d: {  	(erf) = vpow2.f32 v60;
	_ =	sdelay $0x8  }
0x19e: {  	v60 =	vpop (erf)  }
0x19f: {  	v60 =	vadd.f32 $1.000000000e+00, v60;
	_ =	sdelay $0x1  }
0x1a0: {  	(erf) = vrcp.f32 v60;
	_ =	sdelay $0x7  }
0x1a1: {  	v60 =	vadd.s32 $0x3, v58  }
0x1a2: {  	v63 =	vadd.s32 $0x3, v59;
	v62 =	vpop (erf)  }
0x1a3: {  	v62 =	vmul.f32 v62, v61;
	_ =	sdelay $0x1  }
0x1a4: {  	[tilespmem:v32+s14+$0x0] =	vst.idx.msk $0xffff, v62  }
0x1a5: {  	v60 =	vld.idx.msk [tilespmem:v60+s2+$0x0], $0xffff  }
0x1a6: {  	v62 =	vld.idx.msk [tilespmem:v63+s11+$0x0], $0xffff;
	_ =	sdelay $0x4  }
0x1a7: {  	v60 =	vadd.f32 v62, v60;
	_ =	sdelay $0x1  }
0x1a8: {  	v60 =	vsub.f32 $0.0e+00, v60;
	_ =	sdelay $0x1  }
0x1a9: {  	v60 =	vmul.f32 $1.442695020e+00, v60;
	_ =	sdelay $0x1  }
0x1aa: {  	(erf) = vpow2.f32 v60;
	_ =	sdelay $0x8  }
0x1ab: {  	v60 =	vpop (erf)  }
0x1ac: {  	v60 =	vadd.f32 $1.000000000e+00, v60;
	_ =	sdelay $0x1  }
0x1ad: {  	(erf) = vrcp.f32 v60;
	_ =	sdelay $0x7  }
0x1ae: {  	v60 =	vadd.s32 $0x4, v58  }
0x1af: {  	v63 =	vadd.s32 $0x4, v59;
	v62 =	vpop (erf)  }
0x1b0: {  	v62 =	vmul.f32 v62, v61;
	_ =	sdelay $0x1  }
0x1b1: {  	[tilespmem:v33+s14+$0x0] =	vst.idx.msk $0xffff, v62  }
0x1b2: {  	v60 =	vld.idx.msk [tilespmem:v60+s2+$0x0], $0xffff  }
0x1b3: {  	v62 =	vld.idx.msk [tilespmem:v63+s11+$0x0], $0xffff;
	_ =	sdelay $0x4  }
0x1b4: {  	v60 =	vadd.f32 v62, v60;
	_ =	sdelay $0x1  }
0x1b5: {  	v60 =	vsub.f32 $0.0e+00, v60;
	_ =	sdelay $0x1  }
0x1b6: {  	v60 =	vmul.f32 $1.442695020e+00, v60;
	_ =	sdelay $0x1  }
0x1b7: {  	(erf) = vpow2.f32 v60;
	_ =	sdelay $0x8  }
0x1b8: {  	v60 =	vpop (erf)  }
0x1b9: {  	v60 =	vadd.f32 $1.000000000e+00, v60;
	_ =	sdelay $0x1  }
0x1ba: {  	(erf) = vrcp.f32 v60;
	_ =	sdelay $0x7  }
0x1bb: {  	v58 =	vadd.s32 $0x5, v58  }
0x1bc: {  	v59 =	vadd.s32 $0x5, v59;
	v60 =	vpop (erf)  }
0x1bd: {  	v60 =	vmul.f32 v60, v61;
	_ =	sdelay $0x1  }
0x1be: {  	[tilespmem:v34+s14+$0x0] =	vst.idx.msk $0xffff, v60  }
0x1bf: {  	v58 =	vld.idx.msk [tilespmem:v58+s2+$0x0], $0xffff  }
0x1c0: {  	v59 =	vld.idx.msk [tilespmem:v59+s11+$0x0], $0xffff;
	_ =	sdelay $0x4  }
0x1c1: {  	v58 =	vadd.f32 v59, v58;
	_ =	sdelay $0x1  }
0x1c2: {  	v58 =	vsub.f32 $0.0e+00, v58;
	_ =	sdelay $0x1  }
0x1c3: {  	v58 =	vmul.f32 $1.442695020e+00, v58;
	_ =	sdelay $0x1  }
0x1c4: {  	(erf) = vpow2.f32 v58;
	_ =	sdelay $0x8  }
0x1c5: {  	v58 =	vpop (erf)  }
0x1c6: {  	v58 =	vadd.f32 $1.000000000e+00, v58;
	_ =	sdelay $0x1  }
0x1c7: {  	(erf) = vrcp.f32 v58;
	_ =	sdelay $0x8  }
0x1c8: {  	v58 =	vpop (erf)  }
0x1c9: {  	v58 =	vmul.f32 v58, v61;
	_ =	sdelay $0x1  }
0x1ca: {  	[tilespmem:v35+s14+$0x0] =	vst.idx.msk $0xffff, v58  }
0x1cb: {  	[tilespmem:v36+s14+$0x0] =	vst.idx.msk $0xffff, v61  }
0x1cc: {  	v58 =	vld [tilespmem:$0x1D550]  }
0x1cd: {  	v61 =	vld [tilespmem:$0x1D5D0];
	_ =	sdelay $0x3  }
0x1ce: {  	v58 =	vmul.u32 $0x6, v58  }
0x1cf: {  	v59 =	vmul.u32 $0x6, v61;
	_ =	sdelay $0x4  }
0x1d0: {  	v60 =	vld.idx.msk [tilespmem:v58+s2+$0x0], $0xffff  }
0x1d1: {  	v61 =	vld.idx.msk [tilespmem:v59+s11+$0x0], $0xffff;
	_ =	sdelay $0x4  }
0x1d2: {  	v60 =	vadd.f32 v61, v60;
	_ =	sdelay $0x1  }
0x1d3: {  	v60 =	vsub.f32 $0.0e+00, v60;
	_ =	sdelay $0x1  }
0x1d4: {  	v60 =	vmul.f32 $1.442695020e+00, v60;
	_ =	sdelay $0x1  }
0x1d5: {  	(erf) = vpow2.f32 v60;
	_ =	sdelay $0x8  }
0x1d6: {  	v60 =	vpop (erf)  }
0x1d7: {  	v60 =	vadd.f32 $1.000000000e+00, v60;
	_ =	sdelay $0x1  }
0x1d8: {  	(erf) = vrcp.f32 v60;
	_ =	sdelay $0x6  }
0x1d9: {  	s30 =	sadd.s32 $0x50, s20  }
0x1da: {  	p4 =	slt.u32 s30, $0x4E200;
	v60 =	vor.u32 $0x1, v58  }
0x1db: {  	v63 =	vor.u32 $0x1, v59;
	v61 =	vpsel !p4, $0x0, v2;
	v62 =	vpop (erf)  }
0x1dc: {  	v62 =	vmul.f32 v62, v61;
	_ =	sdelay $0x1  }
0x1dd: {  	[tilespmem:v37+s14+$0x0] =	vst.idx.msk $0xffff, v62  }
0x1de: {  	v60 =	vld.idx.msk [tilespmem:v60+s2+$0x0], $0xffff  }
0x1df: {  	v62 =	vld.idx.msk [tilespmem:v63+s11+$0x0], $0xffff;
	_ =	sdelay $0x4  }
0x1e0: {  	v60 =	vadd.f32 v62, v60;
	_ =	sdelay $0x1  }
0x1e1: {  	v60 =	vsub.f32 $0.0e+00, v60;
	_ =	sdelay $0x1  }
0x1e2: {  	v60 =	vmul.f32 $1.442695020e+00, v60;
	_ =	sdelay $0x1  }
0x1e3: {  	(erf) = vpow2.f32 v60;
	_ =	sdelay $0x8  }
0x1e4: {  	v60 =	vpop (erf)  }
0x1e5: {  	v60 =	vadd.f32 $1.000000000e+00, v60;
	_ =	sdelay $0x1  }
0x1e6: {  	(erf) = vrcp.f32 v60;
	_ =	sdelay $0x7  }
0x1e7: {  	v60 =	vadd.s32 $0x2, v58  }
0x1e8: {  	v63 =	vadd.s32 $0x2, v59;
	v62 =	vpop (erf)  }
0x1e9: {  	v62 =	vmul.f32 v62, v61;
	_ =	sdelay $0x1  }
0x1ea: {  	[tilespmem:v38+s14+$0x0] =	vst.idx.msk $0xffff, v62  }
0x1eb: {  	v60 =	vld.idx.msk [tilespmem:v60+s2+$0x0], $0xffff  }
0x1ec: {  	v62 =	vld.idx.msk [tilespmem:v63+s11+$0x0], $0xffff;
	_ =	sdelay $0x4  }
0x1ed: {  	v60 =	vadd.f32 v62, v60;
	_ =	sdelay $0x1  }
0x1ee: {  	v60 =	vsub.f32 $0.0e+00, v60;
	_ =	sdelay $0x1  }
0x1ef: {  	v60 =	vmul.f32 $1.442695020e+00, v60;
	_ =	sdelay $0x1  }
0x1f0: {  	(erf) = vpow2.f32 v60;
	_ =	sdelay $0x8  }
0x1f1: {  	v60 =	vpop (erf)  }
0x1f2: {  	v60 =	vadd.f32 $1.000000000e+00, v60;
	_ =	sdelay $0x1  }
0x1f3: {  	(erf) = vrcp.f32 v60;
	_ =	sdelay $0x7  }
0x1f4: {  	v60 =	vadd.s32 $0x3, v58  }
0x1f5: {  	v63 =	vadd.s32 $0x3, v59;
	v62 =	vpop (erf)  }
0x1f6: {  	v62 =	vmul.f32 v62, v61;
	_ =	sdelay $0x1  }
0x1f7: {  	[tilespmem:v39+s14+$0x0] =	vst.idx.msk $0xffff, v62  }
0x1f8: {  	v60 =	vld.idx.msk [tilespmem:v60+s2+$0x0], $0xffff  }
0x1f9: {  	v62 =	vld.idx.msk [tilespmem:v63+s11+$0x0], $0xffff;
	_ =	sdelay $0x4  }
0x1fa: {  	v60 =	vadd.f32 v62, v60;
	_ =	sdelay $0x1  }
0x1fb: {  	v60 =	vsub.f32 $0.0e+00, v60;
	_ =	sdelay $0x1  }
0x1fc: {  	v60 =	vmul.f32 $1.442695020e+00, v60;
	_ =	sdelay $0x1  }
0x1fd: {  	(erf) = vpow2.f32 v60;
	_ =	sdelay $0x8  }
0x1fe: {  	v60 =	vpop (erf)  }
0x1ff: {  	v60 =	vadd.f32 $1.000000000e+00, v60;
	_ =	sdelay $0x1  }
0x200: {  	(erf) = vrcp.f32 v60;
	_ =	sdelay $0x7  }
0x201: {  	v60 =	vadd.s32 $0x4, v58  }
0x202: {  	v63 =	vadd.s32 $0x4, v59;
	v62 =	vpop (erf)  }
0x203: {  	v62 =	vmul.f32 v62, v61;
	_ =	sdelay $0x1  }
0x204: {  	[tilespmem:v40+s14+$0x0] =	vst.idx.msk $0xffff, v62  }
0x205: {  	v60 =	vld.idx.msk [tilespmem:v60+s2+$0x0], $0xffff  }
0x206: {  	v62 =	vld.idx.msk [tilespmem:v63+s11+$0x0], $0xffff;
	_ =	sdelay $0x4  }
0x207: {  	v60 =	vadd.f32 v62, v60;
	_ =	sdelay $0x1  }
0x208: {  	v60 =	vsub.f32 $0.0e+00, v60;
	_ =	sdelay $0x1  }
0x209: {  	v60 =	vmul.f32 $1.442695020e+00, v60;
	_ =	sdelay $0x1  }
0x20a: {  	(erf) = vpow2.f32 v60;
	_ =	sdelay $0x8  }
0x20b: {  	v60 =	vpop (erf)  }
0x20c: {  	v60 =	vadd.f32 $1.000000000e+00, v60;
	_ =	sdelay $0x1  }
0x20d: {  	(erf) = vrcp.f32 v60;
	_ =	sdelay $0x7  }
0x20e: {  	v58 =	vadd.s32 $0x5, v58  }
0x20f: {  	v59 =	vadd.s32 $0x5, v59;
	v60 =	vpop (erf)  }
0x210: {  	v60 =	vmul.f32 v60, v61;
	_ =	sdelay $0x1  }
0x211: {  	[tilespmem:v41+s14+$0x0] =	vst.idx.msk $0xffff, v60  }
0x212: {  	v58 =	vld.idx.msk [tilespmem:v58+s2+$0x0], $0xffff  }
0x213: {  	v59 =	vld.idx.msk [tilespmem:v59+s11+$0x0], $0xffff;
	_ =	sdelay $0x4  }
0x214: {  	v58 =	vadd.f32 v59, v58;
	_ =	sdelay $0x1  }
0x215: {  	v58 =	vsub.f32 $0.0e+00, v58;
	_ =	sdelay $0x1  }
0x216: {  	v58 =	vmul.f32 $1.442695020e+00, v58;
	_ =	sdelay $0x1  }
0x217: {  	(erf) = vpow2.f32 v58;
	_ =	sdelay $0x8  }
0x218: {  	v58 =	vpop (erf)  }
0x219: {  	v58 =	vadd.f32 $1.000000000e+00, v58;
	_ =	sdelay $0x1  }
0x21a: {  	(erf) = vrcp.f32 v58;
	_ =	sdelay $0x8  }
0x21b: {  	v58 =	vpop (erf)  }
0x21c: {  	v58 =	vmul.f32 v58, v61;
	_ =	sdelay $0x1  }
0x21d: {  	[tilespmem:v42+s14+$0x0] =	vst.idx.msk $0xffff, v58  }
0x21e: {  	[tilespmem:v43+s14+$0x0] =	vst.idx.msk $0xffff, v61  }
0x21f: {  	v58 =	vld [tilespmem:$0x1D560]  }
0x220: {  	v62 =	vld [tilespmem:$0x1D5E0];
	_ =	sdelay $0x3  }
0x221: {  	v58 =	vmul.u32 $0x6, v58  }
0x222: {  	v59 =	vmul.u32 $0x6, v62;
	_ =	sdelay $0x4  }
0x223: {  	v60 =	vld.idx.msk [tilespmem:v58+s2+$0x0], $0xffff  }
0x224: {  	v61 =	vld.idx.msk [tilespmem:v59+s11+$0x0], $0xffff;
	_ =	sdelay $0x4  }
0x225: {  	v60 =	vadd.f32 v61, v60;
	_ =	sdelay $0x1  }
0x226: {  	v60 =	vsub.f32 $0.0e+00, v60;
	_ =	sdelay $0x1  }
0x227: {  	v60 =	vmul.f32 $1.442695020e+00, v60;
	_ =	sdelay $0x1  }
0x228: {  	(erf) = vpow2.f32 v60;
	_ =	sdelay $0x8  }
0x229: {  	v60 =	vpop (erf)  }
0x22a: {  	v60 =	vadd.f32 $1.000000000e+00, v60;
	_ =	sdelay $0x1  }
0x22b: {  	(erf) = vrcp.f32 v60;
	_ =	sdelay $0x6  }
0x22c: {  	s31 =	sadd.s32 $0x60, s20  }
0x22d: {  	p5 =	slt.u32 s31, $0x4E200;
	v60 =	vor.u32 $0x1, v58  }
0x22e: {  	v63 =	vor.u32 $0x1, v59;
	v61 =	vpsel !p5, $0x0, v2;
	v62 =	vpop (erf)  }
0x22f: {  	v62 =	vmul.f32 v62, v61;
	_ =	sdelay $0x1  }
0x230: {  	[tilespmem:v44+s14+$0x0] =	vst.idx.msk $0xffff, v62  }
0x231: {  	v60 =	vld.idx.msk [tilespmem:v60+s2+$0x0], $0xffff  }
0x232: {  	v62 =	vld.idx.msk [tilespmem:v63+s11+$0x0], $0xffff;
	_ =	sdelay $0x4  }
0x233: {  	v60 =	vadd.f32 v62, v60;
	_ =	sdelay $0x1  }
0x234: {  	v60 =	vsub.f32 $0.0e+00, v60;
	_ =	sdelay $0x1  }
0x235: {  	v60 =	vmul.f32 $1.442695020e+00, v60;
	_ =	sdelay $0x1  }
0x236: {  	(erf) = vpow2.f32 v60;
	_ =	sdelay $0x8  }
0x237: {  	v60 =	vpop (erf)  }
0x238: {  	v60 =	vadd.f32 $1.000000000e+00, v60;
	_ =	sdelay $0x1  }
0x239: {  	(erf) = vrcp.f32 v60;
	_ =	sdelay $0x7  }
0x23a: {  	v60 =	vadd.s32 $0x2, v58  }
0x23b: {  	v63 =	vadd.s32 $0x2, v59;
	v62 =	vpop (erf)  }
0x23c: {  	v62 =	vmul.f32 v62, v61;
	_ =	sdelay $0x1  }
0x23d: {  	[tilespmem:v45+s14+$0x0] =	vst.idx.msk $0xffff, v62  }
0x23e: {  	v60 =	vld.idx.msk [tilespmem:v60+s2+$0x0], $0xffff  }
0x23f: {  	v62 =	vld.idx.msk [tilespmem:v63+s11+$0x0], $0xffff;
	_ =	sdelay $0x4  }
0x240: {  	v60 =	vadd.f32 v62, v60;
	_ =	sdelay $0x1  }
0x241: {  	v60 =	vsub.f32 $0.0e+00, v60;
	_ =	sdelay $0x1  }
0x242: {  	v60 =	vmul.f32 $1.442695020e+00, v60;
	_ =	sdelay $0x1  }
0x243: {  	(erf) = vpow2.f32 v60;
	_ =	sdelay $0x8  }
0x244: {  	v60 =	vpop (erf)  }
0x245: {  	v60 =	vadd.f32 $1.000000000e+00, v60;
	_ =	sdelay $0x1  }
0x246: {  	(erf) = vrcp.f32 v60;
	_ =	sdelay $0x7  }
0x247: {  	v60 =	vadd.s32 $0x3, v58  }
0x248: {  	v63 =	vadd.s32 $0x3, v59;
	v62 =	vpop (erf)  }
0x249: {  	v62 =	vmul.f32 v62, v61;
	_ =	sdelay $0x1  }
0x24a: {  	[tilespmem:v46+s14+$0x0] =	vst.idx.msk $0xffff, v62  }
0x24b: {  	v60 =	vld.idx.msk [tilespmem:v60+s2+$0x0], $0xffff  }
0x24c: {  	v62 =	vld.idx.msk [tilespmem:v63+s11+$0x0], $0xffff;
	_ =	sdelay $0x4  }
0x24d: {  	v60 =	vadd.f32 v62, v60;
	_ =	sdelay $0x1  }
0x24e: {  	v60 =	vsub.f32 $0.0e+00, v60;
	_ =	sdelay $0x1  }
0x24f: {  	v60 =	vmul.f32 $1.442695020e+00, v60;
	_ =	sdelay $0x1  }
0x250: {  	(erf) = vpow2.f32 v60;
	_ =	sdelay $0x8  }
0x251: {  	v60 =	vpop (erf)  }
0x252: {  	v60 =	vadd.f32 $1.000000000e+00, v60;
	_ =	sdelay $0x1  }
0x253: {  	(erf) = vrcp.f32 v60;
	_ =	sdelay $0x7  }
0x254: {  	v60 =	vadd.s32 $0x4, v58  }
0x255: {  	v63 =	vadd.s32 $0x4, v59;
	v62 =	vpop (erf)  }
0x256: {  	v62 =	vmul.f32 v62, v61;
	_ =	sdelay $0x1  }
0x257: {  	[tilespmem:v47+s14+$0x0] =	vst.idx.msk $0xffff, v62  }
0x258: {  	v60 =	vld.idx.msk [tilespmem:v60+s2+$0x0], $0xffff  }
0x259: {  	v62 =	vld.idx.msk [tilespmem:v63+s11+$0x0], $0xffff;
	_ =	sdelay $0x4  }
0x25a: {  	v60 =	vadd.f32 v62, v60;
	_ =	sdelay $0x1  }
0x25b: {  	v60 =	vsub.f32 $0.0e+00, v60;
	_ =	sdelay $0x1  }
0x25c: {  	v60 =	vmul.f32 $1.442695020e+00, v60;
	_ =	sdelay $0x1  }
0x25d: {  	(erf) = vpow2.f32 v60;
	_ =	sdelay $0x8  }
0x25e: {  	v60 =	vpop (erf)  }
0x25f: {  	v60 =	vadd.f32 $1.000000000e+00, v60;
	_ =	sdelay $0x1  }
0x260: {  	(erf) = vrcp.f32 v60;
	_ =	sdelay $0x7  }
0x261: {  	v58 =	vadd.s32 $0x5, v58  }
0x262: {  	v59 =	vadd.s32 $0x5, v59;
	v60 =	vpop (erf)  }
0x263: {  	v60 =	vmul.f32 v60, v61;
	_ =	sdelay $0x1  }
0x264: {  	[tilespmem:v48+s14+$0x0] =	vst.idx.msk $0xffff, v60  }
0x265: {  	v58 =	vld.idx.msk [tilespmem:v58+s2+$0x0], $0xffff  }
0x266: {  	v59 =	vld.idx.msk [tilespmem:v59+s11+$0x0], $0xffff;
	_ =	sdelay $0x4  }
0x267: {  	v58 =	vadd.f32 v59, v58;
	_ =	sdelay $0x1  }
0x268: {  	v58 =	vsub.f32 $0.0e+00, v58;
	_ =	sdelay $0x1  }
0x269: {  	v58 =	vmul.f32 $1.442695020e+00, v58;
	_ =	sdelay $0x1  }
0x26a: {  	(erf) = vpow2.f32 v58;
	_ =	sdelay $0x8  }
0x26b: {  	v58 =	vpop (erf)  }
0x26c: {  	v58 =	vadd.f32 $1.000000000e+00, v58;
	_ =	sdelay $0x1  }
0x26d: {  	(erf) = vrcp.f32 v58;
	_ =	sdelay $0x8  }
0x26e: {  	v58 =	vpop (erf)  }
0x26f: {  	v58 =	vmul.f32 v58, v61;
	_ =	sdelay $0x1  }
0x270: {  	[tilespmem:v49+s14+$0x0] =	vst.idx.msk $0xffff, v58  }
0x271: {  	[tilespmem:v50+s14+$0x0] =	vst.idx.msk $0xffff, v61  }
0x272: {  	v58 =	vld [tilespmem:$0x1D570]  }
0x273: {  	v63 =	vld [tilespmem:$0x1D5F0];
	_ =	sdelay $0x3  }
0x274: {  	v58 =	vmul.u32 $0x6, v58  }
0x275: {  	v59 =	vmul.u32 $0x6, v63;
	_ =	sdelay $0x4  }
0x276: {  	v60 =	vld.idx.msk [tilespmem:v58+s2+$0x0], $0xffff  }
0x277: {  	v61 =	vld.idx.msk [tilespmem:v59+s11+$0x0], $0xffff;
	_ =	sdelay $0x4  }
0x278: {  	v60 =	vadd.f32 v61, v60;
	_ =	sdelay $0x1  }
0x279: {  	v60 =	vsub.f32 $0.0e+00, v60;
	_ =	sdelay $0x1  }
0x27a: {  	v60 =	vmul.f32 $1.442695020e+00, v60;
	_ =	sdelay $0x1  }
0x27b: {  	(erf) = vpow2.f32 v60;
	_ =	sdelay $0x8  }
0x27c: {  	v60 =	vpop (erf)  }
0x27d: {  	v60 =	vadd.f32 $1.000000000e+00, v60;
	_ =	sdelay $0x1  }
0x27e: {  	(erf) = vrcp.f32 v60;
	_ =	sdelay $0x6  }
0x27f: {  	s20 =	sadd.s32 $0x70, s20  }
0x280: {  	p6 =	slt.u32 s20, $0x4E200;
	v60 =	vor.u32 $0x1, v58  }
0x281: {  	v63 =	vor.u32 $0x1, v59;
	v61 =	vpsel !p6, $0x0, v2;
	v62 =	vpop (erf)  }
0x282: {  	v62 =	vmul.f32 v62, v61;
	_ =	sdelay $0x1  }
0x283: {  	[tilespmem:v51+s14+$0x0] =	vst.idx.msk $0xffff, v62  }
0x284: {  	v60 =	vld.idx.msk [tilespmem:v60+s2+$0x0], $0xffff  }
0x285: {  	v62 =	vld.idx.msk [tilespmem:v63+s11+$0x0], $0xffff;
	_ =	sdelay $0x4  }
0x286: {  	v60 =	vadd.f32 v62, v60;
	_ =	sdelay $0x1  }
0x287: {  	v60 =	vsub.f32 $0.0e+00, v60;
	_ =	sdelay $0x1  }
0x288: {  	v60 =	vmul.f32 $1.442695020e+00, v60;
	_ =	sdelay $0x1  }
0x289: {  	(erf) = vpow2.f32 v60;
	_ =	sdelay $0x8  }
0x28a: {  	v60 =	vpop (erf)  }
0x28b: {  	v60 =	vadd.f32 $1.000000000e+00, v60;
	_ =	sdelay $0x1  }
0x28c: {  	(erf) = vrcp.f32 v60;
	_ =	sdelay $0x7  }
0x28d: {  	v60 =	vadd.s32 $0x2, v58  }
0x28e: {  	v63 =	vadd.s32 $0x2, v59;
	v62 =	vpop (erf)  }
0x28f: {  	v62 =	vmul.f32 v62, v61;
	_ =	sdelay $0x1  }
0x290: {  	[tilespmem:v52+s14+$0x0] =	vst.idx.msk $0xffff, v62  }
0x291: {  	v60 =	vld.idx.msk [tilespmem:v60+s2+$0x0], $0xffff  }
0x292: {  	v62 =	vld.idx.msk [tilespmem:v63+s11+$0x0], $0xffff;
	_ =	sdelay $0x4  }
0x293: {  	v60 =	vadd.f32 v62, v60;
	_ =	sdelay $0x1  }
0x294: {  	v60 =	vsub.f32 $0.0e+00, v60;
	_ =	sdelay $0x1  }
0x295: {  	v60 =	vmul.f32 $1.442695020e+00, v60;
	_ =	sdelay $0x1  }
0x296: {  	(erf) = vpow2.f32 v60;
	_ =	sdelay $0x8  }
0x297: {  	v60 =	vpop (erf)  }
0x298: {  	v60 =	vadd.f32 $1.000000000e+00, v60;
	_ =	sdelay $0x1  }
0x299: {  	(erf) = vrcp.f32 v60;
	_ =	sdelay $0x7  }
0x29a: {  	v60 =	vadd.s32 $0x3, v58  }
0x29b: {  	v63 =	vadd.s32 $0x3, v59;
	v62 =	vpop (erf)  }
0x29c: {  	v62 =	vmul.f32 v62, v61;
	_ =	sdelay $0x1  }
0x29d: {  	[tilespmem:v53+s14+$0x0] =	vst.idx.msk $0xffff, v62  }
0x29e: {  	v60 =	vld.idx.msk [tilespmem:v60+s2+$0x0], $0xffff  }
0x29f: {  	v62 =	vld.idx.msk [tilespmem:v63+s11+$0x0], $0xffff;
	_ =	sdelay $0x4  }
0x2a0: {  	v60 =	vadd.f32 v62, v60;
	_ =	sdelay $0x1  }
0x2a1: {  	v60 =	vsub.f32 $0.0e+00, v60;
	_ =	sdelay $0x1  }
0x2a2: {  	v60 =	vmul.f32 $1.442695020e+00, v60;
	_ =	sdelay $0x1  }
0x2a3: {  	(erf) = vpow2.f32 v60;
	_ =	sdelay $0x8  }
0x2a4: {  	v60 =	vpop (erf)  }
0x2a5: {  	v60 =	vadd.f32 $1.000000000e+00, v60;
	_ =	sdelay $0x1  }
0x2a6: {  	(erf) = vrcp.f32 v60;
	_ =	sdelay $0x7  }
0x2a7: {  	v60 =	vadd.s32 $0x4, v58  }
0x2a8: {  	v63 =	vadd.s32 $0x4, v59;
	v62 =	vpop (erf)  }
0x2a9: {  	v62 =	vmul.f32 v62, v61;
	_ =	sdelay $0x1  }
0x2aa: {  	[tilespmem:v54+s14+$0x0] =	vst.idx.msk $0xffff, v62  }
0x2ab: {  	v60 =	vld.idx.msk [tilespmem:v60+s2+$0x0], $0xffff  }
0x2ac: {  	v62 =	vld.idx.msk [tilespmem:v63+s11+$0x0], $0xffff;
	_ =	sdelay $0x4  }
0x2ad: {  	v60 =	vadd.f32 v62, v60;
	_ =	sdelay $0x1  }
0x2ae: {  	v60 =	vsub.f32 $0.0e+00, v60;
	_ =	sdelay $0x1  }
0x2af: {  	v60 =	vmul.f32 $1.442695020e+00, v60;
	_ =	sdelay $0x1  }
0x2b0: {  	(erf) = vpow2.f32 v60;
	_ =	sdelay $0x8  }
0x2b1: {  	v60 =	vpop (erf)  }
0x2b2: {  	v60 =	vadd.f32 $1.000000000e+00, v60;
	_ =	sdelay $0x1  }
0x2b3: {  	(erf) = vrcp.f32 v60;
	_ =	sdelay $0x7  }
0x2b4: {  	v58 =	vadd.s32 $0x5, v58  }
0x2b5: {  	v59 =	vadd.s32 $0x5, v59;
	v60 =	vpop (erf)  }
0x2b6: {  	v60 =	vmul.f32 v60, v61;
	_ =	sdelay $0x1  }
0x2b7: {  	[tilespmem:v55+s14+$0x0] =	vst.idx.msk $0xffff, v60  }
0x2b8: {  	v58 =	vld.idx.msk [tilespmem:v58+s2+$0x0], $0xffff  }
0x2b9: {  	v59 =	vld.idx.msk [tilespmem:v59+s11+$0x0], $0xffff;
	_ =	sdelay $0x4  }
0x2ba: {  	v58 =	vadd.f32 v59, v58;
	_ =	sdelay $0x1  }
0x2bb: {  	v58 =	vsub.f32 $0.0e+00, v58;
	_ =	sdelay $0x1  }
0x2bc: {  	v58 =	vmul.f32 $1.442695020e+00, v58;
	_ =	sdelay $0x1  }
0x2bd: {  	(erf) = vpow2.f32 v58;
	_ =	sdelay $0x8  }
0x2be: {  	v58 =	vpop (erf)  }
0x2bf: {  	v58 =	vadd.f32 $1.000000000e+00, v58;
	_ =	sdelay $0x1  }
0x2c0: {  	(erf) = vrcp.f32 v58;
	_ =	sdelay $0x8  }
0x2c1: {  	v58 =	vpop (erf)  }
0x2c2: {  	v58 =	vmul.f32 v58, v61;
	_ =	sdelay $0x1  }
0x2c3: {  	p0 =	sne.s32 s16, $0x2700;
	[tilespmem:v56+s14+$0x0] =	vst.idx.msk $0xffff, v58  }
.Ltmp1:
0x2c4: {  	[tilespmem:v57+s14+$0x0] =	vst.idx.msk $0xffff, v61;
	(pc) =	sbr.rel @p0 .LBB2_4-.Ltmp1, $4  }
0x2c5: {  	[hbm4b:s19+s2] =	stream.linear.scatter [tilespmem:s14], [sflag:$0x1], $0x800, $0x38;
	[tilespmem:$0x1DE00] =	vst v63  }
0x2c6: {  	_ =	swait.ge [sflag:s10], $0x800  }
0x2c7: {  	s17 =	sadd.s32 $0x10, s17;
	s18 =	sadd.s32 $0x10, s18;
	[sflag:s10] =	ssyncset.done $0x0  }
0x2c8: {  	s16 =	sadd.s32 $0x80, s16;
	s19 =	sadd.s32 $0x100, s19;
	[sflag:s10] =	ssyncadd.s32 $0xFFFFF800  }
0x2c9: {  	s15 =	sadd.s32 $0x1, s15  }
0x2ca: {  	p0 =	sne.s32 s15, s6  }
.Ltmp2:
0x2cb: {  	_ = 	snop;
	(pc) =	sbr.rel @p0 .LBB2_1-.Ltmp2, $1  }
0x2cc: {  	_ =	sdelay $0x3  }
0x2cd: {  	_ =	sfence.sel $0x180000  }
0x2ce: {  	[bflag:$0x0] =	sbarrier.arrive $0xFFFF  }
0x2cf: {  	p0 =	sne.s32 s1, $0x0;
	_ =	strace $0x90000047  }
0x2d0: {  	s0 =	sadd.s32 @!p0 $0x100000, s0;
	[bflag:$0x2] =	sbarrier.arrive $0xFFFF  }
0x2d1: {  	[sflag:s0] =	ssyncadd.tile.s32 @!p0 $0x1;
	_ =	shalt  }
.Lfunc_end2:
_tile_overlayer_lowered:
.L_overlay_start_2:
0x2d2: {  	(tag) =	ssettag $0x2  }
0x2d3: {  	s0 =	rddreg [dreg:$0x0];
	s2 =	stileid.u32  }
0x2d4: {  	s1 =	rddreg [dreg:$0x1];
	p0 =	sne.s32 s2, $0x0  }
0x2d5: {  	s3 =	rddreg [dreg:$0x2];
	[bflag:$0x3] =	sbarrier.arrive $0xFFFF;
	s2 =	simm.s32 @!p0 $0x1C01  }
0x2d6: {  	[timem:s3], [sflag:s2] =	dma.local @!p0 [hbm:s0], s1  }
0x2d7: {  	s0 =	simm.s32 @!p0 $0x1  }
0x2d8: {  	_ =	swait.ge @!p0 [sflag:s0], s1  }
0x2d9: {  	s1 =	ssub.s32 @!p0 $0x0, s1;
	[sflag:s0] =	ssyncset.done @!p0 $0x0  }
0x2da: {  	[sflag:s0] =	ssyncadd.s32 @!p0 s1  }
0x2db: {  	[bflag:$0x3] =	sbarrier.arrive $0xFFFF  }
0x2dc: {  	_ =	shalt  }

// kernel: kernel.15.cloned.1.call-start
scs
__scs_entry_jumppad:
0x0: {  	(pc) =	sbr.rel $0x88, $3  }
0x1: {  	(tag) =	ssettag $0x0;
	lr =	simm.s32 $0x1  }
0x2: {  	[smem:$0x3F96] =	sst lr;
	_ =	strace $0xD0000000  }
0x3: {  	_ = 	snop  }
0x4: {  	_ = 	snop  }
0x5: {  	_ = 	snop  }
0x6: {  	_ = 	snop  }
0x7: {  	_ = 	snop  }
__scs_overlays_trampoline_lowered:
0x8: {  	[smem:$0x3FA5] =	sst s0  }
0x9: {  	[smem:$0x3FA6] =	sst s1  }
0xa: {  	[smem:$0x3FA7] =	sst s2  }
0xb: {  	[smem:$0x3FA8] =	sst s3  }
0xc: {  	[smem:$0x3FA9] =	sst s4  }
0xd: {  	[smem:$0x3FAA] =	sst s5  }
0xe: {  	[smem:$0x3FAB] =	sst s6  }
0xf: {  	[smem:$0x3FAC] =	sst s7  }
0x10: {  	[smem:$0x3FAD] =	sst s8  }
0x11: {  	[smem:$0x3FAE] =	sst s9;
	s0 =	simm.s32 @!p0 $0x0  }
0x12: {  	s1 =	sld [smem:$0x3F94];
	s0 =	simm.s32 @p0 $0x1  }
0x13: {  	[smem:$0x3FAF] =	sst s0;
	s0 =	simm.s32 @!p1 $0x0  }
0x14: {  	s2 =	sld [smem:$0x3F93];
	s0 =	simm.s32 @p1 $0x1  }
0x15: {  	[smem:$0x3FB0] =	sst s0;
	s0 =	simm.s32 @!p2 $0x0  }
0x16: {  	s3 =	sld [smem:$0x3FDB];
	s0 =	simm.s32 @p2 $0x1  }
0x17: {  	s4 =	simm.s32 $0x1BF5;
	[smem:$0x3FB2] =	sst s0  }
0x18: {  	s0 =	sld [smem:$0x3F95];
	_ =	swait.ge [sflag:s4], $0x0  }
0x19: {  	s7 =	sld [smem:$0x3F96]  }
0x1a: {  	s8 =	sadd.s32 $0xFFFFE003, lr  }
0x1b: {  	s9 =	sadd.s32 $0xFFFFFEF7, lr;
	s5 =	simm.s32 $0xFFFFFFFF;
	p2 =	slt.u32 s8, $0xFFFFF086  }
0x1c: {  	p1 =	slt.u32 s9, $0xF7A;
	s5 =	simm.s32 @!p2 $0x0  }
0x1d: {  	s5 =	simm.s32 @p1 $0x1;
	p0 =	seq.s32 s7, s2  }
0x1e: {  	s7 =	smul.u32 @!p0 $0xF7A, s2;
	p2 =	seq.s32 @!p0 s5, $0x0  }
0x1f: {  	s9 =	smul.u32 $0xF7A, s1;
	s8 =	simm.s32 @!p0 $0x1BF5;
	p2 =	por !p2, p0  }
0x20: {  	[sflag:s8] =	ssyncset.s32 @!p0 $0xFFFFF086;
	s6 =	sadd.s32 @!p0 s3, s7;
	s7 =	simm.s32 @!p0 $0x108  }
0x21: {  	s3 =	sadd.s32 s3, s9;
	s6 =	sadd.s32 @!p0 $0x88, s6;
	s7 =	simm.s32 @p2 $0x1082  }
0x22: {  	[simem:s7], [sflag:s8] =	dma.local @!p0 [hbm:s6], $0xF7A  }
0x23: {  	s9 =	sor.u32 $0xD0000000, s2;
	s6 =	simm.s32 $0x108;
	_ =	swait.ge @!p0 [sflag:s8], $0x0  }
0x24: {  	s3 =	sadd.s32 $0x88, s3;
	s6 =	simm.s32 @!p1 $0x1082;
	[sflag:s4] =	ssyncset.s32 $0xFFFFF086  }
0x25: {  	[simem:s6], [sflag:s4] =	dma.local [hbm:s3], $0xF7A  }
0x26: {  	[smem:$0x3F96] =	sst s1;
	(tag) =	ssettag s2;
	_ =	strace s9  }
0x27: {  	s1 =	sld [smem:$0x3FA6]  }
0x28: {  	s2 =	sld [smem:$0x3FA7]  }
0x29: {  	s4 =	sld [smem:$0x3FA9]  }
0x2a: {  	p0 =	seq.s32 s5, $0x0;
	s5 =	sld [smem:$0x3FAA]  }
0x2b: {  	s6 =	sld [smem:$0x3FAB]  }
0x2c: {  	s7 =	sld [smem:$0x3FAC]  }
0x2d: {  	s3 =	simm.s32 $0x108;
	s8 =	sld [smem:$0x3FAD]  }
0x2e: {  	s3 =	simm.s32 @!p0 $0x1082;
	s9 =	sld [smem:$0x3FAE]  }
0x2f: {  	lr =	sadd.s32 s0, s3;
	s0 =	sld [smem:$0x3FA5]  }
0x30: {  	s3 =	sld [smem:$0x3FA8]  }
0x31: {  	[smem:$0x3FB1] =	sst s10  }
0x32: {  	s10 =	sld [smem:$0x3FAF];
	_ =	sdelay $0x3  }
0x33: {  	p0 =	seq.s32 s10, $0x1;
	s10 =	sld [smem:$0x3FB1];
	_ =	sdelay $0x3  }
0x34: {  	[smem:$0x3FB1] =	sst s10  }
0x35: {  	s10 =	sld [smem:$0x3FB0];
	_ =	sdelay $0x3  }
0x36: {  	p1 =	seq.s32 s10, $0x1;
	s10 =	sld [smem:$0x3FB1];
	_ =	sdelay $0x3  }
0x37: {  	[smem:$0x3FB1] =	sst s10  }
0x38: {  	s10 =	sld [smem:$0x3FB2]  }
0x39: {  	_ = 	snop;
	(pc) =	sbr.ind lr, $3  }
0x3a: {  	_ = 	snop  }
0x3b: {  	_ = 	snop  }
0x3c: {  	p2 =	seq.s32 s10, $0x1;
	s10 =	sld [smem:$0x3FB1]  }
0x3d: {  	_ =	shalt  }
0x3e: {  	_ =	shalt  }
0x3f: {  	_ =	shalt  }
0x40: {  	_ =	shalt  }
0x41: {  	_ =	shalt  }
0x42: {  	_ =	shalt  }
0x43: {  	_ =	shalt  }
0x44: {  	_ =	shalt  }
0x45: {  	_ =	shalt  }
0x46: {  	_ =	shalt  }
0x47: {  	_ =	shalt  }
0x48: {  	_ =	shalt  }
0x49: {  	_ =	shalt  }
0x4a: {  	_ =	shalt  }
0x4b: {  	_ =	shalt  }
0x4c: {  	_ =	shalt  }
0x4d: {  	_ =	shalt  }
0x4e: {  	_ =	shalt  }
0x4f: {  	_ =	shalt  }
0x50: {  	_ =	shalt  }
0x51: {  	_ =	shalt  }
0x52: {  	_ =	shalt  }
0x53: {  	_ =	shalt  }
0x54: {  	_ =	shalt  }
0x55: {  	_ =	shalt  }
0x56: {  	_ =	shalt  }
0x57: {  	_ =	shalt  }
0x58: {  	_ =	shalt  }
0x59: {  	_ =	shalt  }
0x5a: {  	_ =	shalt  }
0x5b: {  	_ =	shalt  }
0x5c: {  	_ =	shalt  }
0x5d: {  	_ =	shalt  }
0x5e: {  	_ =	shalt  }
0x5f: {  	_ =	shalt  }
0x60: {  	_ =	shalt  }
0x61: {  	_ =	shalt  }
0x62: {  	_ =	shalt  }
0x63: {  	_ =	shalt  }
0x64: {  	_ =	shalt  }
0x65: {  	_ =	shalt  }
0x66: {  	_ =	shalt  }
0x67: {  	_ =	shalt  }
0x68: {  	_ =	shalt  }
0x69: {  	_ =	shalt  }
0x6a: {  	_ =	shalt  }
0x6b: {  	_ =	shalt  }
0x6c: {  	_ =	shalt  }
0x6d: {  	_ =	shalt  }
0x6e: {  	_ =	shalt  }
0x6f: {  	_ =	shalt  }
0x70: {  	_ =	shalt  }
0x71: {  	_ =	shalt  }
0x72: {  	_ =	shalt  }
0x73: {  	_ =	shalt  }
0x74: {  	_ =	shalt  }
0x75: {  	_ =	shalt  }
0x76: {  	_ =	shalt  }
0x77: {  	_ =	shalt  }
0x78: {  	_ =	shalt  }
0x79: {  	_ =	shalt  }
0x7a: {  	_ =	shalt  }
0x7b: {  	_ =	shalt  }
0x7c: {  	_ =	shalt  }
0x7d: {  	_ =	shalt  }
0x7e: {  	_ =	shalt  }
0x7f: {  	_ =	shalt  }
0x80: {  	_ =	shalt  }
0x81: {  	_ =	shalt  }
0x82: {  	_ =	shalt  }
0x83: {  	_ =	shalt  }
0x84: {  	_ =	shalt  }
0x85: {  	_ =	shalt  }
0x86: {  	_ =	shalt  }
0x87: {  	_ =	shalt  }
.Lfunc_end0:
.L_simem_size_0:
called_computation.1_lowered:
.L_overlay_start_0:
0x88: {  	s2 =	sld [smem:$0x3FD9]  }
0x89: {  	s3 =	sld [smem:$0x3FFE];
	_ =	sdelay $0x1  }
0x8a: {  	s1 =	srdreg.scid  }
0x8b: {  	s0 =	sand.u32 $0x1, s1  }
0x8c: {  	s17 =	sshll.u32 s0, $0xA;
	s2 =	sadd.s32 s3, s2  }
0x8d: {  	s2 =	sadd.s32 s2, s17  }
0x8e: {  	[smem:$0x3FBD] =	sst s2  }
0x8f: {  	_ = 	snop  }
0x90: {  	s2 =	sld [smem:$0x3FD0];
	(tm) =	ssettm $0x1  }
0x91: {  	s18 =	sld [smem:$0x3FFB];
	_ =	sdelay $0x3  }
0x92: {  	_ =	strace s18  }
0x93: {  	s3 =	sld [smem:$0x3FFC];
	_ =	sdelay $0x3  }
0x94: {  	_ =	strace s3  }
0x95: {  	s3 =	sld [smem:$0x3FFD];
	_ =	sdelay $0x3  }
0x96: {  	_ =	strace s3  }
0x97: {  	_ =	strace $0x8FFFFFFF  }
0x98: {  	s19 =	sld [smem:$0x3FDB];
	_ =	sdelay $0x1  }
0x99: {  	s4 =	simm.s32 $_scs_section_size  }
0x9a: {  	s5 =	simm.s32 $_size__tile_overlayer_lowered;
	s6 =	simm.s32 $_tile_overlayer_lowered  }
0x9b: {  	s22 =	simm.s32 $0x1BFF;
	s21 =	sshll.u32 s6, $0x1;
	s3 =	sadd.s32 s4, s19  }
0x9c: {  	s7 =	simm.s32 $0x0;
	s20 =	sshll.u32 s5, $0x1;
	s5 =	sadd.s32 s21, s3  }
0x9d: {  	[timem:s7], [sflag:s22] =	dma.local [hbm:s5], s20  }
0x9e: {  	_ =	swait.ge [sflag:s22], s20  }
0x9f: {  	s4 =	ssub.s32 $0x0, s20;
	[sflag:s22] =	ssyncset.done $0x0  }
0xa0: {  	[sflag:s22] =	ssyncadd.s32 s4;
	_ =	sdelay $0x1  }
0xa1: {  	s23 =	simm.s32 $0x1B8B  }
0xa2: {  	_ =	swait.ge [sflag:s23], $0x1  }
0xa3: {  	[sflag:s23] =	ssyncset.done $0x0  }
0xa4: {  	s25 =	simm.s32 $0x1B8E;
	s24 =	sld [smem:$0x3FFE];
	[sflag:s23] =	ssyncadd.s32 $0xFFFFFFFF  }
0xa5: {  	s26 =	simm.s32 $execute0_lowered;
	[smem:$0x3FD2] =	sst s25  }
0xa6: {  	s5 =	sshll.u32 s26, $0x1;
	_ =	strace $0x80000049;
	[dreg:$0x1] =	wrdreg $0xFFFFFFFF  }
0xa7: {  	s28 =	simm.s32 $_size_execute0_lowered;
	s3 =	sadd.s32 s3, s5;
	[dreg:$0x0] =	wrdreg $0x0  }
0xa8: {  	s5 =	sshll.u32 s28, $0x1;
	[dreg:$0x2] =	wrdreg s3  }
0xa9: {  	[dreg:$0x3] =	wrdreg s5  }
0xaa: {  	[dreg:$0x4] =	wrdreg $0xC0  }
0xab: {  	_ =	task [dreg:s7], $0x5FFFF  }
0xac: {  	[dreg:$0x1] =	wrdreg $0xFFFFFFFF  }
0xad: {  	[dreg:$0x0] =	wrdreg $0x60  }
0xae: {  	[dreg:$0x2] =	wrdreg s24  }
0xaf: {  	[dreg:$0x3] =	wrdreg s2  }
0xb0: {  	[dreg:$0x4] =	wrdreg $0xD8800  }
0xb1: {  	[dreg:$0x5] =	wrdreg $0x9  }
0xb2: {  	_ =	task.clear_ibuf [dreg:s7], $0x6FFFF;
	_ =	strace $0x90000049  }
0xb3: {  	s29 =	simm.s32 $0x9;
	_ =	strace $0x8000004B  }
0xb4: {  	_ =	swait.ge [sflag:s29], $0x1  }
0xb5: {  	[sflag:s29] =	ssyncadd.s32 $0xFFFFFFFF  }
0xb6: {  	_ =	strace $0x9000004B  }
0xb7: {  	_ =	sfence  }
0xb8: {  	s30 =	sld [smem:$0x0];
	_ =	sdelay $0x2  }
0xb9: {  	s31 =	sshll.u32 s1, $0xD;
	s1 =	sshrl.u32 s1, $0x2  }
0xba: {  	s3 =	sand.u32 $0x4000, s31;
	s1 =	sadd.s32 s1, s30  }
0xbb: {  	s0 =	sor.u32 s3, s0;
	s1 =	sshll.u32 s1, $0x11  }
0xbc: {  	s0 =	sor.u32 s1, s0  }
0xbd: {  	s0 =	sadd.s32 $0x8F2B, s0  }
0xbe: {  	[sflag:s0] =	ssyncadd.remote.s32 $0x1  }
0xbf: {  	_ =	sfence.sel $0xFFFF  }
0xc0: {  	[dreg:$0x0] =	wrdreg $0xFFFFFFFF;
	(pc) =	sbr.abs _section_cstart, $3  }
0xc1: {  	[dreg:$0x1] =	wrdreg $0xFFFFFFFF  }
0xc2: {  	_ =	task.clear_ibuf [dreg:s7], $0x2FFFF;
	_ =	strace $0x9FFFFFFF  }
0xc3: {  	(tm) =	ssettm $0x7FFFFFFF  }
tec
execute0_lowered:
.L_overlay_start_1:
0x0: {  	(tag) =	ssettag $0x1  }
0x1: {  	s0 =	rddreg [dreg:$0x0]  }
0x2: {  	s1 =	rddreg [dreg:$0x1]  }
0x3: {  	s2 =	rddreg [dreg:$0x2]  }
0x4: {  	s3 =	simm.s32 $0x0;
	s16 =	srdreg.scid;
	s20 =	stileid.u32  }
0x5: {  	s28 =	simm.s32 $0x1;
	s29 =	simm.s32 $0x0;
	s30 =	simm.s32 $0x0  }
0x6: {  	[smem:$0x7FF] =	sst s3;
	s9 =	smul.u32 $0x15E00, s20;
	s11 =	sor.u32 $0x10, s20  }
0x7: {  	s4 =	sadd.s32 $0x15C00, s0;
	s13 =	sor.u32 $0x20, s20;
	s10 =	smul.u32 $0x15E00, s11  }
0x8: {  	s6 =	sadd.s32 $0xBE00, s0;
	s14 =	sor.u32 $0x30, s20;
	s12 =	smul.u32 $0x15E00, s13  }
0x9: {  	s3 =	sand.u32 $0x1, s16;
	s17 =	sshll.u32 s20, $0x1;
	s16 =	smul.u32 $0x15E00, s14  }
0xa: {  	s5 =	ssub.s32 $0x2, s3;
	s15 =	sor.u32 s3, s17;
	s3 =	smul.u32 $0x111700, s3  }
0xb: {  	s7 =	sadd.s32 $0x2000, s0;
	s0 =	sadd.s32 $0x3CE00, s0;
	s17 =	smul.u32 $0x5780, s20  }
0xc: {  	p0 =	sgt.u32 s20, $0x1;
	_ =	strace $0x8000004A;
	s23 =	smul.u32 $0x5780, s11  }
0xd: {  	s26 =	smul.u32 $0x5780, s14;
	s8 =	sshrl.u32 s5, $0x1;
	s18 =	sshrl.u32 s9, $0x2  }
0xe: {  	s20 =	simm.s32 $0x2;
	s5 =	ssub.s32 s5, s8;
	s8 =	sadd.s32 s18, s2  }
0xf: {  	s19 =	sshrl.u32 s10, $0x2;
	s21 =	sshrl.u32 s12, $0x2;
	s22 =	sshrl.u32 s16, $0x2  }
0x10: {  	s12 =	smul.u32 $0x2780, s15;
	s24 =	sadd.s32 s17, s3;
	s18 =	sadd.s32 s3, s23  }
0x11: {  	s23 =	sadd.s32 s23, s2;
	s9 =	sadd.s32 s19, s2;
	s10 =	sadd.s32 s21, s2  }
0x12: {  	s11 =	sadd.s32 s22, s2;
	s15 =	sshrl.u32 s24, $0x3;
	s19 =	smul.u32 $0x5780, s13  }
0x13: {  	s25 =	sshrl.u32 s18, $0x3;
	s22 =	sadd.s32 s17, s2;
	s17 =	smax.u32 s5, $0x1  }
0x14: {  	s18 =	simm.s32 $0x8100;
	s21 =	simm.s32 $0x80;
	s23 =	sshrl.u32 s23, $0x3  }
0x15: {  	v0 =	vlaneseq.u32;
	v1 =	vimm.f32 $0.0e+00;
	s13 =	sadd.s32 s0, s15;
	s14 =	sadd.s32 s0, s25;
	s22 =	sshrl.u32 s22, $0x3  }
0x16: {  	v8 =	vimm.s32 $0x0;
	v9 =	vimm.s32 $0x1;
	v10 =	vimm.s32 $0x2;
	s31 =	sadd.s32 s3, s19;
	s3 =	sadd.s32 s3, s26;
	s24 =	sadd.s32 s19, s2  }
0x17: {  	v11 =	vimm.s32 $0x3;
	v12 =	vimm.s32 $0x4;
	v13 =	vimm.s32 $0x5;
	s19 =	simm.s32 $0x4900;
	s15 =	sshrl.u32 s31, $0x3;
	s3 =	sshrl.u32 s3, $0x3  }
0x18: {  	v2 =	vor.u32 $0x10, v0;
	v3 =	vor.u32 $0x20, v0;
	v4 =	vor.u32 $0x30, v0;
	s15 =	sadd.s32 s0, s15;
	s16 =	sadd.s32 s0, s3;
	s0 =	sadd.s32 s26, s2  }
0x19: {  	v5 =	vor.u32 $0x40, v0;
	v6 =	vor.u32 $0x50, v0;
	v7 =	vor.u32 $0x60, v0;
	s24 =	sshrl.u32 s24, $0x3;
	s26 =	simm.s32 $0x900;
	s25 =	sshrl.u32 @!p0 s0, $0x3  }
.LBB2_1:
0x1a: {  	s0 =	simm.s32 $0x0  }
0x1b: {  	v14 =	vmov s0  }
0x1c: {  	v14 =	vmul.u32 $0x70, v14;
	_ =	sdelay $0x1  }
0x1d: {  	v15 =	vbroadcast v14, $0x0;
	_ =	sdelay $0x1  }
0x1e: {  	v16 =	vor.u32 v0, v15  }
0x1f: {  	s31 =	simm.s32 $0x1;
	v19 =	vadd.s32 v2, v15  }
0x20: {  	v14 =	vmov s31;
	v20 =	vadd.s32 v3, v15  }
0x21: {  	v14 =	vmul.u32 $0x70, v14;
	v21 =	vadd.s32 v4, v15  }
0x22: {  	v17 =	vadd.s32 v5, v15  }
0x23: {  	v18 =	vadd.s32 v6, v15;
	v14 =	vbroadcast v14, $0x0;
	[tilespmem:v16+s18+$0x0] =	vst.idx.msk $0xffff, v1  }
0x24: {  	[tilespmem:v19+s18+$0x0] =	vst.idx.msk $0xffff, v1;
	v19 =	vadd.s32 v7, v15  }
0x25: {  	v16 =	vor.u32 v0, v14;
	[tilespmem:v20+s18+$0x0] =	vst.idx.msk $0xffff, v1  }
0x26: {  	s0 =	simm.s32 $0x2;
	v15 =	vadd.s32 v3, v14;
	v20 =	vadd.s32 v2, v14;
	[tilespmem:v21+s18+$0x0] =	vst.idx.msk $0xffff, v1  }
.LBB2_2:
0x27: {  	v21 =	vmov s0;
	p1 =	sne.s32 s0, $0xC7;
	s0 =	sadd.s32 $0x1, s0;
	[tilespmem:v17+s18+$0x0] =	vst.idx.msk $0xffff, v1  }
0x28: {  	v22 =	vadd.s32 v4, v14;
	v21 =	vmul.u32 $0x70, v21;
	[tilespmem:v18+s18+$0x0] =	vst.idx.msk $0xffff, v1  }
.Ltmp0:
0x29: {  	v17 =	vadd.s32 v5, v14;
	[tilespmem:v19+s18+$0x0] =	vst.idx.msk $0xffff, v1;
	(pc) =	sbr.rel @p1 .LBB2_2-.Ltmp0, $4  }
0x2a: {  	v18 =	vadd.s32 v6, v14;
	v21 =	vbroadcast v21, $0x0;
	[tilespmem:v16+s18+$0x0] =	vst.idx.msk $0xffff, v1  }
0x2b: {  	v19 =	vadd.s32 v7, v14;
	[tilespmem:v20+s18+$0x0] =	vst.idx.msk $0xffff, v1  }
0x2c: {  	v16 =	vor.u32 v0, v21;
	[tilespmem:v15+s18+$0x0] =	vst.idx.msk $0xffff, v1;
	v15 =	vadd.s32 v3, v21;
	v14 =	vmov v21  }
0x2d: {  	v20 =	vadd.s32 v2, v14;
	[tilespmem:v22+s18+$0x0] =	vst.idx.msk $0xffff, v1  }
0x2e: {  	_ =	sdelay $0x3  }
0x2f: {  	[tilespmem:v17+s18+$0x0] =	vst.idx.msk $0xffff, v1  }
0x30: {  	v60 =	vadd.s32 v4, v14;
	[tilespmem:v18+s18+$0x0] =	vst.idx.msk $0xffff, v1  }
0x31: {  	v61 =	vadd.s32 v5, v14;
	[tilespmem:v19+s18+$0x0] =	vst.idx.msk $0xffff, v1  }
0x32: {  	v62 =	vadd.s32 v6, v14;
	s0 =	simm.s32 $0x0;
	[tilespmem:v16+s18+$0x0] =	vst.idx.msk $0xffff, v1  }
0x33: {  	v14 =	vadd.s32 v7, v14;
	v63 =	vmov s0;
	[tilespmem:v20+s18+$0x0] =	vst.idx.msk $0xffff, v1  }
0x34: {  	[tilespmem:v15+s18+$0x0] =	vst.idx.msk $0xffff, v1;
	v15 =	vmul.u32 $0x70, v63  }
0x35: {  	[tilespmem:v60+s18+$0x0] =	vst.idx.msk $0xffff, v1  }
0x36: {  	[tilespmem:v61+s18+$0x0] =	vst.idx.msk $0xffff, v1;
	v15 =	vbroadcast v15, $0x0  }
0x37: {  	[tilespmem:v62+s18+$0x0] =	vst.idx.msk $0xffff, v1  }
0x38: {  	s0 =	simm.s32 $0x1;
	[tilespmem:v14+s18+$0x0] =	vst.idx.msk $0xffff, v1;
	v14 =	vadd.s32 v7, v15  }
.LBB2_4:
0x39: {  	v15 =	vmov s0;
	p1 =	sne.s32 s0, $0x7F;
	s0 =	sadd.s32 $0x1, s0  }
.Ltmp1:
0x3a: {  	v15 =	vmul.u32 $0x70, v15;
	(pc) =	sbr.rel @p1 .LBB2_4-.Ltmp1, $4  }
0x3b: {  	_ = 	snop  }
0x3c: {  	v15 =	vbroadcast v15, $0x0  }
0x3d: {  	[tilespmem:v14+s19+$0x0] =	vst.idx.msk $0xffff, v1  }
0x3e: {  	v14 =	vadd.s32 v7, v15  }
0x3f: {  	_ =	sdelay $0x3  }
0x40: {  	[tilespmem:v14+s19+$0x0] =	vst.idx.msk $0xffff, v1  }
0x41: {  	[spmem:s8] =	stream.linear.scatter [tilespmem:s18], [sflag:$0x2], $0x5780, $0x38;
	[tilespmem:$0x1E9F0] =	vst v63  }
0x42: {  	_ =	swait.ge [sflag:s20], $0x5780  }
0x43: {  	[sflag:s20] =	ssyncset.done $0x0  }
0x44: {  	[sflag:s20] =	ssyncadd.s32 $0xFFFFA880  }
0x45: {  	[spmem:s9] =	stream.linear.scatter [tilespmem:s18], [sflag:$0x2], $0x5780, $0x38;
	[tilespmem:$0x1E9F0] =	vst v63  }
0x46: {  	_ =	swait.ge [sflag:s20], $0x5780  }
0x47: {  	[sflag:s20] =	ssyncset.done $0x0  }
0x48: {  	[sflag:s20] =	ssyncadd.s32 $0xFFFFA880  }
0x49: {  	[spmem:s10] =	stream.linear.scatter [tilespmem:s18], [sflag:$0x2], $0x5780, $0x38;
	[tilespmem:$0x1E9F0] =	vst v63  }
0x4a: {  	_ =	swait.ge [sflag:s20], $0x5780  }
0x4b: {  	[sflag:s20] =	ssyncset.done $0x0  }
0x4c: {  	s0 =	simm.s32 @!p0 $0x8100;
	[sflag:s20] =	ssyncadd.s32 $0xFFFFA880  }
0x4d: {  	[spmem:s11] =	stream.linear.scatter @!p0 [tilespmem:s0], [sflag:$0x2], $0x5780, $0x38;
	[tilespmem:$0x1E9F0] =	vst v63  }
0x4e: {  	s0 =	simm.s32 @!p0 $0x2  }
0x4f: {  	_ =	swait.ge @!p0 [sflag:s0], $0x5780  }
0x50: {  	[sflag:s0] =	ssyncset.done @!p0 $0x0  }
0x51: {  	[sflag:s0] =	ssyncadd.s32 @!p0 $0xFFFFA880  }
0x52: {  	s31 =	simm.s32 $0x0;
	[bflag:$0x0] =	sbarrier.arrive $0xFFFF  }
.LBB2_6:
0x53: {  	s0 =	sshll.u32 s31, $0x7  }
0x54: {  	s0 =	sadd.s32 s12, s0  }
0x55: {  	s3 =	sshrl.u32 s0, $0x3  }
0x56: {  	s5 =	sadd.s32 s6, s3  }
0x57: {  	[tilespmem:s30], [sflag:$0x2] =	stream.linear.gather [hbm4b:s5+s30], $0x80, $0x38;
	[tilespmem:$0x1E9F0] =	vst v63  }
0x58: {  	_ =	swait.ge [sflag:s20], $0x80  }
0x59: {  	[sflag:s20] =	ssyncset.done $0x0  }
0x5a: {  	s3 =	sadd.s32 s7, s3;
	[sflag:s20] =	ssyncadd.s32 $0xFFFFFF80  }
0x5b: {  	[tilespmem:s21], [sflag:$0x2] =	stream.linear.gather [hbm4b:s3+s30], $0x80, $0x38;
	[tilespmem:$0x1E9F0] =	vst v63  }
0x5c: {  	_ =	swait.ge [sflag:s20], $0x80  }
0x5d: {  	s0 =	sshll.u32 s0, $0x1;
	[sflag:s20] =	ssyncset.done $0x0  }
0x5e: {  	s5 =	sadd.s32 s1, s0;
	s0 =	simm.s32 $0x100;
	[sflag:s20] =	ssyncadd.s32 $0xFFFFFF80  }
0x5f: {  	[tilespmem:s0], [sflag:$0x2] =	stream.linear.gather [hbm4b:s5+s30], $0x800, $0x38;
	[tilespmem:$0x1E9F0] =	vst v63  }
0x60: {  	_ =	swait.ge [sflag:s20], $0x800  }
0x61: {  	[sflag:s20] =	ssyncset.done $0x0  }
0x62: {  	v14 =	vmov s30;
	[sflag:s20] =	ssyncadd.s32 $0xFFFFF800  }
0x63: {  	v15 =	vshll.u32 v14, $0x7;
	[tilespmem:s26], [sflag:$0x1] =	stream.indirect.gather [hbm4b:s4+s21], $0x80, s30, s21, $0xb8;
	[tilespmem:$0x1E9F0] =	vst v63  }
0x64: {  	v16 =	vor.u32 v0, v15;
	_ =	swait.ge [sflag:s28], $0x4000  }
0x65: {  	[sflag:s28] =	ssyncset.done $0x0  }
0x66: {  	[sflag:s28] =	ssyncadd.s32 $0xFFFFC000  }
0x67: {  	v17 =	vld [tilespmem:s0+$0x0];
	_ =	sdelay $0x1  }
0x68: {  	v14 =	vmul.u32 $0x70, v14;
	v16 =	vld.idx.msk [tilespmem:v16+s26+$0x0], $0xffff;
	_ =	sdelay $0x1  }
0x69: {  	v18 =	vor.u32 v0, v14  }
0x6a: {  	v20 =	vor.u32 v2, v15;
	v19 =	vperm.xlane v17, v8;
	_ =	sdelay $0x1  }
0x6b: {  	v16 =	vmul.f32 v16, v19;
	_ =	sdelay $0x1  }
0x6c: {  	[tilespmem:v18+s19+$0x0] =	vst.idx.msk $0xffff, v16  }
0x6d: {  	v16 =	vld.idx.msk [tilespmem:v20+s26+$0x0], $0xffff;
	_ =	sdelay $0x1  }
0x6e: {  	v18 =	vadd.s32 v2, v14  }
0x6f: {  	v19 =	vperm.xlane v17, v9;
	v20 =	vor.u32 v3, v15;
	_ =	sdelay $0x1  }
0x70: {  	v16 =	vmul.f32 v16, v19;
	_ =	sdelay $0x1  }
0x71: {  	[tilespmem:v18+s19+$0x0] =	vst.idx.msk $0xffff, v16  }
0x72: {  	v16 =	vld.idx.msk [tilespmem:v20+s26+$0x0], $0xffff;
	_ =	sdelay $0x1  }
0x73: {  	v18 =	vadd.s32 v3, v14  }
0x74: {  	v19 =	vperm.xlane v17, v10;
	v20 =	vor.u32 v4, v15;
	_ =	sdelay $0x1  }
0x75: {  	v16 =	vmul.f32 v16, v19;
	_ =	sdelay $0x1  }
0x76: {  	[tilespmem:v18+s19+$0x0] =	vst.idx.msk $0xffff, v16  }
0x77: {  	v16 =	vld.idx.msk [tilespmem:v20+s26+$0x0], $0xffff;
	_ =	sdelay $0x1  }
0x78: {  	v18 =	vadd.s32 v4, v14  }
0x79: {  	v19 =	vperm.xlane v17, v11;
	v20 =	vor.u32 v5, v15;
	_ =	sdelay $0x1  }
0x7a: {  	v16 =	vmul.f32 v16, v19;
	_ =	sdelay $0x1  }
0x7b: {  	[tilespmem:v18+s19+$0x0] =	vst.idx.msk $0xffff, v16  }
0x7c: {  	v16 =	vld.idx.msk [tilespmem:v20+s26+$0x0], $0xffff;
	_ =	sdelay $0x1  }
0x7d: {  	v18 =	vadd.s32 v5, v14  }
0x7e: {  	v15 =	vor.u32 v6, v15;
	v19 =	vperm.xlane v17, v12;
	_ =	sdelay $0x1  }
0x7f: {  	v16 =	vmul.f32 v16, v19;
	_ =	sdelay $0x1  }
0x80: {  	[tilespmem:v18+s19+$0x0] =	vst.idx.msk $0xffff, v16  }
0x81: {  	v18 =	vld.idx.msk [tilespmem:v15+s26+$0x0], $0xffff  }
0x82: {  	s5 =	simm.s32 $0x1  }
0x83: {  	v19 =	vmov s5;
	v16 =	vadd.s32 v6, v14  }
0x84: {  	v20 =	vperm.xlane v17, v13;
	v15 =	vshll.u32 v19, $0x7  }
0x85: {  	v17 =	vor.u32 v0, v15  }
0x86: {  	s3 =	simm.s32 $0x2;
	v14 =	vmul.u32 $0x70, v19;
	v18 =	vmul.f32 v18, v20  }
.LBB2_7:
0x87: {  	p1 =	sne.s32 s3, $0x7F  }
0x88: {  	s0 =	sadd.s32 $0x10, s0;
	s5 =	smov.u32 s3;
	s3 =	sadd.s32 $0x1, s3;
	[tilespmem:v16+s19+$0x0] =	vst.idx.msk $0xffff, v18  }
0x89: {  	v18 =	vld [tilespmem:s0+$0x0]  }
0x8a: {  	v16 =	vld.idx.msk [tilespmem:v17+s26+$0x0], $0xffff;
	_ =	sdelay $0x2  }
0x8b: {  	v17 =	vor.u32 v0, v14  }
0x8c: {  	v20 =	vor.u32 v2, v15;
	v19 =	vperm.xlane v18, v8;
	_ =	sdelay $0x1  }
0x8d: {  	v16 =	vmul.f32 v16, v19;
	_ =	sdelay $0x1  }
0x8e: {  	[tilespmem:v17+s19+$0x0] =	vst.idx.msk $0xffff, v16  }
0x8f: {  	v16 =	vld.idx.msk [tilespmem:v20+s26+$0x0], $0xffff;
	_ =	sdelay $0x2  }
0x90: {  	v17 =	vadd.s32 v2, v14  }
0x91: {  	v19 =	vperm.xlane v18, v9;
	v20 =	vor.u32 v3, v15;
	_ =	sdelay $0x1  }
0x92: {  	v16 =	vmul.f32 v16, v19;
	_ =	sdelay $0x1  }
0x93: {  	[tilespmem:v17+s19+$0x0] =	vst.idx.msk $0xffff, v16  }
0x94: {  	v16 =	vld.idx.msk [tilespmem:v20+s26+$0x0], $0xffff;
	_ =	sdelay $0x2  }
0x95: {  	v17 =	vadd.s32 v3, v14  }
0x96: {  	v19 =	vperm.xlane v18, v10;
	v20 =	vor.u32 v4, v15;
	_ =	sdelay $0x1  }
0x97: {  	v16 =	vmul.f32 v16, v19;
	_ =	sdelay $0x1  }
0x98: {  	[tilespmem:v17+s19+$0x0] =	vst.idx.msk $0xffff, v16  }
0x99: {  	v16 =	vld.idx.msk [tilespmem:v20+s26+$0x0], $0xffff;
	_ =	sdelay $0x2  }
0x9a: {  	v17 =	vadd.s32 v4, v14  }
0x9b: {  	v19 =	vperm.xlane v18, v11;
	v20 =	vor.u32 v5, v15;
	_ =	sdelay $0x1  }
0x9c: {  	v16 =	vmul.f32 v16, v19;
	_ =	sdelay $0x1  }
0x9d: {  	[tilespmem:v17+s19+$0x0] =	vst.idx.msk $0xffff, v16  }
0x9e: {  	v16 =	vld.idx.msk [tilespmem:v20+s26+$0x0], $0xffff;
	_ =	sdelay $0x2  }
0x9f: {  	v17 =	vadd.s32 v5, v14  }
0xa0: {  	v15 =	vor.u32 v6, v15;
	v19 =	vperm.xlane v18, v12;
	_ =	sdelay $0x1  }
0xa1: {  	v16 =	vmul.f32 v16, v19;
	_ =	sdelay $0x1  }
0xa2: {  	[tilespmem:v17+s19+$0x0] =	vst.idx.msk $0xffff, v16  }
0xa3: {  	v19 =	vld.idx.msk [tilespmem:v15+s26+$0x0], $0xffff;
	_ =	sdelay $0x1  }
.Ltmp2:
0xa4: {  	(pc) =	sbr.rel @p1 .LBB2_7-.Ltmp2, $4  }
0xa5: {  	v17 =	vmov s5;
	v16 =	vadd.s32 v6, v14  }
0xa6: {  	v18 =	vperm.xlane v18, v13;
	v15 =	vshll.u32 v17, $0x7;
	v14 =	vmul.u32 $0x70, v17  }
0xa7: {  	v17 =	vor.u32 v0, v15  }
0xa8: {  	v18 =	vmul.f32 v19, v18  }
0xa9: {  	_ =	sdelay $0x3  }
0xaa: {  	s0 =	sadd.s32 $0x10, s0;
	[tilespmem:v16+s19+$0x0] =	vst.idx.msk $0xffff, v18  }
0xab: {  	v16 =	vld [tilespmem:s0+$0x0];
	_ =	sdelay $0x1  }
0xac: {  	v17 =	vld.idx.msk [tilespmem:v17+s26+$0x0], $0xffff;
	_ =	sdelay $0x1  }
0xad: {  	v52 =	vor.u32 v0, v14  }
0xae: {  	v20 =	vor.u32 v2, v15;
	v19 =	vperm.xlane v16, v8;
	_ =	sdelay $0x1  }
0xaf: {  	v17 =	vmul.f32 v17, v19;
	_ =	sdelay $0x1  }
0xb0: {  	[tilespmem:v52+s19+$0x0] =	vst.idx.msk $0xffff, v17  }
0xb1: {  	v17 =	vld.idx.msk [tilespmem:v20+s26+$0x0], $0xffff;
	_ =	sdelay $0x1  }
0xb2: {  	v53 =	vadd.s32 v2, v14  }
0xb3: {  	v55 =	vor.u32 v3, v15;
	v54 =	vperm.xlane v16, v9;
	_ =	sdelay $0x1  }
0xb4: {  	v17 =	vmul.f32 v17, v54;
	_ =	sdelay $0x1  }
0xb5: {  	[tilespmem:v53+s19+$0x0] =	vst.idx.msk $0xffff, v17  }
0xb6: {  	v17 =	vld.idx.msk [tilespmem:v55+s26+$0x0], $0xffff;
	_ =	sdelay $0x1  }
0xb7: {  	v56 =	vadd.s32 v3, v14  }
0xb8: {  	v58 =	vor.u32 v4, v15;
	v57 =	vperm.xlane v16, v10;
	_ =	sdelay $0x1  }
0xb9: {  	v17 =	vmul.f32 v17, v57;
	_ =	sdelay $0x1  }
0xba: {  	[tilespmem:v56+s19+$0x0] =	vst.idx.msk $0xffff, v17  }
0xbb: {  	v17 =	vld.idx.msk [tilespmem:v58+s26+$0x0], $0xffff;
	_ =	sdelay $0x1  }
0xbc: {  	v59 =	vadd.s32 v4, v14  }
0xbd: {  	v61 =	vor.u32 v5, v15;
	v60 =	vperm.xlane v16, v11;
	_ =	sdelay $0x1  }
0xbe: {  	v17 =	vmul.f32 v17, v60;
	_ =	sdelay $0x1  }
0xbf: {  	[tilespmem:v59+s19+$0x0] =	vst.idx.msk $0xffff, v17  }
0xc0: {  	v17 =	vld.idx.msk [tilespmem:v61+s26+$0x0], $0xffff;
	_ =	sdelay $0x1  }
0xc1: {  	v62 =	vadd.s32 v5, v14  }
0xc2: {  	v15 =	vor.u32 v6, v15;
	v63 =	vperm.xlane v16, v12;
	_ =	sdelay $0x1  }
0xc3: {  	v17 =	vmul.f32 v17, v63;
	_ =	sdelay $0x1  }
0xc4: {  	[tilespmem:v62+s19+$0x0] =	vst.idx.msk $0xffff, v17  }
0xc5: {  	v15 =	vld.idx.msk [tilespmem:v15+s26+$0x0], $0xffff;
	_ =	sdelay $0x1  }
0xc6: {  	v14 =	vadd.s32 v6, v14  }
0xc7: {  	v16 =	vperm.xlane v16, v13;
	_ =	sdelay $0x1  }
0xc8: {  	s31 =	sadd.s32 $0x1, s31;
	v15 =	vmul.f32 v15, v16  }
0xc9: {  	p1 =	sne.s32 s31, $0x4F  }
.Ltmp3:
0xca: {  	[tilespmem:v14+s19+$0x0] =	vst.idx.msk $0xffff, v15;
	(pc) =	sbr.rel @p1 .LBB2_6-.Ltmp3, $4  }
0xcb: {  	[spmem:s2] =	stream.indirect.scatter.add.f32 [tilespmem:s19], [sflag:$0x2], $0x70, s21, s21, $0xb8;
	[tilespmem:$0x1E9F0] =	vst v63  }
0xcc: {  	_ =	swait.ge [sflag:s20], $0x3800  }
0xcd: {  	[sflag:s20] =	ssyncset.done $0x0  }
0xce: {  	[sflag:s20] =	ssyncadd.s32 $0xFFFFC800  }
0xcf: {  	s0 =	stileid.u32  }
0xd0: {  	s0 =	sshll.u32 s0, $0x6  }
0xd1: {  	[bflag:$0x0] =	sbarrier.arrive $0xFFFF;
	s0 =	sor.u32 $0x1C02, s0  }
0xd2: {  	[hbm:s13], [sflag:s0] =	dma.local [spmem:s22], $0xAF0  }
0xd3: {  	_ =	swait.ge [sflag:s20], $0xAF0  }
0xd4: {  	[sflag:s20] =	ssyncset.done $0x0  }
0xd5: {  	[sflag:s20] =	ssyncadd.s32 $0xFFFFF510  }
0xd6: {  	[hbm:s14], [sflag:s0] =	dma.local [spmem:s23], $0xAF0  }
0xd7: {  	_ =	swait.ge [sflag:s20], $0xAF0  }
0xd8: {  	[sflag:s20] =	ssyncset.done $0x0  }
0xd9: {  	[sflag:s20] =	ssyncadd.s32 $0xFFFFF510  }
0xda: {  	[hbm:s15], [sflag:s0] =	dma.local [spmem:s24], $0xAF0  }
0xdb: {  	_ =	swait.ge [sflag:s20], $0xAF0  }
0xdc: {  	s29 =	sadd.s32 $0x1, s29;
	[sflag:s20] =	ssyncset.done $0x0  }
0xdd: {  	p1 =	sne.s32 s29, s17;
	[sflag:s20] =	ssyncadd.s32 $0xFFFFF510  }
0xde: {  	[hbm:s16], [sflag:s0] =	dma.local @!p0 [spmem:s25], $0xAF0  }
.Ltmp4:
0xdf: {  	_ = 	snop;
	(pc) =	sbr.rel @p1 .LBB2_1-.Ltmp4, $4  }
0xe0: {  	s0 =	simm.s32 @!p0 $0x2  }
0xe1: {  	_ =	swait.ge @!p0 [sflag:s0], $0xAF0  }
0xe2: {  	[sflag:s0] =	ssyncset.done @!p0 $0x0  }
0xe3: {  	[sflag:s0] =	ssyncadd.s32 @!p0 $0xFFFFF510  }
0xe4: {  	_ =	sfence.sel $0x180000  }
0xe5: {  	[bflag:$0x0] =	sbarrier.arrive $0xFFFF  }
0xe6: {  	_ =	strace $0x9000004A  }
0xe7: {  	s0 =	stileid.u32;
	[bflag:$0x2] =	sbarrier.arrive $0xFFFF  }
0xe8: {  	p0 =	sne.s32 s0, $0x0;
	s0 =	rddreg [dreg:$0x3]  }
0xe9: {  	s0 =	sadd.s32 @!p0 $0x100000, s0  }
0xea: {  	[sflag:s0] =	ssyncadd.tile.s32 @!p0 $0x1;
	_ =	shalt  }
.Lfunc_end2:
_tile_overlayer_lowered:
.L_overlay_start_2:
0xeb: {  	(tag) =	ssettag $0x2  }
0xec: {  	s0 =	rddreg [dreg:$0x0];
	s2 =	stileid.u32  }
0xed: {  	s1 =	rddreg [dreg:$0x1];
	p0 =	sne.s32 s2, $0x0  }
0xee: {  	s3 =	rddreg [dreg:$0x2];
	[bflag:$0x3] =	sbarrier.arrive $0xFFFF;
	s2 =	simm.s32 @!p0 $0x1C02  }
0xef: {  	[timem:s3], [sflag:s2] =	dma.local @!p0 [hbm:s0], s1  }
0xf0: {  	s0 =	simm.s32 @!p0 $0x2  }
0xf1: {  	_ =	swait.ge @!p0 [sflag:s0], s1  }
0xf2: {  	s1 =	ssub.s32 @!p0 $0x0, s1;
	[sflag:s0] =	ssyncset.done @!p0 $0x0  }
0xf3: {  	[sflag:s0] =	ssyncadd.s32 @!p0 s1  }
0xf4: {  	[bflag:$0x3] =	sbarrier.arrive $0xFFFF  }
0xf5: {  	_ =	shalt  }

// kernel: kernel.18.cloned.1.call-start
scs
__scs_entry_jumppad:
0x0: {  	(pc) =	sbr.rel $0x88, $3  }
0x1: {  	(tag) =	ssettag $0x0;
	lr =	simm.s32 $0x1  }
0x2: {  	[smem:$0x3F96] =	sst lr;
	_ =	strace $0xD0000000  }
0x3: {  	_ = 	snop  }
0x4: {  	_ = 	snop  }
0x5: {  	_ = 	snop  }
0x6: {  	_ = 	snop  }
0x7: {  	_ = 	snop  }
__scs_overlays_trampoline_lowered:
0x8: {  	[smem:$0x3FA5] =	sst s0  }
0x9: {  	[smem:$0x3FA6] =	sst s1  }
0xa: {  	[smem:$0x3FA7] =	sst s2  }
0xb: {  	[smem:$0x3FA8] =	sst s3  }
0xc: {  	[smem:$0x3FA9] =	sst s4  }
0xd: {  	[smem:$0x3FAA] =	sst s5  }
0xe: {  	[smem:$0x3FAB] =	sst s6  }
0xf: {  	[smem:$0x3FAC] =	sst s7  }
0x10: {  	[smem:$0x3FAD] =	sst s8  }
0x11: {  	[smem:$0x3FAE] =	sst s9;
	s0 =	simm.s32 @!p0 $0x0  }
0x12: {  	s1 =	sld [smem:$0x3F94];
	s0 =	simm.s32 @p0 $0x1  }
0x13: {  	[smem:$0x3FAF] =	sst s0;
	s0 =	simm.s32 @!p1 $0x0  }
0x14: {  	s2 =	sld [smem:$0x3F93];
	s0 =	simm.s32 @p1 $0x1  }
0x15: {  	[smem:$0x3FB0] =	sst s0;
	s0 =	simm.s32 @!p2 $0x0  }
0x16: {  	s3 =	sld [smem:$0x3FDB];
	s0 =	simm.s32 @p2 $0x1  }
0x17: {  	s4 =	simm.s32 $0x1BF5;
	[smem:$0x3FB2] =	sst s0  }
0x18: {  	s0 =	sld [smem:$0x3F95];
	_ =	swait.ge [sflag:s4], $0x0  }
0x19: {  	s7 =	sld [smem:$0x3F96]  }
0x1a: {  	s8 =	sadd.s32 $0xFFFFE003, lr  }
0x1b: {  	s9 =	sadd.s32 $0xFFFFFEF7, lr;
	s5 =	simm.s32 $0xFFFFFFFF;
	p2 =	slt.u32 s8, $0xFFFFF086  }
0x1c: {  	p1 =	slt.u32 s9, $0xF7A;
	s5 =	simm.s32 @!p2 $0x0  }
0x1d: {  	s5 =	simm.s32 @p1 $0x1;
	p0 =	seq.s32 s7, s2  }
0x1e: {  	s7 =	smul.u32 @!p0 $0xF7A, s2;
	p2 =	seq.s32 @!p0 s5, $0x0  }
0x1f: {  	s9 =	smul.u32 $0xF7A, s1;
	s8 =	simm.s32 @!p0 $0x1BF5;
	p2 =	por !p2, p0  }
0x20: {  	[sflag:s8] =	ssyncset.s32 @!p0 $0xFFFFF086;
	s6 =	sadd.s32 @!p0 s3, s7;
	s7 =	simm.s32 @!p0 $0x108  }
0x21: {  	s3 =	sadd.s32 s3, s9;
	s6 =	sadd.s32 @!p0 $0x88, s6;
	s7 =	simm.s32 @p2 $0x1082  }
0x22: {  	[simem:s7], [sflag:s8] =	dma.local @!p0 [hbm:s6], $0xF7A  }
0x23: {  	s9 =	sor.u32 $0xD0000000, s2;
	s6 =	simm.s32 $0x108;
	_ =	swait.ge @!p0 [sflag:s8], $0x0  }
0x24: {  	s3 =	sadd.s32 $0x88, s3;
	s6 =	simm.s32 @!p1 $0x1082;
	[sflag:s4] =	ssyncset.s32 $0xFFFFF086  }
0x25: {  	[simem:s6], [sflag:s4] =	dma.local [hbm:s3], $0xF7A  }
0x26: {  	[smem:$0x3F96] =	sst s1;
	(tag) =	ssettag s2;
	_ =	strace s9  }
0x27: {  	s1 =	sld [smem:$0x3FA6]  }
0x28: {  	s2 =	sld [smem:$0x3FA7]  }
0x29: {  	s4 =	sld [smem:$0x3FA9]  }
0x2a: {  	p0 =	seq.s32 s5, $0x0;
	s5 =	sld [smem:$0x3FAA]  }
0x2b: {  	s6 =	sld [smem:$0x3FAB]  }
0x2c: {  	s7 =	sld [smem:$0x3FAC]  }
0x2d: {  	s3 =	simm.s32 $0x108;
	s8 =	sld [smem:$0x3FAD]  }
0x2e: {  	s3 =	simm.s32 @!p0 $0x1082;
	s9 =	sld [smem:$0x3FAE]  }
0x2f: {  	lr =	sadd.s32 s0, s3;
	s0 =	sld [smem:$0x3FA5]  }
0x30: {  	s3 =	sld [smem:$0x3FA8]  }
0x31: {  	[smem:$0x3FB1] =	sst s10  }
0x32: {  	s10 =	sld [smem:$0x3FAF];
	_ =	sdelay $0x3  }
0x33: {  	p0 =	seq.s32 s10, $0x1;
	s10 =	sld [smem:$0x3FB1];
	_ =	sdelay $0x3  }
0x34: {  	[smem:$0x3FB1] =	sst s10  }
0x35: {  	s10 =	sld [smem:$0x3FB0];
	_ =	sdelay $0x3  }
0x36: {  	p1 =	seq.s32 s10, $0x1;
	s10 =	sld [smem:$0x3FB1];
	_ =	sdelay $0x3  }
0x37: {  	[smem:$0x3FB1] =	sst s10  }
0x38: {  	s10 =	sld [smem:$0x3FB2]  }
0x39: {  	_ = 	snop;
	(pc) =	sbr.ind lr, $3  }
0x3a: {  	_ = 	snop  }
0x3b: {  	_ = 	snop  }
0x3c: {  	p2 =	seq.s32 s10, $0x1;
	s10 =	sld [smem:$0x3FB1]  }
0x3d: {  	_ =	shalt  }
0x3e: {  	_ =	shalt  }
0x3f: {  	_ =	shalt  }
0x40: {  	_ =	shalt  }
0x41: {  	_ =	shalt  }
0x42: {  	_ =	shalt  }
0x43: {  	_ =	shalt  }
0x44: {  	_ =	shalt  }
0x45: {  	_ =	shalt  }
0x46: {  	_ =	shalt  }
0x47: {  	_ =	shalt  }
0x48: {  	_ =	shalt  }
0x49: {  	_ =	shalt  }
0x4a: {  	_ =	shalt  }
0x4b: {  	_ =	shalt  }
0x4c: {  	_ =	shalt  }
0x4d: {  	_ =	shalt  }
0x4e: {  	_ =	shalt  }
0x4f: {  	_ =	shalt  }
0x50: {  	_ =	shalt  }
0x51: {  	_ =	shalt  }
0x52: {  	_ =	shalt  }
0x53: {  	_ =	shalt  }
0x54: {  	_ =	shalt  }
0x55: {  	_ =	shalt  }
0x56: {  	_ =	shalt  }
0x57: {  	_ =	shalt  }
0x58: {  	_ =	shalt  }
0x59: {  	_ =	shalt  }
0x5a: {  	_ =	shalt  }
0x5b: {  	_ =	shalt  }
0x5c: {  	_ =	shalt  }
0x5d: {  	_ =	shalt  }
0x5e: {  	_ =	shalt  }
0x5f: {  	_ =	shalt  }
0x60: {  	_ =	shalt  }
0x61: {  	_ =	shalt  }
0x62: {  	_ =	shalt  }
0x63: {  	_ =	shalt  }
0x64: {  	_ =	shalt  }
0x65: {  	_ =	shalt  }
0x66: {  	_ =	shalt  }
0x67: {  	_ =	shalt  }
0x68: {  	_ =	shalt  }
0x69: {  	_ =	shalt  }
0x6a: {  	_ =	shalt  }
0x6b: {  	_ =	shalt  }
0x6c: {  	_ =	shalt  }
0x6d: {  	_ =	shalt  }
0x6e: {  	_ =	shalt  }
0x6f: {  	_ =	shalt  }
0x70: {  	_ =	shalt  }
0x71: {  	_ =	shalt  }
0x72: {  	_ =	shalt  }
0x73: {  	_ =	shalt  }
0x74: {  	_ =	shalt  }
0x75: {  	_ =	shalt  }
0x76: {  	_ =	shalt  }
0x77: {  	_ =	shalt  }
0x78: {  	_ =	shalt  }
0x79: {  	_ =	shalt  }
0x7a: {  	_ =	shalt  }
0x7b: {  	_ =	shalt  }
0x7c: {  	_ =	shalt  }
0x7d: {  	_ =	shalt  }
0x7e: {  	_ =	shalt  }
0x7f: {  	_ =	shalt  }
0x80: {  	_ =	shalt  }
0x81: {  	_ =	shalt  }
0x82: {  	_ =	shalt  }
0x83: {  	_ =	shalt  }
0x84: {  	_ =	shalt  }
0x85: {  	_ =	shalt  }
0x86: {  	_ =	shalt  }
0x87: {  	_ =	shalt  }
.Lfunc_end0:
.L_simem_size_0:
called_computation.2_lowered:
.L_overlay_start_0:
0x88: {  	s2 =	sld [smem:$0x3FD9]  }
0x89: {  	s3 =	sld [smem:$0x3FFE];
	_ =	sdelay $0x1  }
0x8a: {  	s1 =	srdreg.scid  }
0x8b: {  	s0 =	sand.u32 $0x1, s1  }
0x8c: {  	s17 =	sshll.u32 s0, $0xA;
	s2 =	sadd.s32 s3, s2  }
0x8d: {  	s2 =	sadd.s32 s2, s17  }
0x8e: {  	[smem:$0x3FBD] =	sst s2  }
0x8f: {  	_ = 	snop  }
0x90: {  	s2 =	sld [smem:$0x3FD0];
	(tm) =	ssettm $0x1  }
0x91: {  	s18 =	sld [smem:$0x3FFB];
	_ =	sdelay $0x3  }
0x92: {  	_ =	strace s18  }
0x93: {  	s3 =	sld [smem:$0x3FFC];
	_ =	sdelay $0x3  }
0x94: {  	_ =	strace s3  }
0x95: {  	s3 =	sld [smem:$0x3FFD];
	_ =	sdelay $0x3  }
0x96: {  	_ =	strace s3  }
0x97: {  	_ =	strace $0x8FFFFFFF  }
0x98: {  	s19 =	sld [smem:$0x3FDB];
	_ =	sdelay $0x1  }
0x99: {  	s4 =	simm.s32 $_scs_section_size  }
0x9a: {  	s5 =	simm.s32 $_size__tile_overlayer_lowered;
	s6 =	simm.s32 $_tile_overlayer_lowered  }
0x9b: {  	s22 =	simm.s32 $0x1BFF;
	s21 =	sshll.u32 s6, $0x1;
	s3 =	sadd.s32 s4, s19  }
0x9c: {  	s7 =	simm.s32 $0x0;
	s20 =	sshll.u32 s5, $0x1;
	s5 =	sadd.s32 s21, s3  }
0x9d: {  	[timem:s7], [sflag:s22] =	dma.local [hbm:s5], s20  }
0x9e: {  	_ =	swait.ge [sflag:s22], s20  }
0x9f: {  	s4 =	ssub.s32 $0x0, s20;
	[sflag:s22] =	ssyncset.done $0x0  }
0xa0: {  	[sflag:s22] =	ssyncadd.s32 s4;
	_ =	sdelay $0x1  }
0xa1: {  	s23 =	simm.s32 $0x1B8B  }
0xa2: {  	_ =	swait.ge [sflag:s23], $0x1  }
0xa3: {  	[sflag:s23] =	ssyncset.done $0x0  }
0xa4: {  	s25 =	simm.s32 $0x1B8E;
	s24 =	sld [smem:$0x3FFE];
	[sflag:s23] =	ssyncadd.s32 $0xFFFFFFFF  }
0xa5: {  	s26 =	simm.s32 $execute0_lowered;
	[smem:$0x3FD2] =	sst s25  }
0xa6: {  	s5 =	sshll.u32 s26, $0x1;
	_ =	strace $0x8000004C;
	[dreg:$0x1] =	wrdreg $0xFFFFFFFF  }
0xa7: {  	s28 =	simm.s32 $_size_execute0_lowered;
	s3 =	sadd.s32 s3, s5;
	[dreg:$0x0] =	wrdreg $0x0  }
0xa8: {  	s5 =	sshll.u32 s28, $0x1;
	[dreg:$0x2] =	wrdreg s3  }
0xa9: {  	[dreg:$0x3] =	wrdreg s5  }
0xaa: {  	[dreg:$0x4] =	wrdreg $0xC0  }
0xab: {  	_ =	task [dreg:s7], $0x5FFFF  }
0xac: {  	[dreg:$0x1] =	wrdreg $0xFFFFFFFF  }
0xad: {  	[dreg:$0x0] =	wrdreg $0x60  }
0xae: {  	[dreg:$0x2] =	wrdreg s24  }
0xaf: {  	[dreg:$0x3] =	wrdreg s2  }
0xb0: {  	[dreg:$0x4] =	wrdreg $0xD8800  }
0xb1: {  	[dreg:$0x5] =	wrdreg $0x9  }
0xb2: {  	_ =	task.clear_ibuf [dreg:s7], $0x6FFFF;
	_ =	strace $0x9000004C  }
0xb3: {  	s29 =	simm.s32 $0x9;
	_ =	strace $0x8000004E  }
0xb4: {  	_ =	swait.ge [sflag:s29], $0x1  }
0xb5: {  	[sflag:s29] =	ssyncadd.s32 $0xFFFFFFFF  }
0xb6: {  	_ =	strace $0x9000004E  }
0xb7: {  	_ =	sfence  }
0xb8: {  	s30 =	sld [smem:$0x0];
	_ =	sdelay $0x2  }
0xb9: {  	s31 =	sshll.u32 s1, $0xD;
	s1 =	sshrl.u32 s1, $0x2  }
0xba: {  	s3 =	sand.u32 $0x4000, s31;
	s1 =	sadd.s32 s1, s30  }
0xbb: {  	s0 =	sor.u32 s3, s0;
	s1 =	sshll.u32 s1, $0x11  }
0xbc: {  	s0 =	sor.u32 s1, s0  }
0xbd: {  	s0 =	sadd.s32 $0x8F2B, s0  }
0xbe: {  	[sflag:s0] =	ssyncadd.remote.s32 $0x1  }
0xbf: {  	_ =	sfence.sel $0xFFFF  }
0xc0: {  	[dreg:$0x0] =	wrdreg $0xFFFFFFFF;
	(pc) =	sbr.abs _section_cstart, $3  }
0xc1: {  	[dreg:$0x1] =	wrdreg $0xFFFFFFFF  }
0xc2: {  	_ =	task.clear_ibuf [dreg:s7], $0x2FFFF;
	_ =	strace $0x9FFFFFFF  }
0xc3: {  	(tm) =	ssettm $0x7FFFFFFF  }
tec
execute0_lowered:
.L_overlay_start_1:
0x0: {  	(tag) =	ssettag $0x1  }
0x1: {  	s0 =	rddreg [dreg:$0x0]  }
0x2: {  	s1 =	rddreg [dreg:$0x1]  }
0x3: {  	s2 =	rddreg [dreg:$0x2]  }
0x4: {  	s3 =	simm.s32 $0x0;
	s16 =	srdreg.scid;
	s20 =	stileid.u32  }
0x5: {  	s28 =	simm.s32 $0x1;
	s29 =	simm.s32 $0x0;
	s30 =	simm.s32 $0x0  }
0x6: {  	[smem:$0x7FF] =	sst s3;
	s9 =	smul.u32 $0x15E00, s20;
	s11 =	sor.u32 $0x10, s20  }
0x7: {  	s4 =	sadd.s32 $0x15C00, s0;
	s13 =	sor.u32 $0x20, s20;
	s10 =	smul.u32 $0x15E00, s11  }
0x8: {  	s6 =	sadd.s32 $0x2000, s0;
	s14 =	sor.u32 $0x30, s20;
	s12 =	smul.u32 $0x15E00, s13  }
0x9: {  	s3 =	sand.u32 $0x1, s16;
	s17 =	sshll.u32 s20, $0x1;
	s16 =	smul.u32 $0x15E00, s14  }
0xa: {  	s5 =	ssub.s32 $0x2, s3;
	s15 =	sor.u32 s3, s17;
	s3 =	smul.u32 $0x111700, s3  }
0xb: {  	s7 =	sadd.s32 $0xBE00, s0;
	s0 =	sadd.s32 $0x3CE00, s0;
	s17 =	smul.u32 $0x5780, s20  }
0xc: {  	p0 =	sgt.u32 s20, $0x1;
	_ =	strace $0x8000004D;
	s23 =	smul.u32 $0x5780, s11  }
0xd: {  	s26 =	smul.u32 $0x5780, s14;
	s8 =	sshrl.u32 s5, $0x1;
	s18 =	sshrl.u32 s9, $0x2  }
0xe: {  	s20 =	simm.s32 $0x2;
	s5 =	ssub.s32 s5, s8;
	s8 =	sadd.s32 s18, s2  }
0xf: {  	s19 =	sshrl.u32 s10, $0x2;
	s21 =	sshrl.u32 s12, $0x2;
	s22 =	sshrl.u32 s16, $0x2  }
0x10: {  	s12 =	smul.u32 $0x2780, s15;
	s24 =	sadd.s32 s17, s3;
	s18 =	sadd.s32 s3, s23  }
0x11: {  	s23 =	sadd.s32 s23, s2;
	s9 =	sadd.s32 s19, s2;
	s10 =	sadd.s32 s21, s2  }
0x12: {  	s11 =	sadd.s32 s22, s2;
	s15 =	sshrl.u32 s24, $0x3;
	s19 =	smul.u32 $0x5780, s13  }
0x13: {  	s25 =	sshrl.u32 s18, $0x3;
	s22 =	sadd.s32 s17, s2;
	s17 =	smax.u32 s5, $0x1  }
0x14: {  	s18 =	simm.s32 $0x8100;
	s21 =	simm.s32 $0x80;
	s23 =	sshrl.u32 s23, $0x3  }
0x15: {  	v0 =	vlaneseq.u32;
	v1 =	vimm.f32 $0.0e+00;
	v8 =	vimm.s32 $0x0;
	s13 =	sadd.s32 s0, s15;
	s14 =	sadd.s32 s0, s25;
	s22 =	sshrl.u32 s22, $0x3  }
0x16: {  	v9 =	vimm.s32 $0x1;
	v10 =	vimm.s32 $0x2;
	v11 =	vimm.s32 $0x3;
	s31 =	sadd.s32 s3, s19;
	s3 =	sadd.s32 s3, s26;
	s24 =	sadd.s32 s19, s2  }
0x17: {  	v12 =	vimm.s32 $0x4;
	v13 =	vimm.s32 $0x5;
	v14 =	vimm.s32 $0x6;
	s19 =	simm.s32 $0x4900;
	s15 =	sshrl.u32 s31, $0x3;
	s3 =	sshrl.u32 s3, $0x3  }
0x18: {  	v2 =	vor.u32 $0x10, v0;
	v3 =	vor.u32 $0x20, v0;
	v4 =	vor.u32 $0x30, v0;
	s15 =	sadd.s32 s0, s15;
	s16 =	sadd.s32 s0, s3;
	s0 =	sadd.s32 s26, s2  }
0x19: {  	v5 =	vor.u32 $0x40, v0;
	v6 =	vor.u32 $0x50, v0;
	v7 =	vor.u32 $0x60, v0;
	s24 =	sshrl.u32 s24, $0x3;
	s26 =	simm.s32 $0x900;
	s25 =	sshrl.u32 @!p0 s0, $0x3  }
.LBB2_1:
0x1a: {  	s0 =	simm.s32 $0x0  }
0x1b: {  	v15 =	vmov s0  }
0x1c: {  	v15 =	vmul.u32 $0x70, v15;
	_ =	sdelay $0x1  }
0x1d: {  	v16 =	vbroadcast v15, $0x0;
	_ =	sdelay $0x1  }
0x1e: {  	v17 =	vor.u32 v0, v16  }
0x1f: {  	s31 =	simm.s32 $0x1;
	v20 =	vadd.s32 v2, v16  }
0x20: {  	v15 =	vmov s31;
	v21 =	vadd.s32 v3, v16  }
0x21: {  	v15 =	vmul.u32 $0x70, v15;
	v22 =	vadd.s32 v4, v16  }
0x22: {  	v18 =	vadd.s32 v5, v16  }
0x23: {  	v19 =	vadd.s32 v6, v16;
	v15 =	vbroadcast v15, $0x0;
	[tilespmem:v17+s18+$0x0] =	vst.idx.msk $0xffff, v1  }
0x24: {  	[tilespmem:v20+s18+$0x0] =	vst.idx.msk $0xffff, v1;
	v20 =	vadd.s32 v7, v16  }
0x25: {  	v17 =	vor.u32 v0, v15;
	[tilespmem:v21+s18+$0x0] =	vst.idx.msk $0xffff, v1  }
0x26: {  	s0 =	simm.s32 $0x2;
	v16 =	vadd.s32 v3, v15;
	v21 =	vadd.s32 v2, v15;
	[tilespmem:v22+s18+$0x0] =	vst.idx.msk $0xffff, v1  }
.LBB2_2:
0x27: {  	v22 =	vmov s0;
	p1 =	sne.s32 s0, $0xC7;
	s0 =	sadd.s32 $0x1, s0;
	[tilespmem:v18+s18+$0x0] =	vst.idx.msk $0xffff, v1  }
0x28: {  	v23 =	vadd.s32 v4, v15;
	v22 =	vmul.u32 $0x70, v22;
	[tilespmem:v19+s18+$0x0] =	vst.idx.msk $0xffff, v1  }
.Ltmp0:
0x29: {  	v18 =	vadd.s32 v5, v15;
	[tilespmem:v20+s18+$0x0] =	vst.idx.msk $0xffff, v1;
	(pc) =	sbr.rel @p1 .LBB2_2-.Ltmp0, $4  }
0x2a: {  	v19 =	vadd.s32 v6, v15;
	v22 =	vbroadcast v22, $0x0;
	[tilespmem:v17+s18+$0x0] =	vst.idx.msk $0xffff, v1  }
0x2b: {  	v20 =	vadd.s32 v7, v15;
	[tilespmem:v21+s18+$0x0] =	vst.idx.msk $0xffff, v1  }
0x2c: {  	v17 =	vor.u32 v0, v22;
	[tilespmem:v16+s18+$0x0] =	vst.idx.msk $0xffff, v1;
	v16 =	vadd.s32 v3, v22;
	v15 =	vmov v22  }
0x2d: {  	v21 =	vadd.s32 v2, v15;
	[tilespmem:v23+s18+$0x0] =	vst.idx.msk $0xffff, v1  }
0x2e: {  	_ =	sdelay $0x3  }
0x2f: {  	[tilespmem:v18+s18+$0x0] =	vst.idx.msk $0xffff, v1  }
0x30: {  	v61 =	vadd.s32 v4, v15;
	[tilespmem:v19+s18+$0x0] =	vst.idx.msk $0xffff, v1  }
0x31: {  	v62 =	vadd.s32 v5, v15;
	[tilespmem:v20+s18+$0x0] =	vst.idx.msk $0xffff, v1  }
0x32: {  	s0 =	simm.s32 $0x0;
	[tilespmem:v17+s18+$0x0] =	vst.idx.msk $0xffff, v1;
	v17 =	vadd.s32 v6, v15  }
0x33: {  	v63 =	vmov s0;
	v15 =	vadd.s32 v7, v15;
	[tilespmem:v21+s18+$0x0] =	vst.idx.msk $0xffff, v1  }
0x34: {  	[tilespmem:v16+s18+$0x0] =	vst.idx.msk $0xffff, v1;
	v16 =	vmul.u32 $0x70, v63  }
0x35: {  	[tilespmem:v61+s18+$0x0] =	vst.idx.msk $0xffff, v1  }
0x36: {  	[tilespmem:v62+s18+$0x0] =	vst.idx.msk $0xffff, v1;
	v16 =	vbroadcast v16, $0x0  }
0x37: {  	[tilespmem:v17+s18+$0x0] =	vst.idx.msk $0xffff, v1  }
0x38: {  	s0 =	simm.s32 $0x1;
	[tilespmem:v15+s18+$0x0] =	vst.idx.msk $0xffff, v1;
	v15 =	vadd.s32 v7, v16  }
.LBB2_4:
0x39: {  	v16 =	vmov s0;
	p1 =	sne.s32 s0, $0x7F;
	s0 =	sadd.s32 $0x1, s0  }
.Ltmp1:
0x3a: {  	v16 =	vmul.u32 $0x70, v16;
	(pc) =	sbr.rel @p1 .LBB2_4-.Ltmp1, $4  }
0x3b: {  	_ = 	snop  }
0x3c: {  	v16 =	vbroadcast v16, $0x0  }
0x3d: {  	[tilespmem:v15+s19+$0x0] =	vst.idx.msk $0xffff, v1  }
0x3e: {  	v15 =	vadd.s32 v7, v16  }
0x3f: {  	_ =	sdelay $0x3  }
0x40: {  	[tilespmem:v15+s19+$0x0] =	vst.idx.msk $0xffff, v1  }
0x41: {  	[spmem:s8] =	stream.linear.scatter [tilespmem:s18], [sflag:$0x2], $0x5780, $0x38;
	[tilespmem:$0x1E9F0] =	vst v63  }
0x42: {  	_ =	swait.ge [sflag:s20], $0x5780  }
0x43: {  	[sflag:s20] =	ssyncset.done $0x0  }
0x44: {  	[sflag:s20] =	ssyncadd.s32 $0xFFFFA880  }
0x45: {  	[spmem:s9] =	stream.linear.scatter [tilespmem:s18], [sflag:$0x2], $0x5780, $0x38;
	[tilespmem:$0x1E9F0] =	vst v63  }
0x46: {  	_ =	swait.ge [sflag:s20], $0x5780  }
0x47: {  	[sflag:s20] =	ssyncset.done $0x0  }
0x48: {  	[sflag:s20] =	ssyncadd.s32 $0xFFFFA880  }
0x49: {  	[spmem:s10] =	stream.linear.scatter [tilespmem:s18], [sflag:$0x2], $0x5780, $0x38;
	[tilespmem:$0x1E9F0] =	vst v63  }
0x4a: {  	_ =	swait.ge [sflag:s20], $0x5780  }
0x4b: {  	[sflag:s20] =	ssyncset.done $0x0  }
0x4c: {  	s0 =	simm.s32 @!p0 $0x8100;
	[sflag:s20] =	ssyncadd.s32 $0xFFFFA880  }
0x4d: {  	[spmem:s11] =	stream.linear.scatter @!p0 [tilespmem:s0], [sflag:$0x2], $0x5780, $0x38;
	[tilespmem:$0x1E9F0] =	vst v63  }
0x4e: {  	s0 =	simm.s32 @!p0 $0x2  }
0x4f: {  	_ =	swait.ge @!p0 [sflag:s0], $0x5780  }
0x50: {  	[sflag:s0] =	ssyncset.done @!p0 $0x0  }
0x51: {  	[sflag:s0] =	ssyncadd.s32 @!p0 $0xFFFFA880  }
0x52: {  	s31 =	simm.s32 $0x0;
	[bflag:$0x0] =	sbarrier.arrive $0xFFFF  }
.LBB2_6:
0x53: {  	s0 =	sshll.u32 s31, $0x7  }
0x54: {  	s0 =	sadd.s32 s12, s0  }
0x55: {  	s3 =	sshrl.u32 s0, $0x3  }
0x56: {  	s5 =	sadd.s32 s6, s3  }
0x57: {  	[tilespmem:s30], [sflag:$0x2] =	stream.linear.gather [hbm4b:s5+s30], $0x80, $0x38;
	[tilespmem:$0x1E9F0] =	vst v63  }
0x58: {  	_ =	swait.ge [sflag:s20], $0x80  }
0x59: {  	[sflag:s20] =	ssyncset.done $0x0  }
0x5a: {  	s3 =	sadd.s32 s7, s3;
	[sflag:s20] =	ssyncadd.s32 $0xFFFFFF80  }
0x5b: {  	[tilespmem:s21], [sflag:$0x2] =	stream.linear.gather [hbm4b:s3+s30], $0x80, $0x38;
	[tilespmem:$0x1E9F0] =	vst v63  }
0x5c: {  	_ =	swait.ge [sflag:s20], $0x80  }
0x5d: {  	s0 =	sshll.u32 s0, $0x1;
	[sflag:s20] =	ssyncset.done $0x0  }
0x5e: {  	s5 =	sadd.s32 s1, s0;
	s0 =	simm.s32 $0x100;
	[sflag:s20] =	ssyncadd.s32 $0xFFFFFF80  }
0x5f: {  	[tilespmem:s0], [sflag:$0x2] =	stream.linear.gather [hbm4b:s5+s30], $0x800, $0x38;
	[tilespmem:$0x1E9F0] =	vst v63  }
0x60: {  	_ =	swait.ge [sflag:s20], $0x800  }
0x61: {  	[sflag:s20] =	ssyncset.done $0x0  }
0x62: {  	v15 =	vmov s30;
	[sflag:s20] =	ssyncadd.s32 $0xFFFFF800  }
0x63: {  	v16 =	vshll.u32 v15, $0x7;
	[tilespmem:s26], [sflag:$0x1] =	stream.indirect.gather [hbm4b:s4+s21], $0x80, s30, s21, $0xb8;
	[tilespmem:$0x1E9F0] =	vst v63  }
0x64: {  	v17 =	vor.u32 v0, v16;
	_ =	swait.ge [sflag:s28], $0x4000  }
0x65: {  	[sflag:s28] =	ssyncset.done $0x0  }
0x66: {  	[sflag:s28] =	ssyncadd.s32 $0xFFFFC000  }
0x67: {  	v19 =	vld [tilespmem:s0+$0x0];
	_ =	sdelay $0x1  }
0x68: {  	v15 =	vmul.u32 $0x70, v15;
	v17 =	vld.idx.msk [tilespmem:v17+s26+$0x0], $0xffff;
	_ =	sdelay $0x1  }
0x69: {  	v18 =	vor.u32 v0, v15  }
0x6a: {  	v21 =	vor.u32 v2, v16;
	v20 =	vperm.xlane v19, v8;
	_ =	sdelay $0x1  }
0x6b: {  	v17 =	vmul.f32 v17, v20;
	_ =	sdelay $0x1  }
0x6c: {  	[tilespmem:v18+s19+$0x0] =	vst.idx.msk $0xffff, v17  }
0x6d: {  	v17 =	vld.idx.msk [tilespmem:v21+s26+$0x0], $0xffff;
	_ =	sdelay $0x1  }
0x6e: {  	v18 =	vadd.s32 v2, v15  }
0x6f: {  	v60 =	vor.u32 v3, v16;
	v20 =	vperm.xlane v19, v9;
	_ =	sdelay $0x1  }
0x70: {  	v17 =	vmul.f32 v17, v20;
	_ =	sdelay $0x1  }
0x71: {  	[tilespmem:v18+s19+$0x0] =	vst.idx.msk $0xffff, v17  }
0x72: {  	v17 =	vld.idx.msk [tilespmem:v60+s26+$0x0], $0xffff;
	_ =	sdelay $0x1  }
0x73: {  	v18 =	vadd.s32 v3, v15  }
0x74: {  	v61 =	vor.u32 v4, v16;
	v20 =	vperm.xlane v19, v10;
	_ =	sdelay $0x1  }
0x75: {  	v17 =	vmul.f32 v17, v20;
	_ =	sdelay $0x1  }
0x76: {  	[tilespmem:v18+s19+$0x0] =	vst.idx.msk $0xffff, v17  }
0x77: {  	v17 =	vld.idx.msk [tilespmem:v61+s26+$0x0], $0xffff;
	_ =	sdelay $0x1  }
0x78: {  	v18 =	vadd.s32 v4, v15  }
0x79: {  	v62 =	vor.u32 v5, v16;
	v20 =	vperm.xlane v19, v11;
	_ =	sdelay $0x1  }
0x7a: {  	v17 =	vmul.f32 v17, v20;
	_ =	sdelay $0x1  }
0x7b: {  	[tilespmem:v18+s19+$0x0] =	vst.idx.msk $0xffff, v17  }
0x7c: {  	v17 =	vld.idx.msk [tilespmem:v62+s26+$0x0], $0xffff;
	_ =	sdelay $0x1  }
0x7d: {  	v18 =	vadd.s32 v5, v15  }
0x7e: {  	v16 =	vor.u32 v6, v16;
	v20 =	vperm.xlane v19, v12;
	_ =	sdelay $0x1  }
0x7f: {  	v17 =	vmul.f32 v17, v20;
	_ =	sdelay $0x1  }
0x80: {  	[tilespmem:v18+s19+$0x0] =	vst.idx.msk $0xffff, v17  }
0x81: {  	v16 =	vld.idx.msk [tilespmem:v16+s26+$0x0], $0xffff;
	_ =	sdelay $0x1  }
0x82: {  	v20 =	vadd.s32 v6, v15  }
0x83: {  	s5 =	simm.s32 $0x1;
	v17 =	vperm.xlane v19, v13  }
0x84: {  	v63 =	vmov s5;
	v18 =	vadd.s32 v7, v15  }
0x85: {  	v22 =	vmul.f32 v16, v17;
	v16 =	vshll.u32 v63, $0x7  }
0x86: {  	v17 =	vor.u32 v0, v16  }
0x87: {  	s3 =	simm.s32 $0x2;
	v15 =	vmul.u32 $0x70, v63;
	v19 =	vperm.xlane v19, v14;
	[tilespmem:v20+s19+$0x0] =	vst.idx.msk $0xffff, v22  }
.LBB2_7:
0x88: {  	p1 =	sne.s32 s3, $0x7F  }
0x89: {  	[tilespmem:v18+s19+$0x0] =	vst.idx.msk $0xffff, v19;
	s0 =	sadd.s32 $0x10, s0;
	s5 =	smov.u32 s3;
	s3 =	sadd.s32 $0x1, s3  }
0x8a: {  	v19 =	vld [tilespmem:s0+$0x0]  }
0x8b: {  	v17 =	vld.idx.msk [tilespmem:v17+s26+$0x0], $0xffff;
	_ =	sdelay $0x2  }
0x8c: {  	v18 =	vor.u32 v0, v15  }
0x8d: {  	v21 =	vor.u32 v2, v16;
	v20 =	vperm.xlane v19, v8;
	_ =	sdelay $0x1  }
0x8e: {  	v17 =	vmul.f32 v17, v20;
	_ =	sdelay $0x1  }
0x8f: {  	[tilespmem:v18+s19+$0x0] =	vst.idx.msk $0xffff, v17  }
0x90: {  	v17 =	vld.idx.msk [tilespmem:v21+s26+$0x0], $0xffff;
	_ =	sdelay $0x2  }
0x91: {  	v18 =	vadd.s32 v2, v15  }
0x92: {  	v20 =	vperm.xlane v19, v9;
	v21 =	vor.u32 v3, v16;
	_ =	sdelay $0x1  }
0x93: {  	v17 =	vmul.f32 v17, v20;
	_ =	sdelay $0x1  }
0x94: {  	[tilespmem:v18+s19+$0x0] =	vst.idx.msk $0xffff, v17  }
0x95: {  	v17 =	vld.idx.msk [tilespmem:v21+s26+$0x0], $0xffff;
	_ =	sdelay $0x2  }
0x96: {  	v18 =	vadd.s32 v3, v15  }
0x97: {  	v20 =	vperm.xlane v19, v10;
	v21 =	vor.u32 v4, v16;
	_ =	sdelay $0x1  }
0x98: {  	v17 =	vmul.f32 v17, v20;
	_ =	sdelay $0x1  }
0x99: {  	[tilespmem:v18+s19+$0x0] =	vst.idx.msk $0xffff, v17  }
0x9a: {  	v17 =	vld.idx.msk [tilespmem:v21+s26+$0x0], $0xffff;
	_ =	sdelay $0x2  }
0x9b: {  	v18 =	vadd.s32 v4, v15  }
0x9c: {  	v20 =	vperm.xlane v19, v11;
	v21 =	vor.u32 v5, v16;
	_ =	sdelay $0x1  }
0x9d: {  	v17 =	vmul.f32 v17, v20;
	_ =	sdelay $0x1  }
0x9e: {  	[tilespmem:v18+s19+$0x0] =	vst.idx.msk $0xffff, v17  }
0x9f: {  	v17 =	vld.idx.msk [tilespmem:v21+s26+$0x0], $0xffff;
	_ =	sdelay $0x2  }
0xa0: {  	v18 =	vadd.s32 v5, v15  }
0xa1: {  	v16 =	vor.u32 v6, v16;
	v20 =	vperm.xlane v19, v12;
	_ =	sdelay $0x1  }
0xa2: {  	v17 =	vmul.f32 v17, v20;
	_ =	sdelay $0x1  }
0xa3: {  	[tilespmem:v18+s19+$0x0] =	vst.idx.msk $0xffff, v17  }
0xa4: {  	v20 =	vld.idx.msk [tilespmem:v16+s26+$0x0], $0xffff;
	_ =	sdelay $0x2  }
0xa5: {  	v21 =	vadd.s32 v6, v15  }
.Ltmp2:
0xa6: {  	v22 =	vperm.xlane v19, v13;
	v17 =	vmov s5;
	v18 =	vadd.s32 v7, v15;
	(pc) =	sbr.rel @p1 .LBB2_7-.Ltmp2, $4  }
0xa7: {  	v16 =	vshll.u32 v17, $0x7;
	v15 =	vmul.u32 $0x70, v17  }
0xa8: {  	v17 =	vor.u32 v0, v16;
	v20 =	vmul.f32 v20, v22  }
0xa9: {  	v19 =	vperm.xlane v19, v14  }
0xaa: {  	[tilespmem:v21+s19+$0x0] =	vst.idx.msk $0xffff, v20  }
0xab: {  	_ =	sdelay $0x3  }
0xac: {  	[tilespmem:v18+s19+$0x0] =	vst.idx.msk $0xffff, v19;
	s0 =	sadd.s32 $0x10, s0  }
0xad: {  	v18 =	vld [tilespmem:s0+$0x0];
	_ =	sdelay $0x1  }
0xae: {  	v17 =	vld.idx.msk [tilespmem:v17+s26+$0x0], $0xffff;
	_ =	sdelay $0x1  }
0xaf: {  	v49 =	vor.u32 v0, v15  }
0xb0: {  	v21 =	vor.u32 v2, v16;
	v20 =	vperm.xlane v18, v8;
	_ =	sdelay $0x1  }
0xb1: {  	v17 =	vmul.f32 v17, v20;
	_ =	sdelay $0x1  }
0xb2: {  	[tilespmem:v49+s19+$0x0] =	vst.idx.msk $0xffff, v17  }
0xb3: {  	v17 =	vld.idx.msk [tilespmem:v21+s26+$0x0], $0xffff;
	_ =	sdelay $0x1  }
0xb4: {  	v50 =	vadd.s32 v2, v15  }
0xb5: {  	v52 =	vor.u32 v3, v16;
	v51 =	vperm.xlane v18, v9;
	_ =	sdelay $0x1  }
0xb6: {  	v17 =	vmul.f32 v17, v51;
	_ =	sdelay $0x1  }
0xb7: {  	[tilespmem:v50+s19+$0x0] =	vst.idx.msk $0xffff, v17  }
0xb8: {  	v17 =	vld.idx.msk [tilespmem:v52+s26+$0x0], $0xffff;
	_ =	sdelay $0x1  }
0xb9: {  	v53 =	vadd.s32 v3, v15  }
0xba: {  	v55 =	vor.u32 v4, v16;
	v54 =	vperm.xlane v18, v10;
	_ =	sdelay $0x1  }
0xbb: {  	v17 =	vmul.f32 v17, v54;
	_ =	sdelay $0x1  }
0xbc: {  	[tilespmem:v53+s19+$0x0] =	vst.idx.msk $0xffff, v17  }
0xbd: {  	v17 =	vld.idx.msk [tilespmem:v55+s26+$0x0], $0xffff;
	_ =	sdelay $0x1  }
0xbe: {  	v56 =	vadd.s32 v4, v15  }
0xbf: {  	v58 =	vor.u32 v5, v16;
	v57 =	vperm.xlane v18, v11;
	_ =	sdelay $0x1  }
0xc0: {  	v17 =	vmul.f32 v17, v57;
	_ =	sdelay $0x1  }
0xc1: {  	[tilespmem:v56+s19+$0x0] =	vst.idx.msk $0xffff, v17  }
0xc2: {  	v17 =	vld.idx.msk [tilespmem:v58+s26+$0x0], $0xffff;
	_ =	sdelay $0x1  }
0xc3: {  	v59 =	vadd.s32 v5, v15  }
0xc4: {  	v61 =	vor.u32 v6, v16;
	v60 =	vperm.xlane v18, v12;
	_ =	sdelay $0x1  }
0xc5: {  	v17 =	vmul.f32 v17, v60;
	_ =	sdelay $0x1  }
0xc6: {  	[tilespmem:v59+s19+$0x0] =	vst.idx.msk $0xffff, v17  }
0xc7: {  	v16 =	vld.idx.msk [tilespmem:v61+s26+$0x0], $0xffff;
	_ =	sdelay $0x1  }
0xc8: {  	v62 =	vadd.s32 v6, v15  }
0xc9: {  	v15 =	vadd.s32 v7, v15;
	v63 =	vperm.xlane v18, v13;
	_ =	sdelay $0x1  }
0xca: {  	v16 =	vmul.f32 v16, v63  }
0xcb: {  	s31 =	sadd.s32 $0x1, s31;
	v18 =	vperm.xlane v18, v14  }
0xcc: {  	p1 =	sne.s32 s31, $0x4F;
	[tilespmem:v62+s19+$0x0] =	vst.idx.msk $0xffff, v16  }
.Ltmp3:
0xcd: {  	[tilespmem:v15+s19+$0x0] =	vst.idx.msk $0xffff, v18;
	(pc) =	sbr.rel @p1 .LBB2_6-.Ltmp3, $4  }
0xce: {  	[spmem:s2] =	stream.indirect.scatter.add.f32 [tilespmem:s19], [sflag:$0x2], $0x70, s21, s21, $0xb8;
	[tilespmem:$0x1E9F0] =	vst v63  }
0xcf: {  	_ =	swait.ge [sflag:s20], $0x3800  }
0xd0: {  	[sflag:s20] =	ssyncset.done $0x0  }
0xd1: {  	[sflag:s20] =	ssyncadd.s32 $0xFFFFC800  }
0xd2: {  	s0 =	stileid.u32  }
0xd3: {  	s0 =	sshll.u32 s0, $0x6  }
0xd4: {  	[bflag:$0x0] =	sbarrier.arrive $0xFFFF;
	s0 =	sor.u32 $0x1C02, s0  }
0xd5: {  	[hbm:s13], [sflag:s0] =	dma.local [spmem:s22], $0xAF0  }
0xd6: {  	_ =	swait.ge [sflag:s20], $0xAF0  }
0xd7: {  	[sflag:s20] =	ssyncset.done $0x0  }
0xd8: {  	[sflag:s20] =	ssyncadd.s32 $0xFFFFF510  }
0xd9: {  	[hbm:s14], [sflag:s0] =	dma.local [spmem:s23], $0xAF0  }
0xda: {  	_ =	swait.ge [sflag:s20], $0xAF0  }
0xdb: {  	[sflag:s20] =	ssyncset.done $0x0  }
0xdc: {  	[sflag:s20] =	ssyncadd.s32 $0xFFFFF510  }
0xdd: {  	[hbm:s15], [sflag:s0] =	dma.local [spmem:s24], $0xAF0  }
0xde: {  	_ =	swait.ge [sflag:s20], $0xAF0  }
0xdf: {  	s29 =	sadd.s32 $0x1, s29;
	[sflag:s20] =	ssyncset.done $0x0  }
0xe0: {  	p1 =	sne.s32 s29, s17;
	[sflag:s20] =	ssyncadd.s32 $0xFFFFF510  }
0xe1: {  	[hbm:s16], [sflag:s0] =	dma.local @!p0 [spmem:s25], $0xAF0  }
.Ltmp4:
0xe2: {  	_ = 	snop;
	(pc) =	sbr.rel @p1 .LBB2_1-.Ltmp4, $4  }
0xe3: {  	s0 =	simm.s32 @!p0 $0x2  }
0xe4: {  	_ =	swait.ge @!p0 [sflag:s0], $0xAF0  }
0xe5: {  	[sflag:s0] =	ssyncset.done @!p0 $0x0  }
0xe6: {  	[sflag:s0] =	ssyncadd.s32 @!p0 $0xFFFFF510  }
0xe7: {  	_ =	sfence.sel $0x180000  }
0xe8: {  	[bflag:$0x0] =	sbarrier.arrive $0xFFFF  }
0xe9: {  	_ =	strace $0x9000004D  }
0xea: {  	s0 =	stileid.u32;
	[bflag:$0x2] =	sbarrier.arrive $0xFFFF  }
0xeb: {  	p0 =	sne.s32 s0, $0x0;
	s0 =	rddreg [dreg:$0x3]  }
0xec: {  	s0 =	sadd.s32 @!p0 $0x100000, s0  }
0xed: {  	[sflag:s0] =	ssyncadd.tile.s32 @!p0 $0x1;
	_ =	shalt  }
.Lfunc_end2:
_tile_overlayer_lowered:
.L_overlay_start_2:
0xee: {  	(tag) =	ssettag $0x2  }
0xef: {  	s0 =	rddreg [dreg:$0x0];
	s2 =	stileid.u32  }
0xf0: {  	s1 =	rddreg [dreg:$0x1];
	p0 =	sne.s32 s2, $0x0  }
0xf1: {  	s3 =	rddreg [dreg:$0x2];
	[bflag:$0x3] =	sbarrier.arrive $0xFFFF;
	s2 =	simm.s32 @!p0 $0x1C02  }
0xf2: {  	[timem:s3], [sflag:s2] =	dma.local @!p0 [hbm:s0], s1  }
0xf3: {  	s0 =	simm.s32 @!p0 $0x2  }
0xf4: {  	_ =	swait.ge @!p0 [sflag:s0], s1  }
0xf5: {  	s1 =	ssub.s32 @!p0 $0x0, s1;
	[sflag:s0] =	ssyncset.done @!p0 $0x0  }
0xf6: {  	[sflag:s0] =	ssyncadd.s32 @!p0 s1  }
0xf7: {  	[bflag:$0x3] =	sbarrier.arrive $0xFFFF  }
0xf8: {  	_ =	shalt  }

// kernel: kernel.21.cloned.1.call-start
scs
__scs_entry_jumppad:
0x0: {  	(pc) =	sbr.rel $0x88, $3  }
0x1: {  	(tag) =	ssettag $0x0;
	lr =	simm.s32 $0x1  }
0x2: {  	[smem:$0x3F96] =	sst lr;
	_ =	strace $0xD0000000  }
0x3: {  	_ = 	snop  }
0x4: {  	_ = 	snop  }
0x5: {  	_ = 	snop  }
0x6: {  	_ = 	snop  }
0x7: {  	_ = 	snop  }
__scs_overlays_trampoline_lowered:
0x8: {  	[smem:$0x3FA5] =	sst s0  }
0x9: {  	[smem:$0x3FA6] =	sst s1  }
0xa: {  	[smem:$0x3FA7] =	sst s2  }
0xb: {  	[smem:$0x3FA8] =	sst s3  }
0xc: {  	[smem:$0x3FA9] =	sst s4  }
0xd: {  	[smem:$0x3FAA] =	sst s5  }
0xe: {  	[smem:$0x3FAB] =	sst s6  }
0xf: {  	[smem:$0x3FAC] =	sst s7  }
0x10: {  	[smem:$0x3FAD] =	sst s8  }
0x11: {  	[smem:$0x3FAE] =	sst s9;
	s0 =	simm.s32 @!p0 $0x0  }
0x12: {  	s1 =	sld [smem:$0x3F94];
	s0 =	simm.s32 @p0 $0x1  }
0x13: {  	[smem:$0x3FAF] =	sst s0;
	s0 =	simm.s32 @!p1 $0x0  }
0x14: {  	s2 =	sld [smem:$0x3F93];
	s0 =	simm.s32 @p1 $0x1  }
0x15: {  	[smem:$0x3FB0] =	sst s0;
	s0 =	simm.s32 @!p2 $0x0  }
0x16: {  	s3 =	sld [smem:$0x3FDB];
	s0 =	simm.s32 @p2 $0x1  }
0x17: {  	s4 =	simm.s32 $0x1BF5;
	[smem:$0x3FB2] =	sst s0  }
0x18: {  	s0 =	sld [smem:$0x3F95];
	_ =	swait.ge [sflag:s4], $0x0  }
0x19: {  	s7 =	sld [smem:$0x3F96]  }
0x1a: {  	s8 =	sadd.s32 $0xFFFFE003, lr  }
0x1b: {  	s9 =	sadd.s32 $0xFFFFFEF7, lr;
	s5 =	simm.s32 $0xFFFFFFFF;
	p2 =	slt.u32 s8, $0xFFFFF086  }
0x1c: {  	p1 =	slt.u32 s9, $0xF7A;
	s5 =	simm.s32 @!p2 $0x0  }
0x1d: {  	s5 =	simm.s32 @p1 $0x1;
	p0 =	seq.s32 s7, s2  }
0x1e: {  	s7 =	smul.u32 @!p0 $0xF7A, s2;
	p2 =	seq.s32 @!p0 s5, $0x0  }
0x1f: {  	s9 =	smul.u32 $0xF7A, s1;
	s8 =	simm.s32 @!p0 $0x1BF5;
	p2 =	por !p2, p0  }
0x20: {  	[sflag:s8] =	ssyncset.s32 @!p0 $0xFFFFF086;
	s6 =	sadd.s32 @!p0 s3, s7;
	s7 =	simm.s32 @!p0 $0x108  }
0x21: {  	s3 =	sadd.s32 s3, s9;
	s6 =	sadd.s32 @!p0 $0x88, s6;
	s7 =	simm.s32 @p2 $0x1082  }
0x22: {  	[simem:s7], [sflag:s8] =	dma.local @!p0 [hbm:s6], $0xF7A  }
0x23: {  	s9 =	sor.u32 $0xD0000000, s2;
	s6 =	simm.s32 $0x108;
	_ =	swait.ge @!p0 [sflag:s8], $0x0  }
0x24: {  	s3 =	sadd.s32 $0x88, s3;
	s6 =	simm.s32 @!p1 $0x1082;
	[sflag:s4] =	ssyncset.s32 $0xFFFFF086  }
0x25: {  	[simem:s6], [sflag:s4] =	dma.local [hbm:s3], $0xF7A  }
0x26: {  	[smem:$0x3F96] =	sst s1;
	(tag) =	ssettag s2;
	_ =	strace s9  }
0x27: {  	s1 =	sld [smem:$0x3FA6]  }
0x28: {  	s2 =	sld [smem:$0x3FA7]  }
0x29: {  	s4 =	sld [smem:$0x3FA9]  }
0x2a: {  	p0 =	seq.s32 s5, $0x0;
	s5 =	sld [smem:$0x3FAA]  }
0x2b: {  	s6 =	sld [smem:$0x3FAB]  }
0x2c: {  	s7 =	sld [smem:$0x3FAC]  }
0x2d: {  	s3 =	simm.s32 $0x108;
	s8 =	sld [smem:$0x3FAD]  }
0x2e: {  	s3 =	simm.s32 @!p0 $0x1082;
	s9 =	sld [smem:$0x3FAE]  }
0x2f: {  	lr =	sadd.s32 s0, s3;
	s0 =	sld [smem:$0x3FA5]  }
0x30: {  	s3 =	sld [smem:$0x3FA8]  }
0x31: {  	[smem:$0x3FB1] =	sst s10  }
0x32: {  	s10 =	sld [smem:$0x3FAF];
	_ =	sdelay $0x3  }
0x33: {  	p0 =	seq.s32 s10, $0x1;
	s10 =	sld [smem:$0x3FB1];
	_ =	sdelay $0x3  }
0x34: {  	[smem:$0x3FB1] =	sst s10  }
0x35: {  	s10 =	sld [smem:$0x3FB0];
	_ =	sdelay $0x3  }
0x36: {  	p1 =	seq.s32 s10, $0x1;
	s10 =	sld [smem:$0x3FB1];
	_ =	sdelay $0x3  }
0x37: {  	[smem:$0x3FB1] =	sst s10  }
0x38: {  	s10 =	sld [smem:$0x3FB2]  }
0x39: {  	_ = 	snop;
	(pc) =	sbr.ind lr, $3  }
0x3a: {  	_ = 	snop  }
0x3b: {  	_ = 	snop  }
0x3c: {  	p2 =	seq.s32 s10, $0x1;
	s10 =	sld [smem:$0x3FB1]  }
0x3d: {  	_ =	shalt  }
0x3e: {  	_ =	shalt  }
0x3f: {  	_ =	shalt  }
0x40: {  	_ =	shalt  }
0x41: {  	_ =	shalt  }
0x42: {  	_ =	shalt  }
0x43: {  	_ =	shalt  }
0x44: {  	_ =	shalt  }
0x45: {  	_ =	shalt  }
0x46: {  	_ =	shalt  }
0x47: {  	_ =	shalt  }
0x48: {  	_ =	shalt  }
0x49: {  	_ =	shalt  }
0x4a: {  	_ =	shalt  }
0x4b: {  	_ =	shalt  }
0x4c: {  	_ =	shalt  }
0x4d: {  	_ =	shalt  }
0x4e: {  	_ =	shalt  }
0x4f: {  	_ =	shalt  }
0x50: {  	_ =	shalt  }
0x51: {  	_ =	shalt  }
0x52: {  	_ =	shalt  }
0x53: {  	_ =	shalt  }
0x54: {  	_ =	shalt  }
0x55: {  	_ =	shalt  }
0x56: {  	_ =	shalt  }
0x57: {  	_ =	shalt  }
0x58: {  	_ =	shalt  }
0x59: {  	_ =	shalt  }
0x5a: {  	_ =	shalt  }
0x5b: {  	_ =	shalt  }
0x5c: {  	_ =	shalt  }
0x5d: {  	_ =	shalt  }
0x5e: {  	_ =	shalt  }
0x5f: {  	_ =	shalt  }
0x60: {  	_ =	shalt  }
0x61: {  	_ =	shalt  }
0x62: {  	_ =	shalt  }
0x63: {  	_ =	shalt  }
0x64: {  	_ =	shalt  }
0x65: {  	_ =	shalt  }
0x66: {  	_ =	shalt  }
0x67: {  	_ =	shalt  }
0x68: {  	_ =	shalt  }
0x69: {  	_ =	shalt  }
0x6a: {  	_ =	shalt  }
0x6b: {  	_ =	shalt  }
0x6c: {  	_ =	shalt  }
0x6d: {  	_ =	shalt  }
0x6e: {  	_ =	shalt  }
0x6f: {  	_ =	shalt  }
0x70: {  	_ =	shalt  }
0x71: {  	_ =	shalt  }
0x72: {  	_ =	shalt  }
0x73: {  	_ =	shalt  }
0x74: {  	_ =	shalt  }
0x75: {  	_ =	shalt  }
0x76: {  	_ =	shalt  }
0x77: {  	_ =	shalt  }
0x78: {  	_ =	shalt  }
0x79: {  	_ =	shalt  }
0x7a: {  	_ =	shalt  }
0x7b: {  	_ =	shalt  }
0x7c: {  	_ =	shalt  }
0x7d: {  	_ =	shalt  }
0x7e: {  	_ =	shalt  }
0x7f: {  	_ =	shalt  }
0x80: {  	_ =	shalt  }
0x81: {  	_ =	shalt  }
0x82: {  	_ =	shalt  }
0x83: {  	_ =	shalt  }
0x84: {  	_ =	shalt  }
0x85: {  	_ =	shalt  }
0x86: {  	_ =	shalt  }
0x87: {  	_ =	shalt  }
.Lfunc_end0:
.L_simem_size_0:
called_computation.3_lowered:
.L_overlay_start_0:
0x88: {  	s2 =	sld [smem:$0x3FD9]  }
0x89: {  	s3 =	sld [smem:$0x3FFE];
	_ =	sdelay $0x1  }
0x8a: {  	s1 =	srdreg.scid  }
0x8b: {  	s0 =	sand.u32 $0x1, s1  }
0x8c: {  	s17 =	sshll.u32 s0, $0xA;
	s2 =	sadd.s32 s3, s2  }
0x8d: {  	s2 =	sadd.s32 s2, s17  }
0x8e: {  	[smem:$0x3FBD] =	sst s2  }
0x8f: {  	_ = 	snop  }
0x90: {  	s2 =	sld [smem:$0x3FD0];
	(tm) =	ssettm $0x1  }
0x91: {  	s18 =	sld [smem:$0x3FFB];
	_ =	sdelay $0x3  }
0x92: {  	_ =	strace s18  }
0x93: {  	s3 =	sld [smem:$0x3FFC];
	_ =	sdelay $0x3  }
0x94: {  	_ =	strace s3  }
0x95: {  	s3 =	sld [smem:$0x3FFD];
	_ =	sdelay $0x3  }
0x96: {  	_ =	strace s3  }
0x97: {  	_ =	strace $0x8FFFFFFF  }
0x98: {  	s19 =	sld [smem:$0x3FDB];
	_ =	sdelay $0x1  }
0x99: {  	s4 =	simm.s32 $_scs_section_size  }
0x9a: {  	s5 =	simm.s32 $_size__tile_overlayer_lowered;
	s6 =	simm.s32 $_tile_overlayer_lowered  }
0x9b: {  	s22 =	simm.s32 $0x1BFF;
	s21 =	sshll.u32 s6, $0x1;
	s3 =	sadd.s32 s4, s19  }
0x9c: {  	s7 =	simm.s32 $0x0;
	s20 =	sshll.u32 s5, $0x1;
	s5 =	sadd.s32 s21, s3  }
0x9d: {  	[timem:s7], [sflag:s22] =	dma.local [hbm:s5], s20  }
0x9e: {  	_ =	swait.ge [sflag:s22], s20  }
0x9f: {  	s4 =	ssub.s32 $0x0, s20;
	[sflag:s22] =	ssyncset.done $0x0  }
0xa0: {  	[sflag:s22] =	ssyncadd.s32 s4;
	_ =	sdelay $0x1  }
0xa1: {  	s23 =	simm.s32 $0x1B8B  }
0xa2: {  	_ =	swait.ge [sflag:s23], $0x1  }
0xa3: {  	[sflag:s23] =	ssyncset.done $0x0  }
0xa4: {  	s25 =	simm.s32 $0x1B8E;
	s24 =	sld [smem:$0x3FFE];
	[sflag:s23] =	ssyncadd.s32 $0xFFFFFFFF  }
0xa5: {  	s26 =	simm.s32 $execute0_lowered;
	[smem:$0x3FD2] =	sst s25  }
0xa6: {  	s5 =	sshll.u32 s26, $0x1;
	_ =	strace $0x8000004F;
	[dreg:$0x1] =	wrdreg $0xFFFFFFFF  }
0xa7: {  	s28 =	simm.s32 $_size_execute0_lowered;
	s3 =	sadd.s32 s3, s5;
	[dreg:$0x0] =	wrdreg $0x0  }
0xa8: {  	s5 =	sshll.u32 s28, $0x1;
	[dreg:$0x2] =	wrdreg s3  }
0xa9: {  	[dreg:$0x3] =	wrdreg s5  }
0xaa: {  	[dreg:$0x4] =	wrdreg $0xC0  }
0xab: {  	_ =	task [dreg:s7], $0x5FFFF  }
0xac: {  	[dreg:$0x1] =	wrdreg $0xFFFFFFFF  }
0xad: {  	[dreg:$0x0] =	wrdreg $0x60  }
0xae: {  	[dreg:$0x2] =	wrdreg s24  }
0xaf: {  	[dreg:$0x3] =	wrdreg s2  }
0xb0: {  	[dreg:$0x4] =	wrdreg $0xD8800  }
0xb1: {  	[dreg:$0x5] =	wrdreg $0x9  }
0xb2: {  	_ =	task.clear_ibuf [dreg:s7], $0x6FFFF;
	_ =	strace $0x9000004F  }
0xb3: {  	s29 =	simm.s32 $0x9;
	_ =	strace $0x80000051  }
0xb4: {  	_ =	swait.ge [sflag:s29], $0x1  }
0xb5: {  	[sflag:s29] =	ssyncadd.s32 $0xFFFFFFFF  }
0xb6: {  	_ =	strace $0x90000051  }
0xb7: {  	_ =	sfence  }
0xb8: {  	s30 =	sld [smem:$0x0];
	_ =	sdelay $0x2  }
0xb9: {  	s31 =	sshll.u32 s1, $0xD;
	s1 =	sshrl.u32 s1, $0x2  }
0xba: {  	s3 =	sand.u32 $0x4000, s31;
	s1 =	sadd.s32 s1, s30  }
0xbb: {  	s0 =	sor.u32 s3, s0;
	s1 =	sshll.u32 s1, $0x11  }
0xbc: {  	s0 =	sor.u32 s1, s0  }
0xbd: {  	s0 =	sadd.s32 $0x8F2B, s0  }
0xbe: {  	[sflag:s0] =	ssyncadd.remote.s32 $0x1  }
0xbf: {  	_ =	sfence.sel $0xFFFF  }
0xc0: {  	[dreg:$0x0] =	wrdreg $0xFFFFFFFF;
	(pc) =	sbr.abs _section_cstart, $3  }
0xc1: {  	[dreg:$0x1] =	wrdreg $0xFFFFFFFF  }
0xc2: {  	_ =	task.clear_ibuf [dreg:s7], $0x2FFFF;
	_ =	strace $0x9FFFFFFF  }
0xc3: {  	(tm) =	ssettm $0x7FFFFFFF  }
tec
execute0_lowered:
.L_overlay_start_1:
0x0: {  	(tag) =	ssettag $0x1  }
0x1: {  	s0 =	rddreg [dreg:$0x0]  }
0x2: {  	s1 =	rddreg [dreg:$0x1]  }
0x3: {  	s2 =	rddreg [dreg:$0x2]  }
0x4: {  	s3 =	simm.s32 $0x0;
	s16 =	srdreg.scid;
	s20 =	stileid.u32  }
0x5: {  	s28 =	simm.s32 $0x1;
	s29 =	simm.s32 $0x0;
	s30 =	simm.s32 $0x0  }
0x6: {  	[smem:$0x7FF] =	sst s3;
	s9 =	smul.u32 $0x15E00, s20;
	s11 =	sor.u32 $0x10, s20  }
0x7: {  	s4 =	sadd.s32 $0x15C00, s0;
	s13 =	sor.u32 $0x20, s20;
	s10 =	smul.u32 $0x15E00, s11  }
0x8: {  	s6 =	sadd.s32 $0xBE00, s0;
	s14 =	sor.u32 $0x30, s20;
	s12 =	smul.u32 $0x15E00, s13  }
0x9: {  	s3 =	sand.u32 $0x1, s16;
	s17 =	sshll.u32 s20, $0x1;
	s16 =	smul.u32 $0x15E00, s14  }
0xa: {  	s5 =	ssub.s32 $0x2, s3;
	s15 =	sor.u32 s3, s17;
	s3 =	smul.u32 $0x111700, s3  }
0xb: {  	s7 =	sadd.s32 $0x2000, s0;
	s0 =	sadd.s32 $0x3CE00, s0;
	s17 =	smul.u32 $0x5780, s20  }
0xc: {  	p0 =	sgt.u32 s20, $0x1;
	_ =	strace $0x80000050;
	s23 =	smul.u32 $0x5780, s11  }
0xd: {  	s26 =	smul.u32 $0x5780, s14;
	s8 =	sshrl.u32 s5, $0x1;
	s18 =	sshrl.u32 s9, $0x2  }
0xe: {  	s20 =	simm.s32 $0x2;
	s5 =	ssub.s32 s5, s8;
	s8 =	sadd.s32 s18, s2  }
0xf: {  	s19 =	sshrl.u32 s10, $0x2;
	s21 =	sshrl.u32 s12, $0x2;
	s22 =	sshrl.u32 s16, $0x2  }
0x10: {  	s12 =	smul.u32 $0x2780, s15;
	s24 =	sadd.s32 s17, s3;
	s18 =	sadd.s32 s3, s23  }
0x11: {  	s23 =	sadd.s32 s23, s2;
	s9 =	sadd.s32 s19, s2;
	s10 =	sadd.s32 s21, s2  }
0x12: {  	s11 =	sadd.s32 s22, s2;
	s15 =	sshrl.u32 s24, $0x3;
	s19 =	smul.u32 $0x5780, s13  }
0x13: {  	s25 =	sshrl.u32 s18, $0x3;
	s22 =	sadd.s32 s17, s2;
	s17 =	smax.u32 s5, $0x1  }
0x14: {  	s18 =	simm.s32 $0x8100;
	s21 =	simm.s32 $0x80;
	s23 =	sshrl.u32 s23, $0x3  }
0x15: {  	v0 =	vlaneseq.u32;
	v1 =	vimm.f32 $0.0e+00;
	s13 =	sadd.s32 s0, s15;
	s14 =	sadd.s32 s0, s25;
	s22 =	sshrl.u32 s22, $0x3  }
0x16: {  	v8 =	vimm.s32 $0x0;
	v9 =	vimm.s32 $0x1;
	v10 =	vimm.s32 $0x2;
	s31 =	sadd.s32 s3, s19;
	s3 =	sadd.s32 s3, s26;
	s24 =	sadd.s32 s19, s2  }
0x17: {  	v11 =	vimm.s32 $0x3;
	v12 =	vimm.s32 $0x4;
	v13 =	vimm.s32 $0x5;
	s19 =	simm.s32 $0x4900;
	s15 =	sshrl.u32 s31, $0x3;
	s3 =	sshrl.u32 s3, $0x3  }
0x18: {  	v2 =	vor.u32 $0x10, v0;
	v3 =	vor.u32 $0x20, v0;
	v4 =	vor.u32 $0x30, v0;
	s15 =	sadd.s32 s0, s15;
	s16 =	sadd.s32 s0, s3;
	s0 =	sadd.s32 s26, s2  }
0x19: {  	v5 =	vor.u32 $0x40, v0;
	v6 =	vor.u32 $0x50, v0;
	v7 =	vor.u32 $0x60, v0;
	s24 =	sshrl.u32 s24, $0x3;
	s26 =	simm.s32 $0x900;
	s25 =	sshrl.u32 @!p0 s0, $0x3  }
.LBB2_1:
0x1a: {  	s0 =	simm.s32 $0x0  }
0x1b: {  	v14 =	vmov s0  }
0x1c: {  	v14 =	vmul.u32 $0x70, v14;
	_ =	sdelay $0x1  }
0x1d: {  	v15 =	vbroadcast v14, $0x0;
	_ =	sdelay $0x1  }
0x1e: {  	v16 =	vor.u32 v0, v15  }
0x1f: {  	s31 =	simm.s32 $0x1;
	v19 =	vadd.s32 v2, v15  }
0x20: {  	v14 =	vmov s31;
	v20 =	vadd.s32 v3, v15  }
0x21: {  	v14 =	vmul.u32 $0x70, v14;
	v21 =	vadd.s32 v4, v15  }
0x22: {  	v17 =	vadd.s32 v5, v15  }
0x23: {  	v18 =	vadd.s32 v6, v15;
	v14 =	vbroadcast v14, $0x0;
	[tilespmem:v16+s18+$0x0] =	vst.idx.msk $0xffff, v1  }
0x24: {  	[tilespmem:v19+s18+$0x0] =	vst.idx.msk $0xffff, v1;
	v19 =	vadd.s32 v7, v15  }
0x25: {  	v16 =	vor.u32 v0, v14;
	[tilespmem:v20+s18+$0x0] =	vst.idx.msk $0xffff, v1  }
0x26: {  	s0 =	simm.s32 $0x2;
	v15 =	vadd.s32 v3, v14;
	v20 =	vadd.s32 v2, v14;
	[tilespmem:v21+s18+$0x0] =	vst.idx.msk $0xffff, v1  }
.LBB2_2:
0x27: {  	v21 =	vmov s0;
	p1 =	sne.s32 s0, $0xC7;
	s0 =	sadd.s32 $0x1, s0;
	[tilespmem:v17+s18+$0x0] =	vst.idx.msk $0xffff, v1  }
0x28: {  	v22 =	vadd.s32 v4, v14;
	v21 =	vmul.u32 $0x70, v21;
	[tilespmem:v18+s18+$0x0] =	vst.idx.msk $0xffff, v1  }
.Ltmp0:
0x29: {  	v17 =	vadd.s32 v5, v14;
	[tilespmem:v19+s18+$0x0] =	vst.idx.msk $0xffff, v1;
	(pc) =	sbr.rel @p1 .LBB2_2-.Ltmp0, $4  }
0x2a: {  	v18 =	vadd.s32 v6, v14;
	v21 =	vbroadcast v21, $0x0;
	[tilespmem:v16+s18+$0x0] =	vst.idx.msk $0xffff, v1  }
0x2b: {  	v19 =	vadd.s32 v7, v14;
	[tilespmem:v20+s18+$0x0] =	vst.idx.msk $0xffff, v1  }
0x2c: {  	v16 =	vor.u32 v0, v21;
	[tilespmem:v15+s18+$0x0] =	vst.idx.msk $0xffff, v1;
	v15 =	vadd.s32 v3, v21;
	v14 =	vmov v21  }
0x2d: {  	v20 =	vadd.s32 v2, v14;
	[tilespmem:v22+s18+$0x0] =	vst.idx.msk $0xffff, v1  }
0x2e: {  	_ =	sdelay $0x3  }
0x2f: {  	[tilespmem:v17+s18+$0x0] =	vst.idx.msk $0xffff, v1  }
0x30: {  	v60 =	vadd.s32 v4, v14;
	[tilespmem:v18+s18+$0x0] =	vst.idx.msk $0xffff, v1  }
0x31: {  	v61 =	vadd.s32 v5, v14;
	[tilespmem:v19+s18+$0x0] =	vst.idx.msk $0xffff, v1  }
0x32: {  	v62 =	vadd.s32 v6, v14;
	s0 =	simm.s32 $0x0;
	[tilespmem:v16+s18+$0x0] =	vst.idx.msk $0xffff, v1  }
0x33: {  	v14 =	vadd.s32 v7, v14;
	v63 =	vmov s0;
	[tilespmem:v20+s18+$0x0] =	vst.idx.msk $0xffff, v1  }
0x34: {  	[tilespmem:v15+s18+$0x0] =	vst.idx.msk $0xffff, v1;
	v15 =	vmul.u32 $0x70, v63  }
0x35: {  	[tilespmem:v60+s18+$0x0] =	vst.idx.msk $0xffff, v1  }
0x36: {  	[tilespmem:v61+s18+$0x0] =	vst.idx.msk $0xffff, v1;
	v15 =	vbroadcast v15, $0x0  }
0x37: {  	[tilespmem:v62+s18+$0x0] =	vst.idx.msk $0xffff, v1  }
0x38: {  	s0 =	simm.s32 $0x1;
	[tilespmem:v14+s18+$0x0] =	vst.idx.msk $0xffff, v1;
	v14 =	vadd.s32 v7, v15  }
.LBB2_4:
0x39: {  	v15 =	vmov s0;
	p1 =	sne.s32 s0, $0x7F;
	s0 =	sadd.s32 $0x1, s0  }
.Ltmp1:
0x3a: {  	v15 =	vmul.u32 $0x70, v15;
	(pc) =	sbr.rel @p1 .LBB2_4-.Ltmp1, $4  }
0x3b: {  	_ = 	snop  }
0x3c: {  	v15 =	vbroadcast v15, $0x0  }
0x3d: {  	[tilespmem:v14+s19+$0x0] =	vst.idx.msk $0xffff, v1  }
0x3e: {  	v14 =	vadd.s32 v7, v15  }
0x3f: {  	_ =	sdelay $0x3  }
0x40: {  	[tilespmem:v14+s19+$0x0] =	vst.idx.msk $0xffff, v1  }
0x41: {  	[spmem:s8] =	stream.linear.scatter [tilespmem:s18], [sflag:$0x2], $0x5780, $0x38;
	[tilespmem:$0x1E9F0] =	vst v63  }
0x42: {  	_ =	swait.ge [sflag:s20], $0x5780  }
0x43: {  	[sflag:s20] =	ssyncset.done $0x0  }
0x44: {  	[sflag:s20] =	ssyncadd.s32 $0xFFFFA880  }
0x45: {  	[spmem:s9] =	stream.linear.scatter [tilespmem:s18], [sflag:$0x2], $0x5780, $0x38;
	[tilespmem:$0x1E9F0] =	vst v63  }
0x46: {  	_ =	swait.ge [sflag:s20], $0x5780  }
0x47: {  	[sflag:s20] =	ssyncset.done $0x0  }
0x48: {  	[sflag:s20] =	ssyncadd.s32 $0xFFFFA880  }
0x49: {  	[spmem:s10] =	stream.linear.scatter [tilespmem:s18], [sflag:$0x2], $0x5780, $0x38;
	[tilespmem:$0x1E9F0] =	vst v63  }
0x4a: {  	_ =	swait.ge [sflag:s20], $0x5780  }
0x4b: {  	[sflag:s20] =	ssyncset.done $0x0  }
0x4c: {  	s0 =	simm.s32 @!p0 $0x8100;
	[sflag:s20] =	ssyncadd.s32 $0xFFFFA880  }
0x4d: {  	[spmem:s11] =	stream.linear.scatter @!p0 [tilespmem:s0], [sflag:$0x2], $0x5780, $0x38;
	[tilespmem:$0x1E9F0] =	vst v63  }
0x4e: {  	s0 =	simm.s32 @!p0 $0x2  }
0x4f: {  	_ =	swait.ge @!p0 [sflag:s0], $0x5780  }
0x50: {  	[sflag:s0] =	ssyncset.done @!p0 $0x0  }
0x51: {  	[sflag:s0] =	ssyncadd.s32 @!p0 $0xFFFFA880  }
0x52: {  	s31 =	simm.s32 $0x0;
	[bflag:$0x0] =	sbarrier.arrive $0xFFFF  }
.LBB2_6:
0x53: {  	s0 =	sshll.u32 s31, $0x7  }
0x54: {  	s0 =	sadd.s32 s12, s0  }
0x55: {  	s3 =	sshrl.u32 s0, $0x3  }
0x56: {  	s5 =	sadd.s32 s6, s3  }
0x57: {  	[tilespmem:s30], [sflag:$0x2] =	stream.linear.gather [hbm4b:s5+s30], $0x80, $0x38;
	[tilespmem:$0x1E9F0] =	vst v63  }
0x58: {  	_ =	swait.ge [sflag:s20], $0x80  }
0x59: {  	[sflag:s20] =	ssyncset.done $0x0  }
0x5a: {  	s3 =	sadd.s32 s7, s3;
	[sflag:s20] =	ssyncadd.s32 $0xFFFFFF80  }
0x5b: {  	[tilespmem:s21], [sflag:$0x2] =	stream.linear.gather [hbm4b:s3+s30], $0x80, $0x38;
	[tilespmem:$0x1E9F0] =	vst v63  }
0x5c: {  	_ =	swait.ge [sflag:s20], $0x80  }
0x5d: {  	s0 =	sshll.u32 s0, $0x1;
	[sflag:s20] =	ssyncset.done $0x0  }
0x5e: {  	s5 =	sadd.s32 s1, s0;
	s0 =	simm.s32 $0x100;
	[sflag:s20] =	ssyncadd.s32 $0xFFFFFF80  }
0x5f: {  	[tilespmem:s0], [sflag:$0x2] =	stream.linear.gather [hbm4b:s5+s30], $0x800, $0x38;
	[tilespmem:$0x1E9F0] =	vst v63  }
0x60: {  	_ =	swait.ge [sflag:s20], $0x800  }
0x61: {  	[sflag:s20] =	ssyncset.done $0x0  }
0x62: {  	v15 =	vmov s30;
	[sflag:s20] =	ssyncadd.s32 $0xFFFFF800  }
0x63: {  	v16 =	vshll.u32 v15, $0x7;
	[tilespmem:s26], [sflag:$0x1] =	stream.indirect.gather [hbm4b:s4+s21], $0x80, s30, s21, $0xb8;
	[tilespmem:$0x1E9F0] =	vst v63  }
0x64: {  	v17 =	vor.u32 v0, v16;
	_ =	swait.ge [sflag:s28], $0x4000  }
0x65: {  	[sflag:s28] =	ssyncset.done $0x0  }
0x66: {  	[sflag:s28] =	ssyncadd.s32 $0xFFFFC000  }
0x67: {  	v14 =	vld [tilespmem:s0+$0x0];
	_ =	sdelay $0x1  }
0x68: {  	v15 =	vmul.u32 $0x70, v15;
	v17 =	vld.idx.msk [tilespmem:v17+s26+$0x0], $0xffff;
	_ =	sdelay $0x1  }
0x69: {  	v18 =	vor.u32 v0, v15  }
0x6a: {  	v20 =	vor.u32 v2, v16;
	v19 =	vperm.xlane v14, v8;
	_ =	sdelay $0x1  }
0x6b: {  	v17 =	vmul.f32 v17, v19;
	_ =	sdelay $0x1  }
0x6c: {  	[tilespmem:v18+s19+$0x0] =	vst.idx.msk $0xffff, v17  }
0x6d: {  	v17 =	vld.idx.msk [tilespmem:v20+s26+$0x0], $0xffff;
	_ =	sdelay $0x1  }
0x6e: {  	v18 =	vadd.s32 v2, v15  }
0x6f: {  	v19 =	vperm.xlane v14, v9;
	v20 =	vor.u32 v3, v16;
	_ =	sdelay $0x1  }
0x70: {  	v17 =	vmul.f32 v17, v19;
	_ =	sdelay $0x1  }
0x71: {  	[tilespmem:v18+s19+$0x0] =	vst.idx.msk $0xffff, v17  }
0x72: {  	v17 =	vld.idx.msk [tilespmem:v20+s26+$0x0], $0xffff;
	_ =	sdelay $0x1  }
0x73: {  	v18 =	vadd.s32 v3, v15  }
0x74: {  	v19 =	vperm.xlane v14, v10;
	v20 =	vor.u32 v4, v16;
	_ =	sdelay $0x1  }
0x75: {  	v17 =	vmul.f32 v17, v19;
	_ =	sdelay $0x1  }
0x76: {  	[tilespmem:v18+s19+$0x0] =	vst.idx.msk $0xffff, v17  }
0x77: {  	v17 =	vld.idx.msk [tilespmem:v20+s26+$0x0], $0xffff;
	_ =	sdelay $0x1  }
0x78: {  	v18 =	vadd.s32 v4, v15  }
0x79: {  	v19 =	vperm.xlane v14, v11;
	v20 =	vor.u32 v5, v16;
	_ =	sdelay $0x1  }
0x7a: {  	v17 =	vmul.f32 v17, v19;
	_ =	sdelay $0x1  }
0x7b: {  	[tilespmem:v18+s19+$0x0] =	vst.idx.msk $0xffff, v17  }
0x7c: {  	v17 =	vld.idx.msk [tilespmem:v20+s26+$0x0], $0xffff;
	_ =	sdelay $0x1  }
0x7d: {  	v18 =	vadd.s32 v5, v15  }
0x7e: {  	v16 =	vor.u32 v6, v16;
	v19 =	vperm.xlane v14, v12;
	_ =	sdelay $0x1  }
0x7f: {  	v17 =	vmul.f32 v17, v19;
	_ =	sdelay $0x1  }
0x80: {  	[tilespmem:v18+s19+$0x0] =	vst.idx.msk $0xffff, v17  }
0x81: {  	v16 =	vld.idx.msk [tilespmem:v16+s26+$0x0], $0xffff;
	_ =	sdelay $0x1  }
0x82: {  	v19 =	vadd.s32 v6, v15  }
0x83: {  	s5 =	simm.s32 $0x1;
	v17 =	vperm.xlane v14, v13  }
0x84: {  	v20 =	vmov s5;
	v18 =	vadd.s32 v7, v15  }
0x85: {  	v21 =	vmul.f32 v16, v17;
	v16 =	vshll.u32 v20, $0x7  }
0x86: {  	v17 =	vor.u32 v0, v16  }
0x87: {  	s3 =	simm.s32 $0x2;
	v15 =	vmul.u32 $0x70, v20;
	[tilespmem:v19+s19+$0x0] =	vst.idx.msk $0xffff, v21  }
.LBB2_7:
0x88: {  	p1 =	sne.s32 s3, $0x7F  }
0x89: {  	[tilespmem:v18+s19+$0x0] =	vst.idx.msk $0xffff, v14;
	s0 =	sadd.s32 $0x10, s0;
	s5 =	smov.u32 s3;
	s3 =	sadd.s32 $0x1, s3  }
0x8a: {  	v14 =	vld [tilespmem:s0+$0x0]  }
0x8b: {  	v17 =	vld.idx.msk [tilespmem:v17+s26+$0x0], $0xffff;
	_ =	sdelay $0x2  }
0x8c: {  	v18 =	vor.u32 v0, v15  }
0x8d: {  	v20 =	vor.u32 v2, v16;
	v19 =	vperm.xlane v14, v8;
	_ =	sdelay $0x1  }
0x8e: {  	v17 =	vmul.f32 v17, v19;
	_ =	sdelay $0x1  }
0x8f: {  	[tilespmem:v18+s19+$0x0] =	vst.idx.msk $0xffff, v17  }
0x90: {  	v17 =	vld.idx.msk [tilespmem:v20+s26+$0x0], $0xffff;
	_ =	sdelay $0x2  }
0x91: {  	v18 =	vadd.s32 v2, v15  }
0x92: {  	v19 =	vperm.xlane v14, v9;
	v20 =	vor.u32 v3, v16;
	_ =	sdelay $0x1  }
0x93: {  	v17 =	vmul.f32 v17, v19;
	_ =	sdelay $0x1  }
0x94: {  	[tilespmem:v18+s19+$0x0] =	vst.idx.msk $0xffff, v17  }
0x95: {  	v17 =	vld.idx.msk [tilespmem:v20+s26+$0x0], $0xffff;
	_ =	sdelay $0x2  }
0x96: {  	v18 =	vadd.s32 v3, v15  }
0x97: {  	v19 =	vperm.xlane v14, v10;
	v20 =	vor.u32 v4, v16;
	_ =	sdelay $0x1  }
0x98: {  	v17 =	vmul.f32 v17, v19;
	_ =	sdelay $0x1  }
0x99: {  	[tilespmem:v18+s19+$0x0] =	vst.idx.msk $0xffff, v17  }
0x9a: {  	v17 =	vld.idx.msk [tilespmem:v20+s26+$0x0], $0xffff;
	_ =	sdelay $0x2  }
0x9b: {  	v18 =	vadd.s32 v4, v15  }
0x9c: {  	v19 =	vperm.xlane v14, v11;
	v20 =	vor.u32 v5, v16;
	_ =	sdelay $0x1  }
0x9d: {  	v17 =	vmul.f32 v17, v19;
	_ =	sdelay $0x1  }
0x9e: {  	[tilespmem:v18+s19+$0x0] =	vst.idx.msk $0xffff, v17  }
0x9f: {  	v17 =	vld.idx.msk [tilespmem:v20+s26+$0x0], $0xffff;
	_ =	sdelay $0x2  }
0xa0: {  	v18 =	vadd.s32 v5, v15  }
0xa1: {  	v16 =	vor.u32 v6, v16;
	v19 =	vperm.xlane v14, v12;
	_ =	sdelay $0x1  }
0xa2: {  	v17 =	vmul.f32 v17, v19;
	_ =	sdelay $0x1  }
0xa3: {  	[tilespmem:v18+s19+$0x0] =	vst.idx.msk $0xffff, v17  }
0xa4: {  	v19 =	vld.idx.msk [tilespmem:v16+s26+$0x0], $0xffff;
	_ =	sdelay $0x2  }
0xa5: {  	v20 =	vadd.s32 v6, v15  }
.Ltmp2:
0xa6: {  	v21 =	vperm.xlane v14, v13;
	v17 =	vmov s5;
	v18 =	vadd.s32 v7, v15;
	(pc) =	sbr.rel @p1 .LBB2_7-.Ltmp2, $3  }
0xa7: {  	v16 =	vshll.u32 v17, $0x7;
	v15 =	vmul.u32 $0x70, v17  }
0xa8: {  	v17 =	vor.u32 v0, v16;
	v19 =	vmul.f32 v19, v21;
	_ =	sdelay $0x1  }
0xa9: {  	[tilespmem:v20+s19+$0x0] =	vst.idx.msk $0xffff, v19  }
0xaa: {  	_ =	sdelay $0x3  }
0xab: {  	[tilespmem:v18+s19+$0x0] =	vst.idx.msk $0xffff, v14;
	s0 =	sadd.s32 $0x10, s0  }
0xac: {  	v14 =	vld [tilespmem:s0+$0x0];
	_ =	sdelay $0x1  }
0xad: {  	v17 =	vld.idx.msk [tilespmem:v17+s26+$0x0], $0xffff;
	_ =	sdelay $0x1  }
0xae: {  	v49 =	vor.u32 v0, v15  }
0xaf: {  	v20 =	vor.u32 v2, v16;
	v19 =	vperm.xlane v14, v8;
	_ =	sdelay $0x1  }
0xb0: {  	v17 =	vmul.f32 v17, v19;
	_ =	sdelay $0x1  }
0xb1: {  	[tilespmem:v49+s19+$0x0] =	vst.idx.msk $0xffff, v17  }
0xb2: {  	v17 =	vld.idx.msk [tilespmem:v20+s26+$0x0], $0xffff;
	_ =	sdelay $0x1  }
0xb3: {  	v50 =	vadd.s32 v2, v15  }
0xb4: {  	v52 =	vor.u32 v3, v16;
	v51 =	vperm.xlane v14, v9;
	_ =	sdelay $0x1  }
0xb5: {  	v17 =	vmul.f32 v17, v51;
	_ =	sdelay $0x1  }
0xb6: {  	[tilespmem:v50+s19+$0x0] =	vst.idx.msk $0xffff, v17  }
0xb7: {  	v17 =	vld.idx.msk [tilespmem:v52+s26+$0x0], $0xffff;
	_ =	sdelay $0x1  }
0xb8: {  	v53 =	vadd.s32 v3, v15  }
0xb9: {  	v55 =	vor.u32 v4, v16;
	v54 =	vperm.xlane v14, v10;
	_ =	sdelay $0x1  }
0xba: {  	v17 =	vmul.f32 v17, v54;
	_ =	sdelay $0x1  }
0xbb: {  	[tilespmem:v53+s19+$0x0] =	vst.idx.msk $0xffff, v17  }
0xbc: {  	v17 =	vld.idx.msk [tilespmem:v55+s26+$0x0], $0xffff;
	_ =	sdelay $0x1  }
0xbd: {  	v56 =	vadd.s32 v4, v15  }
0xbe: {  	v58 =	vor.u32 v5, v16;
	v57 =	vperm.xlane v14, v11;
	_ =	sdelay $0x1  }
0xbf: {  	v17 =	vmul.f32 v17, v57;
	_ =	sdelay $0x1  }
0xc0: {  	[tilespmem:v56+s19+$0x0] =	vst.idx.msk $0xffff, v17  }
0xc1: {  	v17 =	vld.idx.msk [tilespmem:v58+s26+$0x0], $0xffff;
	_ =	sdelay $0x1  }
0xc2: {  	v59 =	vadd.s32 v5, v15  }
0xc3: {  	v61 =	vor.u32 v6, v16;
	v60 =	vperm.xlane v14, v12;
	_ =	sdelay $0x1  }
0xc4: {  	v17 =	vmul.f32 v17, v60;
	_ =	sdelay $0x1  }
0xc5: {  	[tilespmem:v59+s19+$0x0] =	vst.idx.msk $0xffff, v17  }
0xc6: {  	v16 =	vld.idx.msk [tilespmem:v61+s26+$0x0], $0xffff;
	_ =	sdelay $0x1  }
0xc7: {  	v62 =	vadd.s32 v6, v15  }
0xc8: {  	v15 =	vadd.s32 v7, v15;
	v63 =	vperm.xlane v14, v13;
	_ =	sdelay $0x1  }
0xc9: {  	v16 =	vmul.f32 v16, v63  }
0xca: {  	s31 =	sadd.s32 $0x1, s31  }
0xcb: {  	p1 =	sne.s32 s31, $0x4F;
	[tilespmem:v62+s19+$0x0] =	vst.idx.msk $0xffff, v16  }
.Ltmp3:
0xcc: {  	[tilespmem:v15+s19+$0x0] =	vst.idx.msk $0xffff, v14;
	(pc) =	sbr.rel @p1 .LBB2_6-.Ltmp3, $4  }
0xcd: {  	[spmem:s2] =	stream.indirect.scatter.add.f32 [tilespmem:s19], [sflag:$0x2], $0x70, s21, s21, $0xb8;
	[tilespmem:$0x1E9F0] =	vst v63  }
0xce: {  	_ =	swait.ge [sflag:s20], $0x3800  }
0xcf: {  	[sflag:s20] =	ssyncset.done $0x0  }
0xd0: {  	[sflag:s20] =	ssyncadd.s32 $0xFFFFC800  }
0xd1: {  	s0 =	stileid.u32  }
0xd2: {  	s0 =	sshll.u32 s0, $0x6  }
0xd3: {  	[bflag:$0x0] =	sbarrier.arrive $0xFFFF;
	s0 =	sor.u32 $0x1C02, s0  }
0xd4: {  	[hbm:s13], [sflag:s0] =	dma.local [spmem:s22], $0xAF0  }
0xd5: {  	_ =	swait.ge [sflag:s20], $0xAF0  }
0xd6: {  	[sflag:s20] =	ssyncset.done $0x0  }
0xd7: {  	[sflag:s20] =	ssyncadd.s32 $0xFFFFF510  }
0xd8: {  	[hbm:s14], [sflag:s0] =	dma.local [spmem:s23], $0xAF0  }
0xd9: {  	_ =	swait.ge [sflag:s20], $0xAF0  }
0xda: {  	[sflag:s20] =	ssyncset.done $0x0  }
0xdb: {  	[sflag:s20] =	ssyncadd.s32 $0xFFFFF510  }
0xdc: {  	[hbm:s15], [sflag:s0] =	dma.local [spmem:s24], $0xAF0  }
0xdd: {  	_ =	swait.ge [sflag:s20], $0xAF0  }
0xde: {  	s29 =	sadd.s32 $0x1, s29;
	[sflag:s20] =	ssyncset.done $0x0  }
0xdf: {  	p1 =	sne.s32 s29, s17;
	[sflag:s20] =	ssyncadd.s32 $0xFFFFF510  }
0xe0: {  	[hbm:s16], [sflag:s0] =	dma.local @!p0 [spmem:s25], $0xAF0  }
.Ltmp4:
0xe1: {  	_ = 	snop;
	(pc) =	sbr.rel @p1 .LBB2_1-.Ltmp4, $4  }
0xe2: {  	s0 =	simm.s32 @!p0 $0x2  }
0xe3: {  	_ =	swait.ge @!p0 [sflag:s0], $0xAF0  }
0xe4: {  	[sflag:s0] =	ssyncset.done @!p0 $0x0  }
0xe5: {  	[sflag:s0] =	ssyncadd.s32 @!p0 $0xFFFFF510  }
0xe6: {  	_ =	sfence.sel $0x180000  }
0xe7: {  	[bflag:$0x0] =	sbarrier.arrive $0xFFFF  }
0xe8: {  	_ =	strace $0x90000050  }
0xe9: {  	s0 =	stileid.u32;
	[bflag:$0x2] =	sbarrier.arrive $0xFFFF  }
0xea: {  	p0 =	sne.s32 s0, $0x0;
	s0 =	rddreg [dreg:$0x3]  }
0xeb: {  	s0 =	sadd.s32 @!p0 $0x100000, s0  }
0xec: {  	[sflag:s0] =	ssyncadd.tile.s32 @!p0 $0x1;
	_ =	shalt  }
.Lfunc_end2:
_tile_overlayer_lowered:
.L_overlay_start_2:
0xed: {  	(tag) =	ssettag $0x2  }
0xee: {  	s0 =	rddreg [dreg:$0x0];
	s2 =	stileid.u32  }
0xef: {  	s1 =	rddreg [dreg:$0x1];
	p0 =	sne.s32 s2, $0x0  }
0xf0: {  	s3 =	rddreg [dreg:$0x2];
	[bflag:$0x3] =	sbarrier.arrive $0xFFFF;
	s2 =	simm.s32 @!p0 $0x1C02  }
0xf1: {  	[timem:s3], [sflag:s2] =	dma.local @!p0 [hbm:s0], s1  }
0xf2: {  	s0 =	simm.s32 @!p0 $0x2  }
0xf3: {  	_ =	swait.ge @!p0 [sflag:s0], s1  }
0xf4: {  	s1 =	ssub.s32 @!p0 $0x0, s1;
	[sflag:s0] =	ssyncset.done @!p0 $0x0  }
0xf5: {  	[sflag:s0] =	ssyncadd.s32 @!p0 s1  }
0xf6: {  	[bflag:$0x3] =	sbarrier.arrive $0xFFFF  }
0xf7: {  	_ =	shalt  }

// kernel: kernel.24.cloned.1.call-start
scs
__scs_entry_jumppad:
0x0: {  	(pc) =	sbr.rel $0x88, $3  }
0x1: {  	(tag) =	ssettag $0x0;
	lr =	simm.s32 $0x1  }
0x2: {  	[smem:$0x3F96] =	sst lr;
	_ =	strace $0xD0000000  }
0x3: {  	_ = 	snop  }
0x4: {  	_ = 	snop  }
0x5: {  	_ = 	snop  }
0x6: {  	_ = 	snop  }
0x7: {  	_ = 	snop  }
__scs_overlays_trampoline_lowered:
0x8: {  	[smem:$0x3FA5] =	sst s0  }
0x9: {  	[smem:$0x3FA6] =	sst s1  }
0xa: {  	[smem:$0x3FA7] =	sst s2  }
0xb: {  	[smem:$0x3FA8] =	sst s3  }
0xc: {  	[smem:$0x3FA9] =	sst s4  }
0xd: {  	[smem:$0x3FAA] =	sst s5  }
0xe: {  	[smem:$0x3FAB] =	sst s6  }
0xf: {  	[smem:$0x3FAC] =	sst s7  }
0x10: {  	[smem:$0x3FAD] =	sst s8  }
0x11: {  	[smem:$0x3FAE] =	sst s9;
	s0 =	simm.s32 @!p0 $0x0  }
0x12: {  	s1 =	sld [smem:$0x3F94];
	s0 =	simm.s32 @p0 $0x1  }
0x13: {  	[smem:$0x3FAF] =	sst s0;
	s0 =	simm.s32 @!p1 $0x0  }
0x14: {  	s2 =	sld [smem:$0x3F93];
	s0 =	simm.s32 @p1 $0x1  }
0x15: {  	[smem:$0x3FB0] =	sst s0;
	s0 =	simm.s32 @!p2 $0x0  }
0x16: {  	s3 =	sld [smem:$0x3FDB];
	s0 =	simm.s32 @p2 $0x1  }
0x17: {  	s4 =	simm.s32 $0x1BF5;
	[smem:$0x3FB2] =	sst s0  }
0x18: {  	s0 =	sld [smem:$0x3F95];
	_ =	swait.ge [sflag:s4], $0x0  }
0x19: {  	s7 =	sld [smem:$0x3F96]  }
0x1a: {  	s8 =	sadd.s32 $0xFFFFE003, lr  }
0x1b: {  	s9 =	sadd.s32 $0xFFFFFEF7, lr;
	s5 =	simm.s32 $0xFFFFFFFF;
	p2 =	slt.u32 s8, $0xFFFFF086  }
0x1c: {  	p1 =	slt.u32 s9, $0xF7A;
	s5 =	simm.s32 @!p2 $0x0  }
0x1d: {  	s5 =	simm.s32 @p1 $0x1;
	p0 =	seq.s32 s7, s2  }
0x1e: {  	s7 =	smul.u32 @!p0 $0xF7A, s2;
	p2 =	seq.s32 @!p0 s5, $0x0  }
0x1f: {  	s9 =	smul.u32 $0xF7A, s1;
	s8 =	simm.s32 @!p0 $0x1BF5;
	p2 =	por !p2, p0  }
0x20: {  	[sflag:s8] =	ssyncset.s32 @!p0 $0xFFFFF086;
	s6 =	sadd.s32 @!p0 s3, s7;
	s7 =	simm.s32 @!p0 $0x108  }
0x21: {  	s3 =	sadd.s32 s3, s9;
	s6 =	sadd.s32 @!p0 $0x88, s6;
	s7 =	simm.s32 @p2 $0x1082  }
0x22: {  	[simem:s7], [sflag:s8] =	dma.local @!p0 [hbm:s6], $0xF7A  }
0x23: {  	s9 =	sor.u32 $0xD0000000, s2;
	s6 =	simm.s32 $0x108;
	_ =	swait.ge @!p0 [sflag:s8], $0x0  }
0x24: {  	s3 =	sadd.s32 $0x88, s3;
	s6 =	simm.s32 @!p1 $0x1082;
	[sflag:s4] =	ssyncset.s32 $0xFFFFF086  }
0x25: {  	[simem:s6], [sflag:s4] =	dma.local [hbm:s3], $0xF7A  }
0x26: {  	[smem:$0x3F96] =	sst s1;
	(tag) =	ssettag s2;
	_ =	strace s9  }
0x27: {  	s1 =	sld [smem:$0x3FA6]  }
0x28: {  	s2 =	sld [smem:$0x3FA7]  }
0x29: {  	s4 =	sld [smem:$0x3FA9]  }
0x2a: {  	p0 =	seq.s32 s5, $0x0;
	s5 =	sld [smem:$0x3FAA]  }
0x2b: {  	s6 =	sld [smem:$0x3FAB]  }
0x2c: {  	s7 =	sld [smem:$0x3FAC]  }
0x2d: {  	s3 =	simm.s32 $0x108;
	s8 =	sld [smem:$0x3FAD]  }
0x2e: {  	s3 =	simm.s32 @!p0 $0x1082;
	s9 =	sld [smem:$0x3FAE]  }
0x2f: {  	lr =	sadd.s32 s0, s3;
	s0 =	sld [smem:$0x3FA5]  }
0x30: {  	s3 =	sld [smem:$0x3FA8]  }
0x31: {  	[smem:$0x3FB1] =	sst s10  }
0x32: {  	s10 =	sld [smem:$0x3FAF];
	_ =	sdelay $0x3  }
0x33: {  	p0 =	seq.s32 s10, $0x1;
	s10 =	sld [smem:$0x3FB1];
	_ =	sdelay $0x3  }
0x34: {  	[smem:$0x3FB1] =	sst s10  }
0x35: {  	s10 =	sld [smem:$0x3FB0];
	_ =	sdelay $0x3  }
0x36: {  	p1 =	seq.s32 s10, $0x1;
	s10 =	sld [smem:$0x3FB1];
	_ =	sdelay $0x3  }
0x37: {  	[smem:$0x3FB1] =	sst s10  }
0x38: {  	s10 =	sld [smem:$0x3FB2]  }
0x39: {  	_ = 	snop;
	(pc) =	sbr.ind lr, $3  }
0x3a: {  	_ = 	snop  }
0x3b: {  	_ = 	snop  }
0x3c: {  	p2 =	seq.s32 s10, $0x1;
	s10 =	sld [smem:$0x3FB1]  }
0x3d: {  	_ =	shalt  }
0x3e: {  	_ =	shalt  }
0x3f: {  	_ =	shalt  }
0x40: {  	_ =	shalt  }
0x41: {  	_ =	shalt  }
0x42: {  	_ =	shalt  }
0x43: {  	_ =	shalt  }
0x44: {  	_ =	shalt  }
0x45: {  	_ =	shalt  }
0x46: {  	_ =	shalt  }
0x47: {  	_ =	shalt  }
0x48: {  	_ =	shalt  }
0x49: {  	_ =	shalt  }
0x4a: {  	_ =	shalt  }
0x4b: {  	_ =	shalt  }
0x4c: {  	_ =	shalt  }
0x4d: {  	_ =	shalt  }
0x4e: {  	_ =	shalt  }
0x4f: {  	_ =	shalt  }
0x50: {  	_ =	shalt  }
0x51: {  	_ =	shalt  }
0x52: {  	_ =	shalt  }
0x53: {  	_ =	shalt  }
0x54: {  	_ =	shalt  }
0x55: {  	_ =	shalt  }
0x56: {  	_ =	shalt  }
0x57: {  	_ =	shalt  }
0x58: {  	_ =	shalt  }
0x59: {  	_ =	shalt  }
0x5a: {  	_ =	shalt  }
0x5b: {  	_ =	shalt  }
0x5c: {  	_ =	shalt  }
0x5d: {  	_ =	shalt  }
0x5e: {  	_ =	shalt  }
0x5f: {  	_ =	shalt  }
0x60: {  	_ =	shalt  }
0x61: {  	_ =	shalt  }
0x62: {  	_ =	shalt  }
0x63: {  	_ =	shalt  }
0x64: {  	_ =	shalt  }
0x65: {  	_ =	shalt  }
0x66: {  	_ =	shalt  }
0x67: {  	_ =	shalt  }
0x68: {  	_ =	shalt  }
0x69: {  	_ =	shalt  }
0x6a: {  	_ =	shalt  }
0x6b: {  	_ =	shalt  }
0x6c: {  	_ =	shalt  }
0x6d: {  	_ =	shalt  }
0x6e: {  	_ =	shalt  }
0x6f: {  	_ =	shalt  }
0x70: {  	_ =	shalt  }
0x71: {  	_ =	shalt  }
0x72: {  	_ =	shalt  }
0x73: {  	_ =	shalt  }
0x74: {  	_ =	shalt  }
0x75: {  	_ =	shalt  }
0x76: {  	_ =	shalt  }
0x77: {  	_ =	shalt  }
0x78: {  	_ =	shalt  }
0x79: {  	_ =	shalt  }
0x7a: {  	_ =	shalt  }
0x7b: {  	_ =	shalt  }
0x7c: {  	_ =	shalt  }
0x7d: {  	_ =	shalt  }
0x7e: {  	_ =	shalt  }
0x7f: {  	_ =	shalt  }
0x80: {  	_ =	shalt  }
0x81: {  	_ =	shalt  }
0x82: {  	_ =	shalt  }
0x83: {  	_ =	shalt  }
0x84: {  	_ =	shalt  }
0x85: {  	_ =	shalt  }
0x86: {  	_ =	shalt  }
0x87: {  	_ =	shalt  }
.Lfunc_end0:
.L_simem_size_0:
called_computation.4_lowered:
.L_overlay_start_0:
0x88: {  	s2 =	sld [smem:$0x3FD9]  }
0x89: {  	s3 =	sld [smem:$0x3FFE];
	_ =	sdelay $0x1  }
0x8a: {  	s1 =	srdreg.scid  }
0x8b: {  	s0 =	sand.u32 $0x1, s1  }
0x8c: {  	s17 =	sshll.u32 s0, $0xA;
	s2 =	sadd.s32 s3, s2  }
0x8d: {  	s2 =	sadd.s32 s2, s17  }
0x8e: {  	[smem:$0x3FBD] =	sst s2  }
0x8f: {  	_ = 	snop  }
0x90: {  	s2 =	sld [smem:$0x3FD0];
	(tm) =	ssettm $0x1  }
0x91: {  	s18 =	sld [smem:$0x3FFB];
	_ =	sdelay $0x3  }
0x92: {  	_ =	strace s18  }
0x93: {  	s3 =	sld [smem:$0x3FFC];
	_ =	sdelay $0x3  }
0x94: {  	_ =	strace s3  }
0x95: {  	s3 =	sld [smem:$0x3FFD];
	_ =	sdelay $0x3  }
0x96: {  	_ =	strace s3  }
0x97: {  	_ =	strace $0x8FFFFFFF  }
0x98: {  	s19 =	sld [smem:$0x3FDB];
	_ =	sdelay $0x1  }
0x99: {  	s4 =	simm.s32 $_scs_section_size  }
0x9a: {  	s5 =	simm.s32 $_size__tile_overlayer_lowered;
	s6 =	simm.s32 $_tile_overlayer_lowered  }
0x9b: {  	s22 =	simm.s32 $0x1BFF;
	s21 =	sshll.u32 s6, $0x1;
	s3 =	sadd.s32 s4, s19  }
0x9c: {  	s7 =	simm.s32 $0x0;
	s20 =	sshll.u32 s5, $0x1;
	s5 =	sadd.s32 s21, s3  }
0x9d: {  	[timem:s7], [sflag:s22] =	dma.local [hbm:s5], s20  }
0x9e: {  	_ =	swait.ge [sflag:s22], s20  }
0x9f: {  	s4 =	ssub.s32 $0x0, s20;
	[sflag:s22] =	ssyncset.done $0x0  }
0xa0: {  	[sflag:s22] =	ssyncadd.s32 s4;
	_ =	sdelay $0x1  }
0xa1: {  	s23 =	simm.s32 $0x1B8B  }
0xa2: {  	_ =	swait.ge [sflag:s23], $0x1  }
0xa3: {  	[sflag:s23] =	ssyncset.done $0x0  }
0xa4: {  	s25 =	simm.s32 $0x1B8E;
	s24 =	sld [smem:$0x3FFE];
	[sflag:s23] =	ssyncadd.s32 $0xFFFFFFFF  }
0xa5: {  	s26 =	simm.s32 $execute0_lowered;
	[smem:$0x3FD2] =	sst s25  }
0xa6: {  	s5 =	sshll.u32 s26, $0x1;
	_ =	strace $0x80000052;
	[dreg:$0x1] =	wrdreg $0xFFFFFFFF  }
0xa7: {  	s28 =	simm.s32 $_size_execute0_lowered;
	s3 =	sadd.s32 s3, s5;
	[dreg:$0x0] =	wrdreg $0x0  }
0xa8: {  	s5 =	sshll.u32 s28, $0x1;
	[dreg:$0x2] =	wrdreg s3  }
0xa9: {  	[dreg:$0x3] =	wrdreg s5  }
0xaa: {  	[dreg:$0x4] =	wrdreg $0xC0  }
0xab: {  	_ =	task [dreg:s7], $0x5FFFF  }
0xac: {  	[dreg:$0x1] =	wrdreg $0xFFFFFFFF  }
0xad: {  	[dreg:$0x0] =	wrdreg $0x60  }
0xae: {  	[dreg:$0x2] =	wrdreg s24  }
0xaf: {  	[dreg:$0x3] =	wrdreg s2  }
0xb0: {  	[dreg:$0x4] =	wrdreg $0xD8800  }
0xb1: {  	[dreg:$0x5] =	wrdreg $0x9  }
0xb2: {  	_ =	task.clear_ibuf [dreg:s7], $0x6FFFF;
	_ =	strace $0x90000052  }
0xb3: {  	s29 =	simm.s32 $0x9;
	_ =	strace $0x80000054  }
0xb4: {  	_ =	swait.ge [sflag:s29], $0x1  }
0xb5: {  	[sflag:s29] =	ssyncadd.s32 $0xFFFFFFFF  }
0xb6: {  	_ =	strace $0x90000054  }
0xb7: {  	_ =	sfence  }
0xb8: {  	s30 =	sld [smem:$0x0];
	_ =	sdelay $0x2  }
0xb9: {  	s31 =	sshll.u32 s1, $0xD;
	s1 =	sshrl.u32 s1, $0x2  }
0xba: {  	s3 =	sand.u32 $0x4000, s31;
	s1 =	sadd.s32 s1, s30  }
0xbb: {  	s0 =	sor.u32 s3, s0;
	s1 =	sshll.u32 s1, $0x11  }
0xbc: {  	s0 =	sor.u32 s1, s0  }
0xbd: {  	s0 =	sadd.s32 $0x8F2B, s0  }
0xbe: {  	[sflag:s0] =	ssyncadd.remote.s32 $0x1  }
0xbf: {  	_ =	sfence.sel $0xFFFF  }
0xc0: {  	[dreg:$0x0] =	wrdreg $0xFFFFFFFF;
	(pc) =	sbr.abs _section_cstart, $3  }
0xc1: {  	[dreg:$0x1] =	wrdreg $0xFFFFFFFF  }
0xc2: {  	_ =	task.clear_ibuf [dreg:s7], $0x2FFFF;
	_ =	strace $0x9FFFFFFF  }
0xc3: {  	(tm) =	ssettm $0x7FFFFFFF  }
tec
execute0_lowered:
.L_overlay_start_1:
0x0: {  	(tag) =	ssettag $0x1  }
0x1: {  	s0 =	rddreg [dreg:$0x0]  }
0x2: {  	s1 =	rddreg [dreg:$0x1]  }
0x3: {  	s2 =	rddreg [dreg:$0x2]  }
0x4: {  	s3 =	simm.s32 $0x0;
	s16 =	srdreg.scid;
	s20 =	stileid.u32  }
0x5: {  	s28 =	simm.s32 $0x1;
	s29 =	simm.s32 $0x0;
	s30 =	simm.s32 $0x0  }
0x6: {  	[smem:$0x7FF] =	sst s3;
	s9 =	smul.u32 $0x15E00, s20;
	s11 =	sor.u32 $0x10, s20  }
0x7: {  	s4 =	sadd.s32 $0x15C00, s0;
	s13 =	sor.u32 $0x20, s20;
	s10 =	smul.u32 $0x15E00, s11  }
0x8: {  	s6 =	sadd.s32 $0x2000, s0;
	s14 =	sor.u32 $0x30, s20;
	s12 =	smul.u32 $0x15E00, s13  }
0x9: {  	s3 =	sand.u32 $0x1, s16;
	s17 =	sshll.u32 s20, $0x1;
	s16 =	smul.u32 $0x15E00, s14  }
0xa: {  	s5 =	ssub.s32 $0x2, s3;
	s15 =	sor.u32 s3, s17;
	s3 =	smul.u32 $0x111700, s3  }
0xb: {  	s7 =	sadd.s32 $0xBE00, s0;
	s0 =	sadd.s32 $0x3CE00, s0;
	s17 =	smul.u32 $0x5780, s20  }
0xc: {  	p0 =	sgt.u32 s20, $0x1;
	_ =	strace $0x80000053;
	s23 =	smul.u32 $0x5780, s11  }
0xd: {  	s26 =	smul.u32 $0x5780, s14;
	s8 =	sshrl.u32 s5, $0x1;
	s18 =	sshrl.u32 s9, $0x2  }
0xe: {  	s20 =	simm.s32 $0x2;
	s5 =	ssub.s32 s5, s8;
	s8 =	sadd.s32 s18, s2  }
0xf: {  	s19 =	sshrl.u32 s10, $0x2;
	s21 =	sshrl.u32 s12, $0x2;
	s22 =	sshrl.u32 s16, $0x2  }
0x10: {  	s12 =	smul.u32 $0x2780, s15;
	s24 =	sadd.s32 s17, s3;
	s18 =	sadd.s32 s3, s23  }
0x11: {  	s23 =	sadd.s32 s23, s2;
	s9 =	sadd.s32 s19, s2;
	s10 =	sadd.s32 s21, s2  }
0x12: {  	s11 =	sadd.s32 s22, s2;
	s15 =	sshrl.u32 s24, $0x3;
	s19 =	smul.u32 $0x5780, s13  }
0x13: {  	s25 =	sshrl.u32 s18, $0x3;
	s22 =	sadd.s32 s17, s2;
	s17 =	smax.u32 s5, $0x1  }
0x14: {  	s18 =	simm.s32 $0x8100;
	s21 =	simm.s32 $0x80;
	s23 =	sshrl.u32 s23, $0x3  }
0x15: {  	v0 =	vlaneseq.u32;
	v1 =	vimm.f32 $0.0e+00;
	s13 =	sadd.s32 s0, s15;
	s14 =	sadd.s32 s0, s25;
	s22 =	sshrl.u32 s22, $0x3  }
0x16: {  	v8 =	vimm.s32 $0x0;
	v9 =	vimm.s32 $0x1;
	v10 =	vimm.s32 $0x2;
	s31 =	sadd.s32 s3, s19;
	s3 =	sadd.s32 s3, s26;
	s24 =	sadd.s32 s19, s2  }
0x17: {  	v11 =	vimm.s32 $0x3;
	v12 =	vimm.s32 $0x4;
	v13 =	vimm.s32 $0x5;
	s19 =	simm.s32 $0x4900;
	s15 =	sshrl.u32 s31, $0x3;
	s3 =	sshrl.u32 s3, $0x3  }
0x18: {  	v2 =	vor.u32 $0x10, v0;
	v3 =	vor.u32 $0x20, v0;
	v4 =	vor.u32 $0x30, v0;
	s15 =	sadd.s32 s0, s15;
	s16 =	sadd.s32 s0, s3;
	s0 =	sadd.s32 s26, s2  }
0x19: {  	v5 =	vor.u32 $0x40, v0;
	v6 =	vor.u32 $0x50, v0;
	v7 =	vor.u32 $0x60, v0;
	s24 =	sshrl.u32 s24, $0x3;
	s26 =	simm.s32 $0x900;
	s25 =	sshrl.u32 @!p0 s0, $0x3  }
.LBB2_1:
0x1a: {  	s0 =	simm.s32 $0x0  }
0x1b: {  	v14 =	vmov s0  }
0x1c: {  	v14 =	vmul.u32 $0x70, v14;
	_ =	sdelay $0x1  }
0x1d: {  	v15 =	vbroadcast v14, $0x0;
	_ =	sdelay $0x1  }
0x1e: {  	v16 =	vor.u32 v0, v15  }
0x1f: {  	s31 =	simm.s32 $0x1;
	v19 =	vadd.s32 v2, v15  }
0x20: {  	v14 =	vmov s31;
	v20 =	vadd.s32 v3, v15  }
0x21: {  	v14 =	vmul.u32 $0x70, v14;
	v21 =	vadd.s32 v4, v15  }
0x22: {  	v17 =	vadd.s32 v5, v15  }
0x23: {  	v18 =	vadd.s32 v6, v15;
	v14 =	vbroadcast v14, $0x0;
	[tilespmem:v16+s18+$0x0] =	vst.idx.msk $0xffff, v1  }
0x24: {  	[tilespmem:v19+s18+$0x0] =	vst.idx.msk $0xffff, v1;
	v19 =	vadd.s32 v7, v15  }
0x25: {  	v16 =	vor.u32 v0, v14;
	[tilespmem:v20+s18+$0x0] =	vst.idx.msk $0xffff, v1  }
0x26: {  	s0 =	simm.s32 $0x2;
	v15 =	vadd.s32 v3, v14;
	v20 =	vadd.s32 v2, v14;
	[tilespmem:v21+s18+$0x0] =	vst.idx.msk $0xffff, v1  }
.LBB2_2:
0x27: {  	v21 =	vmov s0;
	p1 =	sne.s32 s0, $0xC7;
	s0 =	sadd.s32 $0x1, s0;
	[tilespmem:v17+s18+$0x0] =	vst.idx.msk $0xffff, v1  }
0x28: {  	v22 =	vadd.s32 v4, v14;
	v21 =	vmul.u32 $0x70, v21;
	[tilespmem:v18+s18+$0x0] =	vst.idx.msk $0xffff, v1  }
.Ltmp0:
0x29: {  	v17 =	vadd.s32 v5, v14;
	[tilespmem:v19+s18+$0x0] =	vst.idx.msk $0xffff, v1;
	(pc) =	sbr.rel @p1 .LBB2_2-.Ltmp0, $4  }
0x2a: {  	v18 =	vadd.s32 v6, v14;
	v21 =	vbroadcast v21, $0x0;
	[tilespmem:v16+s18+$0x0] =	vst.idx.msk $0xffff, v1  }
0x2b: {  	v19 =	vadd.s32 v7, v14;
	[tilespmem:v20+s18+$0x0] =	vst.idx.msk $0xffff, v1  }
0x2c: {  	v16 =	vor.u32 v0, v21;
	[tilespmem:v15+s18+$0x0] =	vst.idx.msk $0xffff, v1;
	v15 =	vadd.s32 v3, v21;
	v14 =	vmov v21  }
0x2d: {  	v20 =	vadd.s32 v2, v14;
	[tilespmem:v22+s18+$0x0] =	vst.idx.msk $0xffff, v1  }
0x2e: {  	_ =	sdelay $0x3  }
0x2f: {  	[tilespmem:v17+s18+$0x0] =	vst.idx.msk $0xffff, v1  }
0x30: {  	v60 =	vadd.s32 v4, v14;
	[tilespmem:v18+s18+$0x0] =	vst.idx.msk $0xffff, v1  }
0x31: {  	v61 =	vadd.s32 v5, v14;
	[tilespmem:v19+s18+$0x0] =	vst.idx.msk $0xffff, v1  }
0x32: {  	v62 =	vadd.s32 v6, v14;
	s0 =	simm.s32 $0x0;
	[tilespmem:v16+s18+$0x0] =	vst.idx.msk $0xffff, v1  }
0x33: {  	v14 =	vadd.s32 v7, v14;
	v63 =	vmov s0;
	[tilespmem:v20+s18+$0x0] =	vst.idx.msk $0xffff, v1  }
0x34: {  	[tilespmem:v15+s18+$0x0] =	vst.idx.msk $0xffff, v1;
	v15 =	vmul.u32 $0x70, v63  }
0x35: {  	[tilespmem:v60+s18+$0x0] =	vst.idx.msk $0xffff, v1  }
0x36: {  	[tilespmem:v61+s18+$0x0] =	vst.idx.msk $0xffff, v1;
	v15 =	vbroadcast v15, $0x0  }
0x37: {  	[tilespmem:v62+s18+$0x0] =	vst.idx.msk $0xffff, v1  }
0x38: {  	s0 =	simm.s32 $0x1;
	[tilespmem:v14+s18+$0x0] =	vst.idx.msk $0xffff, v1;
	v14 =	vadd.s32 v7, v15  }
.LBB2_4:
0x39: {  	v15 =	vmov s0;
	p1 =	sne.s32 s0, $0x7F;
	s0 =	sadd.s32 $0x1, s0  }
.Ltmp1:
0x3a: {  	v15 =	vmul.u32 $0x70, v15;
	(pc) =	sbr.rel @p1 .LBB2_4-.Ltmp1, $4  }
0x3b: {  	_ = 	snop  }
0x3c: {  	v15 =	vbroadcast v15, $0x0  }
0x3d: {  	[tilespmem:v14+s19+$0x0] =	vst.idx.msk $0xffff, v1  }
0x3e: {  	v14 =	vadd.s32 v7, v15  }
0x3f: {  	_ =	sdelay $0x3  }
0x40: {  	[tilespmem:v14+s19+$0x0] =	vst.idx.msk $0xffff, v1  }
0x41: {  	[spmem:s8] =	stream.linear.scatter [tilespmem:s18], [sflag:$0x2], $0x5780, $0x38;
	[tilespmem:$0x1E9F0] =	vst v63  }
0x42: {  	_ =	swait.ge [sflag:s20], $0x5780  }
0x43: {  	[sflag:s20] =	ssyncset.done $0x0  }
0x44: {  	[sflag:s20] =	ssyncadd.s32 $0xFFFFA880  }
0x45: {  	[spmem:s9] =	stream.linear.scatter [tilespmem:s18], [sflag:$0x2], $0x5780, $0x38;
	[tilespmem:$0x1E9F0] =	vst v63  }
0x46: {  	_ =	swait.ge [sflag:s20], $0x5780  }
0x47: {  	[sflag:s20] =	ssyncset.done $0x0  }
0x48: {  	[sflag:s20] =	ssyncadd.s32 $0xFFFFA880  }
0x49: {  	[spmem:s10] =	stream.linear.scatter [tilespmem:s18], [sflag:$0x2], $0x5780, $0x38;
	[tilespmem:$0x1E9F0] =	vst v63  }
0x4a: {  	_ =	swait.ge [sflag:s20], $0x5780  }
0x4b: {  	[sflag:s20] =	ssyncset.done $0x0  }
0x4c: {  	s0 =	simm.s32 @!p0 $0x8100;
	[sflag:s20] =	ssyncadd.s32 $0xFFFFA880  }
0x4d: {  	[spmem:s11] =	stream.linear.scatter @!p0 [tilespmem:s0], [sflag:$0x2], $0x5780, $0x38;
	[tilespmem:$0x1E9F0] =	vst v63  }
0x4e: {  	s0 =	simm.s32 @!p0 $0x2  }
0x4f: {  	_ =	swait.ge @!p0 [sflag:s0], $0x5780  }
0x50: {  	[sflag:s0] =	ssyncset.done @!p0 $0x0  }
0x51: {  	[sflag:s0] =	ssyncadd.s32 @!p0 $0xFFFFA880  }
0x52: {  	s31 =	simm.s32 $0x0;
	[bflag:$0x0] =	sbarrier.arrive $0xFFFF  }
.LBB2_6:
0x53: {  	s0 =	sshll.u32 s31, $0x7  }
0x54: {  	s0 =	sadd.s32 s12, s0  }
0x55: {  	s3 =	sshrl.u32 s0, $0x3  }
0x56: {  	s5 =	sadd.s32 s6, s3  }
0x57: {  	[tilespmem:s30], [sflag:$0x2] =	stream.linear.gather [hbm4b:s5+s30], $0x80, $0x38;
	[tilespmem:$0x1E9F0] =	vst v63  }
0x58: {  	_ =	swait.ge [sflag:s20], $0x80  }
0x59: {  	[sflag:s20] =	ssyncset.done $0x0  }
0x5a: {  	s3 =	sadd.s32 s7, s3;
	[sflag:s20] =	ssyncadd.s32 $0xFFFFFF80  }
0x5b: {  	[tilespmem:s21], [sflag:$0x2] =	stream.linear.gather [hbm4b:s3+s30], $0x80, $0x38;
	[tilespmem:$0x1E9F0] =	vst v63  }
0x5c: {  	_ =	swait.ge [sflag:s20], $0x80  }
0x5d: {  	s0 =	sshll.u32 s0, $0x1;
	[sflag:s20] =	ssyncset.done $0x0  }
0x5e: {  	s5 =	sadd.s32 s1, s0;
	s0 =	simm.s32 $0x100;
	[sflag:s20] =	ssyncadd.s32 $0xFFFFFF80  }
0x5f: {  	[tilespmem:s0], [sflag:$0x2] =	stream.linear.gather [hbm4b:s5+s30], $0x800, $0x38;
	[tilespmem:$0x1E9F0] =	vst v63  }
0x60: {  	_ =	swait.ge [sflag:s20], $0x800  }
0x61: {  	[sflag:s20] =	ssyncset.done $0x0  }
0x62: {  	v14 =	vmov s30;
	[sflag:s20] =	ssyncadd.s32 $0xFFFFF800  }
0x63: {  	v15 =	vshll.u32 v14, $0x7;
	[tilespmem:s26], [sflag:$0x1] =	stream.indirect.gather [hbm4b:s4+s21], $0x80, s30, s21, $0xb8;
	[tilespmem:$0x1E9F0] =	vst v63  }
0x64: {  	v16 =	vor.u32 v0, v15;
	_ =	swait.ge [sflag:s28], $0x4000  }
0x65: {  	[sflag:s28] =	ssyncset.done $0x0  }
0x66: {  	[sflag:s28] =	ssyncadd.s32 $0xFFFFC000  }
0x67: {  	v18 =	vld [tilespmem:s0+$0x0];
	_ =	sdelay $0x1  }
0x68: {  	v14 =	vmul.u32 $0x70, v14;
	v16 =	vld.idx.msk [tilespmem:v16+s26+$0x0], $0xffff;
	_ =	sdelay $0x1  }
0x69: {  	v17 =	vor.u32 v0, v14  }
0x6a: {  	v20 =	vor.u32 v2, v15;
	v19 =	vperm.xlane v18, v8;
	_ =	sdelay $0x1  }
0x6b: {  	v16 =	vmul.f32 v16, v19;
	_ =	sdelay $0x1  }
0x6c: {  	[tilespmem:v17+s19+$0x0] =	vst.idx.msk $0xffff, v16  }
0x6d: {  	v16 =	vld.idx.msk [tilespmem:v20+s26+$0x0], $0xffff;
	_ =	sdelay $0x1  }
0x6e: {  	v17 =	vadd.s32 v2, v14  }
0x6f: {  	v19 =	vperm.xlane v18, v9;
	v20 =	vor.u32 v3, v15;
	_ =	sdelay $0x1  }
0x70: {  	v16 =	vmul.f32 v16, v19;
	_ =	sdelay $0x1  }
0x71: {  	[tilespmem:v17+s19+$0x0] =	vst.idx.msk $0xffff, v16  }
0x72: {  	v16 =	vld.idx.msk [tilespmem:v20+s26+$0x0], $0xffff;
	_ =	sdelay $0x1  }
0x73: {  	v17 =	vadd.s32 v3, v14  }
0x74: {  	v19 =	vperm.xlane v18, v10;
	v20 =	vor.u32 v4, v15;
	_ =	sdelay $0x1  }
0x75: {  	v16 =	vmul.f32 v16, v19;
	_ =	sdelay $0x1  }
0x76: {  	[tilespmem:v17+s19+$0x0] =	vst.idx.msk $0xffff, v16  }
0x77: {  	v16 =	vld.idx.msk [tilespmem:v20+s26+$0x0], $0xffff;
	_ =	sdelay $0x1  }
0x78: {  	v17 =	vadd.s32 v4, v14  }
0x79: {  	v19 =	vperm.xlane v18, v11;
	v20 =	vor.u32 v5, v15;
	_ =	sdelay $0x1  }
0x7a: {  	v16 =	vmul.f32 v16, v19;
	_ =	sdelay $0x1  }
0x7b: {  	[tilespmem:v17+s19+$0x0] =	vst.idx.msk $0xffff, v16  }
0x7c: {  	v16 =	vld.idx.msk [tilespmem:v20+s26+$0x0], $0xffff;
	_ =	sdelay $0x1  }
0x7d: {  	v17 =	vadd.s32 v5, v14  }
0x7e: {  	v19 =	vperm.xlane v18, v12;
	v20 =	vor.u32 v6, v15;
	_ =	sdelay $0x1  }
0x7f: {  	v16 =	vmul.f32 v16, v19;
	_ =	sdelay $0x1  }
0x80: {  	[tilespmem:v17+s19+$0x0] =	vst.idx.msk $0xffff, v16  }
0x81: {  	v16 =	vld.idx.msk [tilespmem:v20+s26+$0x0], $0xffff;
	_ =	sdelay $0x1  }
0x82: {  	v17 =	vadd.s32 v6, v14  }
0x83: {  	v15 =	vor.u32 v7, v15;
	v19 =	vperm.xlane v18, v13;
	_ =	sdelay $0x1  }
0x84: {  	v16 =	vmul.f32 v16, v19;
	_ =	sdelay $0x1  }
0x85: {  	[tilespmem:v17+s19+$0x0] =	vst.idx.msk $0xffff, v16  }
0x86: {  	v19 =	vld.idx.msk [tilespmem:v15+s26+$0x0], $0xffff  }
0x87: {  	s5 =	simm.s32 $0x1  }
0x88: {  	v16 =	vmov s5;
	v17 =	vadd.s32 v7, v14  }
0x89: {  	v15 =	vshll.u32 v16, $0x7  }
0x8a: {  	v14 =	vmul.u32 $0x70, v16;
	v16 =	vor.u32 v0, v15  }
0x8b: {  	s3 =	simm.s32 $0x2;
	v18 =	vmul.f32 v19, v18  }
.LBB2_7:
0x8c: {  	p1 =	sne.s32 s3, $0x7F  }
0x8d: {  	s0 =	sadd.s32 $0x10, s0;
	s5 =	smov.u32 s3;
	s3 =	sadd.s32 $0x1, s3;
	[tilespmem:v17+s19+$0x0] =	vst.idx.msk $0xffff, v18  }
0x8e: {  	v18 =	vld [tilespmem:s0+$0x0]  }
0x8f: {  	v16 =	vld.idx.msk [tilespmem:v16+s26+$0x0], $0xffff;
	_ =	sdelay $0x2  }
0x90: {  	v17 =	vor.u32 v0, v14  }
0x91: {  	v20 =	vor.u32 v2, v15;
	v19 =	vperm.xlane v18, v8;
	_ =	sdelay $0x1  }
0x92: {  	v16 =	vmul.f32 v16, v19;
	_ =	sdelay $0x1  }
0x93: {  	[tilespmem:v17+s19+$0x0] =	vst.idx.msk $0xffff, v16  }
0x94: {  	v16 =	vld.idx.msk [tilespmem:v20+s26+$0x0], $0xffff;
	_ =	sdelay $0x2  }
0x95: {  	v17 =	vadd.s32 v2, v14  }
0x96: {  	v19 =	vperm.xlane v18, v9;
	v20 =	vor.u32 v3, v15;
	_ =	sdelay $0x1  }
0x97: {  	v16 =	vmul.f32 v16, v19;
	_ =	sdelay $0x1  }
0x98: {  	[tilespmem:v17+s19+$0x0] =	vst.idx.msk $0xffff, v16  }
0x99: {  	v16 =	vld.idx.msk [tilespmem:v20+s26+$0x0], $0xffff;
	_ =	sdelay $0x2  }
0x9a: {  	v17 =	vadd.s32 v3, v14  }
0x9b: {  	v19 =	vperm.xlane v18, v10;
	v20 =	vor.u32 v4, v15;
	_ =	sdelay $0x1  }
0x9c: {  	v16 =	vmul.f32 v16, v19;
	_ =	sdelay $0x1  }
0x9d: {  	[tilespmem:v17+s19+$0x0] =	vst.idx.msk $0xffff, v16  }
0x9e: {  	v16 =	vld.idx.msk [tilespmem:v20+s26+$0x0], $0xffff;
	_ =	sdelay $0x2  }
0x9f: {  	v17 =	vadd.s32 v4, v14  }
0xa0: {  	v19 =	vperm.xlane v18, v11;
	v20 =	vor.u32 v5, v15;
	_ =	sdelay $0x1  }
0xa1: {  	v16 =	vmul.f32 v16, v19;
	_ =	sdelay $0x1  }
0xa2: {  	[tilespmem:v17+s19+$0x0] =	vst.idx.msk $0xffff, v16  }
0xa3: {  	v16 =	vld.idx.msk [tilespmem:v20+s26+$0x0], $0xffff;
	_ =	sdelay $0x2  }
0xa4: {  	v17 =	vadd.s32 v5, v14  }
0xa5: {  	v19 =	vperm.xlane v18, v12;
	v20 =	vor.u32 v6, v15;
	_ =	sdelay $0x1  }
0xa6: {  	v16 =	vmul.f32 v16, v19;
	_ =	sdelay $0x1  }
0xa7: {  	[tilespmem:v17+s19+$0x0] =	vst.idx.msk $0xffff, v16  }
0xa8: {  	v16 =	vld.idx.msk [tilespmem:v20+s26+$0x0], $0xffff;
	_ =	sdelay $0x2  }
0xa9: {  	v17 =	vadd.s32 v6, v14  }
0xaa: {  	v15 =	vor.u32 v7, v15;
	v19 =	vperm.xlane v18, v13;
	_ =	sdelay $0x1  }
0xab: {  	v16 =	vmul.f32 v16, v19;
	_ =	sdelay $0x1  }
0xac: {  	[tilespmem:v17+s19+$0x0] =	vst.idx.msk $0xffff, v16  }
0xad: {  	v19 =	vld.idx.msk [tilespmem:v15+s26+$0x0], $0xffff;
	_ =	sdelay $0x1  }
.Ltmp2:
0xae: {  	(pc) =	sbr.rel @p1 .LBB2_7-.Ltmp2, $4  }
0xaf: {  	v16 =	vmov s5;
	v17 =	vadd.s32 v7, v14  }
0xb0: {  	v15 =	vshll.u32 v16, $0x7;
	v14 =	vmul.u32 $0x70, v16  }
0xb1: {  	v16 =	vor.u32 v0, v15  }
0xb2: {  	v18 =	vmul.f32 v19, v18  }
0xb3: {  	_ =	sdelay $0x3  }
0xb4: {  	s0 =	sadd.s32 $0x10, s0;
	[tilespmem:v17+s19+$0x0] =	vst.idx.msk $0xffff, v18  }
0xb5: {  	v17 =	vld [tilespmem:s0+$0x0];
	_ =	sdelay $0x1  }
0xb6: {  	v16 =	vld.idx.msk [tilespmem:v16+s26+$0x0], $0xffff;
	_ =	sdelay $0x1  }
0xb7: {  	v49 =	vor.u32 v0, v14  }
0xb8: {  	v20 =	vor.u32 v2, v15;
	v19 =	vperm.xlane v17, v8;
	_ =	sdelay $0x1  }
0xb9: {  	v16 =	vmul.f32 v16, v19;
	_ =	sdelay $0x1  }
0xba: {  	[tilespmem:v49+s19+$0x0] =	vst.idx.msk $0xffff, v16  }
0xbb: {  	v16 =	vld.idx.msk [tilespmem:v20+s26+$0x0], $0xffff;
	_ =	sdelay $0x1  }
0xbc: {  	v50 =	vadd.s32 v2, v14  }
0xbd: {  	v52 =	vor.u32 v3, v15;
	v51 =	vperm.xlane v17, v9;
	_ =	sdelay $0x1  }
0xbe: {  	v16 =	vmul.f32 v16, v51;
	_ =	sdelay $0x1  }
0xbf: {  	[tilespmem:v50+s19+$0x0] =	vst.idx.msk $0xffff, v16  }
0xc0: {  	v16 =	vld.idx.msk [tilespmem:v52+s26+$0x0], $0xffff;
	_ =	sdelay $0x1  }
0xc1: {  	v53 =	vadd.s32 v3, v14  }
0xc2: {  	v55 =	vor.u32 v4, v15;
	v54 =	vperm.xlane v17, v10;
	_ =	sdelay $0x1  }
0xc3: {  	v16 =	vmul.f32 v16, v54;
	_ =	sdelay $0x1  }
0xc4: {  	[tilespmem:v53+s19+$0x0] =	vst.idx.msk $0xffff, v16  }
0xc5: {  	v16 =	vld.idx.msk [tilespmem:v55+s26+$0x0], $0xffff;
	_ =	sdelay $0x1  }
0xc6: {  	v56 =	vadd.s32 v4, v14  }
0xc7: {  	v58 =	vor.u32 v5, v15;
	v57 =	vperm.xlane v17, v11;
	_ =	sdelay $0x1  }
0xc8: {  	v16 =	vmul.f32 v16, v57;
	_ =	sdelay $0x1  }
0xc9: {  	[tilespmem:v56+s19+$0x0] =	vst.idx.msk $0xffff, v16  }
0xca: {  	v16 =	vld.idx.msk [tilespmem:v58+s26+$0x0], $0xffff;
	_ =	sdelay $0x1  }
0xcb: {  	v59 =	vadd.s32 v5, v14  }
0xcc: {  	v61 =	vor.u32 v6, v15;
	v60 =	vperm.xlane v17, v12;
	_ =	sdelay $0x1  }
0xcd: {  	v16 =	vmul.f32 v16, v60;
	_ =	sdelay $0x1  }
0xce: {  	[tilespmem:v59+s19+$0x0] =	vst.idx.msk $0xffff, v16  }
0xcf: {  	v16 =	vld.idx.msk [tilespmem:v61+s26+$0x0], $0xffff;
	_ =	sdelay $0x1  }
0xd0: {  	v62 =	vadd.s32 v6, v14  }
0xd1: {  	v15 =	vor.u32 v7, v15;
	v63 =	vperm.xlane v17, v13;
	_ =	sdelay $0x1  }
0xd2: {  	v16 =	vmul.f32 v16, v63;
	_ =	sdelay $0x1  }
0xd3: {  	[tilespmem:v62+s19+$0x0] =	vst.idx.msk $0xffff, v16  }
0xd4: {  	v15 =	vld.idx.msk [tilespmem:v15+s26+$0x0], $0xffff;
	_ =	sdelay $0x1  }
0xd5: {  	v14 =	vadd.s32 v7, v14;
	_ =	sdelay $0x2  }
0xd6: {  	s31 =	sadd.s32 $0x1, s31;
	v15 =	vmul.f32 v15, v17  }
0xd7: {  	p1 =	sne.s32 s31, $0x4F  }
.Ltmp3:
0xd8: {  	[tilespmem:v14+s19+$0x0] =	vst.idx.msk $0xffff, v15;
	(pc) =	sbr.rel @p1 .LBB2_6-.Ltmp3, $4  }
0xd9: {  	[spmem:s2] =	stream.indirect.scatter.add.f32 [tilespmem:s19], [sflag:$0x2], $0x70, s21, s21, $0xb8;
	[tilespmem:$0x1E9F0] =	vst v63  }
0xda: {  	_ =	swait.ge [sflag:s20], $0x3800  }
0xdb: {  	[sflag:s20] =	ssyncset.done $0x0  }
0xdc: {  	[sflag:s20] =	ssyncadd.s32 $0xFFFFC800  }
0xdd: {  	s0 =	stileid.u32  }
0xde: {  	s0 =	sshll.u32 s0, $0x6  }
0xdf: {  	[bflag:$0x0] =	sbarrier.arrive $0xFFFF;
	s0 =	sor.u32 $0x1C02, s0  }
0xe0: {  	[hbm:s13], [sflag:s0] =	dma.local [spmem:s22], $0xAF0  }
0xe1: {  	_ =	swait.ge [sflag:s20], $0xAF0  }
0xe2: {  	[sflag:s20] =	ssyncset.done $0x0  }
0xe3: {  	[sflag:s20] =	ssyncadd.s32 $0xFFFFF510  }
0xe4: {  	[hbm:s14], [sflag:s0] =	dma.local [spmem:s23], $0xAF0  }
0xe5: {  	_ =	swait.ge [sflag:s20], $0xAF0  }
0xe6: {  	[sflag:s20] =	ssyncset.done $0x0  }
0xe7: {  	[sflag:s20] =	ssyncadd.s32 $0xFFFFF510  }
0xe8: {  	[hbm:s15], [sflag:s0] =	dma.local [spmem:s24], $0xAF0  }
0xe9: {  	_ =	swait.ge [sflag:s20], $0xAF0  }
0xea: {  	s29 =	sadd.s32 $0x1, s29;
	[sflag:s20] =	ssyncset.done $0x0  }
0xeb: {  	p1 =	sne.s32 s29, s17;
	[sflag:s20] =	ssyncadd.s32 $0xFFFFF510  }
0xec: {  	[hbm:s16], [sflag:s0] =	dma.local @!p0 [spmem:s25], $0xAF0  }
.Ltmp4:
0xed: {  	_ = 	snop;
	(pc) =	sbr.rel @p1 .LBB2_1-.Ltmp4, $4  }
0xee: {  	s0 =	simm.s32 @!p0 $0x2  }
0xef: {  	_ =	swait.ge @!p0 [sflag:s0], $0xAF0  }
0xf0: {  	[sflag:s0] =	ssyncset.done @!p0 $0x0  }
0xf1: {  	[sflag:s0] =	ssyncadd.s32 @!p0 $0xFFFFF510  }
0xf2: {  	_ =	sfence.sel $0x180000  }
0xf3: {  	[bflag:$0x0] =	sbarrier.arrive $0xFFFF  }
0xf4: {  	_ =	strace $0x90000053  }
0xf5: {  	s0 =	stileid.u32;
	[bflag:$0x2] =	sbarrier.arrive $0xFFFF  }
0xf6: {  	p0 =	sne.s32 s0, $0x0;
	s0 =	rddreg [dreg:$0x3]  }
0xf7: {  	s0 =	sadd.s32 @!p0 $0x100000, s0  }
0xf8: {  	[sflag:s0] =	ssyncadd.tile.s32 @!p0 $0x1;
	_ =	shalt  }
.Lfunc_end2:
_tile_overlayer_lowered:
.L_overlay_start_2:
0xf9: {  	(tag) =	ssettag $0x2  }
0xfa: {  	s0 =	rddreg [dreg:$0x0];
	s2 =	stileid.u32  }
0xfb: {  	s1 =	rddreg [dreg:$0x1];
	p0 =	sne.s32 s2, $0x0  }
0xfc: {  	s3 =	rddreg [dreg:$0x2];
	[bflag:$0x3] =	sbarrier.arrive $0xFFFF;
	s2 =	simm.s32 @!p0 $0x1C02  }
0xfd: {  	[timem:s3], [sflag:s2] =	dma.local @!p0 [hbm:s0], s1  }
0xfe: {  	s0 =	simm.s32 @!p0 $0x2  }
0xff: {  	_ =	swait.ge @!p0 [sflag:s0], s1  }
0x100: {  	s1 =	ssub.s32 @!p0 $0x0, s1;
	[sflag:s0] =	ssyncset.done @!p0 $0x0  }
0x101: {  	[sflag:s0] =	ssyncadd.s32 @!p0 s1  }
0x102: {  	[bflag:$0x3] =	sbarrier.arrive $0xFFFF  }
0x103: {  	_ =	shalt  }

</sc_bundles>
